<compile_context>
chip_gen: v7x
topology: tpu7x:2x2x1
jax: 0.10.2.dev20260603
libtpu: 0.0.44.dev20260713+nightly
codegen_flags: <defaults>
</compile_context>

<pallas_src>
import math

import jax
import jax.numpy as jnp
import numpy as np
from jax import lax
from jax.experimental import pallas as pl
from jax.experimental.pallas import tpu as pltpu
from jax.experimental.pallas import tpu_sc as plsc

D_MODEL = 2048
VOCAB = 50257
AST_VOCAB = 512
MAX_LEN = 2048
BATCH = 4
SEQ = 2048
N_TOK = BATCH * SEQ
SCALE = math.sqrt(D_MODEL)

NUM_CORES = 2
NUM_SUBCORES = 16
NUM_WORKERS = NUM_CORES * NUM_SUBCORES
S_PER_W = SEQ // NUM_WORKERS
PER_W = N_TOK // NUM_WORKERS
CHUNK = 8
N_CHUNKS = PER_W // CHUNK
LANES = 16
COL_ITERS = D_MODEL // LANES
WPR = D_MODEL // 2


def _pe_np() -> np.ndarray:
    position = np.arange(MAX_LEN)[:, None].astype(np.float32)
    div_term = np.exp(
        np.arange(0, D_MODEL, 2).astype(np.float32)
        * (-math.log(10000.0) / D_MODEL)
    )
    pe = np.zeros((MAX_LEN, D_MODEL), dtype=np.float32)
    pe[:, 0::2] = np.sin(position * div_term)
    pe[:, 1::2] = np.cos(position * div_term)
    return pe


_PE = _pe_np()


def _pack_rows_np(a: np.ndarray) -> np.ndarray:
    r, c = a.shape
    arranged = a.reshape(r, c // 32, 2, 16).transpose(0, 1, 3, 2)
    u16 = np.ascontiguousarray(arranged).astype(jnp.bfloat16).view(np.uint16)
    u16 = u16.reshape(r, c // 2, 2)
    return (u16[..., 0].astype(np.uint32)
            | (u16[..., 1].astype(np.uint32) << 16))


_PE_W = _pack_rows_np(_PE)
_MASK_HI = np.uint32(0xFFFF0000)


def _body(ids_hbm, aids_hbm, tok_hbm, ast_hbm, pe_hbm, out_hbm,
          idx_v, aidx_v, tok_b, ast_b, out_b, pe_buf,
          sem_t0, sem_t1, sem_a0, sem_a1, sem_o0, sem_o1,
          sem_p0, sem_p1):
    sem_t = (sem_t0, sem_t1)
    sem_a = (sem_a0, sem_a1)
    sem_o = (sem_o0, sem_o1)

    wid = lax.axis_index("s") * NUM_CORES + lax.axis_index("c")
    wseq0 = pl.multiple_of(wid * S_PER_W, S_PER_W)

    id_copies = []
    for b in range(BATCH):
        cpi = pltpu.make_async_copy(
            ids_hbm.at[b, pl.ds(wseq0, S_PER_W)],
            idx_v.at[pl.ds(b * S_PER_W, S_PER_W)], sem_t0)
        cpa = pltpu.make_async_copy(
            aids_hbm.at[b, pl.ds(wseq0, S_PER_W)],
            aidx_v.at[pl.ds(b * S_PER_W, S_PER_W)], sem_a0)
        cpi.start()
        cpa.start()
        id_copies.append((cpi, cpa))

    def gathers(t, p):
        b = lax.rem(t, BATCH)
        k = lax.div(t, BATCH)
        ioff = pl.multiple_of(b * S_PER_W + k * CHUNK, CHUNK)
        ct = pltpu.make_async_copy(
            tok_hbm.at[idx_v.at[pl.ds(ioff, CHUNK)]], tok_b.at[p], sem_t[p])
        ca = pltpu.make_async_copy(
            ast_hbm.at[aidx_v.at[pl.ds(ioff, CHUNK)]], ast_b.at[p], sem_a[p])
        return ct, ca

    def out_copy(t, p):
        b = lax.rem(t, BATCH)
        k = lax.div(t, BATCH)
        foff = pl.multiple_of(b * SEQ + wseq0 + k * CHUNK, CHUNK)
        return pltpu.make_async_copy(
            out_b.at[p], out_hbm.at[pl.ds(foff, CHUNK)], sem_o[p])

    def pe_copy(k, sem_p):
        return pltpu.make_async_copy(
            pe_hbm.at[pl.ds(
                pl.multiple_of((wseq0 + k * CHUNK) * WPR, WPR),
                CHUNK * WPR)],
            pe_buf.at[lax.rem(k, 2)], sem_p)

    pe_copy(0, sem_p0).start()
    pe_copy(0, sem_p0).wait()
    pe_copy(1, sem_p1).start()
    for cpi, cpa in id_copies:
        cpi.wait()
        cpa.wait()
    ct0, ca0 = gathers(0, 0)
    ct0.start()
    ca0.start()

    def step(t2, carry):
        for p in range(2):
            t = 2 * t2 + p
            tn = t + 1

            @pl.when(tn < N_CHUNKS)
            def _():
                ct, ca = gathers(tn, 1 - p)
                ct.start()
                ca.start()

            @pl.when((t > 0) & (lax.rem(t, BATCH) == 0))
            def _():
                k = lax.div(t, BATCH)
                sem_k = lax.rem(k, 2)
                pl.when(sem_k == 0)(lambda: pe_copy(k, sem_p0).wait())
                pl.when(sem_k == 1)(lambda: pe_copy(k, sem_p1).wait())

                @pl.when(k + 1 < N_CHUNKS // BATCH)
                def _():
                    pl.when(sem_k == 0)(lambda: pe_copy(k + 1, sem_p1).start())
                    pl.when(sem_k == 1)(lambda: pe_copy(k + 1, sem_p0).start())

            ct, ca = gathers(t, p)
            ct.wait()
            ca.wait()

            @pl.when(t >= 2)
            def _():
                out_copy(t - 2, p).wait()

            kp = lax.rem(lax.div(t, BATCH), 2)

            @plsc.parallel_loop(0, COL_ITERS // 2, 1, unroll=4)
            def _(i):
                cw = pl.multiple_of(i * LANES, LANES)
                c32 = pl.multiple_of(i * 2 * LANES, 2 * LANES)
                for r in range(CHUNK):
                    wa = ast_b[p, r, pl.ds(cw, LANES)]
                    wp = pe_buf[kp, pl.ds(r * WPR + cw, LANES)]
                    a_lo = lax.bitcast_convert_type(wa << 16, jnp.float32)
                    a_hi = lax.bitcast_convert_type(wa & _MASK_HI, jnp.float32)
                    p_lo = lax.bitcast_convert_type(wp << 16, jnp.float32)
                    p_hi = lax.bitcast_convert_type(wp & _MASK_HI, jnp.float32)
                    t0 = tok_b[p, r, pl.ds(c32, LANES)]
                    t1 = tok_b[p, r, pl.ds(c32 + LANES, LANES)]
                    out_b[p, r, pl.ds(c32, LANES)] = t0 * SCALE + (a_lo + p_lo)
                    out_b[p, r, pl.ds(c32 + LANES, LANES)] = (
                        t1 * SCALE + (a_hi + p_hi))
            out_copy(t, p).start()
        return carry

    lax.fori_loop(0, N_CHUNKS // 2, step, 0)
    out_copy(N_CHUNKS - 2, 0).wait()
    out_copy(N_CHUNKS - 1, 1).wait()


@jax.jit
def _encode(ids, aids, tok_table, ast_table, pe):
    mesh = plsc.VectorSubcoreMesh(
        core_axis_name="c", subcore_axis_name="s",
        num_cores=NUM_CORES, num_subcores=NUM_SUBCORES)
    f = pl.kernel(
        _body,
        out_type=jax.ShapeDtypeStruct((N_TOK, D_MODEL), jnp.float32),
        mesh=mesh,
        scratch_types=[
            pltpu.VMEM((PER_W,), jnp.int32),
            pltpu.VMEM((PER_W,), jnp.int32),

            pltpu.VMEM((2, CHUNK, D_MODEL), jnp.float32),
            pltpu.VMEM((2, CHUNK, D_MODEL // 2), jnp.uint32),
            pltpu.VMEM((2, CHUNK, D_MODEL), jnp.float32),
            pltpu.VMEM((2, CHUNK * WPR), jnp.uint32),
        ] + [pltpu.SemaphoreType.DMA] * 8,
    )
    return f(ids, aids, tok_table, ast_table, pe)


_PE_DEV_CACHE = []


def _pe_dev():
    if not _PE_DEV_CACHE:
        _PE_DEV_CACHE.append(jnp.asarray(_PE_W.reshape(-1)))
    return _PE_DEV_CACHE[0]


def kernel(input_ids, ast_ids, token_embedding, ast_embedding):
    ids = (input_ids if input_ids.dtype == jnp.int32
           else input_ids.astype(jnp.int32))
    aids = (ast_ids if ast_ids.dtype == jnp.int32
            else ast_ids.astype(jnp.int32))
    ast_bf = (ast_embedding * SCALE).astype(jnp.bfloat16)
    ast_bf = ast_bf.reshape(AST_VOCAB, D_MODEL // 32, 2, 16).transpose(0, 1, 3, 2)
    ast_w = lax.bitcast_convert_type(ast_bf, jnp.uint32)
    ast_w = ast_w.reshape(AST_VOCAB, D_MODEL // 2)
    out = _encode(ids, aids, token_embedding, ast_w, _pe_dev())
    return out.reshape(BATCH, SEQ, D_MODEL)

# --- scband reference (transcript-rebuilt; emitter-appended) ---
"""Pipeline reference for scband-multi-modal-encoder-1700807049933 (READ-ONLY COPY).

The authoritative reference and input builder live on the scoring server;
editing this copy changes nothing except your own understanding.
"""

import math
import jax, jax.numpy as jnp
import numpy as np

D_MODEL = 2048
VOCAB = 50257
AST_VOCAB = 512
MAX_LEN = 2048
BATCH = 4
SEQ = 2048


def _sinusoidal_pe(max_len, d_model):
    position = np.arange(max_len)[:, None].astype(np.float32)
    div_term = np.exp(np.arange(0, d_model, 2).astype(np.float32) * (-math.log(10000.0) / d_model))
    pe = np.zeros((1, max_len, d_model), dtype=np.float32)
    pe[0, :, 0::2] = np.sin(position * div_term)
    pe[0, :, 1::2] = np.cos(position * div_term)
    return jnp.asarray(pe)


def setup_inputs(seed: int = 0) -> dict:
    key = jax.random.key(seed)
    k1, k2, k3, k4 = jax.random.split(key, 4)
    input_ids = jax.random.randint(k1, (BATCH, SEQ), 0, VOCAB, dtype=jnp.int64 if jax.config.jax_enable_x64 else jnp.int32)
    ast_ids = jax.random.randint(k2, (BATCH, SEQ), 0, AST_VOCAB, dtype=jnp.int64 if jax.config.jax_enable_x64 else jnp.int32)
    token_embedding = jax.random.normal(k3, (VOCAB, D_MODEL), dtype=jnp.float32)
    ast_embedding = jax.random.normal(k4, (AST_VOCAB, D_MODEL), dtype=jnp.float32)
    return {
        "input_ids": input_ids,
        "ast_ids": ast_ids,
        "token_embedding": token_embedding,
        "ast_embedding": ast_embedding,
    }


def reference(input_ids, ast_ids, token_embedding, ast_embedding):
    scale = math.sqrt(D_MODEL)
    txt_embeds = jnp.take(token_embedding, input_ids, axis=0) * scale
    ast_embeds = jnp.take(ast_embedding, ast_ids, axis=0) * scale
    final_embeds = txt_embeds + ast_embeds
    pe = _sinusoidal_pe(MAX_LEN, D_MODEL)
    final_embeds = final_embeds + pe[:, : final_embeds.shape[1]]
    # dropout p=0.0 / eval mode -> identity
    return final_embeds

if __name__ == "__main__":
    import jax
    _d = setup_inputs()
    print(jax.jit(kernel)(*tuple(_d.values())))

</pallas_src>

<mosaic_0001>
#map = affine_map<(d0, d1) -> (0, 0)>
#map1 = affine_map<(d0, d1) -> (0)>
module attributes {stable_mosaic.version = 14 : i64} {
  func.func @_body(%arg0: i32, %arg1: i32, %arg2: memref<4x2048xi32, #tpu.memory_space<hbm>>, %arg3: memref<4x2048xi32, #tpu.memory_space<hbm>>, %arg4: memref<50257x2048xf32, #tpu.memory_space<hbm>>, %arg5: memref<512x1024xi32, #tpu.memory_space<hbm>>, %arg6: memref<2097152xi32, #tpu.memory_space<hbm>>, %arg7: memref<8192x2048xf32, #tpu.memory_space<hbm>>, %arg8: memref<256xi32, #tpu.memory_space<vmem>>, %arg9: memref<256xi32, #tpu.memory_space<vmem>>, %arg10: memref<2x8x2048xf32, #tpu.memory_space<vmem>>, %arg11: memref<2x8x1024xi32, #tpu.memory_space<vmem>>, %arg12: memref<2x8x2048xf32, #tpu.memory_space<vmem>>, %arg13: memref<2x8192xi32, #tpu.memory_space<vmem>>, %arg14: memref<!tpu.dma_semaphore, #tpu.memory_space<semaphore_mem>>, %arg15: memref<!tpu.dma_semaphore, #tpu.memory_space<semaphore_mem>>, %arg16: memref<!tpu.dma_semaphore, #tpu.memory_space<semaphore_mem>>, %arg17: memref<!tpu.dma_semaphore, #tpu.memory_space<semaphore_mem>>, %arg18: memref<!tpu.dma_semaphore, #tpu.memory_space<semaphore_mem>>, %arg19: memref<!tpu.dma_semaphore, #tpu.memory_space<semaphore_mem>>, %arg20: memref<!tpu.dma_semaphore, #tpu.memory_space<semaphore_mem>>, %arg21: memref<!tpu.dma_semaphore, #tpu.memory_space<semaphore_mem>>) attributes {dimension_semantics = [#tpu.dimension_semantics<core_parallel>, #tpu.dimension_semantics<subcore_parallel>], iteration_bounds = array<i64: 2, 16>, scalar_prefetch = 0 : i64, scratch_operands = 14 : i64, tpu.core_type = #tpu.core_type<sc_vector_subcore>, window_params = [{transform_indices = #map}, {transform_indices = #map}, {transform_indices = #map}, {transform_indices = #map}, {transform_indices = #map1}, {transform_indices = #map}]} {
    %mul3A = arith.constant 2 : i32
    %mul3A_0 = arith.muli %arg1, %mul3A : i32
    %add3A = arith.addi %mul3A_0, %arg0 : i32
    %mul3A_1 = arith.constant 64 : i32
    %mul3A_2 = arith.muli %add3A, %mul3A_1 : i32
    %multiple_of3A = tpu.assume_multiple %mul3A_2, 64 : i32
    %dma_start3A = arith.constant 0 : i32
    %dma_start3A_3 = arith.constant 0 : i32
    %dma_start3A_4 = tpu.memref_slice %arg8[%dma_start3A_3] : memref<256xi32, #tpu.memory_space<vmem>> -> memref<64xi32, #tpu.memory_space<vmem>>
    %dma_start3A_5 = tpu.memref_slice %arg2[%dma_start3A, %multiple_of3A] : memref<4x2048xi32, #tpu.memory_space<hbm>> -> memref<1x64xi32, #tpu.memory_space<hbm>>
    %dma_start3A_6 = tpu.memref_squeeze %dma_start3A_5 : memref<1x64xi32, #tpu.memory_space<hbm>> -> memref<64xi32, #tpu.memory_space<hbm>>
    %dma_start3A_7 = arith.constant 0 : i32
    %dma_start3A_8 = tpu.memref_slice %arg8[%dma_start3A_7] : memref<256xi32, #tpu.memory_space<vmem>> -> memref<64xi32, #tpu.memory_space<vmem>>
    %dma_start3A_9 = tpu.memref_slice %arg2[%dma_start3A, %multiple_of3A] : memref<4x2048xi32, #tpu.memory_space<hbm>> -> memref<1x64xi32, #tpu.memory_space<hbm>>
    %dma_start3A_10 = tpu.memref_squeeze %dma_start3A_9 : memref<1x64xi32, #tpu.memory_space<hbm>> -> memref<64xi32, #tpu.memory_space<hbm>>
    tpu.enqueue_dma source(%dma_start3A_10 : memref<64xi32, #tpu.memory_space<hbm>>) target(%dma_start3A_8 : memref<64xi32, #tpu.memory_space<vmem>>) target_semaphore(%arg14 : memref<!tpu.dma_semaphore, #tpu.memory_space<semaphore_mem>>)
    %dma_start3A_11 = arith.constant 0 : i32
    %dma_start3A_12 = arith.constant 0 : i32
    %dma_start3A_13 = tpu.memref_slice %arg9[%dma_start3A_12] : memref<256xi32, #tpu.memory_space<vmem>> -> memref<64xi32, #tpu.memory_space<vmem>>
    %dma_start3A_14 = tpu.memref_slice %arg3[%dma_start3A_11, %multiple_of3A] : memref<4x2048xi32, #tpu.memory_space<hbm>> -> memref<1x64xi32, #tpu.memory_space<hbm>>
    %dma_start3A_15 = tpu.memref_squeeze %dma_start3A_14 : memref<1x64xi32, #tpu.memory_space<hbm>> -> memref<64xi32, #tpu.memory_space<hbm>>
    %dma_start3A_16 = arith.constant 0 : i32
    %dma_start3A_17 = tpu.memref_slice %arg9[%dma_start3A_16] : memref<256xi32, #tpu.memory_space<vmem>> -> memref<64xi32, #tpu.memory_space<vmem>>
    %dma_start3A_18 = tpu.memref_slice %arg3[%dma_start3A_11, %multiple_of3A] : memref<4x2048xi32, #tpu.memory_space<hbm>> -> memref<1x64xi32, #tpu.memory_space<hbm>>
    %dma_start3A_19 = tpu.memref_squeeze %dma_start3A_18 : memref<1x64xi32, #tpu.memory_space<hbm>> -> memref<64xi32, #tpu.memory_space<hbm>>
    tpu.enqueue_dma source(%dma_start3A_19 : memref<64xi32, #tpu.memory_space<hbm>>) target(%dma_start3A_17 : memref<64xi32, #tpu.memory_space<vmem>>) target_semaphore(%arg16 : memref<!tpu.dma_semaphore, #tpu.memory_space<semaphore_mem>>)
    %dma_start3A_20 = arith.constant 1 : i32
    %dma_start3A_21 = arith.constant 64 : i32
    %dma_start3A_22 = tpu.memref_slice %arg8[%dma_start3A_21] : memref<256xi32, #tpu.memory_space<vmem>> -> memref<64xi32, #tpu.memory_space<vmem>>
    %dma_start3A_23 = tpu.memref_slice %arg2[%dma_start3A_20, %multiple_of3A] : memref<4x2048xi32, #tpu.memory_space<hbm>> -> memref<1x64xi32, #tpu.memory_space<hbm>>
    %dma_start3A_24 = tpu.memref_squeeze %dma_start3A_23 : memref<1x64xi32, #tpu.memory_space<hbm>> -> memref<64xi32, #tpu.memory_space<hbm>>
    %dma_start3A_25 = arith.constant 64 : i32
    %dma_start3A_26 = tpu.memref_slice %arg8[%dma_start3A_25] : memref<256xi32, #tpu.memory_space<vmem>> -> memref<64xi32, #tpu.memory_space<vmem>>
    %dma_start3A_27 = tpu.memref_slice %arg2[%dma_start3A_20, %multiple_of3A] : memref<4x2048xi32, #tpu.memory_space<hbm>> -> memref<1x64xi32, #tpu.memory_space<hbm>>
    %dma_start3A_28 = tpu.memref_squeeze %dma_start3A_27 : memref<1x64xi32, #tpu.memory_space<hbm>> -> memref<64xi32, #tpu.memory_space<hbm>>
    tpu.enqueue_dma source(%dma_start3A_28 : memref<64xi32, #tpu.memory_space<hbm>>) target(%dma_start3A_26 : memref<64xi32, #tpu.memory_space<vmem>>) target_semaphore(%arg14 : memref<!tpu.dma_semaphore, #tpu.memory_space<semaphore_mem>>)
    %dma_start3A_29 = arith.constant 1 : i32
    %dma_start3A_30 = arith.constant 64 : i32
    %dma_start3A_31 = tpu.memref_slice %arg9[%dma_start3A_30] : memref<256xi32, #tpu.memory_space<vmem>> -> memref<64xi32, #tpu.memory_space<vmem>>
    %dma_start3A_32 = tpu.memref_slice %arg3[%dma_start3A_29, %multiple_of3A] : memref<4x2048xi32, #tpu.memory_space<hbm>> -> memref<1x64xi32, #tpu.memory_space<hbm>>
    %dma_start3A_33 = tpu.memref_squeeze %dma_start3A_32 : memref<1x64xi32, #tpu.memory_space<hbm>> -> memref<64xi32, #tpu.memory_space<hbm>>
    %dma_start3A_34 = arith.constant 64 : i32
    %dma_start3A_35 = tpu.memref_slice %arg9[%dma_start3A_34] : memref<256xi32, #tpu.memory_space<vmem>> -> memref<64xi32, #tpu.memory_space<vmem>>
    %dma_start3A_36 = tpu.memref_slice %arg3[%dma_start3A_29, %multiple_of3A] : memref<4x2048xi32, #tpu.memory_space<hbm>> -> memref<1x64xi32, #tpu.memory_space<hbm>>
    %dma_start3A_37 = tpu.memref_squeeze %dma_start3A_36 : memref<1x64xi32, #tpu.memory_space<hbm>> -> memref<64xi32, #tpu.memory_space<hbm>>
    tpu.enqueue_dma source(%dma_start3A_37 : memref<64xi32, #tpu.memory_space<hbm>>) target(%dma_start3A_35 : memref<64xi32, #tpu.memory_space<vmem>>) target_semaphore(%arg16 : memref<!tpu.dma_semaphore, #tpu.memory_space<semaphore_mem>>)
    %dma_start3A_38 = arith.constant 2 : i32
    %dma_start3A_39 = arith.constant 128 : i32
    %dma_start3A_40 = tpu.memref_slice %arg8[%dma_start3A_39] : memref<256xi32, #tpu.memory_space<vmem>> -> memref<64xi32, #tpu.memory_space<vmem>>
    %dma_start3A_41 = tpu.memref_slice %arg2[%dma_start3A_38, %multiple_of3A] : memref<4x2048xi32, #tpu.memory_space<hbm>> -> memref<1x64xi32, #tpu.memory_space<hbm>>
    %dma_start3A_42 = tpu.memref_squeeze %dma_start3A_41 : memref<1x64xi32, #tpu.memory_space<hbm>> -> memref<64xi32, #tpu.memory_space<hbm>>
    %dma_start3A_43 = arith.constant 128 : i32
    %dma_start3A_44 = tpu.memref_slice %arg8[%dma_start3A_43] : memref<256xi32, #tpu.memory_space<vmem>> -> memref<64xi32, #tpu.memory_space<vmem>>
    %dma_start3A_45 = tpu.memref_slice %arg2[%dma_start3A_38, %multiple_of3A] : memref<4x2048xi32, #tpu.memory_space<hbm>> -> memref<1x64xi32, #tpu.memory_space<hbm>>
    %dma_start3A_46 = tpu.memref_squeeze %dma_start3A_45 : memref<1x64xi32, #tpu.memory_space<hbm>> -> memref<64xi32, #tpu.memory_space<hbm>>
    tpu.enqueue_dma source(%dma_start3A_46 : memref<64xi32, #tpu.memory_space<hbm>>) target(%dma_start3A_44 : memref<64xi32, #tpu.memory_space<vmem>>) target_semaphore(%arg14 : memref<!tpu.dma_semaphore, #tpu.memory_space<semaphore_mem>>)
    %dma_start3A_47 = arith.constant 2 : i32
    %dma_start3A_48 = arith.constant 128 : i32
    %dma_start3A_49 = tpu.memref_slice %arg9[%dma_start3A_48] : memref<256xi32, #tpu.memory_space<vmem>> -> memref<64xi32, #tpu.memory_space<vmem>>
    %dma_start3A_50 = tpu.memref_slice %arg3[%dma_start3A_47, %multiple_of3A] : memref<4x2048xi32, #tpu.memory_space<hbm>> -> memref<1x64xi32, #tpu.memory_space<hbm>>
    %dma_start3A_51 = tpu.memref_squeeze %dma_start3A_50 : memref<1x64xi32, #tpu.memory_space<hbm>> -> memref<64xi32, #tpu.memory_space<hbm>>
    %dma_start3A_52 = arith.constant 128 : i32
    %dma_start3A_53 = tpu.memref_slice %arg9[%dma_start3A_52] : memref<256xi32, #tpu.memory_space<vmem>> -> memref<64xi32, #tpu.memory_space<vmem>>
    %dma_start3A_54 = tpu.memref_slice %arg3[%dma_start3A_47, %multiple_of3A] : memref<4x2048xi32, #tpu.memory_space<hbm>> -> memref<1x64xi32, #tpu.memory_space<hbm>>
    %dma_start3A_55 = tpu.memref_squeeze %dma_start3A_54 : memref<1x64xi32, #tpu.memory_space<hbm>> -> memref<64xi32, #tpu.memory_space<hbm>>
    tpu.enqueue_dma source(%dma_start3A_55 : memref<64xi32, #tpu.memory_space<hbm>>) target(%dma_start3A_53 : memref<64xi32, #tpu.memory_space<vmem>>) target_semaphore(%arg16 : memref<!tpu.dma_semaphore, #tpu.memory_space<semaphore_mem>>)
    %dma_start3A_56 = arith.constant 3 : i32
    %dma_start3A_57 = arith.constant 192 : i32
    %dma_start3A_58 = tpu.memref_slice %arg8[%dma_start3A_57] : memref<256xi32, #tpu.memory_space<vmem>> -> memref<64xi32, #tpu.memory_space<vmem>>
    %dma_start3A_59 = tpu.memref_slice %arg2[%dma_start3A_56, %multiple_of3A] : memref<4x2048xi32, #tpu.memory_space<hbm>> -> memref<1x64xi32, #tpu.memory_space<hbm>>
    %dma_start3A_60 = tpu.memref_squeeze %dma_start3A_59 : memref<1x64xi32, #tpu.memory_space<hbm>> -> memref<64xi32, #tpu.memory_space<hbm>>
    %dma_start3A_61 = arith.constant 192 : i32
    %dma_start3A_62 = tpu.memref_slice %arg8[%dma_start3A_61] : memref<256xi32, #tpu.memory_space<vmem>> -> memref<64xi32, #tpu.memory_space<vmem>>
    %dma_start3A_63 = tpu.memref_slice %arg2[%dma_start3A_56, %multiple_of3A] : memref<4x2048xi32, #tpu.memory_space<hbm>> -> memref<1x64xi32, #tpu.memory_space<hbm>>
    %dma_start3A_64 = tpu.memref_squeeze %dma_start3A_63 : memref<1x64xi32, #tpu.memory_space<hbm>> -> memref<64xi32, #tpu.memory_space<hbm>>
    tpu.enqueue_dma source(%dma_start3A_64 : memref<64xi32, #tpu.memory_space<hbm>>) target(%dma_start3A_62 : memref<64xi32, #tpu.memory_space<vmem>>) target_semaphore(%arg14 : memref<!tpu.dma_semaphore, #tpu.memory_space<semaphore_mem>>)
    %dma_start3A_65 = arith.constant 3 : i32
    %dma_start3A_66 = arith.constant 192 : i32
    %dma_start3A_67 = tpu.memref_slice %arg9[%dma_start3A_66] : memref<256xi32, #tpu.memory_space<vmem>> -> memref<64xi32, #tpu.memory_space<vmem>>
    %dma_start3A_68 = tpu.memref_slice %arg3[%dma_start3A_65, %multiple_of3A] : memref<4x2048xi32, #tpu.memory_space<hbm>> -> memref<1x64xi32, #tpu.memory_space<hbm>>
    %dma_start3A_69 = tpu.memref_squeeze %dma_start3A_68 : memref<1x64xi32, #tpu.memory_space<hbm>> -> memref<64xi32, #tpu.memory_space<hbm>>
    %dma_start3A_70 = arith.constant 192 : i32
    %dma_start3A_71 = tpu.memref_slice %arg9[%dma_start3A_70] : memref<256xi32, #tpu.memory_space<vmem>> -> memref<64xi32, #tpu.memory_space<vmem>>
    %dma_start3A_72 = tpu.memref_slice %arg3[%dma_start3A_65, %multiple_of3A] : memref<4x2048xi32, #tpu.memory_space<hbm>> -> memref<1x64xi32, #tpu.memory_space<hbm>>
    %dma_start3A_73 = tpu.memref_squeeze %dma_start3A_72 : memref<1x64xi32, #tpu.memory_space<hbm>> -> memref<64xi32, #tpu.memory_space<hbm>>
    tpu.enqueue_dma source(%dma_start3A_73 : memref<64xi32, #tpu.memory_space<hbm>>) target(%dma_start3A_71 : memref<64xi32, #tpu.memory_space<vmem>>) target_semaphore(%arg16 : memref<!tpu.dma_semaphore, #tpu.memory_space<semaphore_mem>>)
    %add3A_74 = arith.constant 0 : i32
    %add3A_75 = arith.addi %multiple_of3A, %add3A_74 : i32
    %mul3A_76 = arith.constant 1024 : i32
    %mul3A_77 = arith.muli %add3A_75, %mul3A_76 : i32
    %multiple_of3A_78 = tpu.assume_multiple %mul3A_77, 1024 : i32
    %rem3A = arith.constant 0 : i32
    %rem3A_79 = arith.constant 2 : i32
    %rem3A_80 = arith.remsi %rem3A, %rem3A_79 : i32
    %dma_start3A_81 = arith.constant 0 : i32
    %dma_start3A_82 = tpu.memref_slice %arg13[%rem3A_80, %dma_start3A_81] : memref<2x8192xi32, #tpu.memory_space<vmem>> -> memref<1x8192xi32, #tpu.memory_space<vmem>>
    %dma_start3A_83 = tpu.memref_squeeze %dma_start3A_82 : memref<1x8192xi32, #tpu.memory_space<vmem>> -> memref<8192xi32, #tpu.memory_space<vmem>>
    %dma_start3A_84 = tpu.memref_slice %arg6[%multiple_of3A_78] : memref<2097152xi32, #tpu.memory_space<hbm>> -> memref<8192xi32, #tpu.memory_space<hbm>>
    %dma_start3A_85 = arith.constant 0 : i32
    %dma_start3A_86 = tpu.memref_slice %arg13[%rem3A_80, %dma_start3A_85] : memref<2x8192xi32, #tpu.memory_space<vmem>> -> memref<1x8192xi32, #tpu.memory_space<vmem>>
    %dma_start3A_87 = tpu.memref_squeeze %dma_start3A_86 : memref<1x8192xi32, #tpu.memory_space<vmem>> -> memref<8192xi32, #tpu.memory_space<vmem>>
    %dma_start3A_88 = tpu.memref_slice %arg6[%multiple_of3A_78] : memref<2097152xi32, #tpu.memory_space<hbm>> -> memref<8192xi32, #tpu.memory_space<hbm>>
    tpu.enqueue_dma source(%dma_start3A_88 : memref<8192xi32, #tpu.memory_space<hbm>>) target(%dma_start3A_87 : memref<8192xi32, #tpu.memory_space<vmem>>) target_semaphore(%arg20 : memref<!tpu.dma_semaphore, #tpu.memory_space<semaphore_mem>>)
    %add3A_89 = arith.constant 0 : i32
    %add3A_90 = arith.addi %multiple_of3A, %add3A_89 : i32
    %mul3A_91 = arith.constant 1024 : i32
    %mul3A_92 = arith.muli %add3A_90, %mul3A_91 : i32
    %multiple_of3A_93 = tpu.assume_multiple %mul3A_92, 1024 : i32
    %rem3A_94 = arith.constant 0 : i32
    %rem3A_95 = arith.constant 2 : i32
    %rem3A_96 = arith.remsi %rem3A_94, %rem3A_95 : i32
    %dma_wait3A = arith.constant 0 : i32
    %dma_wait3A_97 = tpu.memref_slice %arg13[%rem3A_96, %dma_wait3A] : memref<2x8192xi32, #tpu.memory_space<vmem>> -> memref<1x8192xi32, #tpu.memory_space<vmem>>
    %dma_wait3A_98 = tpu.memref_squeeze %dma_wait3A_97 : memref<1x8192xi32, #tpu.memory_space<vmem>> -> memref<8192xi32, #tpu.memory_space<vmem>>
    %dma_wait3A_99 = tpu.memref_slice %arg6[%multiple_of3A_93] : memref<2097152xi32, #tpu.memory_space<hbm>> -> memref<8192xi32, #tpu.memory_space<hbm>>
    %dma_wait3A_100 = arith.constant 0 : i32
    %dma_wait3A_101 = tpu.memref_slice %arg13[%rem3A_96, %dma_wait3A_100] : memref<2x8192xi32, #tpu.memory_space<vmem>> -> memref<1x8192xi32, #tpu.memory_space<vmem>>
    %dma_wait3A_102 = tpu.memref_squeeze %dma_wait3A_101 : memref<1x8192xi32, #tpu.memory_space<vmem>> -> memref<8192xi32, #tpu.memory_space<vmem>>
    %dma_wait3A_103 = tpu.memref_slice %arg6[%multiple_of3A_93] : memref<2097152xi32, #tpu.memory_space<hbm>> -> memref<8192xi32, #tpu.memory_space<hbm>>
    tpu.wait_dma2 semaphore(%arg20 : memref<!tpu.dma_semaphore, #tpu.memory_space<semaphore_mem>>) src(%dma_wait3A_103 : memref<8192xi32, #tpu.memory_space<hbm>>) dst(%dma_wait3A_102 : memref<8192xi32, #tpu.memory_space<vmem>>)
    %add3A_104 = arith.constant 8 : i32
    %add3A_105 = arith.addi %multiple_of3A, %add3A_104 : i32
    %mul3A_106 = arith.constant 1024 : i32
    %mul3A_107 = arith.muli %add3A_105, %mul3A_106 : i32
    %multiple_of3A_108 = tpu.assume_multiple %mul3A_107, 1024 : i32
    %rem3A_109 = arith.constant 1 : i32
    %rem3A_110 = arith.constant 2 : i32
    %rem3A_111 = arith.remsi %rem3A_109, %rem3A_110 : i32
    %dma_start3A_112 = arith.constant 0 : i32
    %dma_start3A_113 = tpu.memref_slice %arg13[%rem3A_111, %dma_start3A_112] : memref<2x8192xi32, #tpu.memory_space<vmem>> -> memref<1x8192xi32, #tpu.memory_space<vmem>>
    %dma_start3A_114 = tpu.memref_squeeze %dma_start3A_113 : memref<1x8192xi32, #tpu.memory_space<vmem>> -> memref<8192xi32, #tpu.memory_space<vmem>>
    %dma_start3A_115 = tpu.memref_slice %arg6[%multiple_of3A_108] : memref<2097152xi32, #tpu.memory_space<hbm>> -> memref<8192xi32, #tpu.memory_space<hbm>>
    %dma_start3A_116 = arith.constant 0 : i32
    %dma_start3A_117 = tpu.memref_slice %arg13[%rem3A_111, %dma_start3A_116] : memref<2x8192xi32, #tpu.memory_space<vmem>> -> memref<1x8192xi32, #tpu.memory_space<vmem>>
    %dma_start3A_118 = tpu.memref_squeeze %dma_start3A_117 : memref<1x8192xi32, #tpu.memory_space<vmem>> -> memref<8192xi32, #tpu.memory_space<vmem>>
    %dma_start3A_119 = tpu.memref_slice %arg6[%multiple_of3A_108] : memref<2097152xi32, #tpu.memory_space<hbm>> -> memref<8192xi32, #tpu.memory_space<hbm>>
    tpu.enqueue_dma source(%dma_start3A_119 : memref<8192xi32, #tpu.memory_space<hbm>>) target(%dma_start3A_118 : memref<8192xi32, #tpu.memory_space<vmem>>) target_semaphore(%arg21 : memref<!tpu.dma_semaphore, #tpu.memory_space<semaphore_mem>>)
    %dma_wait3A_120 = arith.constant 0 : i32
    %dma_wait3A_121 = arith.constant 0 : i32
    %dma_wait3A_122 = tpu.memref_slice %arg8[%dma_wait3A_121] : memref<256xi32, #tpu.memory_space<vmem>> -> memref<64xi32, #tpu.memory_space<vmem>>
    %dma_wait3A_123 = tpu.memref_slice %arg2[%dma_wait3A_120, %multiple_of3A] : memref<4x2048xi32, #tpu.memory_space<hbm>> -> memref<1x64xi32, #tpu.memory_space<hbm>>
    %dma_wait3A_124 = tpu.memref_squeeze %dma_wait3A_123 : memref<1x64xi32, #tpu.memory_space<hbm>> -> memref<64xi32, #tpu.memory_space<hbm>>
    %dma_wait3A_125 = arith.constant 0 : i32
    %dma_wait3A_126 = tpu.memref_slice %arg8[%dma_wait3A_125] : memref<256xi32, #tpu.memory_space<vmem>> -> memref<64xi32, #tpu.memory_space<vmem>>
    %dma_wait3A_127 = tpu.memref_slice %arg2[%dma_wait3A_120, %multiple_of3A] : memref<4x2048xi32, #tpu.memory_space<hbm>> -> memref<1x64xi32, #tpu.memory_space<hbm>>
    %dma_wait3A_128 = tpu.memref_squeeze %dma_wait3A_127 : memref<1x64xi32, #tpu.memory_space<hbm>> -> memref<64xi32, #tpu.memory_space<hbm>>
    tpu.wait_dma2 semaphore(%arg14 : memref<!tpu.dma_semaphore, #tpu.memory_space<semaphore_mem>>) src(%dma_wait3A_128 : memref<64xi32, #tpu.memory_space<hbm>>) dst(%dma_wait3A_126 : memref<64xi32, #tpu.memory_space<vmem>>)
    %dma_wait3A_129 = arith.constant 0 : i32
    %dma_wait3A_130 = arith.constant 0 : i32
    %dma_wait3A_131 = tpu.memref_slice %arg9[%dma_wait3A_130] : memref<256xi32, #tpu.memory_space<vmem>> -> memref<64xi32, #tpu.memory_space<vmem>>
    %dma_wait3A_132 = tpu.memref_slice %arg3[%dma_wait3A_129, %multiple_of3A] : memref<4x2048xi32, #tpu.memory_space<hbm>> -> memref<1x64xi32, #tpu.memory_space<hbm>>
    %dma_wait3A_133 = tpu.memref_squeeze %dma_wait3A_132 : memref<1x64xi32, #tpu.memory_space<hbm>> -> memref<64xi32, #tpu.memory_space<hbm>>
    %dma_wait3A_134 = arith.constant 0 : i32
    %dma_wait3A_135 = tpu.memref_slice %arg9[%dma_wait3A_134] : memref<256xi32, #tpu.memory_space<vmem>> -> memref<64xi32, #tpu.memory_space<vmem>>
    %dma_wait3A_136 = tpu.memref_slice %arg3[%dma_wait3A_129, %multiple_of3A] : memref<4x2048xi32, #tpu.memory_space<hbm>> -> memref<1x64xi32, #tpu.memory_space<hbm>>
    %dma_wait3A_137 = tpu.memref_squeeze %dma_wait3A_136 : memref<1x64xi32, #tpu.memory_space<hbm>> -> memref<64xi32, #tpu.memory_space<hbm>>
    tpu.wait_dma2 semaphore(%arg16 : memref<!tpu.dma_semaphore, #tpu.memory_space<semaphore_mem>>) src(%dma_wait3A_137 : memref<64xi32, #tpu.memory_space<hbm>>) dst(%dma_wait3A_135 : memref<64xi32, #tpu.memory_space<vmem>>)
    %dma_wait3A_138 = arith.constant 1 : i32
    %dma_wait3A_139 = arith.constant 64 : i32
    %dma_wait3A_140 = tpu.memref_slice %arg8[%dma_wait3A_139] : memref<256xi32, #tpu.memory_space<vmem>> -> memref<64xi32, #tpu.memory_space<vmem>>
    %dma_wait3A_141 = tpu.memref_slice %arg2[%dma_wait3A_138, %multiple_of3A] : memref<4x2048xi32, #tpu.memory_space<hbm>> -> memref<1x64xi32, #tpu.memory_space<hbm>>
    %dma_wait3A_142 = tpu.memref_squeeze %dma_wait3A_141 : memref<1x64xi32, #tpu.memory_space<hbm>> -> memref<64xi32, #tpu.memory_space<hbm>>
    %dma_wait3A_143 = arith.constant 64 : i32
    %dma_wait3A_144 = tpu.memref_slice %arg8[%dma_wait3A_143] : memref<256xi32, #tpu.memory_space<vmem>> -> memref<64xi32, #tpu.memory_space<vmem>>
    %dma_wait3A_145 = tpu.memref_slice %arg2[%dma_wait3A_138, %multiple_of3A] : memref<4x2048xi32, #tpu.memory_space<hbm>> -> memref<1x64xi32, #tpu.memory_space<hbm>>
    %dma_wait3A_146 = tpu.memref_squeeze %dma_wait3A_145 : memref<1x64xi32, #tpu.memory_space<hbm>> -> memref<64xi32, #tpu.memory_space<hbm>>
    tpu.wait_dma2 semaphore(%arg14 : memref<!tpu.dma_semaphore, #tpu.memory_space<semaphore_mem>>) src(%dma_wait3A_146 : memref<64xi32, #tpu.memory_space<hbm>>) dst(%dma_wait3A_144 : memref<64xi32, #tpu.memory_space<vmem>>)
    %dma_wait3A_147 = arith.constant 1 : i32
    %dma_wait3A_148 = arith.constant 64 : i32
    %dma_wait3A_149 = tpu.memref_slice %arg9[%dma_wait3A_148] : memref<256xi32, #tpu.memory_space<vmem>> -> memref<64xi32, #tpu.memory_space<vmem>>
    %dma_wait3A_150 = tpu.memref_slice %arg3[%dma_wait3A_147, %multiple_of3A] : memref<4x2048xi32, #tpu.memory_space<hbm>> -> memref<1x64xi32, #tpu.memory_space<hbm>>
    %dma_wait3A_151 = tpu.memref_squeeze %dma_wait3A_150 : memref<1x64xi32, #tpu.memory_space<hbm>> -> memref<64xi32, #tpu.memory_space<hbm>>
    %dma_wait3A_152 = arith.constant 64 : i32
    %dma_wait3A_153 = tpu.memref_slice %arg9[%dma_wait3A_152] : memref<256xi32, #tpu.memory_space<vmem>> -> memref<64xi32, #tpu.memory_space<vmem>>
    %dma_wait3A_154 = tpu.memref_slice %arg3[%dma_wait3A_147, %multiple_of3A] : memref<4x2048xi32, #tpu.memory_space<hbm>> -> memref<1x64xi32, #tpu.memory_space<hbm>>
    %dma_wait3A_155 = tpu.memref_squeeze %dma_wait3A_154 : memref<1x64xi32, #tpu.memory_space<hbm>> -> memref<64xi32, #tpu.memory_space<hbm>>
    tpu.wait_dma2 semaphore(%arg16 : memref<!tpu.dma_semaphore, #tpu.memory_space<semaphore_mem>>) src(%dma_wait3A_155 : memref<64xi32, #tpu.memory_space<hbm>>) dst(%dma_wait3A_153 : memref<64xi32, #tpu.memory_space<vmem>>)
    %dma_wait3A_156 = arith.constant 2 : i32
    %dma_wait3A_157 = arith.constant 128 : i32
    %dma_wait3A_158 = tpu.memref_slice %arg8[%dma_wait3A_157] : memref<256xi32, #tpu.memory_space<vmem>> -> memref<64xi32, #tpu.memory_space<vmem>>
    %dma_wait3A_159 = tpu.memref_slice %arg2[%dma_wait3A_156, %multiple_of3A] : memref<4x2048xi32, #tpu.memory_space<hbm>> -> memref<1x64xi32, #tpu.memory_space<hbm>>
    %dma_wait3A_160 = tpu.memref_squeeze %dma_wait3A_159 : memref<1x64xi32, #tpu.memory_space<hbm>> -> memref<64xi32, #tpu.memory_space<hbm>>
    %dma_wait3A_161 = arith.constant 128 : i32
    %dma_wait3A_162 = tpu.memref_slice %arg8[%dma_wait3A_161] : memref<256xi32, #tpu.memory_space<vmem>> -> memref<64xi32, #tpu.memory_space<vmem>>
    %dma_wait3A_163 = tpu.memref_slice %arg2[%dma_wait3A_156, %multiple_of3A] : memref<4x2048xi32, #tpu.memory_space<hbm>> -> memref<1x64xi32, #tpu.memory_space<hbm>>
    %dma_wait3A_164 = tpu.memref_squeeze %dma_wait3A_163 : memref<1x64xi32, #tpu.memory_space<hbm>> -> memref<64xi32, #tpu.memory_space<hbm>>
    tpu.wait_dma2 semaphore(%arg14 : memref<!tpu.dma_semaphore, #tpu.memory_space<semaphore_mem>>) src(%dma_wait3A_164 : memref<64xi32, #tpu.memory_space<hbm>>) dst(%dma_wait3A_162 : memref<64xi32, #tpu.memory_space<vmem>>)
    %dma_wait3A_165 = arith.constant 2 : i32
    %dma_wait3A_166 = arith.constant 128 : i32
    %dma_wait3A_167 = tpu.memref_slice %arg9[%dma_wait3A_166] : memref<256xi32, #tpu.memory_space<vmem>> -> memref<64xi32, #tpu.memory_space<vmem>>
    %dma_wait3A_168 = tpu.memref_slice %arg3[%dma_wait3A_165, %multiple_of3A] : memref<4x2048xi32, #tpu.memory_space<hbm>> -> memref<1x64xi32, #tpu.memory_space<hbm>>
    %dma_wait3A_169 = tpu.memref_squeeze %dma_wait3A_168 : memref<1x64xi32, #tpu.memory_space<hbm>> -> memref<64xi32, #tpu.memory_space<hbm>>
    %dma_wait3A_170 = arith.constant 128 : i32
    %dma_wait3A_171 = tpu.memref_slice %arg9[%dma_wait3A_170] : memref<256xi32, #tpu.memory_space<vmem>> -> memref<64xi32, #tpu.memory_space<vmem>>
    %dma_wait3A_172 = tpu.memref_slice %arg3[%dma_wait3A_165, %multiple_of3A] : memref<4x2048xi32, #tpu.memory_space<hbm>> -> memref<1x64xi32, #tpu.memory_space<hbm>>
    %dma_wait3A_173 = tpu.memref_squeeze %dma_wait3A_172 : memref<1x64xi32, #tpu.memory_space<hbm>> -> memref<64xi32, #tpu.memory_space<hbm>>
    tpu.wait_dma2 semaphore(%arg16 : memref<!tpu.dma_semaphore, #tpu.memory_space<semaphore_mem>>) src(%dma_wait3A_173 : memref<64xi32, #tpu.memory_space<hbm>>) dst(%dma_wait3A_171 : memref<64xi32, #tpu.memory_space<vmem>>)
    %dma_wait3A_174 = arith.constant 3 : i32
    %dma_wait3A_175 = arith.constant 192 : i32
    %dma_wait3A_176 = tpu.memref_slice %arg8[%dma_wait3A_175] : memref<256xi32, #tpu.memory_space<vmem>> -> memref<64xi32, #tpu.memory_space<vmem>>
    %dma_wait3A_177 = tpu.memref_slice %arg2[%dma_wait3A_174, %multiple_of3A] : memref<4x2048xi32, #tpu.memory_space<hbm>> -> memref<1x64xi32, #tpu.memory_space<hbm>>
    %dma_wait3A_178 = tpu.memref_squeeze %dma_wait3A_177 : memref<1x64xi32, #tpu.memory_space<hbm>> -> memref<64xi32, #tpu.memory_space<hbm>>
    %dma_wait3A_179 = arith.constant 192 : i32
    %dma_wait3A_180 = tpu.memref_slice %arg8[%dma_wait3A_179] : memref<256xi32, #tpu.memory_space<vmem>> -> memref<64xi32, #tpu.memory_space<vmem>>
    %dma_wait3A_181 = tpu.memref_slice %arg2[%dma_wait3A_174, %multiple_of3A] : memref<4x2048xi32, #tpu.memory_space<hbm>> -> memref<1x64xi32, #tpu.memory_space<hbm>>
    %dma_wait3A_182 = tpu.memref_squeeze %dma_wait3A_181 : memref<1x64xi32, #tpu.memory_space<hbm>> -> memref<64xi32, #tpu.memory_space<hbm>>
    tpu.wait_dma2 semaphore(%arg14 : memref<!tpu.dma_semaphore, #tpu.memory_space<semaphore_mem>>) src(%dma_wait3A_182 : memref<64xi32, #tpu.memory_space<hbm>>) dst(%dma_wait3A_180 : memref<64xi32, #tpu.memory_space<vmem>>)
    %dma_wait3A_183 = arith.constant 3 : i32
    %dma_wait3A_184 = arith.constant 192 : i32
    %dma_wait3A_185 = tpu.memref_slice %arg9[%dma_wait3A_184] : memref<256xi32, #tpu.memory_space<vmem>> -> memref<64xi32, #tpu.memory_space<vmem>>
    %dma_wait3A_186 = tpu.memref_slice %arg3[%dma_wait3A_183, %multiple_of3A] : memref<4x2048xi32, #tpu.memory_space<hbm>> -> memref<1x64xi32, #tpu.memory_space<hbm>>
    %dma_wait3A_187 = tpu.memref_squeeze %dma_wait3A_186 : memref<1x64xi32, #tpu.memory_space<hbm>> -> memref<64xi32, #tpu.memory_space<hbm>>
    %dma_wait3A_188 = arith.constant 192 : i32
    %dma_wait3A_189 = tpu.memref_slice %arg9[%dma_wait3A_188] : memref<256xi32, #tpu.memory_space<vmem>> -> memref<64xi32, #tpu.memory_space<vmem>>
    %dma_wait3A_190 = tpu.memref_slice %arg3[%dma_wait3A_183, %multiple_of3A] : memref<4x2048xi32, #tpu.memory_space<hbm>> -> memref<1x64xi32, #tpu.memory_space<hbm>>
    %dma_wait3A_191 = tpu.memref_squeeze %dma_wait3A_190 : memref<1x64xi32, #tpu.memory_space<hbm>> -> memref<64xi32, #tpu.memory_space<hbm>>
    tpu.wait_dma2 semaphore(%arg16 : memref<!tpu.dma_semaphore, #tpu.memory_space<semaphore_mem>>) src(%dma_wait3A_191 : memref<64xi32, #tpu.memory_space<hbm>>) dst(%dma_wait3A_189 : memref<64xi32, #tpu.memory_space<vmem>>)
    %rem3A_192 = arith.constant 0 : i32
    %rem3A_193 = arith.constant 4 : i32
    %rem3A_194 = arith.remsi %rem3A_192, %rem3A_193 : i32
    %div3A = arith.constant 0 : i32
    %div3A_195 = arith.constant 4 : i32
    %div3A_196 = arith.divsi %div3A, %div3A_195 : i32
    %mul3A_197 = arith.constant 64 : i32
    %mul3A_198 = arith.muli %rem3A_194, %mul3A_197 : i32
    %mul3A_199 = arith.constant 8 : i32
    %mul3A_200 = arith.muli %div3A_196, %mul3A_199 : i32
    %add3A_201 = arith.addi %mul3A_198, %mul3A_200 : i32
    %multiple_of3A_202 = tpu.assume_multiple %add3A_201, 8 : i32
    %dma_start3A_203 = arith.constant 0 : i32
    %dma_start3A_204 = arith.constant 0 : i32
    %dma_start3A_205 = arith.constant 0 : i32
    %dma_start3A_206 = tpu.memref_slice %arg10[%dma_start3A_203, %dma_start3A_204, %dma_start3A_205] : memref<2x8x2048xf32, #tpu.memory_space<vmem>> -> memref<1x8x2048xf32, #tpu.memory_space<vmem>>
    %dma_start3A_207 = tpu.memref_squeeze %dma_start3A_206 : memref<1x8x2048xf32, #tpu.memory_space<vmem>> -> memref<8x2048xf32, #tpu.memory_space<vmem>>
    %dma_start3A_208 = tpu.memref_slice %arg8[%multiple_of3A_202] : memref<256xi32, #tpu.memory_space<vmem>> -> memref<8xi32, #tpu.memory_space<vmem>>
    %dma_start3A_209 = arith.constant 0 : i32
    %dma_start3A_210 = arith.constant 0 : i32
    %dma_start3A_211 = tpu.memref_slice %arg4[%dma_start3A_209, %dma_start3A_210] : memref<50257x2048xf32, #tpu.memory_space<hbm>> -> memref<50257x2048xf32, #tpu.memory_space<hbm>>
    tpu.enqueue_indirect_dma source(%dma_start3A_211 : memref<50257x2048xf32, #tpu.memory_space<hbm>>) target(%dma_start3A_207 : memref<8x2048xf32, #tpu.memory_space<vmem>>) offsets(%dma_start3A_208 : memref<8xi32, #tpu.memory_space<vmem>>) semaphore(%arg14 : memref<!tpu.dma_semaphore, #tpu.memory_space<semaphore_mem>>)
    %dma_start3A_212 = arith.constant 0 : i32
    %dma_start3A_213 = arith.constant 0 : i32
    %dma_start3A_214 = arith.constant 0 : i32
    %dma_start3A_215 = tpu.memref_slice %arg11[%dma_start3A_212, %dma_start3A_213, %dma_start3A_214] : memref<2x8x1024xi32, #tpu.memory_space<vmem>> -> memref<1x8x1024xi32, #tpu.memory_space<vmem>>
    %dma_start3A_216 = tpu.memref_squeeze %dma_start3A_215 : memref<1x8x1024xi32, #tpu.memory_space<vmem>> -> memref<8x1024xi32, #tpu.memory_space<vmem>>
    %dma_start3A_217 = tpu.memref_slice %arg9[%multiple_of3A_202] : memref<256xi32, #tpu.memory_space<vmem>> -> memref<8xi32, #tpu.memory_space<vmem>>
    %dma_start3A_218 = arith.constant 0 : i32
    %dma_start3A_219 = arith.constant 0 : i32
    %dma_start3A_220 = tpu.memref_slice %arg5[%dma_start3A_218, %dma_start3A_219] : memref<512x1024xi32, #tpu.memory_space<hbm>> -> memref<512x1024xi32, #tpu.memory_space<hbm>>
    tpu.enqueue_indirect_dma source(%dma_start3A_220 : memref<512x1024xi32, #tpu.memory_space<hbm>>) target(%dma_start3A_216 : memref<8x1024xi32, #tpu.memory_space<vmem>>) offsets(%dma_start3A_217 : memref<8xi32, #tpu.memory_space<vmem>>) semaphore(%arg16 : memref<!tpu.dma_semaphore, #tpu.memory_space<semaphore_mem>>)
    %scan3A = arith.constant 0 : i32
    %scan3A_221 = arith.constant 0 : i32
    %scan3A_222 = arith.constant 16 : i32
    %scan3A_223 = arith.addi %scan3A_221, %scan3A_222 : i32
    %scan3A_224 = arith.constant 1 : i32
    scf.for %scan3A_278 = %scan3A_221 to %scan3A_223 step %scan3A_224  : i32 {
      %mul3A_279 = arith.constant 2 : i32
      %mul3A_280 = arith.muli %mul3A_279, %scan3A_278 : i32
      %add3A_281 = arith.constant 0 : i32
      %add3A_282 = arith.addi %mul3A_280, %add3A_281 : i32
      %add3A_283 = arith.constant 1 : i32
      %add3A_284 = arith.addi %add3A_282, %add3A_283 : i32
      %lt3A = arith.constant 32 : i32
      %lt3A_285 = arith.cmpi slt, %add3A_284, %lt3A : i32
      %convert_element_type3A = arith.extui %lt3A_285 : i1 to i32
      %cond3A = arith.constant 0 : i32
      %cond3A_286 = arith.cmpi ne, %convert_element_type3A, %cond3A : i32
      scf.if %cond3A_286 {
        %rem3A_441 = arith.constant 4 : i32
        %rem3A_442 = arith.remsi %add3A_284, %rem3A_441 : i32
        %div3A_443 = arith.constant 4 : i32
        %div3A_444 = arith.divsi %add3A_284, %div3A_443 : i32
        %mul3A_445 = arith.constant 64 : i32
        %mul3A_446 = arith.muli %rem3A_442, %mul3A_445 : i32
        %mul3A_447 = arith.constant 8 : i32
        %mul3A_448 = arith.muli %div3A_444, %mul3A_447 : i32
        %add3A_449 = arith.addi %mul3A_446, %mul3A_448 : i32
        %multiple_of3A_450 = tpu.assume_multiple %add3A_449, 8 : i32
        %dma_start3A_451 = arith.constant 1 : i32
        %dma_start3A_452 = arith.constant 0 : i32
        %dma_start3A_453 = arith.constant 0 : i32
        %dma_start3A_454 = tpu.memref_slice %arg10[%dma_start3A_451, %dma_start3A_452, %dma_start3A_453] : memref<2x8x2048xf32, #tpu.memory_space<vmem>> -> memref<1x8x2048xf32, #tpu.memory_space<vmem>>
        %dma_start3A_455 = tpu.memref_squeeze %dma_start3A_454 : memref<1x8x2048xf32, #tpu.memory_space<vmem>> -> memref<8x2048xf32, #tpu.memory_space<vmem>>
        %dma_start3A_456 = tpu.memref_slice %arg8[%multiple_of3A_450] : memref<256xi32, #tpu.memory_space<vmem>> -> memref<8xi32, #tpu.memory_space<vmem>>
        %dma_start3A_457 = arith.constant 0 : i32
        %dma_start3A_458 = arith.constant 0 : i32
        %dma_start3A_459 = tpu.memref_slice %arg4[%dma_start3A_457, %dma_start3A_458] : memref<50257x2048xf32, #tpu.memory_space<hbm>> -> memref<50257x2048xf32, #tpu.memory_space<hbm>>
        tpu.enqueue_indirect_dma source(%dma_start3A_459 : memref<50257x2048xf32, #tpu.memory_space<hbm>>) target(%dma_start3A_455 : memref<8x2048xf32, #tpu.memory_space<vmem>>) offsets(%dma_start3A_456 : memref<8xi32, #tpu.memory_space<vmem>>) semaphore(%arg15 : memref<!tpu.dma_semaphore, #tpu.memory_space<semaphore_mem>>)
        %dma_start3A_460 = arith.constant 1 : i32
        %dma_start3A_461 = arith.constant 0 : i32
        %dma_start3A_462 = arith.constant 0 : i32
        %dma_start3A_463 = tpu.memref_slice %arg11[%dma_start3A_460, %dma_start3A_461, %dma_start3A_462] : memref<2x8x1024xi32, #tpu.memory_space<vmem>> -> memref<1x8x1024xi32, #tpu.memory_space<vmem>>
        %dma_start3A_464 = tpu.memref_squeeze %dma_start3A_463 : memref<1x8x1024xi32, #tpu.memory_space<vmem>> -> memref<8x1024xi32, #tpu.memory_space<vmem>>
        %dma_start3A_465 = tpu.memref_slice %arg9[%multiple_of3A_450] : memref<256xi32, #tpu.memory_space<vmem>> -> memref<8xi32, #tpu.memory_space<vmem>>
        %dma_start3A_466 = arith.constant 0 : i32
        %dma_start3A_467 = arith.constant 0 : i32
        %dma_start3A_468 = tpu.memref_slice %arg5[%dma_start3A_466, %dma_start3A_467] : memref<512x1024xi32, #tpu.memory_space<hbm>> -> memref<512x1024xi32, #tpu.memory_space<hbm>>
        tpu.enqueue_indirect_dma source(%dma_start3A_468 : memref<512x1024xi32, #tpu.memory_space<hbm>>) target(%dma_start3A_464 : memref<8x1024xi32, #tpu.memory_space<vmem>>) offsets(%dma_start3A_465 : memref<8xi32, #tpu.memory_space<vmem>>) semaphore(%arg17 : memref<!tpu.dma_semaphore, #tpu.memory_space<semaphore_mem>>)
      } else {
      }
      %gt3A = arith.constant 0 : i32
      %gt3A_287 = arith.cmpi sgt, %add3A_282, %gt3A : i32
      %rem3A_288 = arith.constant 4 : i32
      %rem3A_289 = arith.remsi %add3A_282, %rem3A_288 : i32
      %eq3A = arith.constant 0 : i32
      %eq3A_290 = arith.cmpi eq, %rem3A_289, %eq3A : i32
      %and3A = arith.andi %gt3A_287, %eq3A_290 : i1
      %convert_element_type3A_291 = arith.extui %and3A : i1 to i32
      %cond3A_292 = arith.constant 0 : i32
      %cond3A_293 = arith.cmpi ne, %convert_element_type3A_291, %cond3A_292 : i32
      scf.if %cond3A_293 {
        %div3A_441 = arith.constant 4 : i32
        %div3A_442 = arith.divsi %add3A_282, %div3A_441 : i32
        %rem3A_443 = arith.constant 2 : i32
        %rem3A_444 = arith.remsi %div3A_442, %rem3A_443 : i32
        %eq3A_445 = arith.constant 0 : i32
        %eq3A_446 = arith.cmpi eq, %rem3A_444, %eq3A_445 : i32
        %convert_element_type3A_447 = arith.extui %eq3A_446 : i1 to i32
        %cond3A_448 = arith.constant 0 : i32
        %cond3A_449 = arith.cmpi ne, %convert_element_type3A_447, %cond3A_448 : i32
        scf.if %cond3A_449 {
          %mul3A_462 = arith.constant 8 : i32
          %mul3A_463 = arith.muli %div3A_442, %mul3A_462 : i32
          %add3A_464 = arith.addi %multiple_of3A, %mul3A_463 : i32
          %mul3A_465 = arith.constant 1024 : i32
          %mul3A_466 = arith.muli %add3A_464, %mul3A_465 : i32
          %multiple_of3A_467 = tpu.assume_multiple %mul3A_466, 1024 : i32
          %rem3A_468 = arith.constant 2 : i32
          %rem3A_469 = arith.remsi %div3A_442, %rem3A_468 : i32
          %dma_wait3A_470 = arith.constant 0 : i32
          %dma_wait3A_471 = tpu.memref_slice %arg13[%rem3A_469, %dma_wait3A_470] : memref<2x8192xi32, #tpu.memory_space<vmem>> -> memref<1x8192xi32, #tpu.memory_space<vmem>>
          %dma_wait3A_472 = tpu.memref_squeeze %dma_wait3A_471 : memref<1x8192xi32, #tpu.memory_space<vmem>> -> memref<8192xi32, #tpu.memory_space<vmem>>
          %dma_wait3A_473 = tpu.memref_slice %arg6[%multiple_of3A_467] : memref<2097152xi32, #tpu.memory_space<hbm>> -> memref<8192xi32, #tpu.memory_space<hbm>>
          %dma_wait3A_474 = arith.constant 0 : i32
          %dma_wait3A_475 = tpu.memref_slice %arg13[%rem3A_469, %dma_wait3A_474] : memref<2x8192xi32, #tpu.memory_space<vmem>> -> memref<1x8192xi32, #tpu.memory_space<vmem>>
          %dma_wait3A_476 = tpu.memref_squeeze %dma_wait3A_475 : memref<1x8192xi32, #tpu.memory_space<vmem>> -> memref<8192xi32, #tpu.memory_space<vmem>>
          %dma_wait3A_477 = tpu.memref_slice %arg6[%multiple_of3A_467] : memref<2097152xi32, #tpu.memory_space<hbm>> -> memref<8192xi32, #tpu.memory_space<hbm>>
          tpu.wait_dma2 semaphore(%arg20 : memref<!tpu.dma_semaphore, #tpu.memory_space<semaphore_mem>>) src(%dma_wait3A_477 : memref<8192xi32, #tpu.memory_space<hbm>>) dst(%dma_wait3A_476 : memref<8192xi32, #tpu.memory_space<vmem>>)
        } else {
        }
        %eq3A_450 = arith.constant 1 : i32
        %eq3A_451 = arith.cmpi eq, %rem3A_444, %eq3A_450 : i32
        %convert_element_type3A_452 = arith.extui %eq3A_451 : i1 to i32
        %cond3A_453 = arith.constant 0 : i32
        %cond3A_454 = arith.cmpi ne, %convert_element_type3A_452, %cond3A_453 : i32
        scf.if %cond3A_454 {
          %mul3A_462 = arith.constant 8 : i32
          %mul3A_463 = arith.muli %div3A_442, %mul3A_462 : i32
          %add3A_464 = arith.addi %multiple_of3A, %mul3A_463 : i32
          %mul3A_465 = arith.constant 1024 : i32
          %mul3A_466 = arith.muli %add3A_464, %mul3A_465 : i32
          %multiple_of3A_467 = tpu.assume_multiple %mul3A_466, 1024 : i32
          %rem3A_468 = arith.constant 2 : i32
          %rem3A_469 = arith.remsi %div3A_442, %rem3A_468 : i32
          %dma_wait3A_470 = arith.constant 0 : i32
          %dma_wait3A_471 = tpu.memref_slice %arg13[%rem3A_469, %dma_wait3A_470] : memref<2x8192xi32, #tpu.memory_space<vmem>> -> memref<1x8192xi32, #tpu.memory_space<vmem>>
          %dma_wait3A_472 = tpu.memref_squeeze %dma_wait3A_471 : memref<1x8192xi32, #tpu.memory_space<vmem>> -> memref<8192xi32, #tpu.memory_space<vmem>>
          %dma_wait3A_473 = tpu.memref_slice %arg6[%multiple_of3A_467] : memref<2097152xi32, #tpu.memory_space<hbm>> -> memref<8192xi32, #tpu.memory_space<hbm>>
          %dma_wait3A_474 = arith.constant 0 : i32
          %dma_wait3A_475 = tpu.memref_slice %arg13[%rem3A_469, %dma_wait3A_474] : memref<2x8192xi32, #tpu.memory_space<vmem>> -> memref<1x8192xi32, #tpu.memory_space<vmem>>
          %dma_wait3A_476 = tpu.memref_squeeze %dma_wait3A_475 : memref<1x8192xi32, #tpu.memory_space<vmem>> -> memref<8192xi32, #tpu.memory_space<vmem>>
          %dma_wait3A_477 = tpu.memref_slice %arg6[%multiple_of3A_467] : memref<2097152xi32, #tpu.memory_space<hbm>> -> memref<8192xi32, #tpu.memory_space<hbm>>
          tpu.wait_dma2 semaphore(%arg21 : memref<!tpu.dma_semaphore, #tpu.memory_space<semaphore_mem>>) src(%dma_wait3A_477 : memref<8192xi32, #tpu.memory_space<hbm>>) dst(%dma_wait3A_476 : memref<8192xi32, #tpu.memory_space<vmem>>)
        } else {
        }
        %add3A_455 = arith.constant 1 : i32
        %add3A_456 = arith.addi %div3A_442, %add3A_455 : i32
        %lt3A_457 = arith.constant 8 : i32
        %lt3A_458 = arith.cmpi slt, %add3A_456, %lt3A_457 : i32
        %convert_element_type3A_459 = arith.extui %lt3A_458 : i1 to i32
        %cond3A_460 = arith.constant 0 : i32
        %cond3A_461 = arith.cmpi ne, %convert_element_type3A_459, %cond3A_460 : i32
        scf.if %cond3A_461 {
          %eq3A_462 = arith.constant 0 : i32
          %eq3A_463 = arith.cmpi eq, %rem3A_444, %eq3A_462 : i32
          %convert_element_type3A_464 = arith.extui %eq3A_463 : i1 to i32
          %cond3A_465 = arith.constant 0 : i32
          %cond3A_466 = arith.cmpi ne, %convert_element_type3A_464, %cond3A_465 : i32
          scf.if %cond3A_466 {
            %add3A_472 = arith.constant 1 : i32
            %add3A_473 = arith.addi %div3A_442, %add3A_472 : i32
            %mul3A_474 = arith.constant 8 : i32
            %mul3A_475 = arith.muli %add3A_473, %mul3A_474 : i32
            %add3A_476 = arith.addi %multiple_of3A, %mul3A_475 : i32
            %mul3A_477 = arith.constant 1024 : i32
            %mul3A_478 = arith.muli %add3A_476, %mul3A_477 : i32
            %multiple_of3A_479 = tpu.assume_multiple %mul3A_478, 1024 : i32
            %rem3A_480 = arith.constant 2 : i32
            %rem3A_481 = arith.remsi %add3A_473, %rem3A_480 : i32
            %dma_start3A_482 = arith.constant 0 : i32
            %dma_start3A_483 = tpu.memref_slice %arg13[%rem3A_481, %dma_start3A_482] : memref<2x8192xi32, #tpu.memory_space<vmem>> -> memref<1x8192xi32, #tpu.memory_space<vmem>>
            %dma_start3A_484 = tpu.memref_squeeze %dma_start3A_483 : memref<1x8192xi32, #tpu.memory_space<vmem>> -> memref<8192xi32, #tpu.memory_space<vmem>>
            %dma_start3A_485 = tpu.memref_slice %arg6[%multiple_of3A_479] : memref<2097152xi32, #tpu.memory_space<hbm>> -> memref<8192xi32, #tpu.memory_space<hbm>>
            %dma_start3A_486 = arith.constant 0 : i32
            %dma_start3A_487 = tpu.memref_slice %arg13[%rem3A_481, %dma_start3A_486] : memref<2x8192xi32, #tpu.memory_space<vmem>> -> memref<1x8192xi32, #tpu.memory_space<vmem>>
            %dma_start3A_488 = tpu.memref_squeeze %dma_start3A_487 : memref<1x8192xi32, #tpu.memory_space<vmem>> -> memref<8192xi32, #tpu.memory_space<vmem>>
            %dma_start3A_489 = tpu.memref_slice %arg6[%multiple_of3A_479] : memref<2097152xi32, #tpu.memory_space<hbm>> -> memref<8192xi32, #tpu.memory_space<hbm>>
            tpu.enqueue_dma source(%dma_start3A_489 : memref<8192xi32, #tpu.memory_space<hbm>>) target(%dma_start3A_488 : memref<8192xi32, #tpu.memory_space<vmem>>) target_semaphore(%arg21 : memref<!tpu.dma_semaphore, #tpu.memory_space<semaphore_mem>>)
          } else {
          }
          %eq3A_467 = arith.constant 1 : i32
          %eq3A_468 = arith.cmpi eq, %rem3A_444, %eq3A_467 : i32
          %convert_element_type3A_469 = arith.extui %eq3A_468 : i1 to i32
          %cond3A_470 = arith.constant 0 : i32
          %cond3A_471 = arith.cmpi ne, %convert_element_type3A_469, %cond3A_470 : i32
          scf.if %cond3A_471 {
            %add3A_472 = arith.constant 1 : i32
            %add3A_473 = arith.addi %div3A_442, %add3A_472 : i32
            %mul3A_474 = arith.constant 8 : i32
            %mul3A_475 = arith.muli %add3A_473, %mul3A_474 : i32
            %add3A_476 = arith.addi %multiple_of3A, %mul3A_475 : i32
            %mul3A_477 = arith.constant 1024 : i32
            %mul3A_478 = arith.muli %add3A_476, %mul3A_477 : i32
            %multiple_of3A_479 = tpu.assume_multiple %mul3A_478, 1024 : i32
            %rem3A_480 = arith.constant 2 : i32
            %rem3A_481 = arith.remsi %add3A_473, %rem3A_480 : i32
            %dma_start3A_482 = arith.constant 0 : i32
            %dma_start3A_483 = tpu.memref_slice %arg13[%rem3A_481, %dma_start3A_482] : memref<2x8192xi32, #tpu.memory_space<vmem>> -> memref<1x8192xi32, #tpu.memory_space<vmem>>
            %dma_start3A_484 = tpu.memref_squeeze %dma_start3A_483 : memref<1x8192xi32, #tpu.memory_space<vmem>> -> memref<8192xi32, #tpu.memory_space<vmem>>
            %dma_start3A_485 = tpu.memref_slice %arg6[%multiple_of3A_479] : memref<2097152xi32, #tpu.memory_space<hbm>> -> memref<8192xi32, #tpu.memory_space<hbm>>
            %dma_start3A_486 = arith.constant 0 : i32
            %dma_start3A_487 = tpu.memref_slice %arg13[%rem3A_481, %dma_start3A_486] : memref<2x8192xi32, #tpu.memory_space<vmem>> -> memref<1x8192xi32, #tpu.memory_space<vmem>>
            %dma_start3A_488 = tpu.memref_squeeze %dma_start3A_487 : memref<1x8192xi32, #tpu.memory_space<vmem>> -> memref<8192xi32, #tpu.memory_space<vmem>>
            %dma_start3A_489 = tpu.memref_slice %arg6[%multiple_of3A_479] : memref<2097152xi32, #tpu.memory_space<hbm>> -> memref<8192xi32, #tpu.memory_space<hbm>>
            tpu.enqueue_dma source(%dma_start3A_489 : memref<8192xi32, #tpu.memory_space<hbm>>) target(%dma_start3A_488 : memref<8192xi32, #tpu.memory_space<vmem>>) target_semaphore(%arg20 : memref<!tpu.dma_semaphore, #tpu.memory_space<semaphore_mem>>)
          } else {
          }
        } else {
        }
      } else {
      }
      %rem3A_294 = arith.constant 4 : i32
      %rem3A_295 = arith.remsi %add3A_282, %rem3A_294 : i32
      %div3A_296 = arith.constant 4 : i32
      %div3A_297 = arith.divsi %add3A_282, %div3A_296 : i32
      %mul3A_298 = arith.constant 64 : i32
      %mul3A_299 = arith.muli %rem3A_295, %mul3A_298 : i32
      %mul3A_300 = arith.constant 8 : i32
      %mul3A_301 = arith.muli %div3A_297, %mul3A_300 : i32
      %add3A_302 = arith.addi %mul3A_299, %mul3A_301 : i32
      %multiple_of3A_303 = tpu.assume_multiple %add3A_302, 8 : i32
      %dma_wait3A_304 = arith.constant 0 : i32
      %dma_wait3A_305 = arith.constant 0 : i32
      %dma_wait3A_306 = arith.constant 0 : i32
      %dma_wait3A_307 = tpu.memref_slice %arg10[%dma_wait3A_304, %dma_wait3A_305, %dma_wait3A_306] : memref<2x8x2048xf32, #tpu.memory_space<vmem>> -> memref<1x8x2048xf32, #tpu.memory_space<vmem>>
      %dma_wait3A_308 = tpu.memref_squeeze %dma_wait3A_307 : memref<1x8x2048xf32, #tpu.memory_space<vmem>> -> memref<8x2048xf32, #tpu.memory_space<vmem>>
      %dma_wait3A_309 = tpu.memref_slice %arg8[%multiple_of3A_303] : memref<256xi32, #tpu.memory_space<vmem>> -> memref<8xi32, #tpu.memory_space<vmem>>
      %dma_wait3A_310 = arith.constant 0 : i32
      %dma_wait3A_311 = arith.constant 0 : i32
      %dma_wait3A_312 = tpu.memref_slice %arg4[%dma_wait3A_310, %dma_wait3A_311] : memref<50257x2048xf32, #tpu.memory_space<hbm>> -> memref<50257x2048xf32, #tpu.memory_space<hbm>>
      tpu.wait_indirect_dma semaphore(%arg14 : memref<!tpu.dma_semaphore, #tpu.memory_space<semaphore_mem>>) src(%dma_wait3A_312 : memref<50257x2048xf32, #tpu.memory_space<hbm>>) dst(%dma_wait3A_308 : memref<8x2048xf32, #tpu.memory_space<vmem>>)
      %dma_wait3A_313 = arith.constant 0 : i32
      %dma_wait3A_314 = arith.constant 0 : i32
      %dma_wait3A_315 = arith.constant 0 : i32
      %dma_wait3A_316 = tpu.memref_slice %arg11[%dma_wait3A_313, %dma_wait3A_314, %dma_wait3A_315] : memref<2x8x1024xi32, #tpu.memory_space<vmem>> -> memref<1x8x1024xi32, #tpu.memory_space<vmem>>
      %dma_wait3A_317 = tpu.memref_squeeze %dma_wait3A_316 : memref<1x8x1024xi32, #tpu.memory_space<vmem>> -> memref<8x1024xi32, #tpu.memory_space<vmem>>
      %dma_wait3A_318 = tpu.memref_slice %arg9[%multiple_of3A_303] : memref<256xi32, #tpu.memory_space<vmem>> -> memref<8xi32, #tpu.memory_space<vmem>>
      %dma_wait3A_319 = arith.constant 0 : i32
      %dma_wait3A_320 = arith.constant 0 : i32
      %dma_wait3A_321 = tpu.memref_slice %arg5[%dma_wait3A_319, %dma_wait3A_320] : memref<512x1024xi32, #tpu.memory_space<hbm>> -> memref<512x1024xi32, #tpu.memory_space<hbm>>
      tpu.wait_indirect_dma semaphore(%arg16 : memref<!tpu.dma_semaphore, #tpu.memory_space<semaphore_mem>>) src(%dma_wait3A_321 : memref<512x1024xi32, #tpu.memory_space<hbm>>) dst(%dma_wait3A_317 : memref<8x1024xi32, #tpu.memory_space<vmem>>)
      %ge3A = arith.constant 2 : i32
      %ge3A_322 = arith.cmpi sge, %add3A_282, %ge3A : i32
      %convert_element_type3A_323 = arith.extui %ge3A_322 : i1 to i32
      %cond3A_324 = arith.constant 0 : i32
      %cond3A_325 = arith.cmpi ne, %convert_element_type3A_323, %cond3A_324 : i32
      scf.if %cond3A_325 {
        %sub3A = arith.constant 2 : i32
        %sub3A_441 = arith.subi %add3A_282, %sub3A : i32
        %rem3A_442 = arith.constant 4 : i32
        %rem3A_443 = arith.remsi %sub3A_441, %rem3A_442 : i32
        %div3A_444 = arith.constant 4 : i32
        %div3A_445 = arith.divsi %sub3A_441, %div3A_444 : i32
        %mul3A_446 = arith.constant 2048 : i32
        %mul3A_447 = arith.muli %rem3A_443, %mul3A_446 : i32
        %add3A_448 = arith.addi %mul3A_447, %multiple_of3A : i32
        %mul3A_449 = arith.constant 8 : i32
        %mul3A_450 = arith.muli %div3A_445, %mul3A_449 : i32
        %add3A_451 = arith.addi %add3A_448, %mul3A_450 : i32
        %multiple_of3A_452 = tpu.assume_multiple %add3A_451, 8 : i32
        %dma_wait3A_453 = arith.constant 0 : i32
        %dma_wait3A_454 = arith.constant 0 : i32
        %dma_wait3A_455 = arith.constant 0 : i32
        %dma_wait3A_456 = tpu.memref_slice %arg12[%dma_wait3A_453, %dma_wait3A_454, %dma_wait3A_455] : memref<2x8x2048xf32, #tpu.memory_space<vmem>> -> memref<1x8x2048xf32, #tpu.memory_space<vmem>>
        %dma_wait3A_457 = tpu.memref_squeeze %dma_wait3A_456 : memref<1x8x2048xf32, #tpu.memory_space<vmem>> -> memref<8x2048xf32, #tpu.memory_space<vmem>>
        %dma_wait3A_458 = arith.constant 0 : i32
        %dma_wait3A_459 = tpu.memref_slice %arg7[%multiple_of3A_452, %dma_wait3A_458] : memref<8192x2048xf32, #tpu.memory_space<hbm>> -> memref<8x2048xf32, #tpu.memory_space<hbm>>
        %dma_wait3A_460 = arith.constant 0 : i32
        %dma_wait3A_461 = tpu.memref_slice %arg7[%multiple_of3A_452, %dma_wait3A_460] : memref<8192x2048xf32, #tpu.memory_space<hbm>> -> memref<8x2048xf32, #tpu.memory_space<hbm>>
        %dma_wait3A_462 = arith.constant 0 : i32
        %dma_wait3A_463 = arith.constant 0 : i32
        %dma_wait3A_464 = tpu.memref_slice %arg12[%dma_wait3A_453, %dma_wait3A_462, %dma_wait3A_463] : memref<2x8x2048xf32, #tpu.memory_space<vmem>> -> memref<1x8x2048xf32, #tpu.memory_space<vmem>>
        %dma_wait3A_465 = tpu.memref_squeeze %dma_wait3A_464 : memref<1x8x2048xf32, #tpu.memory_space<vmem>> -> memref<8x2048xf32, #tpu.memory_space<vmem>>
        tpu.wait_dma2 semaphore(%arg18 : memref<!tpu.dma_semaphore, #tpu.memory_space<semaphore_mem>>) src(%dma_wait3A_465 : memref<8x2048xf32, #tpu.memory_space<vmem>>) dst(%dma_wait3A_461 : memref<8x2048xf32, #tpu.memory_space<hbm>>)
      } else {
      }
      %div3A_326 = arith.constant 4 : i32
      %div3A_327 = arith.divsi %add3A_282, %div3A_326 : i32
      %rem3A_328 = arith.constant 2 : i32
      %rem3A_329 = arith.remsi %div3A_327, %rem3A_328 : i32
      %parallel_loop3A = arith.constant 0 : i32
      %parallel_loop3A_330 = arith.constant 64 : i32
      %parallel_loop3A_331 = arith.constant 1 : i32
      scf.for %parallel_loop3A_441 = %parallel_loop3A to %parallel_loop3A_330 step %parallel_loop3A_331  : i32 {
        %parallel_loop3A_442 = arith.constant 16 : i32
        %parallel_loop3A_443 = arith.muli %parallel_loop3A_441, %parallel_loop3A_442 : i32
        %parallel_loop3A_444 = tpu.assume_multiple %parallel_loop3A_443, 16 : i32
        %parallel_loop3A_445 = arith.constant 2 : i32
        %parallel_loop3A_446 = arith.muli %parallel_loop3A_441, %parallel_loop3A_445 : i32
        %parallel_loop3A_447 = arith.constant 16 : i32
        %parallel_loop3A_448 = arith.muli %parallel_loop3A_446, %parallel_loop3A_447 : i32
        %parallel_loop3A_449 = tpu.assume_multiple %parallel_loop3A_448, 32 : i32
        %parallel_loop3A_450 = arith.constant 0 : i32
        %parallel_loop3A_451 = arith.constant 0 : i32
        %parallel_loop3A_452 = arith.index_cast %parallel_loop3A_450 : i32 to index
        %parallel_loop3A_453 = arith.index_cast %parallel_loop3A_451 : i32 to index
        %parallel_loop3A_454 = arith.index_cast %parallel_loop3A_444 : i32 to index
        %parallel_loop3A_455 = tpu.vector_load %arg11[%parallel_loop3A_452, %parallel_loop3A_453, %parallel_loop3A_454] {strides = array<i32>} : memref<2x8x1024xi32, #tpu.memory_space<vmem>>, vector<1x1x16xi32>,
        %parallel_loop3A_456 = vector.shape_cast %parallel_loop3A_455 : vector<1x1x16xi32> to vector<16xi32>
        %parallel_loop3A_457 = arith.constant 0 : i32
        %parallel_loop3A_458 = arith.addi %parallel_loop3A_457, %parallel_loop3A_444 : i32
        %parallel_loop3A_459 = arith.index_cast %rem3A_329 : i32 to index
        %parallel_loop3A_460 = arith.index_cast %parallel_loop3A_458 : i32 to index
        %parallel_loop3A_461 = tpu.vector_load %arg13[%parallel_loop3A_459, %parallel_loop3A_460] {strides = array<i32>} : memref<2x8192xi32, #tpu.memory_space<vmem>>, vector<1x16xi32>,
        %parallel_loop3A_462 = vector.shape_cast %parallel_loop3A_461 : vector<1x16xi32> to vector<16xi32>
        %parallel_loop3A_463 = arith.constant 16 : i32
        %parallel_loop3A_464 = vector.broadcast %parallel_loop3A_463 : i32 to vector<16xi32>
        %parallel_loop3A_465 = arith.shli %parallel_loop3A_456, %parallel_loop3A_464 : vector<16xi32>
        %parallel_loop3A_466 = tpu.bitcast %parallel_loop3A_465 : vector<16xi32> -> vector<16xf32>
        %parallel_loop3A_467 = arith.constant -65536 : i32
        %parallel_loop3A_468 = vector.broadcast %parallel_loop3A_467 : i32 to vector<16xi32>
        %parallel_loop3A_469 = arith.andi %parallel_loop3A_456, %parallel_loop3A_468 : vector<16xi32>
        %parallel_loop3A_470 = tpu.bitcast %parallel_loop3A_469 : vector<16xi32> -> vector<16xf32>
        %parallel_loop3A_471 = arith.constant 16 : i32
        %parallel_loop3A_472 = vector.broadcast %parallel_loop3A_471 : i32 to vector<16xi32>
        %parallel_loop3A_473 = arith.shli %parallel_loop3A_462, %parallel_loop3A_472 : vector<16xi32>
        %parallel_loop3A_474 = tpu.bitcast %parallel_loop3A_473 : vector<16xi32> -> vector<16xf32>
        %parallel_loop3A_475 = arith.constant -65536 : i32
        %parallel_loop3A_476 = vector.broadcast %parallel_loop3A_475 : i32 to vector<16xi32>
        %parallel_loop3A_477 = arith.andi %parallel_loop3A_462, %parallel_loop3A_476 : vector<16xi32>
        %parallel_loop3A_478 = tpu.bitcast %parallel_loop3A_477 : vector<16xi32> -> vector<16xf32>
        %parallel_loop3A_479 = arith.constant 0 : i32
        %parallel_loop3A_480 = arith.constant 0 : i32
        %parallel_loop3A_481 = arith.index_cast %parallel_loop3A_479 : i32 to index
        %parallel_loop3A_482 = arith.index_cast %parallel_loop3A_480 : i32 to index
        %parallel_loop3A_483 = arith.index_cast %parallel_loop3A_449 : i32 to index
        %parallel_loop3A_484 = tpu.vector_load %arg10[%parallel_loop3A_481, %parallel_loop3A_482, %parallel_loop3A_483] {strides = array<i32>} : memref<2x8x2048xf32, #tpu.memory_space<vmem>>, vector<1x1x16xf32>,
        %parallel_loop3A_485 = vector.shape_cast %parallel_loop3A_484 : vector<1x1x16xf32> to vector<16xf32>
        %parallel_loop3A_486 = arith.constant 16 : i32
        %parallel_loop3A_487 = arith.addi %parallel_loop3A_449, %parallel_loop3A_486 : i32
        %parallel_loop3A_488 = arith.constant 0 : i32
        %parallel_loop3A_489 = arith.constant 0 : i32
        %parallel_loop3A_490 = arith.index_cast %parallel_loop3A_488 : i32 to index
        %parallel_loop3A_491 = arith.index_cast %parallel_loop3A_489 : i32 to index
        %parallel_loop3A_492 = arith.index_cast %parallel_loop3A_487 : i32 to index
        %parallel_loop3A_493 = tpu.vector_load %arg10[%parallel_loop3A_490, %parallel_loop3A_491, %parallel_loop3A_492] {strides = array<i32>} : memref<2x8x2048xf32, #tpu.memory_space<vmem>>, vector<1x1x16xf32>,
        %parallel_loop3A_494 = vector.shape_cast %parallel_loop3A_493 : vector<1x1x16xf32> to vector<16xf32>
        %parallel_loop3A_495 = arith.constant 45.2548332 : f32
        %parallel_loop3A_496 = vector.broadcast %parallel_loop3A_495 : f32 to vector<16xf32>
        %parallel_loop3A_497 = arith.mulf %parallel_loop3A_485, %parallel_loop3A_496 : vector<16xf32>
        %parallel_loop3A_498 = arith.addf %parallel_loop3A_466, %parallel_loop3A_474 : vector<16xf32>
        %parallel_loop3A_499 = arith.addf %parallel_loop3A_497, %parallel_loop3A_498 : vector<16xf32>
        %parallel_loop3A_500 = arith.constant 0 : i32
        %parallel_loop3A_501 = arith.constant 0 : i32
        %parallel_loop3A_502 = arith.index_cast %parallel_loop3A_500 : i32 to index
        %parallel_loop3A_503 = arith.index_cast %parallel_loop3A_501 : i32 to index
        %parallel_loop3A_504 = arith.index_cast %parallel_loop3A_449 : i32 to index
        %parallel_loop3A_505 = tpu.vector_load %arg12[%parallel_loop3A_502, %parallel_loop3A_503, %parallel_loop3A_504] {strides = array<i32>} : memref<2x8x2048xf32, #tpu.memory_space<vmem>>, vector<1x1x16xf32>,
        %parallel_loop3A_506 = vector.shape_cast %parallel_loop3A_505 : vector<1x1x16xf32> to vector<16xf32>
        %parallel_loop3A_507 = vector.shape_cast %parallel_loop3A_499 : vector<16xf32> to vector<1x1x16xf32>
        tpu.vector_store %arg12[%parallel_loop3A_502, %parallel_loop3A_503, %parallel_loop3A_504], %parallel_loop3A_507 {strides = array<i32>} : memref<2x8x2048xf32, #tpu.memory_space<vmem>>, vector<1x1x16xf32>,
        %parallel_loop3A_508 = arith.constant 45.2548332 : f32
        %parallel_loop3A_509 = vector.broadcast %parallel_loop3A_508 : f32 to vector<16xf32>
        %parallel_loop3A_510 = arith.mulf %parallel_loop3A_494, %parallel_loop3A_509 : vector<16xf32>
        %parallel_loop3A_511 = arith.addf %parallel_loop3A_470, %parallel_loop3A_478 : vector<16xf32>
        %parallel_loop3A_512 = arith.addf %parallel_loop3A_510, %parallel_loop3A_511 : vector<16xf32>
        %parallel_loop3A_513 = arith.constant 16 : i32
        %parallel_loop3A_514 = arith.addi %parallel_loop3A_449, %parallel_loop3A_513 : i32
        %parallel_loop3A_515 = arith.constant 0 : i32
        %parallel_loop3A_516 = arith.constant 0 : i32
        %parallel_loop3A_517 = arith.index_cast %parallel_loop3A_515 : i32 to index
        %parallel_loop3A_518 = arith.index_cast %parallel_loop3A_516 : i32 to index
        %parallel_loop3A_519 = arith.index_cast %parallel_loop3A_514 : i32 to index
        %parallel_loop3A_520 = tpu.vector_load %arg12[%parallel_loop3A_517, %parallel_loop3A_518, %parallel_loop3A_519] {strides = array<i32>} : memref<2x8x2048xf32, #tpu.memory_space<vmem>>, vector<1x1x16xf32>,
        %parallel_loop3A_521 = vector.shape_cast %parallel_loop3A_520 : vector<1x1x16xf32> to vector<16xf32>
        %parallel_loop3A_522 = vector.shape_cast %parallel_loop3A_512 : vector<16xf32> to vector<1x1x16xf32>
        tpu.vector_store %arg12[%parallel_loop3A_517, %parallel_loop3A_518, %parallel_loop3A_519], %parallel_loop3A_522 {strides = array<i32>} : memref<2x8x2048xf32, #tpu.memory_space<vmem>>, vector<1x1x16xf32>,
        %parallel_loop3A_523 = arith.constant 0 : i32
        %parallel_loop3A_524 = arith.constant 1 : i32
        %parallel_loop3A_525 = arith.index_cast %parallel_loop3A_523 : i32 to index
        %parallel_loop3A_526 = arith.index_cast %parallel_loop3A_524 : i32 to index
        %parallel_loop3A_527 = arith.index_cast %parallel_loop3A_444 : i32 to index
        %parallel_loop3A_528 = tpu.vector_load %arg11[%parallel_loop3A_525, %parallel_loop3A_526, %parallel_loop3A_527] {strides = array<i32>} : memref<2x8x1024xi32, #tpu.memory_space<vmem>>, vector<1x1x16xi32>,
        %parallel_loop3A_529 = vector.shape_cast %parallel_loop3A_528 : vector<1x1x16xi32> to vector<16xi32>
        %parallel_loop3A_530 = arith.constant 1024 : i32
        %parallel_loop3A_531 = arith.addi %parallel_loop3A_530, %parallel_loop3A_444 : i32
        %parallel_loop3A_532 = arith.index_cast %rem3A_329 : i32 to index
        %parallel_loop3A_533 = arith.index_cast %parallel_loop3A_531 : i32 to index
        %parallel_loop3A_534 = tpu.vector_load %arg13[%parallel_loop3A_532, %parallel_loop3A_533] {strides = array<i32>} : memref<2x8192xi32, #tpu.memory_space<vmem>>, vector<1x16xi32>,
        %parallel_loop3A_535 = vector.shape_cast %parallel_loop3A_534 : vector<1x16xi32> to vector<16xi32>
        %parallel_loop3A_536 = arith.constant 16 : i32
        %parallel_loop3A_537 = vector.broadcast %parallel_loop3A_536 : i32 to vector<16xi32>
        %parallel_loop3A_538 = arith.shli %parallel_loop3A_529, %parallel_loop3A_537 : vector<16xi32>
        %parallel_loop3A_539 = tpu.bitcast %parallel_loop3A_538 : vector<16xi32> -> vector<16xf32>
        %parallel_loop3A_540 = arith.constant -65536 : i32
        %parallel_loop3A_541 = vector.broadcast %parallel_loop3A_540 : i32 to vector<16xi32>
        %parallel_loop3A_542 = arith.andi %parallel_loop3A_529, %parallel_loop3A_541 : vector<16xi32>
        %parallel_loop3A_543 = tpu.bitcast %parallel_loop3A_542 : vector<16xi32> -> vector<16xf32>
        %parallel_loop3A_544 = arith.constant 16 : i32
        %parallel_loop3A_545 = vector.broadcast %parallel_loop3A_544 : i32 to vector<16xi32>
        %parallel_loop3A_546 = arith.shli %parallel_loop3A_535, %parallel_loop3A_545 : vector<16xi32>
        %parallel_loop3A_547 = tpu.bitcast %parallel_loop3A_546 : vector<16xi32> -> vector<16xf32>
        %parallel_loop3A_548 = arith.constant -65536 : i32
        %parallel_loop3A_549 = vector.broadcast %parallel_loop3A_548 : i32 to vector<16xi32>
        %parallel_loop3A_550 = arith.andi %parallel_loop3A_535, %parallel_loop3A_549 : vector<16xi32>
        %parallel_loop3A_551 = tpu.bitcast %parallel_loop3A_550 : vector<16xi32> -> vector<16xf32>
        %parallel_loop3A_552 = arith.constant 0 : i32
        %parallel_loop3A_553 = arith.constant 1 : i32
        %parallel_loop3A_554 = arith.index_cast %parallel_loop3A_552 : i32 to index
        %parallel_loop3A_555 = arith.index_cast %parallel_loop3A_553 : i32 to index
        %parallel_loop3A_556 = arith.index_cast %parallel_loop3A_449 : i32 to index
        %parallel_loop3A_557 = tpu.vector_load %arg10[%parallel_loop3A_554, %parallel_loop3A_555, %parallel_loop3A_556] {strides = array<i32>} : memref<2x8x2048xf32, #tpu.memory_space<vmem>>, vector<1x1x16xf32>,
        %parallel_loop3A_558 = vector.shape_cast %parallel_loop3A_557 : vector<1x1x16xf32> to vector<16xf32>
        %parallel_loop3A_559 = arith.constant 16 : i32
        %parallel_loop3A_560 = arith.addi %parallel_loop3A_449, %parallel_loop3A_559 : i32
        %parallel_loop3A_561 = arith.constant 0 : i32
        %parallel_loop3A_562 = arith.constant 1 : i32
        %parallel_loop3A_563 = arith.index_cast %parallel_loop3A_561 : i32 to index
        %parallel_loop3A_564 = arith.index_cast %parallel_loop3A_562 : i32 to index
        %parallel_loop3A_565 = arith.index_cast %parallel_loop3A_560 : i32 to index
        %parallel_loop3A_566 = tpu.vector_load %arg10[%parallel_loop3A_563, %parallel_loop3A_564, %parallel_loop3A_565] {strides = array<i32>} : memref<2x8x2048xf32, #tpu.memory_space<vmem>>, vector<1x1x16xf32>,
        %parallel_loop3A_567 = vector.shape_cast %parallel_loop3A_566 : vector<1x1x16xf32> to vector<16xf32>
        %parallel_loop3A_568 = arith.constant 45.2548332 : f32
        %parallel_loop3A_569 = vector.broadcast %parallel_loop3A_568 : f32 to vector<16xf32>
        %parallel_loop3A_570 = arith.mulf %parallel_loop3A_558, %parallel_loop3A_569 : vector<16xf32>
        %parallel_loop3A_571 = arith.addf %parallel_loop3A_539, %parallel_loop3A_547 : vector<16xf32>
        %parallel_loop3A_572 = arith.addf %parallel_loop3A_570, %parallel_loop3A_571 : vector<16xf32>
        %parallel_loop3A_573 = arith.constant 0 : i32
        %parallel_loop3A_574 = arith.constant 1 : i32
        %parallel_loop3A_575 = arith.index_cast %parallel_loop3A_573 : i32 to index
        %parallel_loop3A_576 = arith.index_cast %parallel_loop3A_574 : i32 to index
        %parallel_loop3A_577 = arith.index_cast %parallel_loop3A_449 : i32 to index
        %parallel_loop3A_578 = tpu.vector_load %arg12[%parallel_loop3A_575, %parallel_loop3A_576, %parallel_loop3A_577] {strides = array<i32>} : memref<2x8x2048xf32, #tpu.memory_space<vmem>>, vector<1x1x16xf32>,
        %parallel_loop3A_579 = vector.shape_cast %parallel_loop3A_578 : vector<1x1x16xf32> to vector<16xf32>
        %parallel_loop3A_580 = vector.shape_cast %parallel_loop3A_572 : vector<16xf32> to vector<1x1x16xf32>
        tpu.vector_store %arg12[%parallel_loop3A_575, %parallel_loop3A_576, %parallel_loop3A_577], %parallel_loop3A_580 {strides = array<i32>} : memref<2x8x2048xf32, #tpu.memory_space<vmem>>, vector<1x1x16xf32>,
        %parallel_loop3A_581 = arith.constant 45.2548332 : f32
        %parallel_loop3A_582 = vector.broadcast %parallel_loop3A_581 : f32 to vector<16xf32>
        %parallel_loop3A_583 = arith.mulf %parallel_loop3A_567, %parallel_loop3A_582 : vector<16xf32>
        %parallel_loop3A_584 = arith.addf %parallel_loop3A_543, %parallel_loop3A_551 : vector<16xf32>
        %parallel_loop3A_585 = arith.addf %parallel_loop3A_583, %parallel_loop3A_584 : vector<16xf32>
        %parallel_loop3A_586 = arith.constant 16 : i32
        %parallel_loop3A_587 = arith.addi %parallel_loop3A_449, %parallel_loop3A_586 : i32
        %parallel_loop3A_588 = arith.constant 0 : i32
        %parallel_loop3A_589 = arith.constant 1 : i32
        %parallel_loop3A_590 = arith.index_cast %parallel_loop3A_588 : i32 to index
        %parallel_loop3A_591 = arith.index_cast %parallel_loop3A_589 : i32 to index
        %parallel_loop3A_592 = arith.index_cast %parallel_loop3A_587 : i32 to index
        %parallel_loop3A_593 = tpu.vector_load %arg12[%parallel_loop3A_590, %parallel_loop3A_591, %parallel_loop3A_592] {strides = array<i32>} : memref<2x8x2048xf32, #tpu.memory_space<vmem>>, vector<1x1x16xf32>,
        %parallel_loop3A_594 = vector.shape_cast %parallel_loop3A_593 : vector<1x1x16xf32> to vector<16xf32>
        %parallel_loop3A_595 = vector.shape_cast %parallel_loop3A_585 : vector<16xf32> to vector<1x1x16xf32>
        tpu.vector_store %arg12[%parallel_loop3A_590, %parallel_loop3A_591, %parallel_loop3A_592], %parallel_loop3A_595 {strides = array<i32>} : memref<2x8x2048xf32, #tpu.memory_space<vmem>>, vector<1x1x16xf32>,
        %parallel_loop3A_596 = arith.constant 0 : i32
        %parallel_loop3A_597 = arith.constant 2 : i32
        %parallel_loop3A_598 = arith.index_cast %parallel_loop3A_596 : i32 to index
        %parallel_loop3A_599 = arith.index_cast %parallel_loop3A_597 : i32 to index
        %parallel_loop3A_600 = arith.index_cast %parallel_loop3A_444 : i32 to index
        %parallel_loop3A_601 = tpu.vector_load %arg11[%parallel_loop3A_598, %parallel_loop3A_599, %parallel_loop3A_600] {strides = array<i32>} : memref<2x8x1024xi32, #tpu.memory_space<vmem>>, vector<1x1x16xi32>,
        %parallel_loop3A_602 = vector.shape_cast %parallel_loop3A_601 : vector<1x1x16xi32> to vector<16xi32>
        %parallel_loop3A_603 = arith.constant 2048 : i32
        %parallel_loop3A_604 = arith.addi %parallel_loop3A_603, %parallel_loop3A_444 : i32
        %parallel_loop3A_605 = arith.index_cast %rem3A_329 : i32 to index
        %parallel_loop3A_606 = arith.index_cast %parallel_loop3A_604 : i32 to index
        %parallel_loop3A_607 = tpu.vector_load %arg13[%parallel_loop3A_605, %parallel_loop3A_606] {strides = array<i32>} : memref<2x8192xi32, #tpu.memory_space<vmem>>, vector<1x16xi32>,
        %parallel_loop3A_608 = vector.shape_cast %parallel_loop3A_607 : vector<1x16xi32> to vector<16xi32>
        %parallel_loop3A_609 = arith.constant 16 : i32
        %parallel_loop3A_610 = vector.broadcast %parallel_loop3A_609 : i32 to vector<16xi32>
        %parallel_loop3A_611 = arith.shli %parallel_loop3A_602, %parallel_loop3A_610 : vector<16xi32>
        %parallel_loop3A_612 = tpu.bitcast %parallel_loop3A_611 : vector<16xi32> -> vector<16xf32>
        %parallel_loop3A_613 = arith.constant -65536 : i32
        %parallel_loop3A_614 = vector.broadcast %parallel_loop3A_613 : i32 to vector<16xi32>
        %parallel_loop3A_615 = arith.andi %parallel_loop3A_602, %parallel_loop3A_614 : vector<16xi32>
        %parallel_loop3A_616 = tpu.bitcast %parallel_loop3A_615 : vector<16xi32> -> vector<16xf32>
        %parallel_loop3A_617 = arith.constant 16 : i32
        %parallel_loop3A_618 = vector.broadcast %parallel_loop3A_617 : i32 to vector<16xi32>
        %parallel_loop3A_619 = arith.shli %parallel_loop3A_608, %parallel_loop3A_618 : vector<16xi32>
        %parallel_loop3A_620 = tpu.bitcast %parallel_loop3A_619 : vector<16xi32> -> vector<16xf32>
        %parallel_loop3A_621 = arith.constant -65536 : i32
        %parallel_loop3A_622 = vector.broadcast %parallel_loop3A_621 : i32 to vector<16xi32>
        %parallel_loop3A_623 = arith.andi %parallel_loop3A_608, %parallel_loop3A_622 : vector<16xi32>
        %parallel_loop3A_624 = tpu.bitcast %parallel_loop3A_623 : vector<16xi32> -> vector<16xf32>
        %parallel_loop3A_625 = arith.constant 0 : i32
        %parallel_loop3A_626 = arith.constant 2 : i32
        %parallel_loop3A_627 = arith.index_cast %parallel_loop3A_625 : i32 to index
        %parallel_loop3A_628 = arith.index_cast %parallel_loop3A_626 : i32 to index
        %parallel_loop3A_629 = arith.index_cast %parallel_loop3A_449 : i32 to index
        %parallel_loop3A_630 = tpu.vector_load %arg10[%parallel_loop3A_627, %parallel_loop3A_628, %parallel_loop3A_629] {strides = array<i32>} : memref<2x8x2048xf32, #tpu.memory_space<vmem>>, vector<1x1x16xf32>,
        %parallel_loop3A_631 = vector.shape_cast %parallel_loop3A_630 : vector<1x1x16xf32> to vector<16xf32>
        %parallel_loop3A_632 = arith.constant 16 : i32
        %parallel_loop3A_633 = arith.addi %parallel_loop3A_449, %parallel_loop3A_632 : i32
        %parallel_loop3A_634 = arith.constant 0 : i32
        %parallel_loop3A_635 = arith.constant 2 : i32
        %parallel_loop3A_636 = arith.index_cast %parallel_loop3A_634 : i32 to index
        %parallel_loop3A_637 = arith.index_cast %parallel_loop3A_635 : i32 to index
        %parallel_loop3A_638 = arith.index_cast %parallel_loop3A_633 : i32 to index
        %parallel_loop3A_639 = tpu.vector_load %arg10[%parallel_loop3A_636, %parallel_loop3A_637, %parallel_loop3A_638] {strides = array<i32>} : memref<2x8x2048xf32, #tpu.memory_space<vmem>>, vector<1x1x16xf32>,
        %parallel_loop3A_640 = vector.shape_cast %parallel_loop3A_639 : vector<1x1x16xf32> to vector<16xf32>
        %parallel_loop3A_641 = arith.constant 45.2548332 : f32
        %parallel_loop3A_642 = vector.broadcast %parallel_loop3A_641 : f32 to vector<16xf32>
        %parallel_loop3A_643 = arith.mulf %parallel_loop3A_631, %parallel_loop3A_642 : vector<16xf32>
        %parallel_loop3A_644 = arith.addf %parallel_loop3A_612, %parallel_loop3A_620 : vector<16xf32>
        %parallel_loop3A_645 = arith.addf %parallel_loop3A_643, %parallel_loop3A_644 : vector<16xf32>
        %parallel_loop3A_646 = arith.constant 0 : i32
        %parallel_loop3A_647 = arith.constant 2 : i32
        %parallel_loop3A_648 = arith.index_cast %parallel_loop3A_646 : i32 to index
        %parallel_loop3A_649 = arith.index_cast %parallel_loop3A_647 : i32 to index
        %parallel_loop3A_650 = arith.index_cast %parallel_loop3A_449 : i32 to index
        %parallel_loop3A_651 = tpu.vector_load %arg12[%parallel_loop3A_648, %parallel_loop3A_649, %parallel_loop3A_650] {strides = array<i32>} : memref<2x8x2048xf32, #tpu.memory_space<vmem>>, vector<1x1x16xf32>,
        %parallel_loop3A_652 = vector.shape_cast %parallel_loop3A_651 : vector<1x1x16xf32> to vector<16xf32>
        %parallel_loop3A_653 = vector.shape_cast %parallel_loop3A_645 : vector<16xf32> to vector<1x1x16xf32>
        tpu.vector_store %arg12[%parallel_loop3A_648, %parallel_loop3A_649, %parallel_loop3A_650], %parallel_loop3A_653 {strides = array<i32>} : memref<2x8x2048xf32, #tpu.memory_space<vmem>>, vector<1x1x16xf32>,
        %parallel_loop3A_654 = arith.constant 45.2548332 : f32
        %parallel_loop3A_655 = vector.broadcast %parallel_loop3A_654 : f32 to vector<16xf32>
        %parallel_loop3A_656 = arith.mulf %parallel_loop3A_640, %parallel_loop3A_655 : vector<16xf32>
        %parallel_loop3A_657 = arith.addf %parallel_loop3A_616, %parallel_loop3A_624 : vector<16xf32>
        %parallel_loop3A_658 = arith.addf %parallel_loop3A_656, %parallel_loop3A_657 : vector<16xf32>
        %parallel_loop3A_659 = arith.constant 16 : i32
        %parallel_loop3A_660 = arith.addi %parallel_loop3A_449, %parallel_loop3A_659 : i32
        %parallel_loop3A_661 = arith.constant 0 : i32
        %parallel_loop3A_662 = arith.constant 2 : i32
        %parallel_loop3A_663 = arith.index_cast %parallel_loop3A_661 : i32 to index
        %parallel_loop3A_664 = arith.index_cast %parallel_loop3A_662 : i32 to index
        %parallel_loop3A_665 = arith.index_cast %parallel_loop3A_660 : i32 to index
        %parallel_loop3A_666 = tpu.vector_load %arg12[%parallel_loop3A_663, %parallel_loop3A_664, %parallel_loop3A_665] {strides = array<i32>} : memref<2x8x2048xf32, #tpu.memory_space<vmem>>, vector<1x1x16xf32>,
        %parallel_loop3A_667 = vector.shape_cast %parallel_loop3A_666 : vector<1x1x16xf32> to vector<16xf32>
        %parallel_loop3A_668 = vector.shape_cast %parallel_loop3A_658 : vector<16xf32> to vector<1x1x16xf32>
        tpu.vector_store %arg12[%parallel_loop3A_663, %parallel_loop3A_664, %parallel_loop3A_665], %parallel_loop3A_668 {strides = array<i32>} : memref<2x8x2048xf32, #tpu.memory_space<vmem>>, vector<1x1x16xf32>,
        %parallel_loop3A_669 = arith.constant 0 : i32
        %parallel_loop3A_670 = arith.constant 3 : i32
        %parallel_loop3A_671 = arith.index_cast %parallel_loop3A_669 : i32 to index
        %parallel_loop3A_672 = arith.index_cast %parallel_loop3A_670 : i32 to index
        %parallel_loop3A_673 = arith.index_cast %parallel_loop3A_444 : i32 to index
        %parallel_loop3A_674 = tpu.vector_load %arg11[%parallel_loop3A_671, %parallel_loop3A_672, %parallel_loop3A_673] {strides = array<i32>} : memref<2x8x1024xi32, #tpu.memory_space<vmem>>, vector<1x1x16xi32>,
        %parallel_loop3A_675 = vector.shape_cast %parallel_loop3A_674 : vector<1x1x16xi32> to vector<16xi32>
        %parallel_loop3A_676 = arith.constant 3072 : i32
        %parallel_loop3A_677 = arith.addi %parallel_loop3A_676, %parallel_loop3A_444 : i32
        %parallel_loop3A_678 = arith.index_cast %rem3A_329 : i32 to index
        %parallel_loop3A_679 = arith.index_cast %parallel_loop3A_677 : i32 to index
        %parallel_loop3A_680 = tpu.vector_load %arg13[%parallel_loop3A_678, %parallel_loop3A_679] {strides = array<i32>} : memref<2x8192xi32, #tpu.memory_space<vmem>>, vector<1x16xi32>,
        %parallel_loop3A_681 = vector.shape_cast %parallel_loop3A_680 : vector<1x16xi32> to vector<16xi32>
        %parallel_loop3A_682 = arith.constant 16 : i32
        %parallel_loop3A_683 = vector.broadcast %parallel_loop3A_682 : i32 to vector<16xi32>
        %parallel_loop3A_684 = arith.shli %parallel_loop3A_675, %parallel_loop3A_683 : vector<16xi32>
        %parallel_loop3A_685 = tpu.bitcast %parallel_loop3A_684 : vector<16xi32> -> vector<16xf32>
        %parallel_loop3A_686 = arith.constant -65536 : i32
        %parallel_loop3A_687 = vector.broadcast %parallel_loop3A_686 : i32 to vector<16xi32>
        %parallel_loop3A_688 = arith.andi %parallel_loop3A_675, %parallel_loop3A_687 : vector<16xi32>
        %parallel_loop3A_689 = tpu.bitcast %parallel_loop3A_688 : vector<16xi32> -> vector<16xf32>
        %parallel_loop3A_690 = arith.constant 16 : i32
        %parallel_loop3A_691 = vector.broadcast %parallel_loop3A_690 : i32 to vector<16xi32>
        %parallel_loop3A_692 = arith.shli %parallel_loop3A_681, %parallel_loop3A_691 : vector<16xi32>
        %parallel_loop3A_693 = tpu.bitcast %parallel_loop3A_692 : vector<16xi32> -> vector<16xf32>
        %parallel_loop3A_694 = arith.constant -65536 : i32
        %parallel_loop3A_695 = vector.broadcast %parallel_loop3A_694 : i32 to vector<16xi32>
        %parallel_loop3A_696 = arith.andi %parallel_loop3A_681, %parallel_loop3A_695 : vector<16xi32>
        %parallel_loop3A_697 = tpu.bitcast %parallel_loop3A_696 : vector<16xi32> -> vector<16xf32>
        %parallel_loop3A_698 = arith.constant 0 : i32
        %parallel_loop3A_699 = arith.constant 3 : i32
        %parallel_loop3A_700 = arith.index_cast %parallel_loop3A_698 : i32 to index
        %parallel_loop3A_701 = arith.index_cast %parallel_loop3A_699 : i32 to index
        %parallel_loop3A_702 = arith.index_cast %parallel_loop3A_449 : i32 to index
        %parallel_loop3A_703 = tpu.vector_load %arg10[%parallel_loop3A_700, %parallel_loop3A_701, %parallel_loop3A_702] {strides = array<i32>} : memref<2x8x2048xf32, #tpu.memory_space<vmem>>, vector<1x1x16xf32>,
        %parallel_loop3A_704 = vector.shape_cast %parallel_loop3A_703 : vector<1x1x16xf32> to vector<16xf32>
        %parallel_loop3A_705 = arith.constant 16 : i32
        %parallel_loop3A_706 = arith.addi %parallel_loop3A_449, %parallel_loop3A_705 : i32
        %parallel_loop3A_707 = arith.constant 0 : i32
        %parallel_loop3A_708 = arith.constant 3 : i32
        %parallel_loop3A_709 = arith.index_cast %parallel_loop3A_707 : i32 to index
        %parallel_loop3A_710 = arith.index_cast %parallel_loop3A_708 : i32 to index
        %parallel_loop3A_711 = arith.index_cast %parallel_loop3A_706 : i32 to index
        %parallel_loop3A_712 = tpu.vector_load %arg10[%parallel_loop3A_709, %parallel_loop3A_710, %parallel_loop3A_711] {strides = array<i32>} : memref<2x8x2048xf32, #tpu.memory_space<vmem>>, vector<1x1x16xf32>,
        %parallel_loop3A_713 = vector.shape_cast %parallel_loop3A_712 : vector<1x1x16xf32> to vector<16xf32>
        %parallel_loop3A_714 = arith.constant 45.2548332 : f32
        %parallel_loop3A_715 = vector.broadcast %parallel_loop3A_714 : f32 to vector<16xf32>
        %parallel_loop3A_716 = arith.mulf %parallel_loop3A_704, %parallel_loop3A_715 : vector<16xf32>
        %parallel_loop3A_717 = arith.addf %parallel_loop3A_685, %parallel_loop3A_693 : vector<16xf32>
        %parallel_loop3A_718 = arith.addf %parallel_loop3A_716, %parallel_loop3A_717 : vector<16xf32>
        %parallel_loop3A_719 = arith.constant 0 : i32
        %parallel_loop3A_720 = arith.constant 3 : i32
        %parallel_loop3A_721 = arith.index_cast %parallel_loop3A_719 : i32 to index
        %parallel_loop3A_722 = arith.index_cast %parallel_loop3A_720 : i32 to index
        %parallel_loop3A_723 = arith.index_cast %parallel_loop3A_449 : i32 to index
        %parallel_loop3A_724 = tpu.vector_load %arg12[%parallel_loop3A_721, %parallel_loop3A_722, %parallel_loop3A_723] {strides = array<i32>} : memref<2x8x2048xf32, #tpu.memory_space<vmem>>, vector<1x1x16xf32>,
        %parallel_loop3A_725 = vector.shape_cast %parallel_loop3A_724 : vector<1x1x16xf32> to vector<16xf32>
        %parallel_loop3A_726 = vector.shape_cast %parallel_loop3A_718 : vector<16xf32> to vector<1x1x16xf32>
        tpu.vector_store %arg12[%parallel_loop3A_721, %parallel_loop3A_722, %parallel_loop3A_723], %parallel_loop3A_726 {strides = array<i32>} : memref<2x8x2048xf32, #tpu.memory_space<vmem>>, vector<1x1x16xf32>,
        %parallel_loop3A_727 = arith.constant 45.2548332 : f32
        %parallel_loop3A_728 = vector.broadcast %parallel_loop3A_727 : f32 to vector<16xf32>
        %parallel_loop3A_729 = arith.mulf %parallel_loop3A_713, %parallel_loop3A_728 : vector<16xf32>
        %parallel_loop3A_730 = arith.addf %parallel_loop3A_689, %parallel_loop3A_697 : vector<16xf32>
        %parallel_loop3A_731 = arith.addf %parallel_loop3A_729, %parallel_loop3A_730 : vector<16xf32>
        %parallel_loop3A_732 = arith.constant 16 : i32
        %parallel_loop3A_733 = arith.addi %parallel_loop3A_449, %parallel_loop3A_732 : i32
        %parallel_loop3A_734 = arith.constant 0 : i32
        %parallel_loop3A_735 = arith.constant 3 : i32
        %parallel_loop3A_736 = arith.index_cast %parallel_loop3A_734 : i32 to index
        %parallel_loop3A_737 = arith.index_cast %parallel_loop3A_735 : i32 to index
        %parallel_loop3A_738 = arith.index_cast %parallel_loop3A_733 : i32 to index
        %parallel_loop3A_739 = tpu.vector_load %arg12[%parallel_loop3A_736, %parallel_loop3A_737, %parallel_loop3A_738] {strides = array<i32>} : memref<2x8x2048xf32, #tpu.memory_space<vmem>>, vector<1x1x16xf32>,
        %parallel_loop3A_740 = vector.shape_cast %parallel_loop3A_739 : vector<1x1x16xf32> to vector<16xf32>
        %parallel_loop3A_741 = vector.shape_cast %parallel_loop3A_731 : vector<16xf32> to vector<1x1x16xf32>
        tpu.vector_store %arg12[%parallel_loop3A_736, %parallel_loop3A_737, %parallel_loop3A_738], %parallel_loop3A_741 {strides = array<i32>} : memref<2x8x2048xf32, #tpu.memory_space<vmem>>, vector<1x1x16xf32>,
        %parallel_loop3A_742 = arith.constant 0 : i32
        %parallel_loop3A_743 = arith.constant 4 : i32
        %parallel_loop3A_744 = arith.index_cast %parallel_loop3A_742 : i32 to index
        %parallel_loop3A_745 = arith.index_cast %parallel_loop3A_743 : i32 to index
        %parallel_loop3A_746 = arith.index_cast %parallel_loop3A_444 : i32 to index
        %parallel_loop3A_747 = tpu.vector_load %arg11[%parallel_loop3A_744, %parallel_loop3A_745, %parallel_loop3A_746] {strides = array<i32>} : memref<2x8x1024xi32, #tpu.memory_space<vmem>>, vector<1x1x16xi32>,
        %parallel_loop3A_748 = vector.shape_cast %parallel_loop3A_747 : vector<1x1x16xi32> to vector<16xi32>
        %parallel_loop3A_749 = arith.constant 4096 : i32
        %parallel_loop3A_750 = arith.addi %parallel_loop3A_749, %parallel_loop3A_444 : i32
        %parallel_loop3A_751 = arith.index_cast %rem3A_329 : i32 to index
        %parallel_loop3A_752 = arith.index_cast %parallel_loop3A_750 : i32 to index
        %parallel_loop3A_753 = tpu.vector_load %arg13[%parallel_loop3A_751, %parallel_loop3A_752] {strides = array<i32>} : memref<2x8192xi32, #tpu.memory_space<vmem>>, vector<1x16xi32>,
        %parallel_loop3A_754 = vector.shape_cast %parallel_loop3A_753 : vector<1x16xi32> to vector<16xi32>
        %parallel_loop3A_755 = arith.constant 16 : i32
        %parallel_loop3A_756 = vector.broadcast %parallel_loop3A_755 : i32 to vector<16xi32>
        %parallel_loop3A_757 = arith.shli %parallel_loop3A_748, %parallel_loop3A_756 : vector<16xi32>
        %parallel_loop3A_758 = tpu.bitcast %parallel_loop3A_757 : vector<16xi32> -> vector<16xf32>
        %parallel_loop3A_759 = arith.constant -65536 : i32
        %parallel_loop3A_760 = vector.broadcast %parallel_loop3A_759 : i32 to vector<16xi32>
        %parallel_loop3A_761 = arith.andi %parallel_loop3A_748, %parallel_loop3A_760 : vector<16xi32>
        %parallel_loop3A_762 = tpu.bitcast %parallel_loop3A_761 : vector<16xi32> -> vector<16xf32>
        %parallel_loop3A_763 = arith.constant 16 : i32
        %parallel_loop3A_764 = vector.broadcast %parallel_loop3A_763 : i32 to vector<16xi32>
        %parallel_loop3A_765 = arith.shli %parallel_loop3A_754, %parallel_loop3A_764 : vector<16xi32>
        %parallel_loop3A_766 = tpu.bitcast %parallel_loop3A_765 : vector<16xi32> -> vector<16xf32>
        %parallel_loop3A_767 = arith.constant -65536 : i32
        %parallel_loop3A_768 = vector.broadcast %parallel_loop3A_767 : i32 to vector<16xi32>
        %parallel_loop3A_769 = arith.andi %parallel_loop3A_754, %parallel_loop3A_768 : vector<16xi32>
        %parallel_loop3A_770 = tpu.bitcast %parallel_loop3A_769 : vector<16xi32> -> vector<16xf32>
        %parallel_loop3A_771 = arith.constant 0 : i32
        %parallel_loop3A_772 = arith.constant 4 : i32
        %parallel_loop3A_773 = arith.index_cast %parallel_loop3A_771 : i32 to index
        %parallel_loop3A_774 = arith.index_cast %parallel_loop3A_772 : i32 to index
        %parallel_loop3A_775 = arith.index_cast %parallel_loop3A_449 : i32 to index
        %parallel_loop3A_776 = tpu.vector_load %arg10[%parallel_loop3A_773, %parallel_loop3A_774, %parallel_loop3A_775] {strides = array<i32>} : memref<2x8x2048xf32, #tpu.memory_space<vmem>>, vector<1x1x16xf32>,
        %parallel_loop3A_777 = vector.shape_cast %parallel_loop3A_776 : vector<1x1x16xf32> to vector<16xf32>
        %parallel_loop3A_778 = arith.constant 16 : i32
        %parallel_loop3A_779 = arith.addi %parallel_loop3A_449, %parallel_loop3A_778 : i32
        %parallel_loop3A_780 = arith.constant 0 : i32
        %parallel_loop3A_781 = arith.constant 4 : i32
        %parallel_loop3A_782 = arith.index_cast %parallel_loop3A_780 : i32 to index
        %parallel_loop3A_783 = arith.index_cast %parallel_loop3A_781 : i32 to index
        %parallel_loop3A_784 = arith.index_cast %parallel_loop3A_779 : i32 to index
        %parallel_loop3A_785 = tpu.vector_load %arg10[%parallel_loop3A_782, %parallel_loop3A_783, %parallel_loop3A_784] {strides = array<i32>} : memref<2x8x2048xf32, #tpu.memory_space<vmem>>, vector<1x1x16xf32>,
        %parallel_loop3A_786 = vector.shape_cast %parallel_loop3A_785 : vector<1x1x16xf32> to vector<16xf32>
        %parallel_loop3A_787 = arith.constant 45.2548332 : f32
        %parallel_loop3A_788 = vector.broadcast %parallel_loop3A_787 : f32 to vector<16xf32>
        %parallel_loop3A_789 = arith.mulf %parallel_loop3A_777, %parallel_loop3A_788 : vector<16xf32>
        %parallel_loop3A_790 = arith.addf %parallel_loop3A_758, %parallel_loop3A_766 : vector<16xf32>
        %parallel_loop3A_791 = arith.addf %parallel_loop3A_789, %parallel_loop3A_790 : vector<16xf32>
        %parallel_loop3A_792 = arith.constant 0 : i32
        %parallel_loop3A_793 = arith.constant 4 : i32
        %parallel_loop3A_794 = arith.index_cast %parallel_loop3A_792 : i32 to index
        %parallel_loop3A_795 = arith.index_cast %parallel_loop3A_793 : i32 to index
        %parallel_loop3A_796 = arith.index_cast %parallel_loop3A_449 : i32 to index
        %parallel_loop3A_797 = tpu.vector_load %arg12[%parallel_loop3A_794, %parallel_loop3A_795, %parallel_loop3A_796] {strides = array<i32>} : memref<2x8x2048xf32, #tpu.memory_space<vmem>>, vector<1x1x16xf32>,
        %parallel_loop3A_798 = vector.shape_cast %parallel_loop3A_797 : vector<1x1x16xf32> to vector<16xf32>
        %parallel_loop3A_799 = vector.shape_cast %parallel_loop3A_791 : vector<16xf32> to vector<1x1x16xf32>
        tpu.vector_store %arg12[%parallel_loop3A_794, %parallel_loop3A_795, %parallel_loop3A_796], %parallel_loop3A_799 {strides = array<i32>} : memref<2x8x2048xf32, #tpu.memory_space<vmem>>, vector<1x1x16xf32>,
        %parallel_loop3A_800 = arith.constant 45.2548332 : f32
        %parallel_loop3A_801 = vector.broadcast %parallel_loop3A_800 : f32 to vector<16xf32>
        %parallel_loop3A_802 = arith.mulf %parallel_loop3A_786, %parallel_loop3A_801 : vector<16xf32>
        %parallel_loop3A_803 = arith.addf %parallel_loop3A_762, %parallel_loop3A_770 : vector<16xf32>
        %parallel_loop3A_804 = arith.addf %parallel_loop3A_802, %parallel_loop3A_803 : vector<16xf32>
        %parallel_loop3A_805 = arith.constant 16 : i32
        %parallel_loop3A_806 = arith.addi %parallel_loop3A_449, %parallel_loop3A_805 : i32
        %parallel_loop3A_807 = arith.constant 0 : i32
        %parallel_loop3A_808 = arith.constant 4 : i32
        %parallel_loop3A_809 = arith.index_cast %parallel_loop3A_807 : i32 to index
        %parallel_loop3A_810 = arith.index_cast %parallel_loop3A_808 : i32 to index
        %parallel_loop3A_811 = arith.index_cast %parallel_loop3A_806 : i32 to index
        %parallel_loop3A_812 = tpu.vector_load %arg12[%parallel_loop3A_809, %parallel_loop3A_810, %parallel_loop3A_811] {strides = array<i32>} : memref<2x8x2048xf32, #tpu.memory_space<vmem>>, vector<1x1x16xf32>,
        %parallel_loop3A_813 = vector.shape_cast %parallel_loop3A_812 : vector<1x1x16xf32> to vector<16xf32>
        %parallel_loop3A_814 = vector.shape_cast %parallel_loop3A_804 : vector<16xf32> to vector<1x1x16xf32>
        tpu.vector_store %arg12[%parallel_loop3A_809, %parallel_loop3A_810, %parallel_loop3A_811], %parallel_loop3A_814 {strides = array<i32>} : memref<2x8x2048xf32, #tpu.memory_space<vmem>>, vector<1x1x16xf32>,
        %parallel_loop3A_815 = arith.constant 0 : i32
        %parallel_loop3A_816 = arith.constant 5 : i32
        %parallel_loop3A_817 = arith.index_cast %parallel_loop3A_815 : i32 to index
        %parallel_loop3A_818 = arith.index_cast %parallel_loop3A_816 : i32 to index
        %parallel_loop3A_819 = arith.index_cast %parallel_loop3A_444 : i32 to index
        %parallel_loop3A_820 = tpu.vector_load %arg11[%parallel_loop3A_817, %parallel_loop3A_818, %parallel_loop3A_819] {strides = array<i32>} : memref<2x8x1024xi32, #tpu.memory_space<vmem>>, vector<1x1x16xi32>,
        %parallel_loop3A_821 = vector.shape_cast %parallel_loop3A_820 : vector<1x1x16xi32> to vector<16xi32>
        %parallel_loop3A_822 = arith.constant 5120 : i32
        %parallel_loop3A_823 = arith.addi %parallel_loop3A_822, %parallel_loop3A_444 : i32
        %parallel_loop3A_824 = arith.index_cast %rem3A_329 : i32 to index
        %parallel_loop3A_825 = arith.index_cast %parallel_loop3A_823 : i32 to index
        %parallel_loop3A_826 = tpu.vector_load %arg13[%parallel_loop3A_824, %parallel_loop3A_825] {strides = array<i32>} : memref<2x8192xi32, #tpu.memory_space<vmem>>, vector<1x16xi32>,
        %parallel_loop3A_827 = vector.shape_cast %parallel_loop3A_826 : vector<1x16xi32> to vector<16xi32>
        %parallel_loop3A_828 = arith.constant 16 : i32
        %parallel_loop3A_829 = vector.broadcast %parallel_loop3A_828 : i32 to vector<16xi32>
        %parallel_loop3A_830 = arith.shli %parallel_loop3A_821, %parallel_loop3A_829 : vector<16xi32>
        %parallel_loop3A_831 = tpu.bitcast %parallel_loop3A_830 : vector<16xi32> -> vector<16xf32>
        %parallel_loop3A_832 = arith.constant -65536 : i32
        %parallel_loop3A_833 = vector.broadcast %parallel_loop3A_832 : i32 to vector<16xi32>
        %parallel_loop3A_834 = arith.andi %parallel_loop3A_821, %parallel_loop3A_833 : vector<16xi32>
        %parallel_loop3A_835 = tpu.bitcast %parallel_loop3A_834 : vector<16xi32> -> vector<16xf32>
        %parallel_loop3A_836 = arith.constant 16 : i32
        %parallel_loop3A_837 = vector.broadcast %parallel_loop3A_836 : i32 to vector<16xi32>
        %parallel_loop3A_838 = arith.shli %parallel_loop3A_827, %parallel_loop3A_837 : vector<16xi32>
        %parallel_loop3A_839 = tpu.bitcast %parallel_loop3A_838 : vector<16xi32> -> vector<16xf32>
        %parallel_loop3A_840 = arith.constant -65536 : i32
        %parallel_loop3A_841 = vector.broadcast %parallel_loop3A_840 : i32 to vector<16xi32>
        %parallel_loop3A_842 = arith.andi %parallel_loop3A_827, %parallel_loop3A_841 : vector<16xi32>
        %parallel_loop3A_843 = tpu.bitcast %parallel_loop3A_842 : vector<16xi32> -> vector<16xf32>
        %parallel_loop3A_844 = arith.constant 0 : i32
        %parallel_loop3A_845 = arith.constant 5 : i32
        %parallel_loop3A_846 = arith.index_cast %parallel_loop3A_844 : i32 to index
        %parallel_loop3A_847 = arith.index_cast %parallel_loop3A_845 : i32 to index
        %parallel_loop3A_848 = arith.index_cast %parallel_loop3A_449 : i32 to index
        %parallel_loop3A_849 = tpu.vector_load %arg10[%parallel_loop3A_846, %parallel_loop3A_847, %parallel_loop3A_848] {strides = array<i32>} : memref<2x8x2048xf32, #tpu.memory_space<vmem>>, vector<1x1x16xf32>,
        %parallel_loop3A_850 = vector.shape_cast %parallel_loop3A_849 : vector<1x1x16xf32> to vector<16xf32>
        %parallel_loop3A_851 = arith.constant 16 : i32
        %parallel_loop3A_852 = arith.addi %parallel_loop3A_449, %parallel_loop3A_851 : i32
        %parallel_loop3A_853 = arith.constant 0 : i32
        %parallel_loop3A_854 = arith.constant 5 : i32
        %parallel_loop3A_855 = arith.index_cast %parallel_loop3A_853 : i32 to index
        %parallel_loop3A_856 = arith.index_cast %parallel_loop3A_854 : i32 to index
        %parallel_loop3A_857 = arith.index_cast %parallel_loop3A_852 : i32 to index
        %parallel_loop3A_858 = tpu.vector_load %arg10[%parallel_loop3A_855, %parallel_loop3A_856, %parallel_loop3A_857] {strides = array<i32>} : memref<2x8x2048xf32, #tpu.memory_space<vmem>>, vector<1x1x16xf32>,
        %parallel_loop3A_859 = vector.shape_cast %parallel_loop3A_858 : vector<1x1x16xf32> to vector<16xf32>
        %parallel_loop3A_860 = arith.constant 45.2548332 : f32
        %parallel_loop3A_861 = vector.broadcast %parallel_loop3A_860 : f32 to vector<16xf32>
        %parallel_loop3A_862 = arith.mulf %parallel_loop3A_850, %parallel_loop3A_861 : vector<16xf32>
        %parallel_loop3A_863 = arith.addf %parallel_loop3A_831, %parallel_loop3A_839 : vector<16xf32>
        %parallel_loop3A_864 = arith.addf %parallel_loop3A_862, %parallel_loop3A_863 : vector<16xf32>
        %parallel_loop3A_865 = arith.constant 0 : i32
        %parallel_loop3A_866 = arith.constant 5 : i32
        %parallel_loop3A_867 = arith.index_cast %parallel_loop3A_865 : i32 to index
        %parallel_loop3A_868 = arith.index_cast %parallel_loop3A_866 : i32 to index
        %parallel_loop3A_869 = arith.index_cast %parallel_loop3A_449 : i32 to index
        %parallel_loop3A_870 = tpu.vector_load %arg12[%parallel_loop3A_867, %parallel_loop3A_868, %parallel_loop3A_869] {strides = array<i32>} : memref<2x8x2048xf32, #tpu.memory_space<vmem>>, vector<1x1x16xf32>,
        %parallel_loop3A_871 = vector.shape_cast %parallel_loop3A_870 : vector<1x1x16xf32> to vector<16xf32>
        %parallel_loop3A_872 = vector.shape_cast %parallel_loop3A_864 : vector<16xf32> to vector<1x1x16xf32>
        tpu.vector_store %arg12[%parallel_loop3A_867, %parallel_loop3A_868, %parallel_loop3A_869], %parallel_loop3A_872 {strides = array<i32>} : memref<2x8x2048xf32, #tpu.memory_space<vmem>>, vector<1x1x16xf32>,
        %parallel_loop3A_873 = arith.constant 45.2548332 : f32
        %parallel_loop3A_874 = vector.broadcast %parallel_loop3A_873 : f32 to vector<16xf32>
        %parallel_loop3A_875 = arith.mulf %parallel_loop3A_859, %parallel_loop3A_874 : vector<16xf32>
        %parallel_loop3A_876 = arith.addf %parallel_loop3A_835, %parallel_loop3A_843 : vector<16xf32>
        %parallel_loop3A_877 = arith.addf %parallel_loop3A_875, %parallel_loop3A_876 : vector<16xf32>
        %parallel_loop3A_878 = arith.constant 16 : i32
        %parallel_loop3A_879 = arith.addi %parallel_loop3A_449, %parallel_loop3A_878 : i32
        %parallel_loop3A_880 = arith.constant 0 : i32
        %parallel_loop3A_881 = arith.constant 5 : i32
        %parallel_loop3A_882 = arith.index_cast %parallel_loop3A_880 : i32 to index
        %parallel_loop3A_883 = arith.index_cast %parallel_loop3A_881 : i32 to index
        %parallel_loop3A_884 = arith.index_cast %parallel_loop3A_879 : i32 to index
        %parallel_loop3A_885 = tpu.vector_load %arg12[%parallel_loop3A_882, %parallel_loop3A_883, %parallel_loop3A_884] {strides = array<i32>} : memref<2x8x2048xf32, #tpu.memory_space<vmem>>, vector<1x1x16xf32>,
        %parallel_loop3A_886 = vector.shape_cast %parallel_loop3A_885 : vector<1x1x16xf32> to vector<16xf32>
        %parallel_loop3A_887 = vector.shape_cast %parallel_loop3A_877 : vector<16xf32> to vector<1x1x16xf32>
        tpu.vector_store %arg12[%parallel_loop3A_882, %parallel_loop3A_883, %parallel_loop3A_884], %parallel_loop3A_887 {strides = array<i32>} : memref<2x8x2048xf32, #tpu.memory_space<vmem>>, vector<1x1x16xf32>,
        %parallel_loop3A_888 = arith.constant 0 : i32
        %parallel_loop3A_889 = arith.constant 6 : i32
        %parallel_loop3A_890 = arith.index_cast %parallel_loop3A_888 : i32 to index
        %parallel_loop3A_891 = arith.index_cast %parallel_loop3A_889 : i32 to index
        %parallel_loop3A_892 = arith.index_cast %parallel_loop3A_444 : i32 to index
        %parallel_loop3A_893 = tpu.vector_load %arg11[%parallel_loop3A_890, %parallel_loop3A_891, %parallel_loop3A_892] {strides = array<i32>} : memref<2x8x1024xi32, #tpu.memory_space<vmem>>, vector<1x1x16xi32>,
        %parallel_loop3A_894 = vector.shape_cast %parallel_loop3A_893 : vector<1x1x16xi32> to vector<16xi32>
        %parallel_loop3A_895 = arith.constant 6144 : i32
        %parallel_loop3A_896 = arith.addi %parallel_loop3A_895, %parallel_loop3A_444 : i32
        %parallel_loop3A_897 = arith.index_cast %rem3A_329 : i32 to index
        %parallel_loop3A_898 = arith.index_cast %parallel_loop3A_896 : i32 to index
        %parallel_loop3A_899 = tpu.vector_load %arg13[%parallel_loop3A_897, %parallel_loop3A_898] {strides = array<i32>} : memref<2x8192xi32, #tpu.memory_space<vmem>>, vector<1x16xi32>,
        %parallel_loop3A_900 = vector.shape_cast %parallel_loop3A_899 : vector<1x16xi32> to vector<16xi32>
        %parallel_loop3A_901 = arith.constant 16 : i32
        %parallel_loop3A_902 = vector.broadcast %parallel_loop3A_901 : i32 to vector<16xi32>
        %parallel_loop3A_903 = arith.shli %parallel_loop3A_894, %parallel_loop3A_902 : vector<16xi32>
        %parallel_loop3A_904 = tpu.bitcast %parallel_loop3A_903 : vector<16xi32> -> vector<16xf32>
        %parallel_loop3A_905 = arith.constant -65536 : i32
        %parallel_loop3A_906 = vector.broadcast %parallel_loop3A_905 : i32 to vector<16xi32>
        %parallel_loop3A_907 = arith.andi %parallel_loop3A_894, %parallel_loop3A_906 : vector<16xi32>
        %parallel_loop3A_908 = tpu.bitcast %parallel_loop3A_907 : vector<16xi32> -> vector<16xf32>
        %parallel_loop3A_909 = arith.constant 16 : i32
        %parallel_loop3A_910 = vector.broadcast %parallel_loop3A_909 : i32 to vector<16xi32>
        %parallel_loop3A_911 = arith.shli %parallel_loop3A_900, %parallel_loop3A_910 : vector<16xi32>
        %parallel_loop3A_912 = tpu.bitcast %parallel_loop3A_911 : vector<16xi32> -> vector<16xf32>
        %parallel_loop3A_913 = arith.constant -65536 : i32
        %parallel_loop3A_914 = vector.broadcast %parallel_loop3A_913 : i32 to vector<16xi32>
        %parallel_loop3A_915 = arith.andi %parallel_loop3A_900, %parallel_loop3A_914 : vector<16xi32>
        %parallel_loop3A_916 = tpu.bitcast %parallel_loop3A_915 : vector<16xi32> -> vector<16xf32>
        %parallel_loop3A_917 = arith.constant 0 : i32
        %parallel_loop3A_918 = arith.constant 6 : i32
        %parallel_loop3A_919 = arith.index_cast %parallel_loop3A_917 : i32 to index
        %parallel_loop3A_920 = arith.index_cast %parallel_loop3A_918 : i32 to index
        %parallel_loop3A_921 = arith.index_cast %parallel_loop3A_449 : i32 to index
        %parallel_loop3A_922 = tpu.vector_load %arg10[%parallel_loop3A_919, %parallel_loop3A_920, %parallel_loop3A_921] {strides = array<i32>} : memref<2x8x2048xf32, #tpu.memory_space<vmem>>, vector<1x1x16xf32>,
        %parallel_loop3A_923 = vector.shape_cast %parallel_loop3A_922 : vector<1x1x16xf32> to vector<16xf32>
        %parallel_loop3A_924 = arith.constant 16 : i32
        %parallel_loop3A_925 = arith.addi %parallel_loop3A_449, %parallel_loop3A_924 : i32
        %parallel_loop3A_926 = arith.constant 0 : i32
        %parallel_loop3A_927 = arith.constant 6 : i32
        %parallel_loop3A_928 = arith.index_cast %parallel_loop3A_926 : i32 to index
        %parallel_loop3A_929 = arith.index_cast %parallel_loop3A_927 : i32 to index
        %parallel_loop3A_930 = arith.index_cast %parallel_loop3A_925 : i32 to index
        %parallel_loop3A_931 = tpu.vector_load %arg10[%parallel_loop3A_928, %parallel_loop3A_929, %parallel_loop3A_930] {strides = array<i32>} : memref<2x8x2048xf32, #tpu.memory_space<vmem>>, vector<1x1x16xf32>,
        %parallel_loop3A_932 = vector.shape_cast %parallel_loop3A_931 : vector<1x1x16xf32> to vector<16xf32>
        %parallel_loop3A_933 = arith.constant 45.2548332 : f32
        %parallel_loop3A_934 = vector.broadcast %parallel_loop3A_933 : f32 to vector<16xf32>
        %parallel_loop3A_935 = arith.mulf %parallel_loop3A_923, %parallel_loop3A_934 : vector<16xf32>
        %parallel_loop3A_936 = arith.addf %parallel_loop3A_904, %parallel_loop3A_912 : vector<16xf32>
        %parallel_loop3A_937 = arith.addf %parallel_loop3A_935, %parallel_loop3A_936 : vector<16xf32>
        %parallel_loop3A_938 = arith.constant 0 : i32
        %parallel_loop3A_939 = arith.constant 6 : i32
        %parallel_loop3A_940 = arith.index_cast %parallel_loop3A_938 : i32 to index
        %parallel_loop3A_941 = arith.index_cast %parallel_loop3A_939 : i32 to index
        %parallel_loop3A_942 = arith.index_cast %parallel_loop3A_449 : i32 to index
        %parallel_loop3A_943 = tpu.vector_load %arg12[%parallel_loop3A_940, %parallel_loop3A_941, %parallel_loop3A_942] {strides = array<i32>} : memref<2x8x2048xf32, #tpu.memory_space<vmem>>, vector<1x1x16xf32>,
        %parallel_loop3A_944 = vector.shape_cast %parallel_loop3A_943 : vector<1x1x16xf32> to vector<16xf32>
        %parallel_loop3A_945 = vector.shape_cast %parallel_loop3A_937 : vector<16xf32> to vector<1x1x16xf32>
        tpu.vector_store %arg12[%parallel_loop3A_940, %parallel_loop3A_941, %parallel_loop3A_942], %parallel_loop3A_945 {strides = array<i32>} : memref<2x8x2048xf32, #tpu.memory_space<vmem>>, vector<1x1x16xf32>,
        %parallel_loop3A_946 = arith.constant 45.2548332 : f32
        %parallel_loop3A_947 = vector.broadcast %parallel_loop3A_946 : f32 to vector<16xf32>
        %parallel_loop3A_948 = arith.mulf %parallel_loop3A_932, %parallel_loop3A_947 : vector<16xf32>
        %parallel_loop3A_949 = arith.addf %parallel_loop3A_908, %parallel_loop3A_916 : vector<16xf32>
        %parallel_loop3A_950 = arith.addf %parallel_loop3A_948, %parallel_loop3A_949 : vector<16xf32>
        %parallel_loop3A_951 = arith.constant 16 : i32
        %parallel_loop3A_952 = arith.addi %parallel_loop3A_449, %parallel_loop3A_951 : i32
        %parallel_loop3A_953 = arith.constant 0 : i32
        %parallel_loop3A_954 = arith.constant 6 : i32
        %parallel_loop3A_955 = arith.index_cast %parallel_loop3A_953 : i32 to index
        %parallel_loop3A_956 = arith.index_cast %parallel_loop3A_954 : i32 to index
        %parallel_loop3A_957 = arith.index_cast %parallel_loop3A_952 : i32 to index
        %parallel_loop3A_958 = tpu.vector_load %arg12[%parallel_loop3A_955, %parallel_loop3A_956, %parallel_loop3A_957] {strides = array<i32>} : memref<2x8x2048xf32, #tpu.memory_space<vmem>>, vector<1x1x16xf32>,
        %parallel_loop3A_959 = vector.shape_cast %parallel_loop3A_958 : vector<1x1x16xf32> to vector<16xf32>
        %parallel_loop3A_960 = vector.shape_cast %parallel_loop3A_950 : vector<16xf32> to vector<1x1x16xf32>
        tpu.vector_store %arg12[%parallel_loop3A_955, %parallel_loop3A_956, %parallel_loop3A_957], %parallel_loop3A_960 {strides = array<i32>} : memref<2x8x2048xf32, #tpu.memory_space<vmem>>, vector<1x1x16xf32>,
        %parallel_loop3A_961 = arith.constant 0 : i32
        %parallel_loop3A_962 = arith.constant 7 : i32
        %parallel_loop3A_963 = arith.index_cast %parallel_loop3A_961 : i32 to index
        %parallel_loop3A_964 = arith.index_cast %parallel_loop3A_962 : i32 to index
        %parallel_loop3A_965 = arith.index_cast %parallel_loop3A_444 : i32 to index
        %parallel_loop3A_966 = tpu.vector_load %arg11[%parallel_loop3A_963, %parallel_loop3A_964, %parallel_loop3A_965] {strides = array<i32>} : memref<2x8x1024xi32, #tpu.memory_space<vmem>>, vector<1x1x16xi32>,
        %parallel_loop3A_967 = vector.shape_cast %parallel_loop3A_966 : vector<1x1x16xi32> to vector<16xi32>
        %parallel_loop3A_968 = arith.constant 7168 : i32
        %parallel_loop3A_969 = arith.addi %parallel_loop3A_968, %parallel_loop3A_444 : i32
        %parallel_loop3A_970 = arith.index_cast %rem3A_329 : i32 to index
        %parallel_loop3A_971 = arith.index_cast %parallel_loop3A_969 : i32 to index
        %parallel_loop3A_972 = tpu.vector_load %arg13[%parallel_loop3A_970, %parallel_loop3A_971] {strides = array<i32>} : memref<2x8192xi32, #tpu.memory_space<vmem>>, vector<1x16xi32>,
        %parallel_loop3A_973 = vector.shape_cast %parallel_loop3A_972 : vector<1x16xi32> to vector<16xi32>
        %parallel_loop3A_974 = arith.constant 16 : i32
        %parallel_loop3A_975 = vector.broadcast %parallel_loop3A_974 : i32 to vector<16xi32>
        %parallel_loop3A_976 = arith.shli %parallel_loop3A_967, %parallel_loop3A_975 : vector<16xi32>
        %parallel_loop3A_977 = tpu.bitcast %parallel_loop3A_976 : vector<16xi32> -> vector<16xf32>
        %parallel_loop3A_978 = arith.constant -65536 : i32
        %parallel_loop3A_979 = vector.broadcast %parallel_loop3A_978 : i32 to vector<16xi32>
        %parallel_loop3A_980 = arith.andi %parallel_loop3A_967, %parallel_loop3A_979 : vector<16xi32>
        %parallel_loop3A_981 = tpu.bitcast %parallel_loop3A_980 : vector<16xi32> -> vector<16xf32>
        %parallel_loop3A_982 = arith.constant 16 : i32
        %parallel_loop3A_983 = vector.broadcast %parallel_loop3A_982 : i32 to vector<16xi32>
        %parallel_loop3A_984 = arith.shli %parallel_loop3A_973, %parallel_loop3A_983 : vector<16xi32>
        %parallel_loop3A_985 = tpu.bitcast %parallel_loop3A_984 : vector<16xi32> -> vector<16xf32>
        %parallel_loop3A_986 = arith.constant -65536 : i32
        %parallel_loop3A_987 = vector.broadcast %parallel_loop3A_986 : i32 to vector<16xi32>
        %parallel_loop3A_988 = arith.andi %parallel_loop3A_973, %parallel_loop3A_987 : vector<16xi32>
        %parallel_loop3A_989 = tpu.bitcast %parallel_loop3A_988 : vector<16xi32> -> vector<16xf32>
        %parallel_loop3A_990 = arith.constant 0 : i32
        %parallel_loop3A_991 = arith.constant 7 : i32
        %parallel_loop3A_992 = arith.index_cast %parallel_loop3A_990 : i32 to index
        %parallel_loop3A_993 = arith.index_cast %parallel_loop3A_991 : i32 to index
        %parallel_loop3A_994 = arith.index_cast %parallel_loop3A_449 : i32 to index
        %parallel_loop3A_995 = tpu.vector_load %arg10[%parallel_loop3A_992, %parallel_loop3A_993, %parallel_loop3A_994] {strides = array<i32>} : memref<2x8x2048xf32, #tpu.memory_space<vmem>>, vector<1x1x16xf32>,
        %parallel_loop3A_996 = vector.shape_cast %parallel_loop3A_995 : vector<1x1x16xf32> to vector<16xf32>
        %parallel_loop3A_997 = arith.constant 16 : i32
        %parallel_loop3A_998 = arith.addi %parallel_loop3A_449, %parallel_loop3A_997 : i32
        %parallel_loop3A_999 = arith.constant 0 : i32
        %parallel_loop3A_1000 = arith.constant 7 : i32
        %parallel_loop3A_1001 = arith.index_cast %parallel_loop3A_999 : i32 to index
        %parallel_loop3A_1002 = arith.index_cast %parallel_loop3A_1000 : i32 to index
        %parallel_loop3A_1003 = arith.index_cast %parallel_loop3A_998 : i32 to index
        %parallel_loop3A_1004 = tpu.vector_load %arg10[%parallel_loop3A_1001, %parallel_loop3A_1002, %parallel_loop3A_1003] {strides = array<i32>} : memref<2x8x2048xf32, #tpu.memory_space<vmem>>, vector<1x1x16xf32>,
        %parallel_loop3A_1005 = vector.shape_cast %parallel_loop3A_1004 : vector<1x1x16xf32> to vector<16xf32>
        %parallel_loop3A_1006 = arith.constant 45.2548332 : f32
        %parallel_loop3A_1007 = vector.broadcast %parallel_loop3A_1006 : f32 to vector<16xf32>
        %parallel_loop3A_1008 = arith.mulf %parallel_loop3A_996, %parallel_loop3A_1007 : vector<16xf32>
        %parallel_loop3A_1009 = arith.addf %parallel_loop3A_977, %parallel_loop3A_985 : vector<16xf32>
        %parallel_loop3A_1010 = arith.addf %parallel_loop3A_1008, %parallel_loop3A_1009 : vector<16xf32>
        %parallel_loop3A_1011 = arith.constant 0 : i32
        %parallel_loop3A_1012 = arith.constant 7 : i32
        %parallel_loop3A_1013 = arith.index_cast %parallel_loop3A_1011 : i32 to index
        %parallel_loop3A_1014 = arith.index_cast %parallel_loop3A_1012 : i32 to index
        %parallel_loop3A_1015 = arith.index_cast %parallel_loop3A_449 : i32 to index
        %parallel_loop3A_1016 = tpu.vector_load %arg12[%parallel_loop3A_1013, %parallel_loop3A_1014, %parallel_loop3A_1015] {strides = array<i32>} : memref<2x8x2048xf32, #tpu.memory_space<vmem>>, vector<1x1x16xf32>,
        %parallel_loop3A_1017 = vector.shape_cast %parallel_loop3A_1016 : vector<1x1x16xf32> to vector<16xf32>
        %parallel_loop3A_1018 = vector.shape_cast %parallel_loop3A_1010 : vector<16xf32> to vector<1x1x16xf32>
        tpu.vector_store %arg12[%parallel_loop3A_1013, %parallel_loop3A_1014, %parallel_loop3A_1015], %parallel_loop3A_1018 {strides = array<i32>} : memref<2x8x2048xf32, #tpu.memory_space<vmem>>, vector<1x1x16xf32>,
        %parallel_loop3A_1019 = arith.constant 45.2548332 : f32
        %parallel_loop3A_1020 = vector.broadcast %parallel_loop3A_1019 : f32 to vector<16xf32>
        %parallel_loop3A_1021 = arith.mulf %parallel_loop3A_1005, %parallel_loop3A_1020 : vector<16xf32>
        %parallel_loop3A_1022 = arith.addf %parallel_loop3A_981, %parallel_loop3A_989 : vector<16xf32>
        %parallel_loop3A_1023 = arith.addf %parallel_loop3A_1021, %parallel_loop3A_1022 : vector<16xf32>
        %parallel_loop3A_1024 = arith.constant 16 : i32
        %parallel_loop3A_1025 = arith.addi %parallel_loop3A_449, %parallel_loop3A_1024 : i32
        %parallel_loop3A_1026 = arith.constant 0 : i32
        %parallel_loop3A_1027 = arith.constant 7 : i32
        %parallel_loop3A_1028 = arith.index_cast %parallel_loop3A_1026 : i32 to index
        %parallel_loop3A_1029 = arith.index_cast %parallel_loop3A_1027 : i32 to index
        %parallel_loop3A_1030 = arith.index_cast %parallel_loop3A_1025 : i32 to index
        %parallel_loop3A_1031 = tpu.vector_load %arg12[%parallel_loop3A_1028, %parallel_loop3A_1029, %parallel_loop3A_1030] {strides = array<i32>} : memref<2x8x2048xf32, #tpu.memory_space<vmem>>, vector<1x1x16xf32>,
        %parallel_loop3A_1032 = vector.shape_cast %parallel_loop3A_1031 : vector<1x1x16xf32> to vector<16xf32>
        %parallel_loop3A_1033 = vector.shape_cast %parallel_loop3A_1023 : vector<16xf32> to vector<1x1x16xf32>
        tpu.vector_store %arg12[%parallel_loop3A_1028, %parallel_loop3A_1029, %parallel_loop3A_1030], %parallel_loop3A_1033 {strides = array<i32>} : memref<2x8x2048xf32, #tpu.memory_space<vmem>>, vector<1x1x16xf32>,
      } {sc.loop_unroll_factor = 4 : i64, sc.parallel_access}
      %rem3A_332 = arith.constant 4 : i32
      %rem3A_333 = arith.remsi %add3A_282, %rem3A_332 : i32
      %div3A_334 = arith.constant 4 : i32
      %div3A_335 = arith.divsi %add3A_282, %div3A_334 : i32
      %mul3A_336 = arith.constant 2048 : i32
      %mul3A_337 = arith.muli %rem3A_333, %mul3A_336 : i32
      %add3A_338 = arith.addi %mul3A_337, %multiple_of3A : i32
      %mul3A_339 = arith.constant 8 : i32
      %mul3A_340 = arith.muli %div3A_335, %mul3A_339 : i32
      %add3A_341 = arith.addi %add3A_338, %mul3A_340 : i32
      %multiple_of3A_342 = tpu.assume_multiple %add3A_341, 8 : i32
      %dma_start3A_343 = arith.constant 0 : i32
      %dma_start3A_344 = arith.constant 0 : i32
      %dma_start3A_345 = arith.constant 0 : i32
      %dma_start3A_346 = tpu.memref_slice %arg12[%dma_start3A_343, %dma_start3A_344, %dma_start3A_345] : memref<2x8x2048xf32, #tpu.memory_space<vmem>> -> memref<1x8x2048xf32, #tpu.memory_space<vmem>>
      %dma_start3A_347 = tpu.memref_squeeze %dma_start3A_346 : memref<1x8x2048xf32, #tpu.memory_space<vmem>> -> memref<8x2048xf32, #tpu.memory_space<vmem>>
      %dma_start3A_348 = arith.constant 0 : i32
      %dma_start3A_349 = tpu.memref_slice %arg7[%multiple_of3A_342, %dma_start3A_348] : memref<8192x2048xf32, #tpu.memory_space<hbm>> -> memref<8x2048xf32, #tpu.memory_space<hbm>>
      %dma_start3A_350 = arith.constant 0 : i32
      %dma_start3A_351 = tpu.memref_slice %arg7[%multiple_of3A_342, %dma_start3A_350] : memref<8192x2048xf32, #tpu.memory_space<hbm>> -> memref<8x2048xf32, #tpu.memory_space<hbm>>
      %dma_start3A_352 = arith.constant 0 : i32
      %dma_start3A_353 = arith.constant 0 : i32
      %dma_start3A_354 = tpu.memref_slice %arg12[%dma_start3A_343, %dma_start3A_352, %dma_start3A_353] : memref<2x8x2048xf32, #tpu.memory_space<vmem>> -> memref<1x8x2048xf32, #tpu.memory_space<vmem>>
      %dma_start3A_355 = tpu.memref_squeeze %dma_start3A_354 : memref<1x8x2048xf32, #tpu.memory_space<vmem>> -> memref<8x2048xf32, #tpu.memory_space<vmem>>
      tpu.enqueue_dma source(%dma_start3A_355 : memref<8x2048xf32, #tpu.memory_space<vmem>>) target(%dma_start3A_351 : memref<8x2048xf32, #tpu.memory_space<hbm>>) target_semaphore(%arg18 : memref<!tpu.dma_semaphore, #tpu.memory_space<semaphore_mem>>)
      %mul3A_356 = arith.constant 2 : i32
      %mul3A_357 = arith.muli %mul3A_356, %scan3A_278 : i32
      %add3A_358 = arith.constant 1 : i32
      %add3A_359 = arith.addi %mul3A_357, %add3A_358 : i32
      %add3A_360 = arith.constant 1 : i32
      %add3A_361 = arith.addi %add3A_359, %add3A_360 : i32
      %lt3A_362 = arith.constant 32 : i32
      %lt3A_363 = arith.cmpi slt, %add3A_361, %lt3A_362 : i32
      %convert_element_type3A_364 = arith.extui %lt3A_363 : i1 to i32
      %cond3A_365 = arith.constant 0 : i32
      %cond3A_366 = arith.cmpi ne, %convert_element_type3A_364, %cond3A_365 : i32
      scf.if %cond3A_366 {
        %rem3A_441 = arith.constant 4 : i32
        %rem3A_442 = arith.remsi %add3A_361, %rem3A_441 : i32
        %div3A_443 = arith.constant 4 : i32
        %div3A_444 = arith.divsi %add3A_361, %div3A_443 : i32
        %mul3A_445 = arith.constant 64 : i32
        %mul3A_446 = arith.muli %rem3A_442, %mul3A_445 : i32
        %mul3A_447 = arith.constant 8 : i32
        %mul3A_448 = arith.muli %div3A_444, %mul3A_447 : i32
        %add3A_449 = arith.addi %mul3A_446, %mul3A_448 : i32
        %multiple_of3A_450 = tpu.assume_multiple %add3A_449, 8 : i32
        %dma_start3A_451 = arith.constant 0 : i32
        %dma_start3A_452 = arith.constant 0 : i32
        %dma_start3A_453 = arith.constant 0 : i32
        %dma_start3A_454 = tpu.memref_slice %arg10[%dma_start3A_451, %dma_start3A_452, %dma_start3A_453] : memref<2x8x2048xf32, #tpu.memory_space<vmem>> -> memref<1x8x2048xf32, #tpu.memory_space<vmem>>
        %dma_start3A_455 = tpu.memref_squeeze %dma_start3A_454 : memref<1x8x2048xf32, #tpu.memory_space<vmem>> -> memref<8x2048xf32, #tpu.memory_space<vmem>>
        %dma_start3A_456 = tpu.memref_slice %arg8[%multiple_of3A_450] : memref<256xi32, #tpu.memory_space<vmem>> -> memref<8xi32, #tpu.memory_space<vmem>>
        %dma_start3A_457 = arith.constant 0 : i32
        %dma_start3A_458 = arith.constant 0 : i32
        %dma_start3A_459 = tpu.memref_slice %arg4[%dma_start3A_457, %dma_start3A_458] : memref<50257x2048xf32, #tpu.memory_space<hbm>> -> memref<50257x2048xf32, #tpu.memory_space<hbm>>
        tpu.enqueue_indirect_dma source(%dma_start3A_459 : memref<50257x2048xf32, #tpu.memory_space<hbm>>) target(%dma_start3A_455 : memref<8x2048xf32, #tpu.memory_space<vmem>>) offsets(%dma_start3A_456 : memref<8xi32, #tpu.memory_space<vmem>>) semaphore(%arg14 : memref<!tpu.dma_semaphore, #tpu.memory_space<semaphore_mem>>)
        %dma_start3A_460 = arith.constant 0 : i32
        %dma_start3A_461 = arith.constant 0 : i32
        %dma_start3A_462 = arith.constant 0 : i32
        %dma_start3A_463 = tpu.memref_slice %arg11[%dma_start3A_460, %dma_start3A_461, %dma_start3A_462] : memref<2x8x1024xi32, #tpu.memory_space<vmem>> -> memref<1x8x1024xi32, #tpu.memory_space<vmem>>
        %dma_start3A_464 = tpu.memref_squeeze %dma_start3A_463 : memref<1x8x1024xi32, #tpu.memory_space<vmem>> -> memref<8x1024xi32, #tpu.memory_space<vmem>>
        %dma_start3A_465 = tpu.memref_slice %arg9[%multiple_of3A_450] : memref<256xi32, #tpu.memory_space<vmem>> -> memref<8xi32, #tpu.memory_space<vmem>>
        %dma_start3A_466 = arith.constant 0 : i32
        %dma_start3A_467 = arith.constant 0 : i32
        %dma_start3A_468 = tpu.memref_slice %arg5[%dma_start3A_466, %dma_start3A_467] : memref<512x1024xi32, #tpu.memory_space<hbm>> -> memref<512x1024xi32, #tpu.memory_space<hbm>>
        tpu.enqueue_indirect_dma source(%dma_start3A_468 : memref<512x1024xi32, #tpu.memory_space<hbm>>) target(%dma_start3A_464 : memref<8x1024xi32, #tpu.memory_space<vmem>>) offsets(%dma_start3A_465 : memref<8xi32, #tpu.memory_space<vmem>>) semaphore(%arg16 : memref<!tpu.dma_semaphore, #tpu.memory_space<semaphore_mem>>)
      } else {
      }
      %gt3A_367 = arith.constant 0 : i32
      %gt3A_368 = arith.cmpi sgt, %add3A_359, %gt3A_367 : i32
      %rem3A_369 = arith.constant 4 : i32
      %rem3A_370 = arith.remsi %add3A_359, %rem3A_369 : i32
      %eq3A_371 = arith.constant 0 : i32
      %eq3A_372 = arith.cmpi eq, %rem3A_370, %eq3A_371 : i32
      %and3A_373 = arith.andi %gt3A_368, %eq3A_372 : i1
      %convert_element_type3A_374 = arith.extui %and3A_373 : i1 to i32
      %cond3A_375 = arith.constant 0 : i32
      %cond3A_376 = arith.cmpi ne, %convert_element_type3A_374, %cond3A_375 : i32
      scf.if %cond3A_376 {
        %div3A_441 = arith.constant 4 : i32
        %div3A_442 = arith.divsi %add3A_359, %div3A_441 : i32
        %rem3A_443 = arith.constant 2 : i32
        %rem3A_444 = arith.remsi %div3A_442, %rem3A_443 : i32
        %eq3A_445 = arith.constant 0 : i32
        %eq3A_446 = arith.cmpi eq, %rem3A_444, %eq3A_445 : i32
        %convert_element_type3A_447 = arith.extui %eq3A_446 : i1 to i32
        %cond3A_448 = arith.constant 0 : i32
        %cond3A_449 = arith.cmpi ne, %convert_element_type3A_447, %cond3A_448 : i32
        scf.if %cond3A_449 {
          %mul3A_462 = arith.constant 8 : i32
          %mul3A_463 = arith.muli %div3A_442, %mul3A_462 : i32
          %add3A_464 = arith.addi %multiple_of3A, %mul3A_463 : i32
          %mul3A_465 = arith.constant 1024 : i32
          %mul3A_466 = arith.muli %add3A_464, %mul3A_465 : i32
          %multiple_of3A_467 = tpu.assume_multiple %mul3A_466, 1024 : i32
          %rem3A_468 = arith.constant 2 : i32
          %rem3A_469 = arith.remsi %div3A_442, %rem3A_468 : i32
          %dma_wait3A_470 = arith.constant 0 : i32
          %dma_wait3A_471 = tpu.memref_slice %arg13[%rem3A_469, %dma_wait3A_470] : memref<2x8192xi32, #tpu.memory_space<vmem>> -> memref<1x8192xi32, #tpu.memory_space<vmem>>
          %dma_wait3A_472 = tpu.memref_squeeze %dma_wait3A_471 : memref<1x8192xi32, #tpu.memory_space<vmem>> -> memref<8192xi32, #tpu.memory_space<vmem>>
          %dma_wait3A_473 = tpu.memref_slice %arg6[%multiple_of3A_467] : memref<2097152xi32, #tpu.memory_space<hbm>> -> memref<8192xi32, #tpu.memory_space<hbm>>
          %dma_wait3A_474 = arith.constant 0 : i32
          %dma_wait3A_475 = tpu.memref_slice %arg13[%rem3A_469, %dma_wait3A_474] : memref<2x8192xi32, #tpu.memory_space<vmem>> -> memref<1x8192xi32, #tpu.memory_space<vmem>>
          %dma_wait3A_476 = tpu.memref_squeeze %dma_wait3A_475 : memref<1x8192xi32, #tpu.memory_space<vmem>> -> memref<8192xi32, #tpu.memory_space<vmem>>
          %dma_wait3A_477 = tpu.memref_slice %arg6[%multiple_of3A_467] : memref<2097152xi32, #tpu.memory_space<hbm>> -> memref<8192xi32, #tpu.memory_space<hbm>>
          tpu.wait_dma2 semaphore(%arg20 : memref<!tpu.dma_semaphore, #tpu.memory_space<semaphore_mem>>) src(%dma_wait3A_477 : memref<8192xi32, #tpu.memory_space<hbm>>) dst(%dma_wait3A_476 : memref<8192xi32, #tpu.memory_space<vmem>>)
        } else {
        }
        %eq3A_450 = arith.constant 1 : i32
        %eq3A_451 = arith.cmpi eq, %rem3A_444, %eq3A_450 : i32
        %convert_element_type3A_452 = arith.extui %eq3A_451 : i1 to i32
        %cond3A_453 = arith.constant 0 : i32
        %cond3A_454 = arith.cmpi ne, %convert_element_type3A_452, %cond3A_453 : i32
        scf.if %cond3A_454 {
          %mul3A_462 = arith.constant 8 : i32
          %mul3A_463 = arith.muli %div3A_442, %mul3A_462 : i32
          %add3A_464 = arith.addi %multiple_of3A, %mul3A_463 : i32
          %mul3A_465 = arith.constant 1024 : i32
          %mul3A_466 = arith.muli %add3A_464, %mul3A_465 : i32
          %multiple_of3A_467 = tpu.assume_multiple %mul3A_466, 1024 : i32
          %rem3A_468 = arith.constant 2 : i32
          %rem3A_469 = arith.remsi %div3A_442, %rem3A_468 : i32
          %dma_wait3A_470 = arith.constant 0 : i32
          %dma_wait3A_471 = tpu.memref_slice %arg13[%rem3A_469, %dma_wait3A_470] : memref<2x8192xi32, #tpu.memory_space<vmem>> -> memref<1x8192xi32, #tpu.memory_space<vmem>>
          %dma_wait3A_472 = tpu.memref_squeeze %dma_wait3A_471 : memref<1x8192xi32, #tpu.memory_space<vmem>> -> memref<8192xi32, #tpu.memory_space<vmem>>
          %dma_wait3A_473 = tpu.memref_slice %arg6[%multiple_of3A_467] : memref<2097152xi32, #tpu.memory_space<hbm>> -> memref<8192xi32, #tpu.memory_space<hbm>>
          %dma_wait3A_474 = arith.constant 0 : i32
          %dma_wait3A_475 = tpu.memref_slice %arg13[%rem3A_469, %dma_wait3A_474] : memref<2x8192xi32, #tpu.memory_space<vmem>> -> memref<1x8192xi32, #tpu.memory_space<vmem>>
          %dma_wait3A_476 = tpu.memref_squeeze %dma_wait3A_475 : memref<1x8192xi32, #tpu.memory_space<vmem>> -> memref<8192xi32, #tpu.memory_space<vmem>>
          %dma_wait3A_477 = tpu.memref_slice %arg6[%multiple_of3A_467] : memref<2097152xi32, #tpu.memory_space<hbm>> -> memref<8192xi32, #tpu.memory_space<hbm>>
          tpu.wait_dma2 semaphore(%arg21 : memref<!tpu.dma_semaphore, #tpu.memory_space<semaphore_mem>>) src(%dma_wait3A_477 : memref<8192xi32, #tpu.memory_space<hbm>>) dst(%dma_wait3A_476 : memref<8192xi32, #tpu.memory_space<vmem>>)
        } else {
        }
        %add3A_455 = arith.constant 1 : i32
        %add3A_456 = arith.addi %div3A_442, %add3A_455 : i32
        %lt3A_457 = arith.constant 8 : i32
        %lt3A_458 = arith.cmpi slt, %add3A_456, %lt3A_457 : i32
        %convert_element_type3A_459 = arith.extui %lt3A_458 : i1 to i32
        %cond3A_460 = arith.constant 0 : i32
        %cond3A_461 = arith.cmpi ne, %convert_element_type3A_459, %cond3A_460 : i32
        scf.if %cond3A_461 {
          %eq3A_462 = arith.constant 0 : i32
          %eq3A_463 = arith.cmpi eq, %rem3A_444, %eq3A_462 : i32
          %convert_element_type3A_464 = arith.extui %eq3A_463 : i1 to i32
          %cond3A_465 = arith.constant 0 : i32
          %cond3A_466 = arith.cmpi ne, %convert_element_type3A_464, %cond3A_465 : i32
          scf.if %cond3A_466 {
            %add3A_472 = arith.constant 1 : i32
            %add3A_473 = arith.addi %div3A_442, %add3A_472 : i32
            %mul3A_474 = arith.constant 8 : i32
            %mul3A_475 = arith.muli %add3A_473, %mul3A_474 : i32
            %add3A_476 = arith.addi %multiple_of3A, %mul3A_475 : i32
            %mul3A_477 = arith.constant 1024 : i32
            %mul3A_478 = arith.muli %add3A_476, %mul3A_477 : i32
            %multiple_of3A_479 = tpu.assume_multiple %mul3A_478, 1024 : i32
            %rem3A_480 = arith.constant 2 : i32
            %rem3A_481 = arith.remsi %add3A_473, %rem3A_480 : i32
            %dma_start3A_482 = arith.constant 0 : i32
            %dma_start3A_483 = tpu.memref_slice %arg13[%rem3A_481, %dma_start3A_482] : memref<2x8192xi32, #tpu.memory_space<vmem>> -> memref<1x8192xi32, #tpu.memory_space<vmem>>
            %dma_start3A_484 = tpu.memref_squeeze %dma_start3A_483 : memref<1x8192xi32, #tpu.memory_space<vmem>> -> memref<8192xi32, #tpu.memory_space<vmem>>
            %dma_start3A_485 = tpu.memref_slice %arg6[%multiple_of3A_479] : memref<2097152xi32, #tpu.memory_space<hbm>> -> memref<8192xi32, #tpu.memory_space<hbm>>
            %dma_start3A_486 = arith.constant 0 : i32
            %dma_start3A_487 = tpu.memref_slice %arg13[%rem3A_481, %dma_start3A_486] : memref<2x8192xi32, #tpu.memory_space<vmem>> -> memref<1x8192xi32, #tpu.memory_space<vmem>>
            %dma_start3A_488 = tpu.memref_squeeze %dma_start3A_487 : memref<1x8192xi32, #tpu.memory_space<vmem>> -> memref<8192xi32, #tpu.memory_space<vmem>>
            %dma_start3A_489 = tpu.memref_slice %arg6[%multiple_of3A_479] : memref<2097152xi32, #tpu.memory_space<hbm>> -> memref<8192xi32, #tpu.memory_space<hbm>>
            tpu.enqueue_dma source(%dma_start3A_489 : memref<8192xi32, #tpu.memory_space<hbm>>) target(%dma_start3A_488 : memref<8192xi32, #tpu.memory_space<vmem>>) target_semaphore(%arg21 : memref<!tpu.dma_semaphore, #tpu.memory_space<semaphore_mem>>)
          } else {
          }
          %eq3A_467 = arith.constant 1 : i32
          %eq3A_468 = arith.cmpi eq, %rem3A_444, %eq3A_467 : i32
          %convert_element_type3A_469 = arith.extui %eq3A_468 : i1 to i32
          %cond3A_470 = arith.constant 0 : i32
          %cond3A_471 = arith.cmpi ne, %convert_element_type3A_469, %cond3A_470 : i32
          scf.if %cond3A_471 {
            %add3A_472 = arith.constant 1 : i32
            %add3A_473 = arith.addi %div3A_442, %add3A_472 : i32
            %mul3A_474 = arith.constant 8 : i32
            %mul3A_475 = arith.muli %add3A_473, %mul3A_474 : i32
            %add3A_476 = arith.addi %multiple_of3A, %mul3A_475 : i32
            %mul3A_477 = arith.constant 1024 : i32
            %mul3A_478 = arith.muli %add3A_476, %mul3A_477 : i32
            %multiple_of3A_479 = tpu.assume_multiple %mul3A_478, 1024 : i32
            %rem3A_480 = arith.constant 2 : i32
            %rem3A_481 = arith.remsi %add3A_473, %rem3A_480 : i32
            %dma_start3A_482 = arith.constant 0 : i32
            %dma_start3A_483 = tpu.memref_slice %arg13[%rem3A_481, %dma_start3A_482] : memref<2x8192xi32, #tpu.memory_space<vmem>> -> memref<1x8192xi32, #tpu.memory_space<vmem>>
            %dma_start3A_484 = tpu.memref_squeeze %dma_start3A_483 : memref<1x8192xi32, #tpu.memory_space<vmem>> -> memref<8192xi32, #tpu.memory_space<vmem>>
            %dma_start3A_485 = tpu.memref_slice %arg6[%multiple_of3A_479] : memref<2097152xi32, #tpu.memory_space<hbm>> -> memref<8192xi32, #tpu.memory_space<hbm>>
            %dma_start3A_486 = arith.constant 0 : i32
            %dma_start3A_487 = tpu.memref_slice %arg13[%rem3A_481, %dma_start3A_486] : memref<2x8192xi32, #tpu.memory_space<vmem>> -> memref<1x8192xi32, #tpu.memory_space<vmem>>
            %dma_start3A_488 = tpu.memref_squeeze %dma_start3A_487 : memref<1x8192xi32, #tpu.memory_space<vmem>> -> memref<8192xi32, #tpu.memory_space<vmem>>
            %dma_start3A_489 = tpu.memref_slice %arg6[%multiple_of3A_479] : memref<2097152xi32, #tpu.memory_space<hbm>> -> memref<8192xi32, #tpu.memory_space<hbm>>
            tpu.enqueue_dma source(%dma_start3A_489 : memref<8192xi32, #tpu.memory_space<hbm>>) target(%dma_start3A_488 : memref<8192xi32, #tpu.memory_space<vmem>>) target_semaphore(%arg20 : memref<!tpu.dma_semaphore, #tpu.memory_space<semaphore_mem>>)
          } else {
          }
        } else {
        }
      } else {
      }
      %rem3A_377 = arith.constant 4 : i32
      %rem3A_378 = arith.remsi %add3A_359, %rem3A_377 : i32
      %div3A_379 = arith.constant 4 : i32
      %div3A_380 = arith.divsi %add3A_359, %div3A_379 : i32
      %mul3A_381 = arith.constant 64 : i32
      %mul3A_382 = arith.muli %rem3A_378, %mul3A_381 : i32
      %mul3A_383 = arith.constant 8 : i32
      %mul3A_384 = arith.muli %div3A_380, %mul3A_383 : i32
      %add3A_385 = arith.addi %mul3A_382, %mul3A_384 : i32
      %multiple_of3A_386 = tpu.assume_multiple %add3A_385, 8 : i32
      %dma_wait3A_387 = arith.constant 1 : i32
      %dma_wait3A_388 = arith.constant 0 : i32
      %dma_wait3A_389 = arith.constant 0 : i32
      %dma_wait3A_390 = tpu.memref_slice %arg10[%dma_wait3A_387, %dma_wait3A_388, %dma_wait3A_389] : memref<2x8x2048xf32, #tpu.memory_space<vmem>> -> memref<1x8x2048xf32, #tpu.memory_space<vmem>>
      %dma_wait3A_391 = tpu.memref_squeeze %dma_wait3A_390 : memref<1x8x2048xf32, #tpu.memory_space<vmem>> -> memref<8x2048xf32, #tpu.memory_space<vmem>>
      %dma_wait3A_392 = tpu.memref_slice %arg8[%multiple_of3A_386] : memref<256xi32, #tpu.memory_space<vmem>> -> memref<8xi32, #tpu.memory_space<vmem>>
      %dma_wait3A_393 = arith.constant 0 : i32
      %dma_wait3A_394 = arith.constant 0 : i32
      %dma_wait3A_395 = tpu.memref_slice %arg4[%dma_wait3A_393, %dma_wait3A_394] : memref<50257x2048xf32, #tpu.memory_space<hbm>> -> memref<50257x2048xf32, #tpu.memory_space<hbm>>
      tpu.wait_indirect_dma semaphore(%arg15 : memref<!tpu.dma_semaphore, #tpu.memory_space<semaphore_mem>>) src(%dma_wait3A_395 : memref<50257x2048xf32, #tpu.memory_space<hbm>>) dst(%dma_wait3A_391 : memref<8x2048xf32, #tpu.memory_space<vmem>>)
      %dma_wait3A_396 = arith.constant 1 : i32
      %dma_wait3A_397 = arith.constant 0 : i32
      %dma_wait3A_398 = arith.constant 0 : i32
      %dma_wait3A_399 = tpu.memref_slice %arg11[%dma_wait3A_396, %dma_wait3A_397, %dma_wait3A_398] : memref<2x8x1024xi32, #tpu.memory_space<vmem>> -> memref<1x8x1024xi32, #tpu.memory_space<vmem>>
      %dma_wait3A_400 = tpu.memref_squeeze %dma_wait3A_399 : memref<1x8x1024xi32, #tpu.memory_space<vmem>> -> memref<8x1024xi32, #tpu.memory_space<vmem>>
      %dma_wait3A_401 = tpu.memref_slice %arg9[%multiple_of3A_386] : memref<256xi32, #tpu.memory_space<vmem>> -> memref<8xi32, #tpu.memory_space<vmem>>
      %dma_wait3A_402 = arith.constant 0 : i32
      %dma_wait3A_403 = arith.constant 0 : i32
      %dma_wait3A_404 = tpu.memref_slice %arg5[%dma_wait3A_402, %dma_wait3A_403] : memref<512x1024xi32, #tpu.memory_space<hbm>> -> memref<512x1024xi32, #tpu.memory_space<hbm>>
      tpu.wait_indirect_dma semaphore(%arg17 : memref<!tpu.dma_semaphore, #tpu.memory_space<semaphore_mem>>) src(%dma_wait3A_404 : memref<512x1024xi32, #tpu.memory_space<hbm>>) dst(%dma_wait3A_400 : memref<8x1024xi32, #tpu.memory_space<vmem>>)
      %ge3A_405 = arith.constant 2 : i32
      %ge3A_406 = arith.cmpi sge, %add3A_359, %ge3A_405 : i32
      %convert_element_type3A_407 = arith.extui %ge3A_406 : i1 to i32
      %cond3A_408 = arith.constant 0 : i32
      %cond3A_409 = arith.cmpi ne, %convert_element_type3A_407, %cond3A_408 : i32
      scf.if %cond3A_409 {
        %sub3A = arith.constant 2 : i32
        %sub3A_441 = arith.subi %add3A_359, %sub3A : i32
        %rem3A_442 = arith.constant 4 : i32
        %rem3A_443 = arith.remsi %sub3A_441, %rem3A_442 : i32
        %div3A_444 = arith.constant 4 : i32
        %div3A_445 = arith.divsi %sub3A_441, %div3A_444 : i32
        %mul3A_446 = arith.constant 2048 : i32
        %mul3A_447 = arith.muli %rem3A_443, %mul3A_446 : i32
        %add3A_448 = arith.addi %mul3A_447, %multiple_of3A : i32
        %mul3A_449 = arith.constant 8 : i32
        %mul3A_450 = arith.muli %div3A_445, %mul3A_449 : i32
        %add3A_451 = arith.addi %add3A_448, %mul3A_450 : i32
        %multiple_of3A_452 = tpu.assume_multiple %add3A_451, 8 : i32
        %dma_wait3A_453 = arith.constant 1 : i32
        %dma_wait3A_454 = arith.constant 0 : i32
        %dma_wait3A_455 = arith.constant 0 : i32
        %dma_wait3A_456 = tpu.memref_slice %arg12[%dma_wait3A_453, %dma_wait3A_454, %dma_wait3A_455] : memref<2x8x2048xf32, #tpu.memory_space<vmem>> -> memref<1x8x2048xf32, #tpu.memory_space<vmem>>
        %dma_wait3A_457 = tpu.memref_squeeze %dma_wait3A_456 : memref<1x8x2048xf32, #tpu.memory_space<vmem>> -> memref<8x2048xf32, #tpu.memory_space<vmem>>
        %dma_wait3A_458 = arith.constant 0 : i32
        %dma_wait3A_459 = tpu.memref_slice %arg7[%multiple_of3A_452, %dma_wait3A_458] : memref<8192x2048xf32, #tpu.memory_space<hbm>> -> memref<8x2048xf32, #tpu.memory_space<hbm>>
        %dma_wait3A_460 = arith.constant 0 : i32
        %dma_wait3A_461 = tpu.memref_slice %arg7[%multiple_of3A_452, %dma_wait3A_460] : memref<8192x2048xf32, #tpu.memory_space<hbm>> -> memref<8x2048xf32, #tpu.memory_space<hbm>>
        %dma_wait3A_462 = arith.constant 0 : i32
        %dma_wait3A_463 = arith.constant 0 : i32
        %dma_wait3A_464 = tpu.memref_slice %arg12[%dma_wait3A_453, %dma_wait3A_462, %dma_wait3A_463] : memref<2x8x2048xf32, #tpu.memory_space<vmem>> -> memref<1x8x2048xf32, #tpu.memory_space<vmem>>
        %dma_wait3A_465 = tpu.memref_squeeze %dma_wait3A_464 : memref<1x8x2048xf32, #tpu.memory_space<vmem>> -> memref<8x2048xf32, #tpu.memory_space<vmem>>
        tpu.wait_dma2 semaphore(%arg19 : memref<!tpu.dma_semaphore, #tpu.memory_space<semaphore_mem>>) src(%dma_wait3A_465 : memref<8x2048xf32, #tpu.memory_space<vmem>>) dst(%dma_wait3A_461 : memref<8x2048xf32, #tpu.memory_space<hbm>>)
      } else {
      }
      %div3A_410 = arith.constant 4 : i32
      %div3A_411 = arith.divsi %add3A_359, %div3A_410 : i32
      %rem3A_412 = arith.constant 2 : i32
      %rem3A_413 = arith.remsi %div3A_411, %rem3A_412 : i32
      %parallel_loop3A_414 = arith.constant 0 : i32
      %parallel_loop3A_415 = arith.constant 64 : i32
      %parallel_loop3A_416 = arith.constant 1 : i32
      scf.for %parallel_loop3A_441 = %parallel_loop3A_414 to %parallel_loop3A_415 step %parallel_loop3A_416  : i32 {
        %parallel_loop3A_442 = arith.constant 16 : i32
        %parallel_loop3A_443 = arith.muli %parallel_loop3A_441, %parallel_loop3A_442 : i32
        %parallel_loop3A_444 = tpu.assume_multiple %parallel_loop3A_443, 16 : i32
        %parallel_loop3A_445 = arith.constant 2 : i32
        %parallel_loop3A_446 = arith.muli %parallel_loop3A_441, %parallel_loop3A_445 : i32
        %parallel_loop3A_447 = arith.constant 16 : i32
        %parallel_loop3A_448 = arith.muli %parallel_loop3A_446, %parallel_loop3A_447 : i32
        %parallel_loop3A_449 = tpu.assume_multiple %parallel_loop3A_448, 32 : i32
        %parallel_loop3A_450 = arith.constant 1 : i32
        %parallel_loop3A_451 = arith.constant 0 : i32
        %parallel_loop3A_452 = arith.index_cast %parallel_loop3A_450 : i32 to index
        %parallel_loop3A_453 = arith.index_cast %parallel_loop3A_451 : i32 to index
        %parallel_loop3A_454 = arith.index_cast %parallel_loop3A_444 : i32 to index
        %parallel_loop3A_455 = tpu.vector_load %arg11[%parallel_loop3A_452, %parallel_loop3A_453, %parallel_loop3A_454] {strides = array<i32>} : memref<2x8x1024xi32, #tpu.memory_space<vmem>>, vector<1x1x16xi32>,
        %parallel_loop3A_456 = vector.shape_cast %parallel_loop3A_455 : vector<1x1x16xi32> to vector<16xi32>
        %parallel_loop3A_457 = arith.constant 0 : i32
        %parallel_loop3A_458 = arith.addi %parallel_loop3A_457, %parallel_loop3A_444 : i32
        %parallel_loop3A_459 = arith.index_cast %rem3A_413 : i32 to index
        %parallel_loop3A_460 = arith.index_cast %parallel_loop3A_458 : i32 to index
        %parallel_loop3A_461 = tpu.vector_load %arg13[%parallel_loop3A_459, %parallel_loop3A_460] {strides = array<i32>} : memref<2x8192xi32, #tpu.memory_space<vmem>>, vector<1x16xi32>,
        %parallel_loop3A_462 = vector.shape_cast %parallel_loop3A_461 : vector<1x16xi32> to vector<16xi32>
        %parallel_loop3A_463 = arith.constant 16 : i32
        %parallel_loop3A_464 = vector.broadcast %parallel_loop3A_463 : i32 to vector<16xi32>
        %parallel_loop3A_465 = arith.shli %parallel_loop3A_456, %parallel_loop3A_464 : vector<16xi32>
        %parallel_loop3A_466 = tpu.bitcast %parallel_loop3A_465 : vector<16xi32> -> vector<16xf32>
        %parallel_loop3A_467 = arith.constant -65536 : i32
        %parallel_loop3A_468 = vector.broadcast %parallel_loop3A_467 : i32 to vector<16xi32>
        %parallel_loop3A_469 = arith.andi %parallel_loop3A_456, %parallel_loop3A_468 : vector<16xi32>
        %parallel_loop3A_470 = tpu.bitcast %parallel_loop3A_469 : vector<16xi32> -> vector<16xf32>
        %parallel_loop3A_471 = arith.constant 16 : i32
        %parallel_loop3A_472 = vector.broadcast %parallel_loop3A_471 : i32 to vector<16xi32>
        %parallel_loop3A_473 = arith.shli %parallel_loop3A_462, %parallel_loop3A_472 : vector<16xi32>
        %parallel_loop3A_474 = tpu.bitcast %parallel_loop3A_473 : vector<16xi32> -> vector<16xf32>
        %parallel_loop3A_475 = arith.constant -65536 : i32
        %parallel_loop3A_476 = vector.broadcast %parallel_loop3A_475 : i32 to vector<16xi32>
        %parallel_loop3A_477 = arith.andi %parallel_loop3A_462, %parallel_loop3A_476 : vector<16xi32>
        %parallel_loop3A_478 = tpu.bitcast %parallel_loop3A_477 : vector<16xi32> -> vector<16xf32>
        %parallel_loop3A_479 = arith.constant 1 : i32
        %parallel_loop3A_480 = arith.constant 0 : i32
        %parallel_loop3A_481 = arith.index_cast %parallel_loop3A_479 : i32 to index
        %parallel_loop3A_482 = arith.index_cast %parallel_loop3A_480 : i32 to index
        %parallel_loop3A_483 = arith.index_cast %parallel_loop3A_449 : i32 to index
        %parallel_loop3A_484 = tpu.vector_load %arg10[%parallel_loop3A_481, %parallel_loop3A_482, %parallel_loop3A_483] {strides = array<i32>} : memref<2x8x2048xf32, #tpu.memory_space<vmem>>, vector<1x1x16xf32>,
        %parallel_loop3A_485 = vector.shape_cast %parallel_loop3A_484 : vector<1x1x16xf32> to vector<16xf32>
        %parallel_loop3A_486 = arith.constant 16 : i32
        %parallel_loop3A_487 = arith.addi %parallel_loop3A_449, %parallel_loop3A_486 : i32
        %parallel_loop3A_488 = arith.constant 1 : i32
        %parallel_loop3A_489 = arith.constant 0 : i32
        %parallel_loop3A_490 = arith.index_cast %parallel_loop3A_488 : i32 to index
        %parallel_loop3A_491 = arith.index_cast %parallel_loop3A_489 : i32 to index
        %parallel_loop3A_492 = arith.index_cast %parallel_loop3A_487 : i32 to index
        %parallel_loop3A_493 = tpu.vector_load %arg10[%parallel_loop3A_490, %parallel_loop3A_491, %parallel_loop3A_492] {strides = array<i32>} : memref<2x8x2048xf32, #tpu.memory_space<vmem>>, vector<1x1x16xf32>,
        %parallel_loop3A_494 = vector.shape_cast %parallel_loop3A_493 : vector<1x1x16xf32> to vector<16xf32>
        %parallel_loop3A_495 = arith.constant 45.2548332 : f32
        %parallel_loop3A_496 = vector.broadcast %parallel_loop3A_495 : f32 to vector<16xf32>
        %parallel_loop3A_497 = arith.mulf %parallel_loop3A_485, %parallel_loop3A_496 : vector<16xf32>
        %parallel_loop3A_498 = arith.addf %parallel_loop3A_466, %parallel_loop3A_474 : vector<16xf32>
        %parallel_loop3A_499 = arith.addf %parallel_loop3A_497, %parallel_loop3A_498 : vector<16xf32>
        %parallel_loop3A_500 = arith.constant 1 : i32
        %parallel_loop3A_501 = arith.constant 0 : i32
        %parallel_loop3A_502 = arith.index_cast %parallel_loop3A_500 : i32 to index
        %parallel_loop3A_503 = arith.index_cast %parallel_loop3A_501 : i32 to index
        %parallel_loop3A_504 = arith.index_cast %parallel_loop3A_449 : i32 to index
        %parallel_loop3A_505 = tpu.vector_load %arg12[%parallel_loop3A_502, %parallel_loop3A_503, %parallel_loop3A_504] {strides = array<i32>} : memref<2x8x2048xf32, #tpu.memory_space<vmem>>, vector<1x1x16xf32>,
        %parallel_loop3A_506 = vector.shape_cast %parallel_loop3A_505 : vector<1x1x16xf32> to vector<16xf32>
        %parallel_loop3A_507 = vector.shape_cast %parallel_loop3A_499 : vector<16xf32> to vector<1x1x16xf32>
        tpu.vector_store %arg12[%parallel_loop3A_502, %parallel_loop3A_503, %parallel_loop3A_504], %parallel_loop3A_507 {strides = array<i32>} : memref<2x8x2048xf32, #tpu.memory_space<vmem>>, vector<1x1x16xf32>,
        %parallel_loop3A_508 = arith.constant 45.2548332 : f32
        %parallel_loop3A_509 = vector.broadcast %parallel_loop3A_508 : f32 to vector<16xf32>
        %parallel_loop3A_510 = arith.mulf %parallel_loop3A_494, %parallel_loop3A_509 : vector<16xf32>
        %parallel_loop3A_511 = arith.addf %parallel_loop3A_470, %parallel_loop3A_478 : vector<16xf32>
        %parallel_loop3A_512 = arith.addf %parallel_loop3A_510, %parallel_loop3A_511 : vector<16xf32>
        %parallel_loop3A_513 = arith.constant 16 : i32
        %parallel_loop3A_514 = arith.addi %parallel_loop3A_449, %parallel_loop3A_513 : i32
        %parallel_loop3A_515 = arith.constant 1 : i32
        %parallel_loop3A_516 = arith.constant 0 : i32
        %parallel_loop3A_517 = arith.index_cast %parallel_loop3A_515 : i32 to index
        %parallel_loop3A_518 = arith.index_cast %parallel_loop3A_516 : i32 to index
        %parallel_loop3A_519 = arith.index_cast %parallel_loop3A_514 : i32 to index
        %parallel_loop3A_520 = tpu.vector_load %arg12[%parallel_loop3A_517, %parallel_loop3A_518, %parallel_loop3A_519] {strides = array<i32>} : memref<2x8x2048xf32, #tpu.memory_space<vmem>>, vector<1x1x16xf32>,
        %parallel_loop3A_521 = vector.shape_cast %parallel_loop3A_520 : vector<1x1x16xf32> to vector<16xf32>
        %parallel_loop3A_522 = vector.shape_cast %parallel_loop3A_512 : vector<16xf32> to vector<1x1x16xf32>
        tpu.vector_store %arg12[%parallel_loop3A_517, %parallel_loop3A_518, %parallel_loop3A_519], %parallel_loop3A_522 {strides = array<i32>} : memref<2x8x2048xf32, #tpu.memory_space<vmem>>, vector<1x1x16xf32>,
        %parallel_loop3A_523 = arith.constant 1 : i32
        %parallel_loop3A_524 = arith.constant 1 : i32
        %parallel_loop3A_525 = arith.index_cast %parallel_loop3A_523 : i32 to index
        %parallel_loop3A_526 = arith.index_cast %parallel_loop3A_524 : i32 to index
        %parallel_loop3A_527 = arith.index_cast %parallel_loop3A_444 : i32 to index
        %parallel_loop3A_528 = tpu.vector_load %arg11[%parallel_loop3A_525, %parallel_loop3A_526, %parallel_loop3A_527] {strides = array<i32>} : memref<2x8x1024xi32, #tpu.memory_space<vmem>>, vector<1x1x16xi32>,
        %parallel_loop3A_529 = vector.shape_cast %parallel_loop3A_528 : vector<1x1x16xi32> to vector<16xi32>
        %parallel_loop3A_530 = arith.constant 1024 : i32
        %parallel_loop3A_531 = arith.addi %parallel_loop3A_530, %parallel_loop3A_444 : i32
        %parallel_loop3A_532 = arith.index_cast %rem3A_413 : i32 to index
        %parallel_loop3A_533 = arith.index_cast %parallel_loop3A_531 : i32 to index
        %parallel_loop3A_534 = tpu.vector_load %arg13[%parallel_loop3A_532, %parallel_loop3A_533] {strides = array<i32>} : memref<2x8192xi32, #tpu.memory_space<vmem>>, vector<1x16xi32>,
        %parallel_loop3A_535 = vector.shape_cast %parallel_loop3A_534 : vector<1x16xi32> to vector<16xi32>
        %parallel_loop3A_536 = arith.constant 16 : i32
        %parallel_loop3A_537 = vector.broadcast %parallel_loop3A_536 : i32 to vector<16xi32>
        %parallel_loop3A_538 = arith.shli %parallel_loop3A_529, %parallel_loop3A_537 : vector<16xi32>
        %parallel_loop3A_539 = tpu.bitcast %parallel_loop3A_538 : vector<16xi32> -> vector<16xf32>
        %parallel_loop3A_540 = arith.constant -65536 : i32
        %parallel_loop3A_541 = vector.broadcast %parallel_loop3A_540 : i32 to vector<16xi32>
        %parallel_loop3A_542 = arith.andi %parallel_loop3A_529, %parallel_loop3A_541 : vector<16xi32>
        %parallel_loop3A_543 = tpu.bitcast %parallel_loop3A_542 : vector<16xi32> -> vector<16xf32>
        %parallel_loop3A_544 = arith.constant 16 : i32
        %parallel_loop3A_545 = vector.broadcast %parallel_loop3A_544 : i32 to vector<16xi32>
        %parallel_loop3A_546 = arith.shli %parallel_loop3A_535, %parallel_loop3A_545 : vector<16xi32>
        %parallel_loop3A_547 = tpu.bitcast %parallel_loop3A_546 : vector<16xi32> -> vector<16xf32>
        %parallel_loop3A_548 = arith.constant -65536 : i32
        %parallel_loop3A_549 = vector.broadcast %parallel_loop3A_548 : i32 to vector<16xi32>
        %parallel_loop3A_550 = arith.andi %parallel_loop3A_535, %parallel_loop3A_549 : vector<16xi32>
        %parallel_loop3A_551 = tpu.bitcast %parallel_loop3A_550 : vector<16xi32> -> vector<16xf32>
        %parallel_loop3A_552 = arith.constant 1 : i32
        %parallel_loop3A_553 = arith.constant 1 : i32
        %parallel_loop3A_554 = arith.index_cast %parallel_loop3A_552 : i32 to index
        %parallel_loop3A_555 = arith.index_cast %parallel_loop3A_553 : i32 to index
        %parallel_loop3A_556 = arith.index_cast %parallel_loop3A_449 : i32 to index
        %parallel_loop3A_557 = tpu.vector_load %arg10[%parallel_loop3A_554, %parallel_loop3A_555, %parallel_loop3A_556] {strides = array<i32>} : memref<2x8x2048xf32, #tpu.memory_space<vmem>>, vector<1x1x16xf32>,
        %parallel_loop3A_558 = vector.shape_cast %parallel_loop3A_557 : vector<1x1x16xf32> to vector<16xf32>
        %parallel_loop3A_559 = arith.constant 16 : i32
        %parallel_loop3A_560 = arith.addi %parallel_loop3A_449, %parallel_loop3A_559 : i32
        %parallel_loop3A_561 = arith.constant 1 : i32
        %parallel_loop3A_562 = arith.constant 1 : i32
        %parallel_loop3A_563 = arith.index_cast %parallel_loop3A_561 : i32 to index
        %parallel_loop3A_564 = arith.index_cast %parallel_loop3A_562 : i32 to index
        %parallel_loop3A_565 = arith.index_cast %parallel_loop3A_560 : i32 to index
        %parallel_loop3A_566 = tpu.vector_load %arg10[%parallel_loop3A_563, %parallel_loop3A_564, %parallel_loop3A_565] {strides = array<i32>} : memref<2x8x2048xf32, #tpu.memory_space<vmem>>, vector<1x1x16xf32>,
        %parallel_loop3A_567 = vector.shape_cast %parallel_loop3A_566 : vector<1x1x16xf32> to vector<16xf32>
        %parallel_loop3A_568 = arith.constant 45.2548332 : f32
        %parallel_loop3A_569 = vector.broadcast %parallel_loop3A_568 : f32 to vector<16xf32>
        %parallel_loop3A_570 = arith.mulf %parallel_loop3A_558, %parallel_loop3A_569 : vector<16xf32>
        %parallel_loop3A_571 = arith.addf %parallel_loop3A_539, %parallel_loop3A_547 : vector<16xf32>
        %parallel_loop3A_572 = arith.addf %parallel_loop3A_570, %parallel_loop3A_571 : vector<16xf32>
        %parallel_loop3A_573 = arith.constant 1 : i32
        %parallel_loop3A_574 = arith.constant 1 : i32
        %parallel_loop3A_575 = arith.index_cast %parallel_loop3A_573 : i32 to index
        %parallel_loop3A_576 = arith.index_cast %parallel_loop3A_574 : i32 to index
        %parallel_loop3A_577 = arith.index_cast %parallel_loop3A_449 : i32 to index
        %parallel_loop3A_578 = tpu.vector_load %arg12[%parallel_loop3A_575, %parallel_loop3A_576, %parallel_loop3A_577] {strides = array<i32>} : memref<2x8x2048xf32, #tpu.memory_space<vmem>>, vector<1x1x16xf32>,
        %parallel_loop3A_579 = vector.shape_cast %parallel_loop3A_578 : vector<1x1x16xf32> to vector<16xf32>
        %parallel_loop3A_580 = vector.shape_cast %parallel_loop3A_572 : vector<16xf32> to vector<1x1x16xf32>
        tpu.vector_store %arg12[%parallel_loop3A_575, %parallel_loop3A_576, %parallel_loop3A_577], %parallel_loop3A_580 {strides = array<i32>} : memref<2x8x2048xf32, #tpu.memory_space<vmem>>, vector<1x1x16xf32>,
        %parallel_loop3A_581 = arith.constant 45.2548332 : f32
        %parallel_loop3A_582 = vector.broadcast %parallel_loop3A_581 : f32 to vector<16xf32>
        %parallel_loop3A_583 = arith.mulf %parallel_loop3A_567, %parallel_loop3A_582 : vector<16xf32>
        %parallel_loop3A_584 = arith.addf %parallel_loop3A_543, %parallel_loop3A_551 : vector<16xf32>
        %parallel_loop3A_585 = arith.addf %parallel_loop3A_583, %parallel_loop3A_584 : vector<16xf32>
        %parallel_loop3A_586 = arith.constant 16 : i32
        %parallel_loop3A_587 = arith.addi %parallel_loop3A_449, %parallel_loop3A_586 : i32
        %parallel_loop3A_588 = arith.constant 1 : i32
        %parallel_loop3A_589 = arith.constant 1 : i32
        %parallel_loop3A_590 = arith.index_cast %parallel_loop3A_588 : i32 to index
        %parallel_loop3A_591 = arith.index_cast %parallel_loop3A_589 : i32 to index
        %parallel_loop3A_592 = arith.index_cast %parallel_loop3A_587 : i32 to index
        %parallel_loop3A_593 = tpu.vector_load %arg12[%parallel_loop3A_590, %parallel_loop3A_591, %parallel_loop3A_592] {strides = array<i32>} : memref<2x8x2048xf32, #tpu.memory_space<vmem>>, vector<1x1x16xf32>,
        %parallel_loop3A_594 = vector.shape_cast %parallel_loop3A_593 : vector<1x1x16xf32> to vector<16xf32>
        %parallel_loop3A_595 = vector.shape_cast %parallel_loop3A_585 : vector<16xf32> to vector<1x1x16xf32>
        tpu.vector_store %arg12[%parallel_loop3A_590, %parallel_loop3A_591, %parallel_loop3A_592], %parallel_loop3A_595 {strides = array<i32>} : memref<2x8x2048xf32, #tpu.memory_space<vmem>>, vector<1x1x16xf32>,
        %parallel_loop3A_596 = arith.constant 1 : i32
        %parallel_loop3A_597 = arith.constant 2 : i32
        %parallel_loop3A_598 = arith.index_cast %parallel_loop3A_596 : i32 to index
        %parallel_loop3A_599 = arith.index_cast %parallel_loop3A_597 : i32 to index
        %parallel_loop3A_600 = arith.index_cast %parallel_loop3A_444 : i32 to index
        %parallel_loop3A_601 = tpu.vector_load %arg11[%parallel_loop3A_598, %parallel_loop3A_599, %parallel_loop3A_600] {strides = array<i32>} : memref<2x8x1024xi32, #tpu.memory_space<vmem>>, vector<1x1x16xi32>,
        %parallel_loop3A_602 = vector.shape_cast %parallel_loop3A_601 : vector<1x1x16xi32> to vector<16xi32>
        %parallel_loop3A_603 = arith.constant 2048 : i32
        %parallel_loop3A_604 = arith.addi %parallel_loop3A_603, %parallel_loop3A_444 : i32
        %parallel_loop3A_605 = arith.index_cast %rem3A_413 : i32 to index
        %parallel_loop3A_606 = arith.index_cast %parallel_loop3A_604 : i32 to index
        %parallel_loop3A_607 = tpu.vector_load %arg13[%parallel_loop3A_605, %parallel_loop3A_606] {strides = array<i32>} : memref<2x8192xi32, #tpu.memory_space<vmem>>, vector<1x16xi32>,
        %parallel_loop3A_608 = vector.shape_cast %parallel_loop3A_607 : vector<1x16xi32> to vector<16xi32>
        %parallel_loop3A_609 = arith.constant 16 : i32
        %parallel_loop3A_610 = vector.broadcast %parallel_loop3A_609 : i32 to vector<16xi32>
        %parallel_loop3A_611 = arith.shli %parallel_loop3A_602, %parallel_loop3A_610 : vector<16xi32>
        %parallel_loop3A_612 = tpu.bitcast %parallel_loop3A_611 : vector<16xi32> -> vector<16xf32>
        %parallel_loop3A_613 = arith.constant -65536 : i32
        %parallel_loop3A_614 = vector.broadcast %parallel_loop3A_613 : i32 to vector<16xi32>
        %parallel_loop3A_615 = arith.andi %parallel_loop3A_602, %parallel_loop3A_614 : vector<16xi32>
        %parallel_loop3A_616 = tpu.bitcast %parallel_loop3A_615 : vector<16xi32> -> vector<16xf32>
        %parallel_loop3A_617 = arith.constant 16 : i32
        %parallel_loop3A_618 = vector.broadcast %parallel_loop3A_617 : i32 to vector<16xi32>
        %parallel_loop3A_619 = arith.shli %parallel_loop3A_608, %parallel_loop3A_618 : vector<16xi32>
        %parallel_loop3A_620 = tpu.bitcast %parallel_loop3A_619 : vector<16xi32> -> vector<16xf32>
        %parallel_loop3A_621 = arith.constant -65536 : i32
        %parallel_loop3A_622 = vector.broadcast %parallel_loop3A_621 : i32 to vector<16xi32>
        %parallel_loop3A_623 = arith.andi %parallel_loop3A_608, %parallel_loop3A_622 : vector<16xi32>
        %parallel_loop3A_624 = tpu.bitcast %parallel_loop3A_623 : vector<16xi32> -> vector<16xf32>
        %parallel_loop3A_625 = arith.constant 1 : i32
        %parallel_loop3A_626 = arith.constant 2 : i32
        %parallel_loop3A_627 = arith.index_cast %parallel_loop3A_625 : i32 to index
        %parallel_loop3A_628 = arith.index_cast %parallel_loop3A_626 : i32 to index
        %parallel_loop3A_629 = arith.index_cast %parallel_loop3A_449 : i32 to index
        %parallel_loop3A_630 = tpu.vector_load %arg10[%parallel_loop3A_627, %parallel_loop3A_628, %parallel_loop3A_629] {strides = array<i32>} : memref<2x8x2048xf32, #tpu.memory_space<vmem>>, vector<1x1x16xf32>,
        %parallel_loop3A_631 = vector.shape_cast %parallel_loop3A_630 : vector<1x1x16xf32> to vector<16xf32>
        %parallel_loop3A_632 = arith.constant 16 : i32
        %parallel_loop3A_633 = arith.addi %parallel_loop3A_449, %parallel_loop3A_632 : i32
        %parallel_loop3A_634 = arith.constant 1 : i32
        %parallel_loop3A_635 = arith.constant 2 : i32
        %parallel_loop3A_636 = arith.index_cast %parallel_loop3A_634 : i32 to index
        %parallel_loop3A_637 = arith.index_cast %parallel_loop3A_635 : i32 to index
        %parallel_loop3A_638 = arith.index_cast %parallel_loop3A_633 : i32 to index
        %parallel_loop3A_639 = tpu.vector_load %arg10[%parallel_loop3A_636, %parallel_loop3A_637, %parallel_loop3A_638] {strides = array<i32>} : memref<2x8x2048xf32, #tpu.memory_space<vmem>>, vector<1x1x16xf32>,
        %parallel_loop3A_640 = vector.shape_cast %parallel_loop3A_639 : vector<1x1x16xf32> to vector<16xf32>
        %parallel_loop3A_641 = arith.constant 45.2548332 : f32
        %parallel_loop3A_642 = vector.broadcast %parallel_loop3A_641 : f32 to vector<16xf32>
        %parallel_loop3A_643 = arith.mulf %parallel_loop3A_631, %parallel_loop3A_642 : vector<16xf32>
        %parallel_loop3A_644 = arith.addf %parallel_loop3A_612, %parallel_loop3A_620 : vector<16xf32>
        %parallel_loop3A_645 = arith.addf %parallel_loop3A_643, %parallel_loop3A_644 : vector<16xf32>
        %parallel_loop3A_646 = arith.constant 1 : i32
        %parallel_loop3A_647 = arith.constant 2 : i32
        %parallel_loop3A_648 = arith.index_cast %parallel_loop3A_646 : i32 to index
        %parallel_loop3A_649 = arith.index_cast %parallel_loop3A_647 : i32 to index
        %parallel_loop3A_650 = arith.index_cast %parallel_loop3A_449 : i32 to index
        %parallel_loop3A_651 = tpu.vector_load %arg12[%parallel_loop3A_648, %parallel_loop3A_649, %parallel_loop3A_650] {strides = array<i32>} : memref<2x8x2048xf32, #tpu.memory_space<vmem>>, vector<1x1x16xf32>,
        %parallel_loop3A_652 = vector.shape_cast %parallel_loop3A_651 : vector<1x1x16xf32> to vector<16xf32>
        %parallel_loop3A_653 = vector.shape_cast %parallel_loop3A_645 : vector<16xf32> to vector<1x1x16xf32>
        tpu.vector_store %arg12[%parallel_loop3A_648, %parallel_loop3A_649, %parallel_loop3A_650], %parallel_loop3A_653 {strides = array<i32>} : memref<2x8x2048xf32, #tpu.memory_space<vmem>>, vector<1x1x16xf32>,
        %parallel_loop3A_654 = arith.constant 45.2548332 : f32
        %parallel_loop3A_655 = vector.broadcast %parallel_loop3A_654 : f32 to vector<16xf32>
        %parallel_loop3A_656 = arith.mulf %parallel_loop3A_640, %parallel_loop3A_655 : vector<16xf32>
        %parallel_loop3A_657 = arith.addf %parallel_loop3A_616, %parallel_loop3A_624 : vector<16xf32>
        %parallel_loop3A_658 = arith.addf %parallel_loop3A_656, %parallel_loop3A_657 : vector<16xf32>
        %parallel_loop3A_659 = arith.constant 16 : i32
        %parallel_loop3A_660 = arith.addi %parallel_loop3A_449, %parallel_loop3A_659 : i32
        %parallel_loop3A_661 = arith.constant 1 : i32
        %parallel_loop3A_662 = arith.constant 2 : i32
        %parallel_loop3A_663 = arith.index_cast %parallel_loop3A_661 : i32 to index
        %parallel_loop3A_664 = arith.index_cast %parallel_loop3A_662 : i32 to index
        %parallel_loop3A_665 = arith.index_cast %parallel_loop3A_660 : i32 to index
        %parallel_loop3A_666 = tpu.vector_load %arg12[%parallel_loop3A_663, %parallel_loop3A_664, %parallel_loop3A_665] {strides = array<i32>} : memref<2x8x2048xf32, #tpu.memory_space<vmem>>, vector<1x1x16xf32>,
        %parallel_loop3A_667 = vector.shape_cast %parallel_loop3A_666 : vector<1x1x16xf32> to vector<16xf32>
        %parallel_loop3A_668 = vector.shape_cast %parallel_loop3A_658 : vector<16xf32> to vector<1x1x16xf32>
        tpu.vector_store %arg12[%parallel_loop3A_663, %parallel_loop3A_664, %parallel_loop3A_665], %parallel_loop3A_668 {strides = array<i32>} : memref<2x8x2048xf32, #tpu.memory_space<vmem>>, vector<1x1x16xf32>,
        %parallel_loop3A_669 = arith.constant 1 : i32
        %parallel_loop3A_670 = arith.constant 3 : i32
        %parallel_loop3A_671 = arith.index_cast %parallel_loop3A_669 : i32 to index
        %parallel_loop3A_672 = arith.index_cast %parallel_loop3A_670 : i32 to index
        %parallel_loop3A_673 = arith.index_cast %parallel_loop3A_444 : i32 to index
        %parallel_loop3A_674 = tpu.vector_load %arg11[%parallel_loop3A_671, %parallel_loop3A_672, %parallel_loop3A_673] {strides = array<i32>} : memref<2x8x1024xi32, #tpu.memory_space<vmem>>, vector<1x1x16xi32>,
        %parallel_loop3A_675 = vector.shape_cast %parallel_loop3A_674 : vector<1x1x16xi32> to vector<16xi32>
        %parallel_loop3A_676 = arith.constant 3072 : i32
        %parallel_loop3A_677 = arith.addi %parallel_loop3A_676, %parallel_loop3A_444 : i32
        %parallel_loop3A_678 = arith.index_cast %rem3A_413 : i32 to index
        %parallel_loop3A_679 = arith.index_cast %parallel_loop3A_677 : i32 to index
        %parallel_loop3A_680 = tpu.vector_load %arg13[%parallel_loop3A_678, %parallel_loop3A_679] {strides = array<i32>} : memref<2x8192xi32, #tpu.memory_space<vmem>>, vector<1x16xi32>,
        %parallel_loop3A_681 = vector.shape_cast %parallel_loop3A_680 : vector<1x16xi32> to vector<16xi32>
        %parallel_loop3A_682 = arith.constant 16 : i32
        %parallel_loop3A_683 = vector.broadcast %parallel_loop3A_682 : i32 to vector<16xi32>
        %parallel_loop3A_684 = arith.shli %parallel_loop3A_675, %parallel_loop3A_683 : vector<16xi32>
        %parallel_loop3A_685 = tpu.bitcast %parallel_loop3A_684 : vector<16xi32> -> vector<16xf32>
        %parallel_loop3A_686 = arith.constant -65536 : i32
        %parallel_loop3A_687 = vector.broadcast %parallel_loop3A_686 : i32 to vector<16xi32>
        %parallel_loop3A_688 = arith.andi %parallel_loop3A_675, %parallel_loop3A_687 : vector<16xi32>
        %parallel_loop3A_689 = tpu.bitcast %parallel_loop3A_688 : vector<16xi32> -> vector<16xf32>
        %parallel_loop3A_690 = arith.constant 16 : i32
        %parallel_loop3A_691 = vector.broadcast %parallel_loop3A_690 : i32 to vector<16xi32>
        %parallel_loop3A_692 = arith.shli %parallel_loop3A_681, %parallel_loop3A_691 : vector<16xi32>
        %parallel_loop3A_693 = tpu.bitcast %parallel_loop3A_692 : vector<16xi32> -> vector<16xf32>
        %parallel_loop3A_694 = arith.constant -65536 : i32
        %parallel_loop3A_695 = vector.broadcast %parallel_loop3A_694 : i32 to vector<16xi32>
        %parallel_loop3A_696 = arith.andi %parallel_loop3A_681, %parallel_loop3A_695 : vector<16xi32>
        %parallel_loop3A_697 = tpu.bitcast %parallel_loop3A_696 : vector<16xi32> -> vector<16xf32>
        %parallel_loop3A_698 = arith.constant 1 : i32
        %parallel_loop3A_699 = arith.constant 3 : i32
        %parallel_loop3A_700 = arith.index_cast %parallel_loop3A_698 : i32 to index
        %parallel_loop3A_701 = arith.index_cast %parallel_loop3A_699 : i32 to index
        %parallel_loop3A_702 = arith.index_cast %parallel_loop3A_449 : i32 to index
        %parallel_loop3A_703 = tpu.vector_load %arg10[%parallel_loop3A_700, %parallel_loop3A_701, %parallel_loop3A_702] {strides = array<i32>} : memref<2x8x2048xf32, #tpu.memory_space<vmem>>, vector<1x1x16xf32>,
        %parallel_loop3A_704 = vector.shape_cast %parallel_loop3A_703 : vector<1x1x16xf32> to vector<16xf32>
        %parallel_loop3A_705 = arith.constant 16 : i32
        %parallel_loop3A_706 = arith.addi %parallel_loop3A_449, %parallel_loop3A_705 : i32
        %parallel_loop3A_707 = arith.constant 1 : i32
        %parallel_loop3A_708 = arith.constant 3 : i32
        %parallel_loop3A_709 = arith.index_cast %parallel_loop3A_707 : i32 to index
        %parallel_loop3A_710 = arith.index_cast %parallel_loop3A_708 : i32 to index
        %parallel_loop3A_711 = arith.index_cast %parallel_loop3A_706 : i32 to index
        %parallel_loop3A_712 = tpu.vector_load %arg10[%parallel_loop3A_709, %parallel_loop3A_710, %parallel_loop3A_711] {strides = array<i32>} : memref<2x8x2048xf32, #tpu.memory_space<vmem>>, vector<1x1x16xf32>,
        %parallel_loop3A_713 = vector.shape_cast %parallel_loop3A_712 : vector<1x1x16xf32> to vector<16xf32>
        %parallel_loop3A_714 = arith.constant 45.2548332 : f32
        %parallel_loop3A_715 = vector.broadcast %parallel_loop3A_714 : f32 to vector<16xf32>
        %parallel_loop3A_716 = arith.mulf %parallel_loop3A_704, %parallel_loop3A_715 : vector<16xf32>
        %parallel_loop3A_717 = arith.addf %parallel_loop3A_685, %parallel_loop3A_693 : vector<16xf32>
        %parallel_loop3A_718 = arith.addf %parallel_loop3A_716, %parallel_loop3A_717 : vector<16xf32>
        %parallel_loop3A_719 = arith.constant 1 : i32
        %parallel_loop3A_720 = arith.constant 3 : i32
        %parallel_loop3A_721 = arith.index_cast %parallel_loop3A_719 : i32 to index
        %parallel_loop3A_722 = arith.index_cast %parallel_loop3A_720 : i32 to index
        %parallel_loop3A_723 = arith.index_cast %parallel_loop3A_449 : i32 to index
        %parallel_loop3A_724 = tpu.vector_load %arg12[%parallel_loop3A_721, %parallel_loop3A_722, %parallel_loop3A_723] {strides = array<i32>} : memref<2x8x2048xf32, #tpu.memory_space<vmem>>, vector<1x1x16xf32>,
        %parallel_loop3A_725 = vector.shape_cast %parallel_loop3A_724 : vector<1x1x16xf32> to vector<16xf32>
        %parallel_loop3A_726 = vector.shape_cast %parallel_loop3A_718 : vector<16xf32> to vector<1x1x16xf32>
        tpu.vector_store %arg12[%parallel_loop3A_721, %parallel_loop3A_722, %parallel_loop3A_723], %parallel_loop3A_726 {strides = array<i32>} : memref<2x8x2048xf32, #tpu.memory_space<vmem>>, vector<1x1x16xf32>,
        %parallel_loop3A_727 = arith.constant 45.2548332 : f32
        %parallel_loop3A_728 = vector.broadcast %parallel_loop3A_727 : f32 to vector<16xf32>
        %parallel_loop3A_729 = arith.mulf %parallel_loop3A_713, %parallel_loop3A_728 : vector<16xf32>
        %parallel_loop3A_730 = arith.addf %parallel_loop3A_689, %parallel_loop3A_697 : vector<16xf32>
        %parallel_loop3A_731 = arith.addf %parallel_loop3A_729, %parallel_loop3A_730 : vector<16xf32>
        %parallel_loop3A_732 = arith.constant 16 : i32
        %parallel_loop3A_733 = arith.addi %parallel_loop3A_449, %parallel_loop3A_732 : i32
        %parallel_loop3A_734 = arith.constant 1 : i32
        %parallel_loop3A_735 = arith.constant 3 : i32
        %parallel_loop3A_736 = arith.index_cast %parallel_loop3A_734 : i32 to index
        %parallel_loop3A_737 = arith.index_cast %parallel_loop3A_735 : i32 to index
        %parallel_loop3A_738 = arith.index_cast %parallel_loop3A_733 : i32 to index
        %parallel_loop3A_739 = tpu.vector_load %arg12[%parallel_loop3A_736, %parallel_loop3A_737, %parallel_loop3A_738] {strides = array<i32>} : memref<2x8x2048xf32, #tpu.memory_space<vmem>>, vector<1x1x16xf32>,
        %parallel_loop3A_740 = vector.shape_cast %parallel_loop3A_739 : vector<1x1x16xf32> to vector<16xf32>
        %parallel_loop3A_741 = vector.shape_cast %parallel_loop3A_731 : vector<16xf32> to vector<1x1x16xf32>
        tpu.vector_store %arg12[%parallel_loop3A_736, %parallel_loop3A_737, %parallel_loop3A_738], %parallel_loop3A_741 {strides = array<i32>} : memref<2x8x2048xf32, #tpu.memory_space<vmem>>, vector<1x1x16xf32>,
        %parallel_loop3A_742 = arith.constant 1 : i32
        %parallel_loop3A_743 = arith.constant 4 : i32
        %parallel_loop3A_744 = arith.index_cast %parallel_loop3A_742 : i32 to index
        %parallel_loop3A_745 = arith.index_cast %parallel_loop3A_743 : i32 to index
        %parallel_loop3A_746 = arith.index_cast %parallel_loop3A_444 : i32 to index
        %parallel_loop3A_747 = tpu.vector_load %arg11[%parallel_loop3A_744, %parallel_loop3A_745, %parallel_loop3A_746] {strides = array<i32>} : memref<2x8x1024xi32, #tpu.memory_space<vmem>>, vector<1x1x16xi32>,
        %parallel_loop3A_748 = vector.shape_cast %parallel_loop3A_747 : vector<1x1x16xi32> to vector<16xi32>
        %parallel_loop3A_749 = arith.constant 4096 : i32
        %parallel_loop3A_750 = arith.addi %parallel_loop3A_749, %parallel_loop3A_444 : i32
        %parallel_loop3A_751 = arith.index_cast %rem3A_413 : i32 to index
        %parallel_loop3A_752 = arith.index_cast %parallel_loop3A_750 : i32 to index
        %parallel_loop3A_753 = tpu.vector_load %arg13[%parallel_loop3A_751, %parallel_loop3A_752] {strides = array<i32>} : memref<2x8192xi32, #tpu.memory_space<vmem>>, vector<1x16xi32>,
        %parallel_loop3A_754 = vector.shape_cast %parallel_loop3A_753 : vector<1x16xi32> to vector<16xi32>
        %parallel_loop3A_755 = arith.constant 16 : i32
        %parallel_loop3A_756 = vector.broadcast %parallel_loop3A_755 : i32 to vector<16xi32>
        %parallel_loop3A_757 = arith.shli %parallel_loop3A_748, %parallel_loop3A_756 : vector<16xi32>
        %parallel_loop3A_758 = tpu.bitcast %parallel_loop3A_757 : vector<16xi32> -> vector<16xf32>
        %parallel_loop3A_759 = arith.constant -65536 : i32
        %parallel_loop3A_760 = vector.broadcast %parallel_loop3A_759 : i32 to vector<16xi32>
        %parallel_loop3A_761 = arith.andi %parallel_loop3A_748, %parallel_loop3A_760 : vector<16xi32>
        %parallel_loop3A_762 = tpu.bitcast %parallel_loop3A_761 : vector<16xi32> -> vector<16xf32>
        %parallel_loop3A_763 = arith.constant 16 : i32
        %parallel_loop3A_764 = vector.broadcast %parallel_loop3A_763 : i32 to vector<16xi32>
        %parallel_loop3A_765 = arith.shli %parallel_loop3A_754, %parallel_loop3A_764 : vector<16xi32>
        %parallel_loop3A_766 = tpu.bitcast %parallel_loop3A_765 : vector<16xi32> -> vector<16xf32>
        %parallel_loop3A_767 = arith.constant -65536 : i32
        %parallel_loop3A_768 = vector.broadcast %parallel_loop3A_767 : i32 to vector<16xi32>
        %parallel_loop3A_769 = arith.andi %parallel_loop3A_754, %parallel_loop3A_768 : vector<16xi32>
        %parallel_loop3A_770 = tpu.bitcast %parallel_loop3A_769 : vector<16xi32> -> vector<16xf32>
        %parallel_loop3A_771 = arith.constant 1 : i32
        %parallel_loop3A_772 = arith.constant 4 : i32
        %parallel_loop3A_773 = arith.index_cast %parallel_loop3A_771 : i32 to index
        %parallel_loop3A_774 = arith.index_cast %parallel_loop3A_772 : i32 to index
        %parallel_loop3A_775 = arith.index_cast %parallel_loop3A_449 : i32 to index
        %parallel_loop3A_776 = tpu.vector_load %arg10[%parallel_loop3A_773, %parallel_loop3A_774, %parallel_loop3A_775] {strides = array<i32>} : memref<2x8x2048xf32, #tpu.memory_space<vmem>>, vector<1x1x16xf32>,
        %parallel_loop3A_777 = vector.shape_cast %parallel_loop3A_776 : vector<1x1x16xf32> to vector<16xf32>
        %parallel_loop3A_778 = arith.constant 16 : i32
        %parallel_loop3A_779 = arith.addi %parallel_loop3A_449, %parallel_loop3A_778 : i32
        %parallel_loop3A_780 = arith.constant 1 : i32
        %parallel_loop3A_781 = arith.constant 4 : i32
        %parallel_loop3A_782 = arith.index_cast %parallel_loop3A_780 : i32 to index
        %parallel_loop3A_783 = arith.index_cast %parallel_loop3A_781 : i32 to index
        %parallel_loop3A_784 = arith.index_cast %parallel_loop3A_779 : i32 to index
        %parallel_loop3A_785 = tpu.vector_load %arg10[%parallel_loop3A_782, %parallel_loop3A_783, %parallel_loop3A_784] {strides = array<i32>} : memref<2x8x2048xf32, #tpu.memory_space<vmem>>, vector<1x1x16xf32>,
        %parallel_loop3A_786 = vector.shape_cast %parallel_loop3A_785 : vector<1x1x16xf32> to vector<16xf32>
        %parallel_loop3A_787 = arith.constant 45.2548332 : f32
        %parallel_loop3A_788 = vector.broadcast %parallel_loop3A_787 : f32 to vector<16xf32>
        %parallel_loop3A_789 = arith.mulf %parallel_loop3A_777, %parallel_loop3A_788 : vector<16xf32>
        %parallel_loop3A_790 = arith.addf %parallel_loop3A_758, %parallel_loop3A_766 : vector<16xf32>
        %parallel_loop3A_791 = arith.addf %parallel_loop3A_789, %parallel_loop3A_790 : vector<16xf32>
        %parallel_loop3A_792 = arith.constant 1 : i32
        %parallel_loop3A_793 = arith.constant 4 : i32
        %parallel_loop3A_794 = arith.index_cast %parallel_loop3A_792 : i32 to index
        %parallel_loop3A_795 = arith.index_cast %parallel_loop3A_793 : i32 to index
        %parallel_loop3A_796 = arith.index_cast %parallel_loop3A_449 : i32 to index
        %parallel_loop3A_797 = tpu.vector_load %arg12[%parallel_loop3A_794, %parallel_loop3A_795, %parallel_loop3A_796] {strides = array<i32>} : memref<2x8x2048xf32, #tpu.memory_space<vmem>>, vector<1x1x16xf32>,
        %parallel_loop3A_798 = vector.shape_cast %parallel_loop3A_797 : vector<1x1x16xf32> to vector<16xf32>
        %parallel_loop3A_799 = vector.shape_cast %parallel_loop3A_791 : vector<16xf32> to vector<1x1x16xf32>
        tpu.vector_store %arg12[%parallel_loop3A_794, %parallel_loop3A_795, %parallel_loop3A_796], %parallel_loop3A_799 {strides = array<i32>} : memref<2x8x2048xf32, #tpu.memory_space<vmem>>, vector<1x1x16xf32>,
        %parallel_loop3A_800 = arith.constant 45.2548332 : f32
        %parallel_loop3A_801 = vector.broadcast %parallel_loop3A_800 : f32 to vector<16xf32>
        %parallel_loop3A_802 = arith.mulf %parallel_loop3A_786, %parallel_loop3A_801 : vector<16xf32>
        %parallel_loop3A_803 = arith.addf %parallel_loop3A_762, %parallel_loop3A_770 : vector<16xf32>
        %parallel_loop3A_804 = arith.addf %parallel_loop3A_802, %parallel_loop3A_803 : vector<16xf32>
        %parallel_loop3A_805 = arith.constant 16 : i32
        %parallel_loop3A_806 = arith.addi %parallel_loop3A_449, %parallel_loop3A_805 : i32
        %parallel_loop3A_807 = arith.constant 1 : i32
        %parallel_loop3A_808 = arith.constant 4 : i32
        %parallel_loop3A_809 = arith.index_cast %parallel_loop3A_807 : i32 to index
        %parallel_loop3A_810 = arith.index_cast %parallel_loop3A_808 : i32 to index
        %parallel_loop3A_811 = arith.index_cast %parallel_loop3A_806 : i32 to index
        %parallel_loop3A_812 = tpu.vector_load %arg12[%parallel_loop3A_809, %parallel_loop3A_810, %parallel_loop3A_811] {strides = array<i32>} : memref<2x8x2048xf32, #tpu.memory_space<vmem>>, vector<1x1x16xf32>,
        %parallel_loop3A_813 = vector.shape_cast %parallel_loop3A_812 : vector<1x1x16xf32> to vector<16xf32>
        %parallel_loop3A_814 = vector.shape_cast %parallel_loop3A_804 : vector<16xf32> to vector<1x1x16xf32>
        tpu.vector_store %arg12[%parallel_loop3A_809, %parallel_loop3A_810, %parallel_loop3A_811], %parallel_loop3A_814 {strides = array<i32>} : memref<2x8x2048xf32, #tpu.memory_space<vmem>>, vector<1x1x16xf32>,
        %parallel_loop3A_815 = arith.constant 1 : i32
        %parallel_loop3A_816 = arith.constant 5 : i32
        %parallel_loop3A_817 = arith.index_cast %parallel_loop3A_815 : i32 to index
        %parallel_loop3A_818 = arith.index_cast %parallel_loop3A_816 : i32 to index
        %parallel_loop3A_819 = arith.index_cast %parallel_loop3A_444 : i32 to index
        %parallel_loop3A_820 = tpu.vector_load %arg11[%parallel_loop3A_817, %parallel_loop3A_818, %parallel_loop3A_819] {strides = array<i32>} : memref<2x8x1024xi32, #tpu.memory_space<vmem>>, vector<1x1x16xi32>,
        %parallel_loop3A_821 = vector.shape_cast %parallel_loop3A_820 : vector<1x1x16xi32> to vector<16xi32>
        %parallel_loop3A_822 = arith.constant 5120 : i32
        %parallel_loop3A_823 = arith.addi %parallel_loop3A_822, %parallel_loop3A_444 : i32
        %parallel_loop3A_824 = arith.index_cast %rem3A_413 : i32 to index
        %parallel_loop3A_825 = arith.index_cast %parallel_loop3A_823 : i32 to index
        %parallel_loop3A_826 = tpu.vector_load %arg13[%parallel_loop3A_824, %parallel_loop3A_825] {strides = array<i32>} : memref<2x8192xi32, #tpu.memory_space<vmem>>, vector<1x16xi32>,
        %parallel_loop3A_827 = vector.shape_cast %parallel_loop3A_826 : vector<1x16xi32> to vector<16xi32>
        %parallel_loop3A_828 = arith.constant 16 : i32
        %parallel_loop3A_829 = vector.broadcast %parallel_loop3A_828 : i32 to vector<16xi32>
        %parallel_loop3A_830 = arith.shli %parallel_loop3A_821, %parallel_loop3A_829 : vector<16xi32>
        %parallel_loop3A_831 = tpu.bitcast %parallel_loop3A_830 : vector<16xi32> -> vector<16xf32>
        %parallel_loop3A_832 = arith.constant -65536 : i32
        %parallel_loop3A_833 = vector.broadcast %parallel_loop3A_832 : i32 to vector<16xi32>
        %parallel_loop3A_834 = arith.andi %parallel_loop3A_821, %parallel_loop3A_833 : vector<16xi32>
        %parallel_loop3A_835 = tpu.bitcast %parallel_loop3A_834 : vector<16xi32> -> vector<16xf32>
        %parallel_loop3A_836 = arith.constant 16 : i32
        %parallel_loop3A_837 = vector.broadcast %parallel_loop3A_836 : i32 to vector<16xi32>
        %parallel_loop3A_838 = arith.shli %parallel_loop3A_827, %parallel_loop3A_837 : vector<16xi32>
        %parallel_loop3A_839 = tpu.bitcast %parallel_loop3A_838 : vector<16xi32> -> vector<16xf32>
        %parallel_loop3A_840 = arith.constant -65536 : i32
        %parallel_loop3A_841 = vector.broadcast %parallel_loop3A_840 : i32 to vector<16xi32>
        %parallel_loop3A_842 = arith.andi %parallel_loop3A_827, %parallel_loop3A_841 : vector<16xi32>
        %parallel_loop3A_843 = tpu.bitcast %parallel_loop3A_842 : vector<16xi32> -> vector<16xf32>
        %parallel_loop3A_844 = arith.constant 1 : i32
        %parallel_loop3A_845 = arith.constant 5 : i32
        %parallel_loop3A_846 = arith.index_cast %parallel_loop3A_844 : i32 to index
        %parallel_loop3A_847 = arith.index_cast %parallel_loop3A_845 : i32 to index
        %parallel_loop3A_848 = arith.index_cast %parallel_loop3A_449 : i32 to index
        %parallel_loop3A_849 = tpu.vector_load %arg10[%parallel_loop3A_846, %parallel_loop3A_847, %parallel_loop3A_848] {strides = array<i32>} : memref<2x8x2048xf32, #tpu.memory_space<vmem>>, vector<1x1x16xf32>,
        %parallel_loop3A_850 = vector.shape_cast %parallel_loop3A_849 : vector<1x1x16xf32> to vector<16xf32>
        %parallel_loop3A_851 = arith.constant 16 : i32
        %parallel_loop3A_852 = arith.addi %parallel_loop3A_449, %parallel_loop3A_851 : i32
        %parallel_loop3A_853 = arith.constant 1 : i32
        %parallel_loop3A_854 = arith.constant 5 : i32
        %parallel_loop3A_855 = arith.index_cast %parallel_loop3A_853 : i32 to index
        %parallel_loop3A_856 = arith.index_cast %parallel_loop3A_854 : i32 to index
        %parallel_loop3A_857 = arith.index_cast %parallel_loop3A_852 : i32 to index
        %parallel_loop3A_858 = tpu.vector_load %arg10[%parallel_loop3A_855, %parallel_loop3A_856, %parallel_loop3A_857] {strides = array<i32>} : memref<2x8x2048xf32, #tpu.memory_space<vmem>>, vector<1x1x16xf32>,
        %parallel_loop3A_859 = vector.shape_cast %parallel_loop3A_858 : vector<1x1x16xf32> to vector<16xf32>
        %parallel_loop3A_860 = arith.constant 45.2548332 : f32
        %parallel_loop3A_861 = vector.broadcast %parallel_loop3A_860 : f32 to vector<16xf32>
        %parallel_loop3A_862 = arith.mulf %parallel_loop3A_850, %parallel_loop3A_861 : vector<16xf32>
        %parallel_loop3A_863 = arith.addf %parallel_loop3A_831, %parallel_loop3A_839 : vector<16xf32>
        %parallel_loop3A_864 = arith.addf %parallel_loop3A_862, %parallel_loop3A_863 : vector<16xf32>
        %parallel_loop3A_865 = arith.constant 1 : i32
        %parallel_loop3A_866 = arith.constant 5 : i32
        %parallel_loop3A_867 = arith.index_cast %parallel_loop3A_865 : i32 to index
        %parallel_loop3A_868 = arith.index_cast %parallel_loop3A_866 : i32 to index
        %parallel_loop3A_869 = arith.index_cast %parallel_loop3A_449 : i32 to index
        %parallel_loop3A_870 = tpu.vector_load %arg12[%parallel_loop3A_867, %parallel_loop3A_868, %parallel_loop3A_869] {strides = array<i32>} : memref<2x8x2048xf32, #tpu.memory_space<vmem>>, vector<1x1x16xf32>,
        %parallel_loop3A_871 = vector.shape_cast %parallel_loop3A_870 : vector<1x1x16xf32> to vector<16xf32>
        %parallel_loop3A_872 = vector.shape_cast %parallel_loop3A_864 : vector<16xf32> to vector<1x1x16xf32>
        tpu.vector_store %arg12[%parallel_loop3A_867, %parallel_loop3A_868, %parallel_loop3A_869], %parallel_loop3A_872 {strides = array<i32>} : memref<2x8x2048xf32, #tpu.memory_space<vmem>>, vector<1x1x16xf32>,
        %parallel_loop3A_873 = arith.constant 45.2548332 : f32
        %parallel_loop3A_874 = vector.broadcast %parallel_loop3A_873 : f32 to vector<16xf32>
        %parallel_loop3A_875 = arith.mulf %parallel_loop3A_859, %parallel_loop3A_874 : vector<16xf32>
        %parallel_loop3A_876 = arith.addf %parallel_loop3A_835, %parallel_loop3A_843 : vector<16xf32>
        %parallel_loop3A_877 = arith.addf %parallel_loop3A_875, %parallel_loop3A_876 : vector<16xf32>
        %parallel_loop3A_878 = arith.constant 16 : i32
        %parallel_loop3A_879 = arith.addi %parallel_loop3A_449, %parallel_loop3A_878 : i32
        %parallel_loop3A_880 = arith.constant 1 : i32
        %parallel_loop3A_881 = arith.constant 5 : i32
        %parallel_loop3A_882 = arith.index_cast %parallel_loop3A_880 : i32 to index
        %parallel_loop3A_883 = arith.index_cast %parallel_loop3A_881 : i32 to index
        %parallel_loop3A_884 = arith.index_cast %parallel_loop3A_879 : i32 to index
        %parallel_loop3A_885 = tpu.vector_load %arg12[%parallel_loop3A_882, %parallel_loop3A_883, %parallel_loop3A_884] {strides = array<i32>} : memref<2x8x2048xf32, #tpu.memory_space<vmem>>, vector<1x1x16xf32>,
        %parallel_loop3A_886 = vector.shape_cast %parallel_loop3A_885 : vector<1x1x16xf32> to vector<16xf32>
        %parallel_loop3A_887 = vector.shape_cast %parallel_loop3A_877 : vector<16xf32> to vector<1x1x16xf32>
        tpu.vector_store %arg12[%parallel_loop3A_882, %parallel_loop3A_883, %parallel_loop3A_884], %parallel_loop3A_887 {strides = array<i32>} : memref<2x8x2048xf32, #tpu.memory_space<vmem>>, vector<1x1x16xf32>,
        %parallel_loop3A_888 = arith.constant 1 : i32
        %parallel_loop3A_889 = arith.constant 6 : i32
        %parallel_loop3A_890 = arith.index_cast %parallel_loop3A_888 : i32 to index
        %parallel_loop3A_891 = arith.index_cast %parallel_loop3A_889 : i32 to index
        %parallel_loop3A_892 = arith.index_cast %parallel_loop3A_444 : i32 to index
        %parallel_loop3A_893 = tpu.vector_load %arg11[%parallel_loop3A_890, %parallel_loop3A_891, %parallel_loop3A_892] {strides = array<i32>} : memref<2x8x1024xi32, #tpu.memory_space<vmem>>, vector<1x1x16xi32>,
        %parallel_loop3A_894 = vector.shape_cast %parallel_loop3A_893 : vector<1x1x16xi32> to vector<16xi32>
        %parallel_loop3A_895 = arith.constant 6144 : i32
        %parallel_loop3A_896 = arith.addi %parallel_loop3A_895, %parallel_loop3A_444 : i32
        %parallel_loop3A_897 = arith.index_cast %rem3A_413 : i32 to index
        %parallel_loop3A_898 = arith.index_cast %parallel_loop3A_896 : i32 to index
        %parallel_loop3A_899 = tpu.vector_load %arg13[%parallel_loop3A_897, %parallel_loop3A_898] {strides = array<i32>} : memref<2x8192xi32, #tpu.memory_space<vmem>>, vector<1x16xi32>,
        %parallel_loop3A_900 = vector.shape_cast %parallel_loop3A_899 : vector<1x16xi32> to vector<16xi32>
        %parallel_loop3A_901 = arith.constant 16 : i32
        %parallel_loop3A_902 = vector.broadcast %parallel_loop3A_901 : i32 to vector<16xi32>
        %parallel_loop3A_903 = arith.shli %parallel_loop3A_894, %parallel_loop3A_902 : vector<16xi32>
        %parallel_loop3A_904 = tpu.bitcast %parallel_loop3A_903 : vector<16xi32> -> vector<16xf32>
        %parallel_loop3A_905 = arith.constant -65536 : i32
        %parallel_loop3A_906 = vector.broadcast %parallel_loop3A_905 : i32 to vector<16xi32>
        %parallel_loop3A_907 = arith.andi %parallel_loop3A_894, %parallel_loop3A_906 : vector<16xi32>
        %parallel_loop3A_908 = tpu.bitcast %parallel_loop3A_907 : vector<16xi32> -> vector<16xf32>
        %parallel_loop3A_909 = arith.constant 16 : i32
        %parallel_loop3A_910 = vector.broadcast %parallel_loop3A_909 : i32 to vector<16xi32>
        %parallel_loop3A_911 = arith.shli %parallel_loop3A_900, %parallel_loop3A_910 : vector<16xi32>
        %parallel_loop3A_912 = tpu.bitcast %parallel_loop3A_911 : vector<16xi32> -> vector<16xf32>
        %parallel_loop3A_913 = arith.constant -65536 : i32
        %parallel_loop3A_914 = vector.broadcast %parallel_loop3A_913 : i32 to vector<16xi32>
        %parallel_loop3A_915 = arith.andi %parallel_loop3A_900, %parallel_loop3A_914 : vector<16xi32>
        %parallel_loop3A_916 = tpu.bitcast %parallel_loop3A_915 : vector<16xi32> -> vector<16xf32>
        %parallel_loop3A_917 = arith.constant 1 : i32
        %parallel_loop3A_918 = arith.constant 6 : i32
        %parallel_loop3A_919 = arith.index_cast %parallel_loop3A_917 : i32 to index
        %parallel_loop3A_920 = arith.index_cast %parallel_loop3A_918 : i32 to index
        %parallel_loop3A_921 = arith.index_cast %parallel_loop3A_449 : i32 to index
        %parallel_loop3A_922 = tpu.vector_load %arg10[%parallel_loop3A_919, %parallel_loop3A_920, %parallel_loop3A_921] {strides = array<i32>} : memref<2x8x2048xf32, #tpu.memory_space<vmem>>, vector<1x1x16xf32>,
        %parallel_loop3A_923 = vector.shape_cast %parallel_loop3A_922 : vector<1x1x16xf32> to vector<16xf32>
        %parallel_loop3A_924 = arith.constant 16 : i32
        %parallel_loop3A_925 = arith.addi %parallel_loop3A_449, %parallel_loop3A_924 : i32
        %parallel_loop3A_926 = arith.constant 1 : i32
        %parallel_loop3A_927 = arith.constant 6 : i32
        %parallel_loop3A_928 = arith.index_cast %parallel_loop3A_926 : i32 to index
        %parallel_loop3A_929 = arith.index_cast %parallel_loop3A_927 : i32 to index
        %parallel_loop3A_930 = arith.index_cast %parallel_loop3A_925 : i32 to index
        %parallel_loop3A_931 = tpu.vector_load %arg10[%parallel_loop3A_928, %parallel_loop3A_929, %parallel_loop3A_930] {strides = array<i32>} : memref<2x8x2048xf32, #tpu.memory_space<vmem>>, vector<1x1x16xf32>,
        %parallel_loop3A_932 = vector.shape_cast %parallel_loop3A_931 : vector<1x1x16xf32> to vector<16xf32>
        %parallel_loop3A_933 = arith.constant 45.2548332 : f32
        %parallel_loop3A_934 = vector.broadcast %parallel_loop3A_933 : f32 to vector<16xf32>
        %parallel_loop3A_935 = arith.mulf %parallel_loop3A_923, %parallel_loop3A_934 : vector<16xf32>
        %parallel_loop3A_936 = arith.addf %parallel_loop3A_904, %parallel_loop3A_912 : vector<16xf32>
        %parallel_loop3A_937 = arith.addf %parallel_loop3A_935, %parallel_loop3A_936 : vector<16xf32>
        %parallel_loop3A_938 = arith.constant 1 : i32
        %parallel_loop3A_939 = arith.constant 6 : i32
        %parallel_loop3A_940 = arith.index_cast %parallel_loop3A_938 : i32 to index
        %parallel_loop3A_941 = arith.index_cast %parallel_loop3A_939 : i32 to index
        %parallel_loop3A_942 = arith.index_cast %parallel_loop3A_449 : i32 to index
        %parallel_loop3A_943 = tpu.vector_load %arg12[%parallel_loop3A_940, %parallel_loop3A_941, %parallel_loop3A_942] {strides = array<i32>} : memref<2x8x2048xf32, #tpu.memory_space<vmem>>, vector<1x1x16xf32>,
        %parallel_loop3A_944 = vector.shape_cast %parallel_loop3A_943 : vector<1x1x16xf32> to vector<16xf32>
        %parallel_loop3A_945 = vector.shape_cast %parallel_loop3A_937 : vector<16xf32> to vector<1x1x16xf32>
        tpu.vector_store %arg12[%parallel_loop3A_940, %parallel_loop3A_941, %parallel_loop3A_942], %parallel_loop3A_945 {strides = array<i32>} : memref<2x8x2048xf32, #tpu.memory_space<vmem>>, vector<1x1x16xf32>,
        %parallel_loop3A_946 = arith.constant 45.2548332 : f32
        %parallel_loop3A_947 = vector.broadcast %parallel_loop3A_946 : f32 to vector<16xf32>
        %parallel_loop3A_948 = arith.mulf %parallel_loop3A_932, %parallel_loop3A_947 : vector<16xf32>
        %parallel_loop3A_949 = arith.addf %parallel_loop3A_908, %parallel_loop3A_916 : vector<16xf32>
        %parallel_loop3A_950 = arith.addf %parallel_loop3A_948, %parallel_loop3A_949 : vector<16xf32>
        %parallel_loop3A_951 = arith.constant 16 : i32
        %parallel_loop3A_952 = arith.addi %parallel_loop3A_449, %parallel_loop3A_951 : i32
        %parallel_loop3A_953 = arith.constant 1 : i32
        %parallel_loop3A_954 = arith.constant 6 : i32
        %parallel_loop3A_955 = arith.index_cast %parallel_loop3A_953 : i32 to index
        %parallel_loop3A_956 = arith.index_cast %parallel_loop3A_954 : i32 to index
        %parallel_loop3A_957 = arith.index_cast %parallel_loop3A_952 : i32 to index
        %parallel_loop3A_958 = tpu.vector_load %arg12[%parallel_loop3A_955, %parallel_loop3A_956, %parallel_loop3A_957] {strides = array<i32>} : memref<2x8x2048xf32, #tpu.memory_space<vmem>>, vector<1x1x16xf32>,
        %parallel_loop3A_959 = vector.shape_cast %parallel_loop3A_958 : vector<1x1x16xf32> to vector<16xf32>
        %parallel_loop3A_960 = vector.shape_cast %parallel_loop3A_950 : vector<16xf32> to vector<1x1x16xf32>
        tpu.vector_store %arg12[%parallel_loop3A_955, %parallel_loop3A_956, %parallel_loop3A_957], %parallel_loop3A_960 {strides = array<i32>} : memref<2x8x2048xf32, #tpu.memory_space<vmem>>, vector<1x1x16xf32>,
        %parallel_loop3A_961 = arith.constant 1 : i32
        %parallel_loop3A_962 = arith.constant 7 : i32
        %parallel_loop3A_963 = arith.index_cast %parallel_loop3A_961 : i32 to index
        %parallel_loop3A_964 = arith.index_cast %parallel_loop3A_962 : i32 to index
        %parallel_loop3A_965 = arith.index_cast %parallel_loop3A_444 : i32 to index
        %parallel_loop3A_966 = tpu.vector_load %arg11[%parallel_loop3A_963, %parallel_loop3A_964, %parallel_loop3A_965] {strides = array<i32>} : memref<2x8x1024xi32, #tpu.memory_space<vmem>>, vector<1x1x16xi32>,
        %parallel_loop3A_967 = vector.shape_cast %parallel_loop3A_966 : vector<1x1x16xi32> to vector<16xi32>
        %parallel_loop3A_968 = arith.constant 7168 : i32
        %parallel_loop3A_969 = arith.addi %parallel_loop3A_968, %parallel_loop3A_444 : i32
        %parallel_loop3A_970 = arith.index_cast %rem3A_413 : i32 to index
        %parallel_loop3A_971 = arith.index_cast %parallel_loop3A_969 : i32 to index
        %parallel_loop3A_972 = tpu.vector_load %arg13[%parallel_loop3A_970, %parallel_loop3A_971] {strides = array<i32>} : memref<2x8192xi32, #tpu.memory_space<vmem>>, vector<1x16xi32>,
        %parallel_loop3A_973 = vector.shape_cast %parallel_loop3A_972 : vector<1x16xi32> to vector<16xi32>
        %parallel_loop3A_974 = arith.constant 16 : i32
        %parallel_loop3A_975 = vector.broadcast %parallel_loop3A_974 : i32 to vector<16xi32>
        %parallel_loop3A_976 = arith.shli %parallel_loop3A_967, %parallel_loop3A_975 : vector<16xi32>
        %parallel_loop3A_977 = tpu.bitcast %parallel_loop3A_976 : vector<16xi32> -> vector<16xf32>
        %parallel_loop3A_978 = arith.constant -65536 : i32
        %parallel_loop3A_979 = vector.broadcast %parallel_loop3A_978 : i32 to vector<16xi32>
        %parallel_loop3A_980 = arith.andi %parallel_loop3A_967, %parallel_loop3A_979 : vector<16xi32>
        %parallel_loop3A_981 = tpu.bitcast %parallel_loop3A_980 : vector<16xi32> -> vector<16xf32>
        %parallel_loop3A_982 = arith.constant 16 : i32
        %parallel_loop3A_983 = vector.broadcast %parallel_loop3A_982 : i32 to vector<16xi32>
        %parallel_loop3A_984 = arith.shli %parallel_loop3A_973, %parallel_loop3A_983 : vector<16xi32>
        %parallel_loop3A_985 = tpu.bitcast %parallel_loop3A_984 : vector<16xi32> -> vector<16xf32>
        %parallel_loop3A_986 = arith.constant -65536 : i32
        %parallel_loop3A_987 = vector.broadcast %parallel_loop3A_986 : i32 to vector<16xi32>
        %parallel_loop3A_988 = arith.andi %parallel_loop3A_973, %parallel_loop3A_987 : vector<16xi32>
        %parallel_loop3A_989 = tpu.bitcast %parallel_loop3A_988 : vector<16xi32> -> vector<16xf32>
        %parallel_loop3A_990 = arith.constant 1 : i32
        %parallel_loop3A_991 = arith.constant 7 : i32
        %parallel_loop3A_992 = arith.index_cast %parallel_loop3A_990 : i32 to index
        %parallel_loop3A_993 = arith.index_cast %parallel_loop3A_991 : i32 to index
        %parallel_loop3A_994 = arith.index_cast %parallel_loop3A_449 : i32 to index
        %parallel_loop3A_995 = tpu.vector_load %arg10[%parallel_loop3A_992, %parallel_loop3A_993, %parallel_loop3A_994] {strides = array<i32>} : memref<2x8x2048xf32, #tpu.memory_space<vmem>>, vector<1x1x16xf32>,
        %parallel_loop3A_996 = vector.shape_cast %parallel_loop3A_995 : vector<1x1x16xf32> to vector<16xf32>
        %parallel_loop3A_997 = arith.constant 16 : i32
        %parallel_loop3A_998 = arith.addi %parallel_loop3A_449, %parallel_loop3A_997 : i32
        %parallel_loop3A_999 = arith.constant 1 : i32
        %parallel_loop3A_1000 = arith.constant 7 : i32
        %parallel_loop3A_1001 = arith.index_cast %parallel_loop3A_999 : i32 to index
        %parallel_loop3A_1002 = arith.index_cast %parallel_loop3A_1000 : i32 to index
        %parallel_loop3A_1003 = arith.index_cast %parallel_loop3A_998 : i32 to index
        %parallel_loop3A_1004 = tpu.vector_load %arg10[%parallel_loop3A_1001, %parallel_loop3A_1002, %parallel_loop3A_1003] {strides = array<i32>} : memref<2x8x2048xf32, #tpu.memory_space<vmem>>, vector<1x1x16xf32>,
        %parallel_loop3A_1005 = vector.shape_cast %parallel_loop3A_1004 : vector<1x1x16xf32> to vector<16xf32>
        %parallel_loop3A_1006 = arith.constant 45.2548332 : f32
        %parallel_loop3A_1007 = vector.broadcast %parallel_loop3A_1006 : f32 to vector<16xf32>
        %parallel_loop3A_1008 = arith.mulf %parallel_loop3A_996, %parallel_loop3A_1007 : vector<16xf32>
        %parallel_loop3A_1009 = arith.addf %parallel_loop3A_977, %parallel_loop3A_985 : vector<16xf32>
        %parallel_loop3A_1010 = arith.addf %parallel_loop3A_1008, %parallel_loop3A_1009 : vector<16xf32>
        %parallel_loop3A_1011 = arith.constant 1 : i32
        %parallel_loop3A_1012 = arith.constant 7 : i32
        %parallel_loop3A_1013 = arith.index_cast %parallel_loop3A_1011 : i32 to index
        %parallel_loop3A_1014 = arith.index_cast %parallel_loop3A_1012 : i32 to index
        %parallel_loop3A_1015 = arith.index_cast %parallel_loop3A_449 : i32 to index
        %parallel_loop3A_1016 = tpu.vector_load %arg12[%parallel_loop3A_1013, %parallel_loop3A_1014, %parallel_loop3A_1015] {strides = array<i32>} : memref<2x8x2048xf32, #tpu.memory_space<vmem>>, vector<1x1x16xf32>,
        %parallel_loop3A_1017 = vector.shape_cast %parallel_loop3A_1016 : vector<1x1x16xf32> to vector<16xf32>
        %parallel_loop3A_1018 = vector.shape_cast %parallel_loop3A_1010 : vector<16xf32> to vector<1x1x16xf32>
        tpu.vector_store %arg12[%parallel_loop3A_1013, %parallel_loop3A_1014, %parallel_loop3A_1015], %parallel_loop3A_1018 {strides = array<i32>} : memref<2x8x2048xf32, #tpu.memory_space<vmem>>, vector<1x1x16xf32>,
        %parallel_loop3A_1019 = arith.constant 45.2548332 : f32
        %parallel_loop3A_1020 = vector.broadcast %parallel_loop3A_1019 : f32 to vector<16xf32>
        %parallel_loop3A_1021 = arith.mulf %parallel_loop3A_1005, %parallel_loop3A_1020 : vector<16xf32>
        %parallel_loop3A_1022 = arith.addf %parallel_loop3A_981, %parallel_loop3A_989 : vector<16xf32>
        %parallel_loop3A_1023 = arith.addf %parallel_loop3A_1021, %parallel_loop3A_1022 : vector<16xf32>
        %parallel_loop3A_1024 = arith.constant 16 : i32
        %parallel_loop3A_1025 = arith.addi %parallel_loop3A_449, %parallel_loop3A_1024 : i32
        %parallel_loop3A_1026 = arith.constant 1 : i32
        %parallel_loop3A_1027 = arith.constant 7 : i32
        %parallel_loop3A_1028 = arith.index_cast %parallel_loop3A_1026 : i32 to index
        %parallel_loop3A_1029 = arith.index_cast %parallel_loop3A_1027 : i32 to index
        %parallel_loop3A_1030 = arith.index_cast %parallel_loop3A_1025 : i32 to index
        %parallel_loop3A_1031 = tpu.vector_load %arg12[%parallel_loop3A_1028, %parallel_loop3A_1029, %parallel_loop3A_1030] {strides = array<i32>} : memref<2x8x2048xf32, #tpu.memory_space<vmem>>, vector<1x1x16xf32>,
        %parallel_loop3A_1032 = vector.shape_cast %parallel_loop3A_1031 : vector<1x1x16xf32> to vector<16xf32>
        %parallel_loop3A_1033 = vector.shape_cast %parallel_loop3A_1023 : vector<16xf32> to vector<1x1x16xf32>
        tpu.vector_store %arg12[%parallel_loop3A_1028, %parallel_loop3A_1029, %parallel_loop3A_1030], %parallel_loop3A_1033 {strides = array<i32>} : memref<2x8x2048xf32, #tpu.memory_space<vmem>>, vector<1x1x16xf32>,
      } {sc.loop_unroll_factor = 4 : i64, sc.parallel_access}
      %rem3A_417 = arith.constant 4 : i32
      %rem3A_418 = arith.remsi %add3A_359, %rem3A_417 : i32
      %div3A_419 = arith.constant 4 : i32
      %div3A_420 = arith.divsi %add3A_359, %div3A_419 : i32
      %mul3A_421 = arith.constant 2048 : i32
      %mul3A_422 = arith.muli %rem3A_418, %mul3A_421 : i32
      %add3A_423 = arith.addi %mul3A_422, %multiple_of3A : i32
      %mul3A_424 = arith.constant 8 : i32
      %mul3A_425 = arith.muli %div3A_420, %mul3A_424 : i32
      %add3A_426 = arith.addi %add3A_423, %mul3A_425 : i32
      %multiple_of3A_427 = tpu.assume_multiple %add3A_426, 8 : i32
      %dma_start3A_428 = arith.constant 1 : i32
      %dma_start3A_429 = arith.constant 0 : i32
      %dma_start3A_430 = arith.constant 0 : i32
      %dma_start3A_431 = tpu.memref_slice %arg12[%dma_start3A_428, %dma_start3A_429, %dma_start3A_430] : memref<2x8x2048xf32, #tpu.memory_space<vmem>> -> memref<1x8x2048xf32, #tpu.memory_space<vmem>>
      %dma_start3A_432 = tpu.memref_squeeze %dma_start3A_431 : memref<1x8x2048xf32, #tpu.memory_space<vmem>> -> memref<8x2048xf32, #tpu.memory_space<vmem>>
      %dma_start3A_433 = arith.constant 0 : i32
      %dma_start3A_434 = tpu.memref_slice %arg7[%multiple_of3A_427, %dma_start3A_433] : memref<8192x2048xf32, #tpu.memory_space<hbm>> -> memref<8x2048xf32, #tpu.memory_space<hbm>>
      %dma_start3A_435 = arith.constant 0 : i32
      %dma_start3A_436 = tpu.memref_slice %arg7[%multiple_of3A_427, %dma_start3A_435] : memref<8192x2048xf32, #tpu.memory_space<hbm>> -> memref<8x2048xf32, #tpu.memory_space<hbm>>
      %dma_start3A_437 = arith.constant 0 : i32
      %dma_start3A_438 = arith.constant 0 : i32
      %dma_start3A_439 = tpu.memref_slice %arg12[%dma_start3A_428, %dma_start3A_437, %dma_start3A_438] : memref<2x8x2048xf32, #tpu.memory_space<vmem>> -> memref<1x8x2048xf32, #tpu.memory_space<vmem>>
      %dma_start3A_440 = tpu.memref_squeeze %dma_start3A_439 : memref<1x8x2048xf32, #tpu.memory_space<vmem>> -> memref<8x2048xf32, #tpu.memory_space<vmem>>
      tpu.enqueue_dma source(%dma_start3A_440 : memref<8x2048xf32, #tpu.memory_space<vmem>>) target(%dma_start3A_436 : memref<8x2048xf32, #tpu.memory_space<hbm>>) target_semaphore(%arg19 : memref<!tpu.dma_semaphore, #tpu.memory_space<semaphore_mem>>)
    }
    %scan3A_225 = arith.constant 16 : i32
    %rem3A_226 = arith.constant 30 : i32
    %rem3A_227 = arith.constant 4 : i32
    %rem3A_228 = arith.remsi %rem3A_226, %rem3A_227 : i32
    %div3A_229 = arith.constant 30 : i32
    %div3A_230 = arith.constant 4 : i32
    %div3A_231 = arith.divsi %div3A_229, %div3A_230 : i32
    %mul3A_232 = arith.constant 2048 : i32
    %mul3A_233 = arith.muli %rem3A_228, %mul3A_232 : i32
    %add3A_234 = arith.addi %mul3A_233, %multiple_of3A : i32
    %mul3A_235 = arith.constant 8 : i32
    %mul3A_236 = arith.muli %div3A_231, %mul3A_235 : i32
    %add3A_237 = arith.addi %add3A_234, %mul3A_236 : i32
    %multiple_of3A_238 = tpu.assume_multiple %add3A_237, 8 : i32
    %dma_wait3A_239 = arith.constant 0 : i32
    %dma_wait3A_240 = arith.constant 0 : i32
    %dma_wait3A_241 = arith.constant 0 : i32
    %dma_wait3A_242 = tpu.memref_slice %arg12[%dma_wait3A_239, %dma_wait3A_240, %dma_wait3A_241] : memref<2x8x2048xf32, #tpu.memory_space<vmem>> -> memref<1x8x2048xf32, #tpu.memory_space<vmem>>
    %dma_wait3A_243 = tpu.memref_squeeze %dma_wait3A_242 : memref<1x8x2048xf32, #tpu.memory_space<vmem>> -> memref<8x2048xf32, #tpu.memory_space<vmem>>
    %dma_wait3A_244 = arith.constant 0 : i32
    %dma_wait3A_245 = tpu.memref_slice %arg7[%multiple_of3A_238, %dma_wait3A_244] : memref<8192x2048xf32, #tpu.memory_space<hbm>> -> memref<8x2048xf32, #tpu.memory_space<hbm>>
    %dma_wait3A_246 = arith.constant 0 : i32
    %dma_wait3A_247 = tpu.memref_slice %arg7[%multiple_of3A_238, %dma_wait3A_246] : memref<8192x2048xf32, #tpu.memory_space<hbm>> -> memref<8x2048xf32, #tpu.memory_space<hbm>>
    %dma_wait3A_248 = arith.constant 0 : i32
    %dma_wait3A_249 = arith.constant 0 : i32
    %dma_wait3A_250 = tpu.memref_slice %arg12[%dma_wait3A_239, %dma_wait3A_248, %dma_wait3A_249] : memref<2x8x2048xf32, #tpu.memory_space<vmem>> -> memref<1x8x2048xf32, #tpu.memory_space<vmem>>
    %dma_wait3A_251 = tpu.memref_squeeze %dma_wait3A_250 : memref<1x8x2048xf32, #tpu.memory_space<vmem>> -> memref<8x2048xf32, #tpu.memory_space<vmem>>
    tpu.wait_dma2 semaphore(%arg18 : memref<!tpu.dma_semaphore, #tpu.memory_space<semaphore_mem>>) src(%dma_wait3A_251 : memref<8x2048xf32, #tpu.memory_space<vmem>>) dst(%dma_wait3A_247 : memref<8x2048xf32, #tpu.memory_space<hbm>>)
    %rem3A_252 = arith.constant 31 : i32
    %rem3A_253 = arith.constant 4 : i32
    %rem3A_254 = arith.remsi %rem3A_252, %rem3A_253 : i32
    %div3A_255 = arith.constant 31 : i32
    %div3A_256 = arith.constant 4 : i32
    %div3A_257 = arith.divsi %div3A_255, %div3A_256 : i32
    %mul3A_258 = arith.constant 2048 : i32
    %mul3A_259 = arith.muli %rem3A_254, %mul3A_258 : i32
    %add3A_260 = arith.addi %mul3A_259, %multiple_of3A : i32
    %mul3A_261 = arith.constant 8 : i32
    %mul3A_262 = arith.muli %div3A_257, %mul3A_261 : i32
    %add3A_263 = arith.addi %add3A_260, %mul3A_262 : i32
    %multiple_of3A_264 = tpu.assume_multiple %add3A_263, 8 : i32
    %dma_wait3A_265 = arith.constant 1 : i32
    %dma_wait3A_266 = arith.constant 0 : i32
    %dma_wait3A_267 = arith.constant 0 : i32
    %dma_wait3A_268 = tpu.memref_slice %arg12[%dma_wait3A_265, %dma_wait3A_266, %dma_wait3A_267] : memref<2x8x2048xf32, #tpu.memory_space<vmem>> -> memref<1x8x2048xf32, #tpu.memory_space<vmem>>
    %dma_wait3A_269 = tpu.memref_squeeze %dma_wait3A_268 : memref<1x8x2048xf32, #tpu.memory_space<vmem>> -> memref<8x2048xf32, #tpu.memory_space<vmem>>
    %dma_wait3A_270 = arith.constant 0 : i32
    %dma_wait3A_271 = tpu.memref_slice %arg7[%multiple_of3A_264, %dma_wait3A_270] : memref<8192x2048xf32, #tpu.memory_space<hbm>> -> memref<8x2048xf32, #tpu.memory_space<hbm>>
    %dma_wait3A_272 = arith.constant 0 : i32
    %dma_wait3A_273 = tpu.memref_slice %arg7[%multiple_of3A_264, %dma_wait3A_272] : memref<8192x2048xf32, #tpu.memory_space<hbm>> -> memref<8x2048xf32, #tpu.memory_space<hbm>>
    %dma_wait3A_274 = arith.constant 0 : i32
    %dma_wait3A_275 = arith.constant 0 : i32
    %dma_wait3A_276 = tpu.memref_slice %arg12[%dma_wait3A_265, %dma_wait3A_274, %dma_wait3A_275] : memref<2x8x2048xf32, #tpu.memory_space<vmem>> -> memref<1x8x2048xf32, #tpu.memory_space<vmem>>
    %dma_wait3A_277 = tpu.memref_squeeze %dma_wait3A_276 : memref<1x8x2048xf32, #tpu.memory_space<vmem>> -> memref<8x2048xf32, #tpu.memory_space<vmem>>
    tpu.wait_dma2 semaphore(%arg19 : memref<!tpu.dma_semaphore, #tpu.memory_space<semaphore_mem>>) src(%dma_wait3A_277 : memref<8x2048xf32, #tpu.memory_space<vmem>>) dst(%dma_wait3A_273 : memref<8x2048xf32, #tpu.memory_space<hbm>>)
    return
  }
}

</mosaic_0001>

<sc_bundles>
// kernel: _encode.3.cloned.1.call-start
scs
__scs_entry_jumppad:
0x0: {  	(pc) =	sbr.rel $0x88, $3  }
0x1: {  	(tag) =	ssettag $0x0;
	lr =	simm.s32 $0x1  }
0x2: {  	[smem:$0x3F9C] =	sst lr;
	_ =	strace $0xD0000000  }
0x3: {  	_ = 	snop  }
0x4: {  	_ = 	snop  }
0x5: {  	_ = 	snop  }
0x6: {  	_ = 	snop  }
0x7: {  	_ = 	snop  }
__scs_overlays_trampoline_lowered:
0x8: {  	[smem:$0x3FAB] =	sst s0  }
0x9: {  	[smem:$0x3FAC] =	sst s1  }
0xa: {  	[smem:$0x3FAD] =	sst s2  }
0xb: {  	[smem:$0x3FAE] =	sst s3  }
0xc: {  	[smem:$0x3FAF] =	sst s4  }
0xd: {  	[smem:$0x3FB0] =	sst s5  }
0xe: {  	[smem:$0x3FB1] =	sst s6  }
0xf: {  	[smem:$0x3FB2] =	sst s7  }
0x10: {  	[smem:$0x3FB3] =	sst s8  }
0x11: {  	[smem:$0x3FB4] =	sst s9;
	s0 =	simm.s32 @!p0 $0x0  }
0x12: {  	s1 =	sld [smem:$0x3F9A];
	s0 =	simm.s32 @p0 $0x1  }
0x13: {  	[smem:$0x3FB5] =	sst s0;
	s0 =	simm.s32 @!p1 $0x0  }
0x14: {  	s2 =	sld [smem:$0x3F99];
	s0 =	simm.s32 @p1 $0x1  }
0x15: {  	[smem:$0x3FB6] =	sst s0;
	s0 =	simm.s32 @!p2 $0x0  }
0x16: {  	s3 =	sld [smem:$0x3FDB];
	s0 =	simm.s32 @p2 $0x1  }
0x17: {  	s4 =	simm.s32 $0x1BF5;
	[smem:$0x3FB8] =	sst s0  }
0x18: {  	s0 =	sld [smem:$0x3F9B];
	_ =	swait.ge [sflag:s4], $0x0  }
0x19: {  	s7 =	sld [smem:$0x3F9C]  }
0x1a: {  	s8 =	sadd.s32 $0xFFFFE003, lr  }
0x1b: {  	s9 =	sadd.s32 $0xFFFFFEF7, lr;
	s5 =	simm.s32 $0xFFFFFFFF;
	p2 =	slt.u32 s8, $0xFFFFF086  }
0x1c: {  	p1 =	slt.u32 s9, $0xF7A;
	s5 =	simm.s32 @!p2 $0x0  }
0x1d: {  	s5 =	simm.s32 @p1 $0x1;
	p0 =	seq.s32 s7, s2  }
0x1e: {  	s7 =	smul.u32 @!p0 $0xF7A, s2;
	p2 =	seq.s32 @!p0 s5, $0x0  }
0x1f: {  	s9 =	smul.u32 $0xF7A, s1;
	s8 =	simm.s32 @!p0 $0x1BF5;
	p2 =	por !p2, p0  }
0x20: {  	[sflag:s8] =	ssyncset.s32 @!p0 $0xFFFFF086;
	s6 =	sadd.s32 @!p0 s3, s7;
	s7 =	simm.s32 @!p0 $0x108  }
0x21: {  	s3 =	sadd.s32 s3, s9;
	s6 =	sadd.s32 @!p0 $0x88, s6;
	s7 =	simm.s32 @p2 $0x1082  }
0x22: {  	[simem:s7], [sflag:s8] =	dma.local @!p0 [hbm:s6], $0xF7A  }
0x23: {  	s9 =	sor.u32 $0xD0000000, s2;
	s6 =	simm.s32 $0x108;
	_ =	swait.ge @!p0 [sflag:s8], $0x0  }
0x24: {  	s3 =	sadd.s32 $0x88, s3;
	s6 =	simm.s32 @!p1 $0x1082;
	[sflag:s4] =	ssyncset.s32 $0xFFFFF086  }
0x25: {  	[simem:s6], [sflag:s4] =	dma.local [hbm:s3], $0xF7A  }
0x26: {  	[smem:$0x3F9C] =	sst s1;
	(tag) =	ssettag s2;
	_ =	strace s9  }
0x27: {  	s1 =	sld [smem:$0x3FAC]  }
0x28: {  	s2 =	sld [smem:$0x3FAD]  }
0x29: {  	s4 =	sld [smem:$0x3FAF]  }
0x2a: {  	p0 =	seq.s32 s5, $0x0;
	s5 =	sld [smem:$0x3FB0]  }
0x2b: {  	s6 =	sld [smem:$0x3FB1]  }
0x2c: {  	s7 =	sld [smem:$0x3FB2]  }
0x2d: {  	s3 =	simm.s32 $0x108;
	s8 =	sld [smem:$0x3FB3]  }
0x2e: {  	s3 =	simm.s32 @!p0 $0x1082;
	s9 =	sld [smem:$0x3FB4]  }
0x2f: {  	lr =	sadd.s32 s0, s3;
	s0 =	sld [smem:$0x3FAB]  }
0x30: {  	s3 =	sld [smem:$0x3FAE]  }
0x31: {  	[smem:$0x3FB7] =	sst s10  }
0x32: {  	s10 =	sld [smem:$0x3FB5];
	_ =	sdelay $0x3  }
0x33: {  	p0 =	seq.s32 s10, $0x1;
	s10 =	sld [smem:$0x3FB7];
	_ =	sdelay $0x3  }
0x34: {  	[smem:$0x3FB7] =	sst s10  }
0x35: {  	s10 =	sld [smem:$0x3FB6];
	_ =	sdelay $0x3  }
0x36: {  	p1 =	seq.s32 s10, $0x1;
	s10 =	sld [smem:$0x3FB7];
	_ =	sdelay $0x3  }
0x37: {  	[smem:$0x3FB7] =	sst s10  }
0x38: {  	s10 =	sld [smem:$0x3FB8]  }
0x39: {  	_ = 	snop;
	(pc) =	sbr.ind lr, $3  }
0x3a: {  	_ = 	snop  }
0x3b: {  	_ = 	snop  }
0x3c: {  	p2 =	seq.s32 s10, $0x1;
	s10 =	sld [smem:$0x3FB7]  }
0x3d: {  	_ =	shalt  }
0x3e: {  	_ =	shalt  }
0x3f: {  	_ =	shalt  }
0x40: {  	_ =	shalt  }
0x41: {  	_ =	shalt  }
0x42: {  	_ =	shalt  }
0x43: {  	_ =	shalt  }
0x44: {  	_ =	shalt  }
0x45: {  	_ =	shalt  }
0x46: {  	_ =	shalt  }
0x47: {  	_ =	shalt  }
0x48: {  	_ =	shalt  }
0x49: {  	_ =	shalt  }
0x4a: {  	_ =	shalt  }
0x4b: {  	_ =	shalt  }
0x4c: {  	_ =	shalt  }
0x4d: {  	_ =	shalt  }
0x4e: {  	_ =	shalt  }
0x4f: {  	_ =	shalt  }
0x50: {  	_ =	shalt  }
0x51: {  	_ =	shalt  }
0x52: {  	_ =	shalt  }
0x53: {  	_ =	shalt  }
0x54: {  	_ =	shalt  }
0x55: {  	_ =	shalt  }
0x56: {  	_ =	shalt  }
0x57: {  	_ =	shalt  }
0x58: {  	_ =	shalt  }
0x59: {  	_ =	shalt  }
0x5a: {  	_ =	shalt  }
0x5b: {  	_ =	shalt  }
0x5c: {  	_ =	shalt  }
0x5d: {  	_ =	shalt  }
0x5e: {  	_ =	shalt  }
0x5f: {  	_ =	shalt  }
0x60: {  	_ =	shalt  }
0x61: {  	_ =	shalt  }
0x62: {  	_ =	shalt  }
0x63: {  	_ =	shalt  }
0x64: {  	_ =	shalt  }
0x65: {  	_ =	shalt  }
0x66: {  	_ =	shalt  }
0x67: {  	_ =	shalt  }
0x68: {  	_ =	shalt  }
0x69: {  	_ =	shalt  }
0x6a: {  	_ =	shalt  }
0x6b: {  	_ =	shalt  }
0x6c: {  	_ =	shalt  }
0x6d: {  	_ =	shalt  }
0x6e: {  	_ =	shalt  }
0x6f: {  	_ =	shalt  }
0x70: {  	_ =	shalt  }
0x71: {  	_ =	shalt  }
0x72: {  	_ =	shalt  }
0x73: {  	_ =	shalt  }
0x74: {  	_ =	shalt  }
0x75: {  	_ =	shalt  }
0x76: {  	_ =	shalt  }
0x77: {  	_ =	shalt  }
0x78: {  	_ =	shalt  }
0x79: {  	_ =	shalt  }
0x7a: {  	_ =	shalt  }
0x7b: {  	_ =	shalt  }
0x7c: {  	_ =	shalt  }
0x7d: {  	_ =	shalt  }
0x7e: {  	_ =	shalt  }
0x7f: {  	_ =	shalt  }
0x80: {  	_ =	shalt  }
0x81: {  	_ =	shalt  }
0x82: {  	_ =	shalt  }
0x83: {  	_ =	shalt  }
0x84: {  	_ =	shalt  }
0x85: {  	_ =	shalt  }
0x86: {  	_ =	shalt  }
0x87: {  	_ =	shalt  }
.Lfunc_end0:
.L_simem_size_0:
called_computation_lowered:
.L_overlay_start_0:
0x88: {  	s2 =	sld [smem:$0x3FD9]  }
0x89: {  	s3 =	sld [smem:$0x3FFE];
	_ =	sdelay $0x1  }
0x8a: {  	s1 =	srdreg.scid  }
0x8b: {  	s0 =	sand.u32 $0x1, s1  }
0x8c: {  	s18 =	sshll.u32 s0, $0xA;
	s2 =	sadd.s32 s3, s2  }
0x8d: {  	s2 =	sadd.s32 s2, s18  }
0x8e: {  	[smem:$0x3FC3] =	sst s2  }
0x8f: {  	_ = 	snop  }
0x90: {  	s2 =	sld [smem:$0x3FC9]  }
0x91: {  	s19 =	sld [smem:$0x3FC8]  }
0x92: {  	s4 =	sld [smem:$0x3FC7]  }
0x93: {  	s5 =	sld [smem:$0x3FC6]  }
0x94: {  	s6 =	sld [smem:$0x3FC5]  }
0x95: {  	s7 =	sld [smem:$0x3FD0];
	(tm) =	ssettm $0x1  }
0x96: {  	s8 =	sld [smem:$0x3FFB];
	_ =	sdelay $0x3  }
0x97: {  	_ =	strace s8  }
0x98: {  	s8 =	sld [smem:$0x3FFC];
	_ =	sdelay $0x3  }
0x99: {  	_ =	strace s8  }
0x9a: {  	s8 =	sld [smem:$0x3FFD];
	_ =	sdelay $0x3  }
0x9b: {  	_ =	strace s8  }
0x9c: {  	_ =	strace $0x8FFFFFFF  }
0x9d: {  	s20 =	sld [smem:$0x3FDB];
	_ =	sdelay $0x1  }
0x9e: {  	s9 =	simm.s32 $_scs_section_size  }
0x9f: {  	s10 =	simm.s32 $_size__tile_overlayer_lowered;
	s11 =	simm.s32 $_tile_overlayer_lowered  }
0xa0: {  	s23 =	simm.s32 $0x1BFF;
	s22 =	sshll.u32 s11, $0x1;
	s8 =	sadd.s32 s9, s20  }
0xa1: {  	s12 =	simm.s32 $0x0;
	s21 =	sshll.u32 s10, $0x1;
	s10 =	sadd.s32 s22, s8  }
0xa2: {  	[timem:s12], [sflag:s23] =	dma.local [hbm:s10], s21  }
0xa3: {  	_ =	swait.ge [sflag:s23], s21  }
0xa4: {  	s9 =	ssub.s32 $0x0, s21;
	[sflag:s23] =	ssyncset.done $0x0  }
0xa5: {  	[sflag:s23] =	ssyncadd.s32 s9;
	_ =	sdelay $0x1  }
0xa6: {  	s24 =	simm.s32 $0x1B8B  }
0xa7: {  	_ =	swait.ge [sflag:s24], $0x1  }
0xa8: {  	[sflag:s24] =	ssyncset.done $0x0  }
0xa9: {  	s25 =	simm.s32 $0x1B8E;
	[sflag:s24] =	ssyncadd.s32 $0xFFFFFFFF  }
0xaa: {  	s26 =	simm.s32 $execute0_lowered;
	[smem:$0x3FD2] =	sst s25  }
0xab: {  	s9 =	sshll.u32 s26, $0x1;
	_ =	strace $0x80000046;
	[dreg:$0x1] =	wrdreg $0xFFFFFFFF  }
0xac: {  	s28 =	simm.s32 $_size_execute0_lowered;
	s8 =	sadd.s32 s8, s9;
	[dreg:$0x0] =	wrdreg $0x0  }
0xad: {  	s9 =	sshll.u32 s28, $0x1;
	[dreg:$0x2] =	wrdreg s8  }
0xae: {  	[dreg:$0x3] =	wrdreg s9  }
0xaf: {  	[dreg:$0x4] =	wrdreg $0xC0  }
0xb0: {  	_ =	task [dreg:s12], $0x5FFFF  }
0xb1: {  	[dreg:$0x1] =	wrdreg $0xFFFFFFFF  }
0xb2: {  	[dreg:$0x0] =	wrdreg $0x60  }
0xb3: {  	[dreg:$0x2] =	wrdreg s2  }
0xb4: {  	[dreg:$0x3] =	wrdreg s19  }
0xb5: {  	[dreg:$0x4] =	wrdreg s4  }
0xb6: {  	[dreg:$0x5] =	wrdreg s5  }
0xb7: {  	[dreg:$0x6] =	wrdreg s6  }
0xb8: {  	[dreg:$0x7] =	wrdreg s7  }
0xb9: {  	[dreg:$0x8] =	wrdreg $0x9  }
0xba: {  	_ =	task.clear_ibuf [dreg:s12], $0x9FFFF;
	_ =	strace $0x90000046  }
0xbb: {  	s29 =	simm.s32 $0x9;
	_ =	strace $0x80000048  }
0xbc: {  	_ =	swait.ge [sflag:s29], $0x1  }
0xbd: {  	[sflag:s29] =	ssyncadd.s32 $0xFFFFFFFF  }
0xbe: {  	_ =	strace $0x90000048  }
0xbf: {  	_ =	sfence  }
0xc0: {  	s30 =	sld [smem:$0x0];
	_ =	sdelay $0x2  }
0xc1: {  	s31 =	sshll.u32 s1, $0xD;
	s1 =	sshrl.u32 s1, $0x2  }
0xc2: {  	s3 =	sand.u32 $0x4000, s31;
	s1 =	sadd.s32 s1, s30  }
0xc3: {  	s0 =	sor.u32 s3, s0;
	s1 =	sshll.u32 s1, $0x11  }
0xc4: {  	s0 =	sor.u32 s1, s0  }
0xc5: {  	s0 =	sadd.s32 $0x8F2B, s0  }
0xc6: {  	[sflag:s0] =	ssyncadd.remote.s32 $0x1  }
0xc7: {  	_ =	sfence.sel $0xFFFF  }
0xc8: {  	[dreg:$0x0] =	wrdreg $0xFFFFFFFF;
	(pc) =	sbr.abs _section_cstart, $3  }
0xc9: {  	[dreg:$0x1] =	wrdreg $0xFFFFFFFF  }
0xca: {  	_ =	task.clear_ibuf [dreg:s12], $0x2FFFF;
	_ =	strace $0x9FFFFFFF  }
0xcb: {  	(tm) =	ssettm $0x7FFFFFFF  }
tec
execute0_lowered:
.L_overlay_start_1:
0x0: {  	(tag) =	ssettag $0x1  }
0x1: {  	s0 =	rddreg [dreg:$0x0]  }
0x2: {  	s1 =	rddreg [dreg:$0x1]  }
0x3: {  	s8 =	rddreg [dreg:$0x2]  }
0x4: {  	s9 =	rddreg [dreg:$0x3]  }
0x5: {  	s3 =	rddreg [dreg:$0x4];
	s11 =	simm.s32 $0x0  }
0x6: {  	[smem:$0x7FF] =	sst s11;
	s20 =	sadd.s32 $0x100, s8  }
0x7: {  	s21 =	sadd.s32 $0x200, s8;
	_ =	strace $0x80000047;
	[dreg:$0x17] =	wrdreg s20  }
0x8: {  	s2 =	srdreg.scid;
	s22 =	sadd.s32 $0x300, s8;
	[dreg:$0x18] =	wrdreg s21  }
0x9: {  	s4 =	stileid.u32;
	s23 =	sadd.s32 $0x400, s8;
	[dreg:$0x19] =	wrdreg s22  }
0xa: {  	s2 =	sand.u32 $0x1, s2;
	s24 =	sadd.s32 $0x500, s8;
	[dreg:$0x1a] =	wrdreg s23  }
0xb: {  	s4 =	sshll.u32 s4, $0x7;
	s25 =	sadd.s32 $0x600, s8;
	[dreg:$0x1b] =	wrdreg s24  }
0xc: {  	s26 =	sadd.s32 $0x700, s8;
	s28 =	sadd.s32 $0x100, s9;
	[dreg:$0x1c] =	wrdreg s25  }
0xd: {  	s30 =	sadd.s32 $0x200, s9;
	s5 =	sshll.u32 s2, $0x6;
	[dreg:$0x1d] =	wrdreg s26  }
0xe: {  	s31 =	sadd.s32 $0x300, s9;
	[dreg:$0x1e] =	wrdreg s28;
	s10 =	sor.u32 s5, s4  }
0xf: {  	s2 =	ssub.s32 $0x2, s2;
	[smem:$0x7FC] =	sst s30;
	s4 =	sshll.u32 s10, $0x2  }
0x10: {  	[smem:$0x7FD] =	sst s31;
	s7 =	sshrl.u32 s2, $0x1;
	s6 =	sand.u32 $0x1E00, s4  }
0x11: {  	s2 =	ssub.s32 s2, s7;
	[dreg:$0xc] =	wrdreg s10;
	s6 =	sor.u32 s5, s6  }
0x12: {  	s4 =	sor.u32 s5, s4;
	s29 =	smax.u32 s2, $0x1;
	s6 =	sshrl.u32 s6, $0x3  }
0x13: {  	s4 =	sshrl.u32 s4, $0x3;
	[dreg:$0x1f] =	wrdreg s29;
	s7 =	sadd.s32 s0, s6  }
0x14: {  	s14 =	sor.u32 $0x20, s4;
	s12 =	sadd.s32 s1, s6;
	[dreg:$0xd] =	wrdreg s7  }
0x15: {  	s16 =	sadd.s32 s0, s14;
	[dreg:$0xe] =	wrdreg s12  }
0x16: {  	s4 =	sor.u32 $0x30, s4;
	s17 =	sadd.s32 s1, s14;
	[dreg:$0x11] =	wrdreg s16  }
0x17: {  	s13 =	sor.u32 $0x10, s6;
	s19 =	sadd.s32 s1, s4;
	[dreg:$0x12] =	wrdreg s17  }
0x18: {  	s15 =	sadd.s32 s0, s13;
	[dreg:$0x14] =	wrdreg s19  }
0x19: {  	s5 =	sadd.s32 s1, s13;
	[dreg:$0xf] =	wrdreg s15  }
0x1a: {  	s18 =	sshll.u32 s10, $0x7;
	s0 =	sadd.s32 s0, s4;
	[dreg:$0x10] =	wrdreg s5  }
0x1b: {  	v0 =	vlaneseq.u32;
	[dreg:$0x13] =	wrdreg s0;
	s5 =	sadd.s32 s3, s18  }
0x1c: {  	v1 =	vshrl.u32 v0, $0x3;
	s6 =	sadd.s32 $0x400, s5;
	[dreg:$0x15] =	wrdreg s5  }
0x1d: {  	vm0 =	vmmov $0xffff;
	v0 =	vand.u32 $0x7, v0;
	v1 =	vmul.u32 $0x8, v1;
	s2 =	simm.s32 $0x0;
	[dreg:$0x16] =	wrdreg s6  }
.LBB2_1:
0x1e: {  	[smem:$0x7FB] =	sst s2  }
0x1f: {  	s0 =	rddreg [dreg:$0xd]  }
0x20: {  	s18 =	rddreg [dreg:$0xe]  }
0x21: {  	[tilespmem:s11], [sflag:$0x1] =	stream.linear.gather [hbm4b:s0+s11], $0x40, $0x38;
	[tilespmem:$0x18200] =	vst v63  }
0x22: {  	s1 =	simm.s32 $0x100;
	s19 =	rddreg [dreg:$0xf]  }
0x23: {  	[tilespmem:s1], [sflag:$0x3] =	stream.linear.gather [hbm4b:s18+s11], $0x40, $0x38;
	[tilespmem:$0x18200] =	vst v63  }
0x24: {  	s20 =	simm.s32 $0x40;
	s21 =	rddreg [dreg:$0x10]  }
0x25: {  	[tilespmem:s20], [sflag:$0x1] =	stream.linear.gather [hbm4b:s19+s11], $0x40, $0x38;
	[tilespmem:$0x18200] =	vst v63  }
0x26: {  	s22 =	simm.s32 $0x140;
	s23 =	rddreg [dreg:$0x11]  }
0x27: {  	[tilespmem:s22], [sflag:$0x3] =	stream.linear.gather [hbm4b:s21+s11], $0x40, $0x38;
	[tilespmem:$0x18200] =	vst v63  }
0x28: {  	s24 =	simm.s32 $0x80;
	s25 =	rddreg [dreg:$0x12]  }
0x29: {  	[tilespmem:s24], [sflag:$0x1] =	stream.linear.gather [hbm4b:s23+s11], $0x40, $0x38;
	[tilespmem:$0x18200] =	vst v63  }
0x2a: {  	s26 =	simm.s32 $0x180;
	s28 =	rddreg [dreg:$0x13];
	s29 =	simm.s32 $0xC0  }
0x2b: {  	[tilespmem:s26], [sflag:$0x3] =	stream.linear.gather [hbm4b:s25+s11], $0x40, $0x38;
	[tilespmem:$0x18200] =	vst v63  }
0x2c: {  	s30 =	rddreg [dreg:$0x14];
	s31 =	simm.s32 $0x1C0;
	s3 =	sadd.s32 $0x0, s5  }
0x2d: {  	[tilespmem:s29], [sflag:$0x1] =	stream.linear.gather [hbm4b:s28+s11], $0x40, $0x38;
	[tilespmem:$0x18200] =	vst v63  }
0x2e: {  	s2 =	simm.s32 $0x14300;
	s0 =	simm.s32 $0x14200;
	s1 =	simm.s32 $0x10  }
0x2f: {  	[tilespmem:s31], [sflag:$0x3] =	stream.linear.gather [hbm4b:s30+s11], $0x40, $0x38;
	[tilespmem:$0x18200] =	vst v63  }
.LBB2_2:
0x30: {  	[tilespmem:s0], [sflag:$0x7] =	stream.linear.gather [hbm4b:s3+s11], $0x80, $0x38;
	[tilespmem:$0x18200] =	vst v63  }
0x31: {  	s3 =	smov.u32 s1;
	s0 =	smov.u32 s2;
	p0 =	sne.s32 s1, $0x3F0  }
.Ltmp0:
0x32: {  	s1 =	sadd.s32 $0x10, s1;
	(pc) =	sbr.rel @p0 .LBB2_2-.Ltmp0, $2  }
0x33: {  	_ =	sdelay $0x2  }
0x34: {  	s2 =	sadd.s32 $0x100, s2;
	s3 =	sadd.s32 s3, s5  }
0x35: {  	[tilespmem:s0], [sflag:$0x7] =	stream.linear.gather [hbm4b:s3+s11], $0x80, $0x38;
	[tilespmem:$0x18200] =	vst v63  }
0x36: {  	s31 =	simm.s32 $0x7  }
0x37: {  	_ =	swait.ge [sflag:s31], $0x2000  }
0x38: {  	s0 =	simm.s32 $0x14280;
	s1 =	simm.s32 $0x10;
	[sflag:s31] =	ssyncset.done $0x0  }
0x39: {  	s3 =	sadd.s32 $0x0, s6;
	s2 =	simm.s32 $0x14380;
	[sflag:s31] =	ssyncadd.s32 $0xFFFFE000  }
.LBB2_4:
0x3a: {  	[tilespmem:s0], [sflag:$0x8] =	stream.linear.gather [hbm4b:s3+s11], $0x80, $0x38;
	[tilespmem:$0x18200] =	vst v63  }
0x3b: {  	s3 =	smov.u32 s1;
	s0 =	smov.u32 s2;
	p0 =	sne.s32 s1, $0x3F0  }
.Ltmp1:
0x3c: {  	s1 =	sadd.s32 $0x10, s1;
	(pc) =	sbr.rel @p0 .LBB2_4-.Ltmp1, $2  }
0x3d: {  	_ =	sdelay $0x2  }
0x3e: {  	s2 =	sadd.s32 $0x100, s2;
	s3 =	sadd.s32 s3, s6  }
0x3f: {  	[tilespmem:s0], [sflag:$0x8] =	stream.linear.gather [hbm4b:s3+s11], $0x80, $0x38;
	[tilespmem:$0x18200] =	vst v63  }
0x40: {  	s3 =	simm.s32 $0x1  }
0x41: {  	_ =	swait.ge [sflag:s3], $0x40  }
0x42: {  	[sflag:s3] =	ssyncset.done $0x0  }
0x43: {  	s1 =	simm.s32 $0x3;
	[sflag:s3] =	ssyncadd.s32 $0xFFFFFFC0  }
0x44: {  	_ =	swait.ge [sflag:s1], $0x40  }
0x45: {  	[sflag:s1] =	ssyncset.done $0x0  }
0x46: {  	[sflag:s1] =	ssyncadd.s32 $0xFFFFFFC0  }
0x47: {  	_ =	swait.ge [sflag:s3], $0x40  }
0x48: {  	[sflag:s3] =	ssyncset.done $0x0  }
0x49: {  	[sflag:s3] =	ssyncadd.s32 $0xFFFFFFC0  }
0x4a: {  	_ =	swait.ge [sflag:s1], $0x40  }
0x4b: {  	[sflag:s1] =	ssyncset.done $0x0  }
0x4c: {  	[sflag:s1] =	ssyncadd.s32 $0xFFFFFFC0  }
0x4d: {  	_ =	swait.ge [sflag:s3], $0x40  }
0x4e: {  	[sflag:s3] =	ssyncset.done $0x0  }
0x4f: {  	[sflag:s3] =	ssyncadd.s32 $0xFFFFFFC0  }
0x50: {  	_ =	swait.ge [sflag:s1], $0x40  }
0x51: {  	[sflag:s1] =	ssyncset.done $0x0  }
0x52: {  	[sflag:s1] =	ssyncadd.s32 $0xFFFFFFC0  }
0x53: {  	_ =	swait.ge [sflag:s3], $0x40  }
0x54: {  	[sflag:s3] =	ssyncset.done $0x0  }
0x55: {  	[sflag:s3] =	ssyncadd.s32 $0xFFFFFFC0  }
0x56: {  	_ =	swait.ge [sflag:s1], $0x40  }
0x57: {  	[sflag:s1] =	ssyncset.done $0x0  }
0x58: {  	[sflag:s1] =	ssyncadd.s32 $0xFFFFFFC0  }
0x59: {  	v2 =	vld.msk [tilespmem:$0x0], $0xff;
	_ =	sdelay $0x4  }
0x5a: {  	v3 =	vshll.u32 v2, $0x4  }
0x5b: {  	v2 =	vand.u32 $0x7, v2;
	v3 =	vand.u32 $0xFFFFFF80, v3  }
0x5c: {  	v2 =	vor.u32 v2, v3  }
0x5d: {  	v2 =	vperm.xlane v2, v0;
	_ =	sdelay $0x1  }
0x5e: {  	v2 =	vadd.s32 v1, v2;
	_ =	sdelay $0x3  }
0x5f: {  	s7 =	simm.s32 $0x0;
	s5 =	simm.s32 $0x200;
	s4 =	rddreg [dreg:$0x2]  }
0x60: {  	[tilespmem:s5], [sflag:$0x1] =	stream.indirect_vreg.gather [hbm4b:s4+s7], $0x80, v2, vm0, $0xb8;
	[tilespmem:$0x18200] =	vst v63  }
0x61: {  	s9 =	simm.s32 $0xA00;
	s8 =	rddreg [dreg:$0x17]  }
0x62: {  	[tilespmem:s9], [sflag:$0x1] =	stream.indirect_vreg.gather [hbm4b:s8+s7], $0x80, v2, vm0, $0xb8;
	[tilespmem:$0x18200] =	vst v63  }
0x63: {  	s12 =	simm.s32 $0x1200;
	s10 =	rddreg [dreg:$0x18]  }
0x64: {  	[tilespmem:s12], [sflag:$0x1] =	stream.indirect_vreg.gather [hbm4b:s10+s7], $0x80, v2, vm0, $0xb8;
	[tilespmem:$0x18200] =	vst v63  }
0x65: {  	s14 =	simm.s32 $0x1A00;
	s13 =	rddreg [dreg:$0x19]  }
0x66: {  	[tilespmem:s14], [sflag:$0x1] =	stream.indirect_vreg.gather [hbm4b:s13+s7], $0x80, v2, vm0, $0xb8;
	[tilespmem:$0x18200] =	vst v63  }
0x67: {  	s16 =	simm.s32 $0x2200;
	s15 =	rddreg [dreg:$0x1a]  }
0x68: {  	[tilespmem:s16], [sflag:$0x1] =	stream.indirect_vreg.gather [hbm4b:s15+s7], $0x80, v2, vm0, $0xb8;
	[tilespmem:$0x18200] =	vst v63  }
0x69: {  	s18 =	simm.s32 $0x2A00;
	s17 =	rddreg [dreg:$0x1b]  }
0x6a: {  	[tilespmem:s18], [sflag:$0x1] =	stream.indirect_vreg.gather [hbm4b:s17+s7], $0x80, v2, vm0, $0xb8;
	[tilespmem:$0x18200] =	vst v63  }
0x6b: {  	s20 =	simm.s32 $0x3200;
	s19 =	rddreg [dreg:$0x1c]  }
0x6c: {  	[tilespmem:s20], [sflag:$0x1] =	stream.indirect_vreg.gather [hbm4b:s19+s7], $0x80, v2, vm0, $0xb8;
	[tilespmem:$0x18200] =	vst v63  }
0x6d: {  	s22 =	simm.s32 $0x3A00;
	s21 =	rddreg [dreg:$0x1d]  }
0x6e: {  	[tilespmem:s22], [sflag:$0x1] =	stream.indirect_vreg.gather [hbm4b:s21+s7], $0x80, v2, vm0, $0xb8;
	[tilespmem:$0x18200] =	vst v63  }
0x6f: {  	v2 =	vld.msk [tilespmem:$0x100], $0xff;
	_ =	sdelay $0x4  }
0x70: {  	v3 =	vshll.u32 v2, $0x3  }
0x71: {  	v2 =	vand.u32 $0x7, v2;
	v3 =	vand.u32 $0xFFFFFFC0, v3  }
0x72: {  	v2 =	vor.u32 v2, v3  }
0x73: {  	v2 =	vperm.xlane v2, v0;
	_ =	sdelay $0x1  }
0x74: {  	v2 =	vadd.s32 v1, v2;
	_ =	sdelay $0x2  }
0x75: {  	s25 =	rddreg [dreg:$0x1e]  }
0x76: {  	s24 =	simm.s32 $0x8200;
	s23 =	rddreg [dreg:$0x3]  }
0x77: {  	[tilespmem:s24], [sflag:$0x3] =	stream.indirect_vreg.gather [hbm4b:s23+s7], $0x80, v2, vm0, $0xb8;
	[tilespmem:$0x18200] =	vst v63  }
0x78: {  	s26 =	simm.s32 $0x8A00;
	s28 =	sld [smem:$0x7FC]  }
0x79: {  	[tilespmem:s26], [sflag:$0x3] =	stream.indirect_vreg.gather [hbm4b:s25+s7], $0x80, v2, vm0, $0xb8;
	[tilespmem:$0x18200] =	vst v63  }
0x7a: {  	s29 =	simm.s32 $0x9200;
	s30 =	sld [smem:$0x7FD]  }
0x7b: {  	[tilespmem:s29], [sflag:$0x3] =	stream.indirect_vreg.gather [hbm4b:s28+s7], $0x80, v2, vm0, $0xb8;
	[tilespmem:$0x18200] =	vst v63  }
0x7c: {  	s31 =	simm.s32 $0x9A00  }
0x7d: {  	[tilespmem:s31], [sflag:$0x3] =	stream.indirect_vreg.gather [hbm4b:s30+s7], $0x80, v2, vm0, $0xb8;
	[tilespmem:$0x18200] =	vst v63  }
.LBB2_6:
0x7e: {  	s0 =	sshllo.u32 s7, $0x1  }
0x7f: {  	s1 =	sshll.u32 s7, $0x2;
	[smem:$0x7F7] =	sst s0;
	s0 =	sshll.u32 s0, $0x6  }
0x80: {  	s1 =	sand.u32 $0x38, s1;
	s0 =	sand.u32 $0xC0, s0  }
0x81: {  	s0 =	sor.u32 s1, s0  }
0x82: {  	v2 =	vld.msk [tilespmem:s0+$0x0], $0xff;
	_ =	sdelay $0x4  }
0x83: {  	v3 =	vshll.u32 v2, $0x4  }
0x84: {  	v2 =	vand.u32 $0x7, v2;
	v3 =	vand.u32 $0xFFFFFF80, v3  }
0x85: {  	v2 =	vor.u32 v2, v3  }
0x86: {  	v2 =	vperm.xlane v2, v0;
	_ =	sdelay $0x1  }
0x87: {  	v2 =	vadd.s32 v1, v2;
	_ =	sdelay $0x3  }
0x88: {  	s3 =	rddreg [dreg:$0x2];
	s2 =	simm.s32 $0x4200  }
0x89: {  	[tilespmem:s2], [sflag:$0x2] =	stream.indirect_vreg.gather [hbm4b:s3+s11], $0x80, v2, vm0, $0xb8;
	[tilespmem:$0x18200] =	vst v63  }
0x8a: {  	s4 =	rddreg [dreg:$0x17];
	s5 =	simm.s32 $0x4A00  }
0x8b: {  	[tilespmem:s5], [sflag:$0x2] =	stream.indirect_vreg.gather [hbm4b:s4+s11], $0x80, v2, vm0, $0xb8;
	[tilespmem:$0x18200] =	vst v63  }
0x8c: {  	s8 =	rddreg [dreg:$0x18];
	s9 =	simm.s32 $0x5200  }
0x8d: {  	[tilespmem:s9], [sflag:$0x2] =	stream.indirect_vreg.gather [hbm4b:s8+s11], $0x80, v2, vm0, $0xb8;
	[tilespmem:$0x18200] =	vst v63  }
0x8e: {  	s10 =	rddreg [dreg:$0x19];
	s12 =	simm.s32 $0x5A00  }
0x8f: {  	[tilespmem:s12], [sflag:$0x2] =	stream.indirect_vreg.gather [hbm4b:s10+s11], $0x80, v2, vm0, $0xb8;
	[tilespmem:$0x18200] =	vst v63  }
0x90: {  	s13 =	rddreg [dreg:$0x1a];
	s14 =	simm.s32 $0x6200  }
0x91: {  	[tilespmem:s14], [sflag:$0x2] =	stream.indirect_vreg.gather [hbm4b:s13+s11], $0x80, v2, vm0, $0xb8;
	[tilespmem:$0x18200] =	vst v63  }
0x92: {  	s15 =	rddreg [dreg:$0x1b];
	s16 =	simm.s32 $0x6A00  }
0x93: {  	[tilespmem:s16], [sflag:$0x2] =	stream.indirect_vreg.gather [hbm4b:s15+s11], $0x80, v2, vm0, $0xb8;
	[tilespmem:$0x18200] =	vst v63  }
0x94: {  	s17 =	rddreg [dreg:$0x1c];
	s18 =	simm.s32 $0x7200  }
0x95: {  	[tilespmem:s18], [sflag:$0x2] =	stream.indirect_vreg.gather [hbm4b:s17+s11], $0x80, v2, vm0, $0xb8;
	[tilespmem:$0x18200] =	vst v63  }
0x96: {  	s19 =	rddreg [dreg:$0x1d];
	s20 =	simm.s32 $0x7A00;
	s0 =	sor.u32 $0x100, s0  }
0x97: {  	[tilespmem:s20], [sflag:$0x2] =	stream.indirect_vreg.gather [hbm4b:s19+s11], $0x80, v2, vm0, $0xb8;
	[tilespmem:$0x18200] =	vst v63  }
0x98: {  	v2 =	vld.msk [tilespmem:s0+$0x0], $0xff;
	_ =	sdelay $0x4  }
0x99: {  	v3 =	vshll.u32 v2, $0x3  }
0x9a: {  	v2 =	vand.u32 $0x7, v2;
	v3 =	vand.u32 $0xFFFFFFC0, v3  }
0x9b: {  	v2 =	vor.u32 v2, v3  }
0x9c: {  	v2 =	vperm.xlane v2, v0;
	_ =	sdelay $0x1  }
0x9d: {  	v2 =	vadd.s32 v1, v2;
	_ =	sdelay $0x1  }
0x9e: {  	s21 =	rddreg [dreg:$0x3];
	s28 =	sshll.u32 s7, $0x1  }
0x9f: {  	s23 =	rddreg [dreg:$0x1e];
	p0 =	seq.s32 s7, $0x0;
	s0 =	sand.u32 $0x2, s28  }
0xa0: {  	s22 =	simm.s32 $0xA200;
	s25 =	sld [smem:$0x7FC];
	p1 =	sne.s32 @!p0 s0, $0x0  }
0xa1: {  	[tilespmem:s22], [sflag:$0x4] =	stream.indirect_vreg.gather [hbm4b:s21+s11], $0x80, v2, vm0, $0xb8;
	[tilespmem:$0x18200] =	vst v63  }
0xa2: {  	s24 =	simm.s32 $0xAA00;
	s29 =	sld [smem:$0x7FD];
	p1 =	por p0, p1  }
0xa3: {  	[tilespmem:s24], [sflag:$0x4] =	stream.indirect_vreg.gather [hbm4b:s23+s11], $0x80, v2, vm0, $0xb8;
	[tilespmem:$0x18200] =	vst v63  }
.Ltmp2:
0xa4: {  	s31 =	sshrl.u32 s7, $0x1;
	[smem:$0x7F8] =	sst s28;
	(pc) =	sbr.rel @p1 .LBB2_16-.Ltmp2, $4  }
0xa5: {  	s26 =	simm.s32 $0xB200;
	[smem:$0x7FA] =	sst s31  }
0xa6: {  	[tilespmem:s26], [sflag:$0x4] =	stream.indirect_vreg.gather [hbm4b:s25+s11], $0x80, v2, vm0, $0xb8;
	[tilespmem:$0x18200] =	vst v63  }
0xa7: {  	s30 =	simm.s32 $0xBA00;
	[smem:$0x7F9] =	sst s0  }
0xa8: {  	[tilespmem:s30], [sflag:$0x4] =	stream.indirect_vreg.gather [hbm4b:s29+s11], $0x80, v2, vm0, $0xb8;
	[tilespmem:$0x18200] =	vst v63  }
0xa9: {  	s0 =	sand.u32 $0x2, s7  }
0xaa: {  	p2 =	sne.s32 s0, $0x0  }
.Ltmp3:
0xab: {  	_ = 	snop;
	(pc) =	sbr.rel @p2 .LBB2_12-.Ltmp3, $2  }
0xac: {  	_ =	sdelay $0x2  }
0xad: {  	p1 =	slt.u32 s7, $0xE  }
.Ltmp4:
0xae: {  	(pc) =	sbr.rel @!p1 .LBB2_16-.Ltmp4, $4  }
0xaf: {  	s0 =	simm.s32 $0x7  }
0xb0: {  	_ =	swait.ge [sflag:s0], $0x2000  }
0xb1: {  	[sflag:s0] =	ssyncset.done $0x0  }
0xb2: {  	[sflag:s0] =	ssyncadd.s32 $0xFFFFE000  }
0xb3: {  	s0 =	sld [smem:$0x7FA];
	_ =	sdelay $0x2  }
0xb4: {  	s0 =	sshll.u32 s0, $0xA  }
0xb5: {  	s1 =	simm.s32 $0x14280;
	s0 =	sadd.s32 s0, s6  }
0xb6: {  	s2 =	simm.s32 $0x10;
	s3 =	simm.s32 $0x14380;
	s4 =	sadd.s32 $0x0, s0  }
.LBB2_10:
0xb7: {  	[tilespmem:s1], [sflag:$0x8] =	stream.linear.gather [hbm4b:s4+s11], $0x80, $0x38;
	[tilespmem:$0x18200] =	vst v63  }
0xb8: {  	s4 =	smov.u32 s2;
	s1 =	smov.u32 s3;
	p1 =	seq.s32 s2, $0x3F0  }
.Ltmp5:
0xb9: {  	s2 =	sadd.s32 $0x10, s2;
	(pc) =	sbr.rel @!p1 .LBB2_10-.Ltmp5, $2  }
0xba: {  	_ =	sdelay $0x2  }
0xbb: {  	s3 =	sadd.s32 $0x100, s3;
	s4 =	sadd.s32 s4, s0  }
.Ltmp6:
0xbc: {  	(pc) =	sbr.rel .LBB2_16-.Ltmp6, $2  }
0xbd: {  	_ =	sdelay $0x2  }
0xbe: {  	[tilespmem:s1], [sflag:$0x8] =	stream.linear.gather [hbm4b:s4+s11], $0x80, $0x38;
	[tilespmem:$0x18200] =	vst v63  }
.LBB2_12:
.Ltmp7:
0xbf: {  	(pc) =	sbr.rel @!p1 .LBB2_16-.Ltmp7, $4  }
0xc0: {  	s0 =	simm.s32 $0x8  }
0xc1: {  	_ =	swait.ge [sflag:s0], $0x2000  }
0xc2: {  	[sflag:s0] =	ssyncset.done $0x0  }
0xc3: {  	[sflag:s0] =	ssyncadd.s32 $0xFFFFE000  }
0xc4: {  	s0 =	sld [smem:$0x7FA];
	_ =	sdelay $0x2  }
0xc5: {  	s0 =	sshll.u32 s0, $0xA  }
0xc6: {  	s1 =	simm.s32 $0x14200;
	s0 =	sadd.s32 s6, s0  }
0xc7: {  	s2 =	simm.s32 $0x10;
	s3 =	simm.s32 $0x14300;
	s4 =	sadd.s32 $0x0, s0  }
.LBB2_14:
0xc8: {  	[tilespmem:s1], [sflag:$0x7] =	stream.linear.gather [hbm4b:s4+s11], $0x80, $0x38;
	[tilespmem:$0x18200] =	vst v63  }
0xc9: {  	s4 =	smov.u32 s2;
	s1 =	smov.u32 s3;
	p1 =	sne.s32 s2, $0x3F0  }
.Ltmp8:
0xca: {  	s2 =	sadd.s32 $0x10, s2;
	(pc) =	sbr.rel @p1 .LBB2_14-.Ltmp8, $2  }
0xcb: {  	_ =	sdelay $0x2  }
0xcc: {  	s3 =	sadd.s32 $0x100, s3;
	s4 =	sadd.s32 s4, s0  }
0xcd: {  	[tilespmem:s1], [sflag:$0x7] =	stream.linear.gather [hbm4b:s4+s11], $0x80, $0x38;
	[tilespmem:$0x18200] =	vst v63  }
.LBB2_16:
0xce: {  	s0 =	simm.s32 $0x1  }
0xcf: {  	_ =	swait.ge [sflag:s0], $0x4000  }
0xd0: {  	[sflag:s0] =	ssyncset.done $0x0  }
0xd1: {  	s9 =	simm.s32 $0x3;
	s1 =	sshll.u32 s7, $0x6;
	[sflag:s0] =	ssyncadd.s32 $0xFFFFC000  }
0xd2: {  	s4 =	simm.s32 $0x0;
	s10 =	simm.s32 $0x0;
	_ =	swait.ge [sflag:s9], $0x2000  }
0xd3: {  	s30 =	simm.s32 $0x400;
	s5 =	sand.u32 $0x80, s1;
	[sflag:s9] =	ssyncset.done $0x0  }
0xd4: {  	s3 =	sand.u32 $0x40, s10;
	s0 =	simm.s32 @!p0 $0x5;
	[sflag:s9] =	ssyncadd.s32 $0xFFFFE000  }
0xd5: {  	s12 =	sand.u32 $0x1C00, s4;
	s11 =	sor.u32 $0x14200, s5;
	_ =	swait.ge @!p0 [sflag:s0], $0x4000  }
0xd6: {  	s6 =	sor.u32 $0x8200, s12;
	s13 =	sor.u32 $0x30, s3;
	[sflag:s0] =	ssyncset.done @!p0 $0x0  }
0xd7: {  	[smem:$0x7F6] =	sst s7;
	[sflag:s0] =	ssyncadd.s32 @!p0 $0xFFFFC000;
	s0 =	sshrl.u32 s12, $0x2  }
0xd8: {  	s2 =	sor.u32 s13, s6;
	s8 =	sadd.s32 s0, s11;
	v2 =	vld [tilespmem:s30+$0xFFFFFE60]  }
0xd9: {  	v3 =	vld [tilespmem:s2+$0x0];
	s0 =	sadd.s32 s13, s8  }
0xda: {  	v4 =	vld [tilespmem:s0+$0x0];
	_ =	sdelay $0x1  }
0xdb: {  	v5 =	vld [tilespmem:s30+$0xFFFFFE70]  }
0xdc: {  	v6 =	vld [tilespmem:s30+$0xFFFFFE00]  }
0xdd: {  	s14 =	sor.u32 $0x10, s3;
	v13 =	vld [tilespmem:s30+$0xFFFFFE30];
	s15 =	sadd.s32 s3, s8  }
0xde: {  	s16 =	sadd.s32 s14, s8;
	v7 =	vld [tilespmem:s15+$0x0];
	v9 =	vshll.u32 v3, $0x10;
	v11 =	vmul.f32 $4.525483320e+01, v2;
	v10 =	vshll.u32 v4, $0x10  }
0xdf: {  	s1 =	sor.u32 s3, s6;
	v12 =	vld [tilespmem:s16+$0x0];
	v2 =	vand.u32 $0xFFFF0000, v3;
	v3 =	vand.u32 $0xFFFF0000, v4;
	v4 =	vadd.f32 v10, v9  }
0xe0: {  	s0 =	sor.u32 s14, s6;
	v5 =	vmul.f32 $4.525483320e+01, v5;
	v9 =	vld [tilespmem:s1+$0x0];
	v3 =	vadd.f32 v3, v2  }
0xe1: {  	v8 =	vld [tilespmem:s0+$0x0];
	v2 =	vmov s5;
	v4 =	vadd.f32 v4, v11  }
0xe2: {  	s10 =	sor.u32 $0x20, s3;
	s7 =	simm.s32 $0xC400;
	v11 =	vld [tilespmem:s30+$0xFFFFFE10];
	v3 =	vadd.f32 v3, v5  }
0xe3: {  	s17 =	simm.s32 $0x430;
	s18 =	simm.s32 $0x860;
	s9 =	sor.u32 s10, s6;
	v5 =	vmul.f32 $4.525483320e+01, v6;
	v6 =	vld [tilespmem:s30+$0xFFFFFE20];
	[tilespmem:s7+$0xFFFFFE60] =	vst v4  }
0xe4: {  	s6 =	sand.u32 $0xF00, s18;
	v16 =	vshll.u32 v12, $0x10;
	v12 =	vand.u32 $0xFFFF0000, v12;
	v10 =	vld [tilespmem:s9+$0x0];
	s5 =	sand.u32 $0x70, s17;
	[tilespmem:s7+$0xFFFFFE70] =	vst v3  }
0xe5: {  	s5 =	sor.u32 s5, s6;
	v4 =	vshll.u32 v7, $0x10;
	v7 =	vand.u32 $0xFFFF0000, v7;
	v14 =	vshll.u32 v9, $0x10;
	v15 =	vld [tilespmem:s30+$0xFFFFFEE0]  }
0xe6: {  	v3 =	vshll.u32 v8, $0x10;
	v9 =	vand.u32 $0xFFFF0000, v9;
	v4 =	vadd.f32 v4, v14;
	v14 =	vld.idx.msk [tilespmem:v2+s5+$0x14200 ss:$0x1], $0xffff  }
0xe7: {  	v8 =	vand.u32 $0xFFFF0000, v8;
	v7 =	vadd.f32 v7, v9;
	v9 =	vld [tilespmem:s2+$0x80];
	v11 =	vmul.f32 $4.525483320e+01, v11  }
0xe8: {  	v3 =	vadd.f32 v16, v3;
	v6 =	vmul.f32 $4.525483320e+01, v6;
	v4 =	vadd.f32 v4, v5  }
0xe9: {  	s19 =	sadd.s32 s10, s8;
	v5 =	vadd.f32 v12, v8;
	v8 =	vmul.f32 $4.525483320e+01, v13;
	v7 =	vadd.f32 v7, v11;
	v11 =	vld [tilespmem:s30+$0xFFFFFEF0]  }
0xea: {  	v17 =	vld [tilespmem:s19+$0x0];
	v3 =	vadd.f32 v3, v6;
	[tilespmem:s7+$0xFFFFFE00] =	vst v4  }
0xeb: {  	s20 =	simm.s32 $0x410;
	s4 =	sand.u32 $0x700, s4;
	v12 =	vld [tilespmem:s30+$0xFFFFFE40];
	v4 =	vand.u32 $0xFFFF0000, v10;
	v5 =	vadd.f32 v5, v8;
	[tilespmem:s7+$0xFFFFFE10] =	vst v7  }
0xec: {  	s21 =	simm.s32 $0x820;
	s3 =	sor.u32 s3, s4;
	v6 =	vld [tilespmem:s30+$0xFFFFFE50];
	v13 =	vmul.f32 $4.525483320e+01, v15;
	[tilespmem:s7+$0xFFFFFE20] =	vst v3;
	v3 =	vshll.u32 v9, $0x10;
	v8 =	vshll.u32 v14, $0x10  }
0xed: {  	s22 =	sand.u32 $0xF00, s21;
	s5 =	sand.u32 $0x50, s20;
	v7 =	vld.idx.msk [tilespmem:v2+s3+$0x14A00 ss:$0x1], $0xffff;
	[tilespmem:s7+$0xFFFFFE30] =	vst v5;
	v5 =	vand.u32 $0xFFFF0000, v9;
	v9 =	vand.u32 $0xFFFF0000, v14;
	v3 =	vadd.f32 v8, v3  }
0xee: {  	s4 =	sor.u32 s5, s22;
	v15 =	vld [tilespmem:s1+$0x80];
	v8 =	vshll.u32 v10, $0x10;
	v5 =	vadd.f32 v9, v5;
	v11 =	vmul.f32 $4.525483320e+01, v11  }
0xef: {  	v14 =	vand.u32 $0xFFFF0000, v17;
	v10 =	vld.idx.msk [tilespmem:v2+s4+$0x14200 ss:$0x1], $0xffff;
	v9 =	vshll.u32 v17, $0x10;
	v3 =	vadd.f32 v3, v13  }
0xf0: {  	v16 =	vld [tilespmem:s0+$0x80];
	v8 =	vadd.f32 v9, v8;
	v9 =	vmul.f32 $4.525483320e+01, v12;
	v5 =	vadd.f32 v5, v11  }
0xf1: {  	s23 =	simm.s32 $0x830;
	s24 =	simm.s32 $0x1060;
	v4 =	vadd.f32 v14, v4;
	v12 =	vld [tilespmem:s30+$0xFFFFFE80];
	v6 =	vmul.f32 $4.525483320e+01, v6;
	[tilespmem:s7+$0xFFFFFEE0] =	vst v3  }
0xf2: {  	s5 =	sand.u32 $0x1700, s24;
	s4 =	sand.u32 $0x70, s23;
	v11 =	vld [tilespmem:s30+$0xFFFFFE90];
	v3 =	vadd.f32 v8, v9;
	[tilespmem:s7+$0xFFFFFEF0] =	vst v5  }
0xf3: {  	s4 =	sor.u32 s4, s5;
	v4 =	vadd.f32 v4, v6;
	v5 =	vld [tilespmem:s30+$0xFFFFFF60]  }
0xf4: {  	[tilespmem:s7+$0xFFFFFE40] =	vst v3;
	v3 =	vld.idx.msk [tilespmem:v2+s4+$0x14200 ss:$0x1], $0xffff  }
0xf5: {  	s25 =	simm.s32 $0x420;
	s26 =	simm.s32 $0x840;
	v6 =	vshll.u32 v15, $0x10;
	v9 =	vshll.u32 v7, $0x10;
	[tilespmem:s7+$0xFFFFFE50] =	vst v4;
	v4 =	vld [tilespmem:s2+$0x100]  }
0xf6: {  	s28 =	sand.u32 $0x60, s25;
	s29 =	sand.u32 $0xF00, s26;
	v8 =	vld [tilespmem:s30+$0xFFFFFEA0];
	v7 =	vand.u32 $0xFFFF0000, v7;
	v13 =	vand.u32 $0xFFFF0000, v15;
	v6 =	vadd.f32 v9, v6  }
0xf7: {  	s5 =	sor.u32 s28, s29;
	v7 =	vadd.f32 v7, v13;
	v9 =	vmul.f32 $4.525483320e+01, v12;
	v13 =	vld [tilespmem:s30+$0xFFFFFF70];
	v11 =	vmul.f32 $4.525483320e+01, v11  }
0xf8: {  	v14 =	vshll.u32 v16, $0x10;
	v15 =	vshll.u32 v10, $0x10;
	v10 =	vand.u32 $0xFFFF0000, v10;
	v12 =	vld.idx.msk [tilespmem:v2+s5+$0x14200 ss:$0x1], $0xffff  }
0xf9: {  	v16 =	vand.u32 $0xFFFF0000, v16;
	v6 =	vadd.f32 v6, v9;
	v9 =	vld [tilespmem:s9+$0x80];
	v7 =	vadd.f32 v7, v11  }
0xfa: {  	v11 =	vld [tilespmem:s30+$0xFFFFFEB0];
	v17 =	vshll.u32 v4, $0x10;
	v18 =	vshll.u32 v3, $0x10;
	v5 =	vmul.f32 $4.525483320e+01, v5  }
0xfb: {  	[tilespmem:s7+$0xFFFFFE80] =	vst v6;
	v6 =	vld [tilespmem:s30+$0xFFFFFEC0];
	v4 =	vand.u32 $0xFFFF0000, v4;
	v3 =	vand.u32 $0xFFFF0000, v3;
	v17 =	vadd.f32 v18, v17  }
0xfc: {  	v14 =	vadd.f32 v15, v14;
	v13 =	vmul.f32 $4.525483320e+01, v13;
	[tilespmem:s7+$0xFFFFFE90] =	vst v7;
	v7 =	vld [tilespmem:s30+$0xFFFFFED0];
	v3 =	vadd.f32 v3, v4  }
0xfd: {  	v8 =	vmul.f32 $4.525483320e+01, v8;
	v4 =	vadd.f32 v10, v16;
	v15 =	vld.idx.msk [tilespmem:v2+s3+$0x15200 ss:$0x1], $0xffff;
	v5 =	vadd.f32 v17, v5  }
0xfe: {  	s8 =	simm.s32 $0x1860;
	s6 =	simm.s32 $0xC30;
	v16 =	vshll.u32 v12, $0x10;
	v12 =	vand.u32 $0xFFFF0000, v12;
	v10 =	vld [tilespmem:s1+$0x100];
	v3 =	vadd.f32 v3, v13  }
0xff: {  	v40 =	vld [tilespmem:s30+$0xFFFFFF00];
	v17 =	vshll.u32 v9, $0x10;
	v9 =	vand.u32 $0xFFFF0000, v9;
	v11 =	vmul.f32 $4.525483320e+01, v11;
	[tilespmem:s7+$0xFFFFFF60] =	vst v5  }
0x100: {  	s4 =	sand.u32 $0x70, s6;
	s5 =	sand.u32 $0x1F00, s8;
	v13 =	vld [tilespmem:s30+$0xFFFFFF10];
	v6 =	vmul.f32 $4.525483320e+01, v6;
	v5 =	vadd.f32 v14, v8;
	v8 =	vadd.f32 v16, v17;
	[tilespmem:s7+$0xFFFFFF70] =	vst v3  }
0x101: {  	s12 =	simm.s32 $0x1020;
	s10 =	simm.s32 $0x810;
	s4 =	sor.u32 s4, s5;
	v3 =	vadd.f32 v12, v9;
	v7 =	vmul.f32 $4.525483320e+01, v7;
	v4 =	vadd.f32 v4, v11;
	v9 =	vld [tilespmem:s30+$0xFFFFFFE0]  }
0x102: {  	s13 =	sand.u32 $0x50, s10;
	s14 =	sand.u32 $0x1700, s12;
	[tilespmem:s7+$0xFFFFFEA0] =	vst v5;
	v5 =	vadd.f32 v8, v6;
	v6 =	vld.idx.msk [tilespmem:v2+s4+$0x14200 ss:$0x1], $0xffff  }
0x103: {  	s5 =	sor.u32 s13, s14;
	v3 =	vadd.f32 v3, v7;
	[tilespmem:s7+$0xFFFFFEB0] =	vst v4;
	v4 =	vld [tilespmem:s2+$0x180]  }
0x104: {  	s15 =	simm.s32 $0x820;
	s16 =	simm.s32 $0x1040;
	v8 =	vshll.u32 v10, $0x10;
	v7 =	vshll.u32 v15, $0x10;
	v11 =	vld.idx.msk [tilespmem:v2+s5+$0x14200 ss:$0x1], $0xffff;
	[tilespmem:s7+$0xFFFFFEC0] =	vst v5  }
0x105: {  	s17 =	sand.u32 $0x1700, s16;
	s4 =	sand.u32 $0x60, s15;
	v5 =	vmul.f32 $4.525483320e+01, v40;
	v7 =	vadd.f32 v7, v8;
	[tilespmem:s7+$0xFFFFFED0] =	vst v3;
	v3 =	vld [tilespmem:s30+$0xFFFFFFF0]  }
0x106: {  	v10 =	vand.u32 $0xFFFF0000, v10;
	s4 =	sor.u32 s4, s17;
	v8 =	vand.u32 $0xFFFF0000, v15;
	v16 =	vld [tilespmem:s30+$0xFFFFFF20]  }
0x107: {  	v13 =	vmul.f32 $4.525483320e+01, v13;
	v8 =	vadd.f32 v8, v10;
	v12 =	vld.idx.msk [tilespmem:v2+s4+$0x14200 ss:$0x1], $0xffff;
	v5 =	vadd.f32 v7, v5  }
0x108: {  	v7 =	vld [tilespmem:s0+$0x100];
	v9 =	vmul.f32 $4.525483320e+01, v9;
	v15 =	vshll.u32 v6, $0x10;
	v14 =	vshll.u32 v4, $0x10  }
0x109: {  	v10 =	vld [tilespmem:s9+$0x100];
	v6 =	vand.u32 $0xFFFF0000, v6;
	v4 =	vand.u32 $0xFFFF0000, v4;
	v14 =	vadd.f32 v15, v14  }
0x10a: {  	v8 =	vadd.f32 v8, v13;
	v13 =	vld [tilespmem:s30+$0xFFFFFF30];
	v4 =	vadd.f32 v6, v4;
	v3 =	vmul.f32 $4.525483320e+01, v3  }
0x10b: {  	[tilespmem:s7+$0xFFFFFF00] =	vst v5;
	v5 =	vld [tilespmem:s30+$0xFFFFFF40];
	v6 =	vadd.f32 v14, v9  }
0x10c: {  	[tilespmem:s7+$0xFFFFFF10] =	vst v8;
	v8 =	vld [tilespmem:s30+$0xFFFFFF50];
	v3 =	vadd.f32 v4, v3  }
0x10d: {  	s18 =	simm.s32 $0x1030;
	s19 =	simm.s32 $0x2060;
	v15 =	vld [tilespmem:s1+$0x180];
	v9 =	vand.u32 $0xFFFF0000, v11;
	v4 =	vshll.u32 v11, $0x10;
	v11 =	vshll.u32 v12, $0x10;
	[tilespmem:s7+$0xFFFFFFE0] =	vst v6  }
0x10e: {  	s5 =	sand.u32 $0x2700, s19;
	s4 =	sand.u32 $0x70, s18;
	v14 =	vld.idx.msk [tilespmem:v2+s3+$0x15A00 ss:$0x1], $0xffff;
	v6 =	vand.u32 $0xFFFF0000, v12;
	v12 =	vshll.u32 v7, $0x10;
	v7 =	vand.u32 $0xFFFF0000, v7;
	[tilespmem:s7+$0xFFFFFFF0] =	vst v3  }
0x10f: {  	s4 =	sor.u32 s4, s5;
	v3 =	vshll.u32 v10, $0x10;
	v4 =	vadd.f32 v4, v12;
	v12 =	vmul.f32 $4.525483320e+01, v16;
	v16 =	vld [tilespmem:s30+$0x60]  }
0x110: {  	v7 =	vadd.f32 v9, v7;
	v9 =	vand.u32 $0xFFFF0000, v10;
	v10 =	vmul.f32 $4.525483320e+01, v13;
	v13 =	vld.idx.msk [tilespmem:v2+s4+$0x14200 ss:$0x1], $0xffff  }
0x111: {  	v5 =	vmul.f32 $4.525483320e+01, v5;
	v3 =	vadd.f32 v11, v3;
	v11 =	vld [tilespmem:s2+$0x200];
	v4 =	vadd.f32 v4, v12  }
0x112: {  	s21 =	simm.s32 $0x1820;
	s20 =	simm.s32 $0xC10;
	v8 =	vmul.f32 $4.525483320e+01, v8;
	v6 =	vadd.f32 v6, v9;
	v9 =	vld [tilespmem:s30+$0xFFFFFF80];
	v7 =	vadd.f32 v7, v10  }
0x113: {  	s5 =	sand.u32 $0x1F00, s21;
	s4 =	sand.u32 $0x50, s20;
	v3 =	vadd.f32 v3, v5;
	[tilespmem:s7+$0xFFFFFF20] =	vst v4;
	v4 =	vld [tilespmem:s30+$0x70]  }
0x114: {  	s22 =	simm.s32 $0xC20;
	s23 =	simm.s32 $0x1840;
	s4 =	sor.u32 s4, s5;
	v5 =	vadd.f32 v6, v8;
	v6 =	vld [tilespmem:s30+$0xFFFFFF90];
	[tilespmem:s7+$0xFFFFFF30] =	vst v7  }
0x115: {  	s24 =	sand.u32 $0x60, s22;
	s25 =	sand.u32 $0x1F00, s23;
	v7 =	vshll.u32 v14, $0x10;
	v8 =	vld.idx.msk [tilespmem:v2+s4+$0x14200 ss:$0x1], $0xffff;
	[tilespmem:s7+$0xFFFFFF40] =	vst v3  }
0x116: {  	s26 =	sor.u32 s24, s25;
	v3 =	vld [tilespmem:s0+$0x180];
	[tilespmem:s7+$0xFFFFFF50] =	vst v5;
	v5 =	vshll.u32 v11, $0x10;
	v10 =	vshll.u32 v13, $0x10;
	v12 =	vmul.f32 $4.525483320e+01, v16  }
0x117: {  	v16 =	vld.idx.msk [tilespmem:v2+s26+$0x14200 ss:$0x1], $0xffff;
	v11 =	vand.u32 $0xFFFF0000, v11;
	v13 =	vand.u32 $0xFFFF0000, v13;
	v5 =	vadd.f32 v10, v5  }
0x118: {  	v17 =	vld [tilespmem:s9+$0x180];
	v10 =	vshll.u32 v15, $0x10;
	v11 =	vadd.f32 v13, v11;
	v4 =	vmul.f32 $4.525483320e+01, v4  }
0x119: {  	v9 =	vmul.f32 $4.525483320e+01, v9;
	v7 =	vadd.f32 v7, v10;
	v10 =	vld [tilespmem:s30+$0xFFFFFFA0];
	v5 =	vadd.f32 v5, v12  }
0x11a: {  	v13 =	vand.u32 $0xFFFF0000, v15;
	v12 =	vand.u32 $0xFFFF0000, v14;
	v14 =	vld [tilespmem:s30+$0xFFFFFFB0];
	v4 =	vadd.f32 v11, v4  }
0x11b: {  	s28 =	simm.s32 $0x1430;
	s29 =	simm.s32 $0x2860;
	v6 =	vmul.f32 $4.525483320e+01, v6;
	v7 =	vadd.f32 v7, v9;
	v9 =	vld [tilespmem:s30+$0xFFFFFFC0];
	v11 =	vadd.f32 v12, v13;
	[tilespmem:s7+$0x60] =	vst v5  }
0x11c: {  	s5 =	sand.u32 $0x2F00, s29;
	s4 =	sand.u32 $0x70, s28;
	v5 =	vshll.u32 v3, $0x10;
	v12 =	vshll.u32 v8, $0x10;
	v8 =	vand.u32 $0xFFFF0000, v8;
	v13 =	vld [tilespmem:s30+$0xFFFFFFD0];
	[tilespmem:s7+$0x70] =	vst v4  }
0x11d: {  	s4 =	sor.u32 s4, s5;
	v3 =	vand.u32 $0xFFFF0000, v3;
	v5 =	vadd.f32 v12, v5;
	v4 =	vadd.f32 v11, v6;
	v6 =	vld [tilespmem:s30+$0xE0]  }
0x11e: {  	[tilespmem:s7+$0xFFFFFF80] =	vst v7;
	v7 =	vshll.u32 v17, $0x10;
	v12 =	vand.u32 $0xFFFF0000, v16;
	v3 =	vadd.f32 v8, v3;
	v15 =	vld.idx.msk [tilespmem:v2+s4+$0x14200 ss:$0x1], $0xffff  }
0x11f: {  	v11 =	vshll.u32 v16, $0x10;
	v8 =	vmul.f32 $4.525483320e+01, v10;
	v10 =	vld [tilespmem:s2+$0x280];
	[tilespmem:s7+$0xFFFFFF90] =	vst v4;
	v4 =	vand.u32 $0xFFFF0000, v17  }
0x120: {  	v7 =	vadd.f32 v11, v7;
	v11 =	vmul.f32 $4.525483320e+01, v14;
	v4 =	vadd.f32 v12, v4;
	v12 =	vld.idx.msk [tilespmem:v2+s3+$0x16200 ss:$0x1], $0xffff  }
0x121: {  	v9 =	vmul.f32 $4.525483320e+01, v9;
	v5 =	vadd.f32 v5, v8;
	v8 =	vmul.f32 $4.525483320e+01, v13;
	v13 =	vld [tilespmem:s30+$0xF0]  }
0x122: {  	s6 =	simm.s32 $0x2020;
	s5 =	simm.s32 $0x1010;
	v3 =	vadd.f32 v3, v11;
	v11 =	vld [tilespmem:s1+$0x200]  }
0x123: {  	s4 =	sand.u32 $0x50, s5;
	s5 =	sand.u32 $0x2700, s6;
	v7 =	vadd.f32 v7, v9;
	v9 =	vld [tilespmem:s30+$0x0];
	[tilespmem:s7+$0xFFFFFFA0] =	vst v5;
	v4 =	vadd.f32 v4, v8  }
0x124: {  	s4 =	sor.u32 s4, s5;
	v5 =	vld [tilespmem:s30+$0x10];
	[tilespmem:s7+$0xFFFFFFB0] =	vst v3;
	v3 =	vshll.u32 v10, $0x10;
	v8 =	vshll.u32 v15, $0x10;
	v6 =	vmul.f32 $4.525483320e+01, v6  }
0x125: {  	s10 =	simm.s32 $0x2040;
	s8 =	simm.s32 $0x1020;
	v14 =	vld.idx.msk [tilespmem:v2+s4+$0x14200 ss:$0x1], $0xffff;
	[tilespmem:s7+$0xFFFFFFC0] =	vst v7;
	v7 =	vand.u32 $0xFFFF0000, v10;
	v10 =	vand.u32 $0xFFFF0000, v15;
	v3 =	vadd.f32 v8, v3  }
0x126: {  	s12 =	sand.u32 $0x60, s8;
	s13 =	sand.u32 $0x2700, s10;
	v15 =	vld [tilespmem:s30+$0x30];
	[tilespmem:s7+$0xFFFFFFD0] =	vst v4;
	v7 =	vadd.f32 v10, v7;
	v4 =	vmul.f32 $4.525483320e+01, v13  }
0x127: {  	s14 =	sor.u32 s12, s13;
	v8 =	vld [tilespmem:s0+$0x200];
	v3 =	vadd.f32 v3, v6  }
0x128: {  	v10 =	vld.idx.msk [tilespmem:v2+s14+$0x14200 ss:$0x1], $0xffff;
	v4 =	vadd.f32 v7, v4  }
0x129: {  	s16 =	simm.s32 $0x3060;
	s15 =	simm.s32 $0x1830;
	v6 =	vld [tilespmem:s9+$0x200];
	[tilespmem:s7+$0xE0] =	vst v3  }
0x12a: {  	s5 =	sand.u32 $0x3700, s16;
	s4 =	sand.u32 $0x70, s15;
	v13 =	vshll.u32 v11, $0x10;
	v11 =	vand.u32 $0xFFFF0000, v11;
	v7 =	vld [tilespmem:s30+$0x20];
	[tilespmem:s7+$0xF0] =	vst v4  }
0x12b: {  	s4 =	sor.u32 s4, s5;
	v9 =	vmul.f32 $4.525483320e+01, v9;
	v3 =	vshll.u32 v12, $0x10;
	v4 =	vand.u32 $0xFFFF0000, v12;
	v12 =	vld [tilespmem:s30+$0x160]  }
0x12c: {  	v16 =	vshll.u32 v14, $0x10;
	v3 =	vadd.f32 v3, v13;
	v4 =	vadd.f32 v4, v11;
	v11 =	vld.idx.msk [tilespmem:v2+s4+$0x14200 ss:$0x1], $0xffff  }
0x12d: {  	v14 =	vand.u32 $0xFFFF0000, v14;
	v13 =	vshll.u32 v8, $0x10;
	v8 =	vand.u32 $0xFFFF0000, v8;
	v17 =	vld [tilespmem:s2+$0x300]  }
0x12e: {  	v5 =	vmul.f32 $4.525483320e+01, v5;
	v8 =	vadd.f32 v14, v8;
	v3 =	vadd.f32 v3, v9  }
0x12f: {  	v14 =	vld [tilespmem:s30+$0x170];
	v9 =	vadd.f32 v16, v13;
	v13 =	vmul.f32 $4.525483320e+01, v15;
	v7 =	vmul.f32 $4.525483320e+01, v7  }
0x130: {  	v41 =	vld [tilespmem:s30+$0x40];
	v15 =	vshll.u32 v6, $0x10;
	v16 =	vshll.u32 v10, $0x10;
	v4 =	vadd.f32 v4, v5  }
0x131: {  	v5 =	vand.u32 $0xFFFF0000, v10;
	v10 =	vld [tilespmem:s30+$0x50];
	v8 =	vadd.f32 v8, v13;
	v7 =	vadd.f32 v9, v7  }
0x132: {  	s10 =	simm.s32 $0x800;
	s18 =	simm.s32 $0x2820;
	[tilespmem:s7+$0x0] =	vst v3;
	v3 =	vshll.u32 v17, $0x10;
	v9 =	vshll.u32 v11, $0x10;
	v12 =	vmul.f32 $4.525483320e+01, v12  }
0x133: {  	v42 =	vld [tilespmem:s10+$0xFFFFFE00];
	s17 =	simm.s32 $0x1410;
	s5 =	sand.u32 $0x2F00, s18;
	[tilespmem:s7+$0x10] =	vst v4;
	v4 =	vand.u32 $0xFFFF0000, v17;
	v11 =	vand.u32 $0xFFFF0000, v11;
	v3 =	vadd.f32 v9, v3  }
0x134: {  	s4 =	sand.u32 $0x50, s17;
	v6 =	vand.u32 $0xFFFF0000, v6;
	v13 =	vld [tilespmem:s1+$0x280];
	[tilespmem:s7+$0x20] =	vst v7;
	v7 =	vmul.f32 $4.525483320e+01, v14;
	v4 =	vadd.f32 v11, v4  }
0x135: {  	s4 =	sor.u32 s4, s5;
	[tilespmem:s7+$0x30] =	vst v8;
	v8 =	vmul.f32 $4.525483320e+01, v41;
	v9 =	vld.idx.msk [tilespmem:v2+s3+$0x16A00 ss:$0x1], $0xffff;
	v11 =	vadd.f32 v16, v15;
	v3 =	vadd.f32 v3, v12  }
0x136: {  	v5 =	vadd.f32 v5, v6;
	v6 =	vld.idx.msk [tilespmem:v2+s4+$0x14200 ss:$0x1], $0xffff;
	v10 =	vmul.f32 $4.525483320e+01, v10;
	v4 =	vadd.f32 v4, v7  }
0x137: {  	s19 =	simm.s32 $0x1C30;
	s21 =	simm.s32 $0x3860;
	v7 =	vld [tilespmem:s0+$0x280];
	v8 =	vadd.f32 v11, v8;
	[tilespmem:s7+$0x160] =	vst v3  }
0x138: {  	s6 =	sand.u32 $0x3F00, s21;
	s4 =	sand.u32 $0x70, s19;
	v11 =	vld [tilespmem:s30+$0x80];
	v5 =	vadd.f32 v5, v10;
	[tilespmem:s7+$0x170] =	vst v4  }
0x139: {  	s4 =	sor.u32 s4, s6;
	v4 =	vld [tilespmem:s30+$0x90];
	[tilespmem:s7+$0x40] =	vst v8  }
0x13a: {  	v8 =	vshll.u32 v13, $0x10;
	v3 =	vld.idx.msk [tilespmem:v2+s4+$0x14200 ss:$0x1], $0xffff;
	[tilespmem:s7+$0x50] =	vst v5  }
0x13b: {  	s22 =	simm.s32 $0x2840;
	s20 =	simm.s32 $0x1420;
	v13 =	vand.u32 $0xFFFF0000, v13;
	v10 =	vshll.u32 v9, $0x10;
	v9 =	vand.u32 $0xFFFF0000, v9;
	v12 =	vld [tilespmem:s9+$0x280]  }
0x13c: {  	s8 =	sand.u32 $0x2F00, s22;
	s5 =	sand.u32 $0x60, s20;
	v9 =	vadd.f32 v9, v13;
	v13 =	vld [tilespmem:s30+$0xB0]  }
0x13d: {  	s5 =	sor.u32 s5, s8;
	v8 =	vadd.f32 v10, v8;
	v10 =	vmul.f32 $4.525483320e+01, v11;
	v11 =	vld [tilespmem:s30+$0xA0]  }
0x13e: {  	v5 =	vld.idx.msk [tilespmem:v2+s5+$0x14200 ss:$0x1], $0xffff;
	v4 =	vmul.f32 $4.525483320e+01, v4  }
0x13f: {  	v15 =	vshll.u32 v6, $0x10;
	v16 =	vld [tilespmem:s30+$0xC0];
	v6 =	vand.u32 $0xFFFF0000, v6;
	v10 =	vadd.f32 v8, v10  }
0x140: {  	v17 =	vld [tilespmem:s30+$0xD0];
	v14 =	vshll.u32 v7, $0x10;
	v7 =	vand.u32 $0xFFFF0000, v7;
	v4 =	vadd.f32 v9, v4  }
0x141: {  	v14 =	vadd.f32 v15, v14;
	v6 =	vadd.f32 v6, v7;
	v8 =	vld [tilespmem:s2+$0x380];
	[tilespmem:s7+$0x80] =	vst v10  }
0x142: {  	v9 =	vld [tilespmem:s30+$0x1F0];
	v13 =	vmul.f32 $4.525483320e+01, v13;
	v7 =	vmul.f32 $4.525483320e+01, v11;
	v11 =	vshll.u32 v12, $0x10;
	[tilespmem:s7+$0x90] =	vst v4  }
0x143: {  	v12 =	vand.u32 $0xFFFF0000, v12;
	v4 =	vshll.u32 v5, $0x10;
	v5 =	vand.u32 $0xFFFF0000, v5;
	v10 =	vld.idx.msk [tilespmem:v2+s3+$0x17200 ss:$0x1], $0xffff  }
0x144: {  	v4 =	vadd.f32 v4, v11;
	v11 =	vld [tilespmem:s1+$0x300];
	v7 =	vadd.f32 v14, v7;
	v14 =	vmul.f32 $4.525483320e+01, v16  }
0x145: {  	s23 =	simm.s32 $0x1810;
	s24 =	simm.s32 $0x3020;
	v6 =	vadd.f32 v6, v13;
	v13 =	vmul.f32 $4.525483320e+01, v17;
	v5 =	vadd.f32 v5, v12;
	v12 =	vld [tilespmem:s30+$0x100]  }
0x146: {  	s4 =	sand.u32 $0x3700, s24;
	s2 =	sand.u32 $0x50, s23;
	v15 =	vld [tilespmem:s30+$0x110];
	[tilespmem:s7+$0xA0] =	vst v7;
	v7 =	vadd.f32 v4, v14  }
0x147: {  	s2 =	sor.u32 s2, s4;
	[tilespmem:s7+$0xB0] =	vst v6;
	v4 =	vld [tilespmem:s30+$0x1E0];
	v5 =	vadd.f32 v5, v13  }
0x148: {  	v13 =	vld.idx.msk [tilespmem:v2+s2+$0x14200 ss:$0x1], $0xffff;
	[tilespmem:s7+$0xC0] =	vst v7  }
0x149: {  	v14 =	vld [tilespmem:s0+$0x300];
	[tilespmem:s7+$0xD0] =	vst v5;
	v6 =	vshll.u32 v10, $0x10;
	v7 =	vand.u32 $0xFFFF0000, v10;
	v10 =	vshll.u32 v11, $0x10  }
0x14a: {  	s25 =	simm.s32 $0x1820;
	s26 =	simm.s32 $0x3040;
	v5 =	vand.u32 $0xFFFF0000, v11;
	v11 =	vmul.f32 $4.525483320e+01, v12;
	v12 =	vld [tilespmem:s9+$0x300];
	v6 =	vadd.f32 v6, v10  }
0x14b: {  	s28 =	sand.u32 $0x60, s25;
	s29 =	sand.u32 $0x3700, s26;
	v16 =	vld [tilespmem:s30+$0x140];
	v5 =	vadd.f32 v7, v5;
	v7 =	vmul.f32 $4.525483320e+01, v15  }
0x14c: {  	s5 =	sor.u32 s28, s29;
	v17 =	vld [tilespmem:s30+$0x150];
	v6 =	vadd.f32 v6, v11  }
0x14d: {  	v10 =	vld.idx.msk [tilespmem:v2+s5+$0x14200 ss:$0x1], $0xffff;
	v5 =	vadd.f32 v5, v7  }
0x14e: {  	v15 =	vld [tilespmem:s30+$0x130];
	[tilespmem:s7+$0x100] =	vst v6  }
0x14f: {  	s14 =	simm.s32 $0x200;
	v11 =	vld [tilespmem:s30+$0x120];
	[tilespmem:s7+$0x110] =	vst v5  }
0x150: {  	s8 =	sand.u32 $0x1C00, s14;
	s6 =	simm.s32 $0x40;
	v7 =	vld.idx.msk [tilespmem:v2+s3+$0x17A00 ss:$0x1], $0xffff  }
0x151: {  	s12 =	sor.u32 $0x8200, s8;
	v5 =	vld [tilespmem:s1+$0x380];
	s3 =	sand.u32 $0x40, s6  }
0x152: {  	v6 =	vld [tilespmem:s30+$0x180];
	s1 =	sshrl.u32 s8, $0x2;
	[dreg:$0x7] =	wrdreg s11;
	s15 =	sor.u32 $0x30, s3  }
0x153: {  	v21 =	vshll.u32 v14, $0x10;
	s16 =	sadd.s32 s1, s11;
	v19 =	vld [tilespmem:s10+$0xFFFFFE60];
	s17 =	sor.u32 s15, s12  }
0x154: {  	v23 =	vshll.u32 v13, $0x10;
	v13 =	vand.u32 $0xFFFF0000, v13;
	v14 =	vand.u32 $0xFFFF0000, v14;
	s1 =	sadd.s32 s15, s16;
	v20 =	vld [tilespmem:s17+$0x0]  }
0x155: {  	v21 =	vadd.f32 v23, v21;
	v13 =	vadd.f32 v13, v14;
	v43 =	vshll.u32 v12, $0x10;
	v22 =	vld [tilespmem:s1+$0x0]  }
0x156: {  	v12 =	vand.u32 $0xFFFF0000, v12;
	v16 =	vmul.f32 $4.525483320e+01, v16;
	v25 =	vshll.u32 v10, $0x10;
	v26 =	vld [tilespmem:s10+$0xFFFFFE70]  }
0x157: {  	v10 =	vand.u32 $0xFFFF0000, v10;
	v15 =	vmul.f32 $4.525483320e+01, v15;
	v23 =	vadd.f32 v25, v43;
	v47 =	vld [tilespmem:s10+$0xFFFFFE10]  }
0x158: {  	s19 =	sor.u32 $0x10, s3;
	v10 =	vadd.f32 v10, v12;
	s5 =	sor.u32 s3, s12;
	v48 =	vld [tilespmem:s10+$0xFFFFFE20]  }
0x159: {  	s4 =	sor.u32 s19, s12;
	v11 =	vmul.f32 $4.525483320e+01, v11;
	v46 =	vld [tilespmem:s5+$0x0];
	v13 =	vadd.f32 v13, v15;
	v15 =	vadd.f32 v23, v16  }
0x15a: {  	s21 =	sadd.s32 s19, s16;
	v14 =	vld [tilespmem:s4+$0x0];
	v19 =	vmul.f32 $4.525483320e+01, v19;
	v27 =	vshll.u32 v20, $0x10;
	v28 =	vshll.u32 v22, $0x10  }
0x15b: {  	v12 =	vld [tilespmem:s21+$0x0];
	v20 =	vand.u32 $0xFFFF0000, v20;
	v22 =	vand.u32 $0xFFFF0000, v22;
	v27 =	vadd.f32 v28, v27  }
0x15c: {  	v49 =	vld [tilespmem:s10+$0xFFFFFE30];
	s18 =	sadd.s32 s3, s16;
	v11 =	vadd.f32 v21, v11;
	[tilespmem:s7+$0x130] =	vst v13;
	v26 =	vmul.f32 $4.525483320e+01, v26;
	v20 =	vadd.f32 v22, v20  }
0x15d: {  	v17 =	vmul.f32 $4.525483320e+01, v17;
	v24 =	vld [tilespmem:s18+$0x0];
	[tilespmem:s7+$0x140] =	vst v15;
	v19 =	vadd.f32 v27, v19  }
0x15e: {  	s2 =	simm.s32 $0xC800;
	s20 =	sor.u32 $0x20, s3;
	v51 =	vld [tilespmem:s10+$0xFFFFFE40];
	[tilespmem:s7+$0x120] =	vst v11;
	v20 =	vadd.f32 v20, v26  }
0x15f: {  	s22 =	simm.s32 $0x470;
	s23 =	simm.s32 $0x8E0;
	v57 =	vld [tilespmem:s10+$0xFFFFFE50];
	s6 =	sadd.s32 s20, s16;
	v10 =	vadd.f32 v10, v17;
	v15 =	vmul.f32 $4.525483320e+01, v48;
	[tilespmem:s2+$0xFFFFFE60] =	vst v19  }
0x160: {  	s8 =	sand.u32 $0xF00, s23;
	v45 =	vld [tilespmem:s6+$0x0];
	s6 =	sand.u32 $0x70, s22;
	v52 =	vshll.u32 v46, $0x10;
	v11 =	vshll.u32 v14, $0x10;
	v13 =	vshll.u32 v12, $0x10;
	[tilespmem:s2+$0xFFFFFE70] =	vst v20  }
0x161: {  	s6 =	sor.u32 s6, s8;
	v14 =	vand.u32 $0xFFFF0000, v14;
	v12 =	vand.u32 $0xFFFF0000, v12;
	v13 =	vadd.f32 v13, v11;
	v53 =	vld [tilespmem:s10+$0xFFFFFEE0]  }
0x162: {  	[tilespmem:s7+$0x150] =	vst v10;
	v17 =	vshll.u32 v24, $0x10;
	v10 =	vadd.f32 v12, v14;
	v14 =	vmul.f32 $4.525483320e+01, v49;
	v54 =	vld.idx.msk [tilespmem:v2+s6+$0x14200 ss:$0x1], $0xffff  }
0x163: {  	s29 =	simm.s32 $0x1C20;
	s13 =	sor.u32 s20, s12;
	s12 =	simm.s32 $0x3840;
	v16 =	vmul.f32 $4.525483320e+01, v42;
	v17 =	vadd.f32 v17, v52;
	v13 =	vadd.f32 v13, v15;
	v56 =	vld [tilespmem:s17+$0x80]  }
0x164: {  	s11 =	sand.u32 $0x60, s29;
	v44 =	vld [tilespmem:s13+$0x0];
	s12 =	sand.u32 $0x3F00, s12;
	v50 =	vand.u32 $0xFFFF0000, v24;
	v22 =	vand.u32 $0xFFFF0000, v46;
	v14 =	vadd.f32 v10, v14  }
0x165: {  	s24 =	simm.s32 $0x1C10;
	s1 =	sor.u32 s11, s12;
	v55 =	vmul.f32 $4.525483320e+01, v47;
	v16 =	vadd.f32 v17, v16;
	v19 =	vadd.f32 v50, v22;
	[tilespmem:s2+$0xFFFFFE20] =	vst v13;
	v17 =	vld [tilespmem:s10+$0xFFFFFEF0]  }
0x166: {  	s25 =	simm.s32 $0x3820;
	s26 =	sand.u32 $0x50, s24;
	s16 =	simm.s32 $0x8A0;
	v10 =	vld.idx.msk [tilespmem:v2+s1+$0x14200 ss:$0x1], $0xffff;
	[tilespmem:s2+$0xFFFFFE30] =	vst v14  }
0x167: {  	s28 =	sand.u32 $0x3F00, s25;
	s18 =	sand.u32 $0xF00, s16;
	s12 =	simm.s32 $0x450;
	v61 =	vshll.u32 v45, $0x10;
	v63 =	vld [tilespmem:s4+$0x80];
	v12 =	vadd.f32 v19, v55  }
0x168: {  	s8 =	simm.s32 $0x80;
	s11 =	sand.u32 $0x50, s12;
	[tilespmem:s2+$0xFFFFFE00] =	vst v16;
	s6 =	sor.u32 s26, s28;
	v37 =	vld [tilespmem:s10+$0xFFFFFEB0];
	v13 =	vshll.u32 v56, $0x10;
	v16 =	vshll.u32 v54, $0x10;
	v58 =	vmul.f32 $4.525483320e+01, v53  }
0x169: {  	s15 =	sand.u32 $0x700, s8;
	v11 =	vld.idx.msk [tilespmem:v2+s6+$0x14200 ss:$0x1], $0xffff;
	s6 =	sor.u32 s11, s18;
	v14 =	vand.u32 $0xFFFF0000, v56;
	v20 =	vand.u32 $0xFFFF0000, v54;
	v13 =	vadd.f32 v16, v13  }
0x16a: {  	s3 =	sor.u32 s3, s15;
	v62 =	vand.u32 $0xFFFF0000, v45;
	v60 =	vld.idx.msk [tilespmem:v2+s6+$0x14200 ss:$0x1], $0xffff;
	[tilespmem:s2+$0xFFFFFE10] =	vst v12;
	v17 =	vmul.f32 $4.525483320e+01, v17;
	v14 =	vadd.f32 v20, v14  }
0x16b: {  	v15 =	vand.u32 $0xFFFF0000, v44;
	v12 =	vld.idx.msk [tilespmem:v2+s3+$0x14A00 ss:$0x1], $0xffff;
	v16 =	vshll.u32 v44, $0x10;
	v13 =	vadd.f32 v13, v58  }
0x16c: {  	v27 =	vmul.f32 $4.525483320e+01, v51;
	v59 =	vld [tilespmem:s5+$0x80];
	v16 =	vadd.f32 v61, v16;
	v14 =	vadd.f32 v14, v17  }
0x16d: {  	s19 =	simm.s32 $0x870;
	s20 =	simm.s32 $0x10E0;
	v15 =	vadd.f32 v62, v15;
	v29 =	vld [tilespmem:s10+$0xFFFFFE90];
	v17 =	vmul.f32 $4.525483320e+01, v57;
	[tilespmem:s2+$0xFFFFFEE0] =	vst v13  }
0x16e: {  	s11 =	sand.u32 $0x1700, s20;
	s6 =	sand.u32 $0x70, s19;
	v28 =	vld [tilespmem:s10+$0xFFFFFE80];
	v13 =	vadd.f32 v16, v27;
	[tilespmem:s2+$0xFFFFFEF0] =	vst v14  }
0x16f: {  	s6 =	sor.u32 s6, s11;
	v14 =	vadd.f32 v15, v17;
	v15 =	vld [tilespmem:s10+$0xFFFFFF60]  }
0x170: {  	[tilespmem:s2+$0xFFFFFE40] =	vst v13;
	v13 =	vld.idx.msk [tilespmem:v2+s6+$0x14200 ss:$0x1], $0xffff  }
0x171: {  	s21 =	simm.s32 $0x460;
	s22 =	simm.s32 $0x8C0;
	v30 =	vshll.u32 v12, $0x10;
	v12 =	vand.u32 $0xFFFF0000, v12;
	v21 =	vand.u32 $0xFFFF0000, v59;
	[tilespmem:s2+$0xFFFFFE50] =	vst v14;
	v14 =	vld [tilespmem:s17+$0x100]  }
0x172: {  	s12 =	sand.u32 $0x60, s21;
	s11 =	sand.u32 $0xF00, s22;
	v18 =	vmul.f32 $4.525483320e+01, v29;
	v16 =	vld [tilespmem:s10+$0xFFFFFEA0];
	v17 =	vshll.u32 v59, $0x10;
	v12 =	vadd.f32 v12, v21  }
0x173: {  	s23 =	sor.u32 s12, s11;
	v31 =	vmul.f32 $4.525483320e+01, v28;
	v17 =	vadd.f32 v30, v17;
	v33 =	vld [tilespmem:s10+$0xFFFFFF70]  }
0x174: {  	v12 =	vadd.f32 v12, v18;
	v32 =	vld.idx.msk [tilespmem:v2+s23+$0x14200 ss:$0x1], $0xffff  }
0x175: {  	v34 =	vshll.u32 v63, $0x10;
	v17 =	vadd.f32 v17, v31;
	v35 =	vld [tilespmem:s13+$0x80]  }
0x176: {  	v40 =	vld [tilespmem:s10+$0xFFFFFED0];
	[tilespmem:s2+$0xFFFFFE90] =	vst v12;
	v15 =	vmul.f32 $4.525483320e+01, v15;
	v38 =	vshll.u32 v14, $0x10;
	v39 =	vshll.u32 v13, $0x10  }
0x177: {  	[tilespmem:s2+$0xFFFFFE80] =	vst v17;
	v17 =	vld [tilespmem:s10+$0xFFFFFEC0];
	v12 =	vand.u32 $0xFFFF0000, v14;
	v13 =	vand.u32 $0xFFFF0000, v13;
	v14 =	vadd.f32 v39, v38  }
0x178: {  	v25 =	vand.u32 $0xFFFF0000, v63;
	v41 =	vld.idx.msk [tilespmem:v2+s3+$0x15200 ss:$0x1], $0xffff;
	v21 =	vmul.f32 $4.525483320e+01, v33;
	v12 =	vadd.f32 v13, v12  }
0x179: {  	v36 =	vshll.u32 v60, $0x10;
	v22 =	vand.u32 $0xFFFF0000, v60;
	v42 =	vld [tilespmem:s5+$0x100];
	v14 =	vadd.f32 v14, v15  }
0x17a: {  	v16 =	vmul.f32 $4.525483320e+01, v16;
	v43 =	vld [tilespmem:s10+$0xFFFFFF00];
	v13 =	vadd.f32 v36, v34;
	v21 =	vadd.f32 v12, v21  }
0x17b: {  	s26 =	simm.s32 $0xC70;
	s28 =	simm.s32 $0x18E0;
	v18 =	vmul.f32 $4.525483320e+01, v37;
	v44 =	vld [tilespmem:s10+$0xFFFFFF10];
	v15 =	vadd.f32 v22, v25;
	[tilespmem:s2+$0xFFFFFF60] =	vst v14  }
0x17c: {  	s12 =	sand.u32 $0x70, s26;
	v13 =	vadd.f32 v13, v16;
	v16 =	vshll.u32 v32, $0x10;
	v12 =	vld [tilespmem:s0+$0x380];
	s0 =	sand.u32 $0x1F00, s28;
	v14 =	vshll.u32 v35, $0x10;
	[tilespmem:s2+$0xFFFFFF70] =	vst v21  }
0x17d: {  	s24 =	simm.s32 $0x850;
	s25 =	simm.s32 $0x10A0;
	s0 =	sor.u32 s12, s0;
	v15 =	vadd.f32 v15, v18;
	v14 =	vadd.f32 v16, v14;
	v16 =	vmul.f32 $4.525483320e+01, v17;
	v17 =	vld [tilespmem:s10+$0xFFFFFFE0]  }
0x17e: {  	s11 =	sand.u32 $0x1700, s25;
	s6 =	sand.u32 $0x50, s24;
	v20 =	vand.u32 $0xFFFF0000, v32;
	[tilespmem:s2+$0xFFFFFEA0] =	vst v13;
	v13 =	vand.u32 $0xFFFF0000, v35;
	v46 =	vld.idx.msk [tilespmem:v2+s0+$0x14200 ss:$0x1], $0xffff  }
0x17f: {  	s6 =	sor.u32 s6, s11;
	v45 =	vmul.f32 $4.525483320e+01, v40;
	v13 =	vadd.f32 v20, v13;
	v47 =	vld [tilespmem:s17+$0x180];
	[tilespmem:s2+$0xFFFFFEB0] =	vst v15  }
0x180: {  	v15 =	vld.idx.msk [tilespmem:v2+s6+$0x14200 ss:$0x1], $0xffff  }
0x181: {  	v14 =	vadd.f32 v14, v16;
	v16 =	vadd.f32 v13, v45;
	v13 =	vld [tilespmem:s30+$0x190]  }
0x182: {  	v53 =	vld [tilespmem:s4+$0x100]  }
0x183: {  	s29 =	simm.s32 $0x860;
	s1 =	simm.s32 $0x10C0;
	v48 =	vshll.u32 v41, $0x10;
	v50 =	vand.u32 $0xFFFF0000, v41;
	v51 =	vand.u32 $0xFFFF0000, v42;
	v57 =	vld [tilespmem:s10+$0xFFFFFF20]  }
0x184: {  	v49 =	vshll.u32 v42, $0x10;
	v24 =	vmul.f32 $4.525483320e+01, v44;
	v21 =	vadd.f32 v50, v51;
	s0 =	sand.u32 $0x60, s29;
	s6 =	sand.u32 $0x1700, s1;
	[tilespmem:s2+$0xFFFFFED0] =	vst v16;
	v16 =	vld [tilespmem:s10+$0xFFFFFFF0]  }
0x185: {  	v20 =	vadd.f32 v48, v49;
	v58 =	vld [tilespmem:s10+$0xFFFFFF30];
	s0 =	sor.u32 s0, s6;
	[tilespmem:s2+$0xFFFFFEC0] =	vst v14;
	v14 =	vmul.f32 $4.525483320e+01, v43  }
0x186: {  	v21 =	vadd.f32 v21, v24;
	v52 =	vld.idx.msk [tilespmem:v2+s0+$0x14200 ss:$0x1], $0xffff;
	v55 =	vshll.u32 v47, $0x10;
	v56 =	vshll.u32 v46, $0x10  }
0x187: {  	v54 =	vld [tilespmem:s13+$0x100];
	v18 =	vand.u32 $0xFFFF0000, v47;
	v19 =	vand.u32 $0xFFFF0000, v46;
	v14 =	vadd.f32 v20, v14  }
0x188: {  	[tilespmem:s2+$0xFFFFFF10] =	vst v21;
	v17 =	vmul.f32 $4.525483320e+01, v17;
	v61 =	vld [tilespmem:s10+$0xFFFFFF50];
	v25 =	vadd.f32 v56, v55;
	v18 =	vadd.f32 v19, v18  }
0x189: {  	v60 =	vshll.u32 v15, $0x10;
	v15 =	vand.u32 $0xFFFF0000, v15;
	[tilespmem:s2+$0xFFFFFF00] =	vst v14;
	v14 =	vld [tilespmem:s10+$0xFFFFFF40];
	v16 =	vmul.f32 $4.525483320e+01, v16  }
0x18a: {  	v20 =	vand.u32 $0xFFFF0000, v53;
	v31 =	vmul.f32 $4.525483320e+01, v57;
	v17 =	vadd.f32 v25, v17;
	v63 =	vld.idx.msk [tilespmem:v2+s3+$0x15A00 ss:$0x1], $0xffff  }
0x18b: {  	s12 =	simm.s32 $0x20E0;
	v33 =	vmul.f32 $4.525483320e+01, v58;
	v15 =	vadd.f32 v15, v20;
	v30 =	vld [tilespmem:s5+$0x180];
	v16 =	vadd.f32 v18, v16  }
0x18c: {  	s11 =	simm.s32 $0x1070;
	s6 =	sand.u32 $0x2700, s12;
	v37 =	vld [tilespmem:s10+$0xFFFFFF80];
	v62 =	vshll.u32 v52, $0x10;
	[tilespmem:s2+$0xFFFFFFE0] =	vst v17;
	v17 =	vshll.u32 v53, $0x10;
	v23 =	vand.u32 $0xFFFF0000, v52  }
0x18d: {  	s0 =	sand.u32 $0x70, s11;
	v39 =	vld [tilespmem:s10+$0xFFFFFF90];
	v22 =	vand.u32 $0xFFFF0000, v54;
	v25 =	vmul.f32 $4.525483320e+01, v61;
	v17 =	vadd.f32 v60, v17;
	[tilespmem:s2+$0xFFFFFFF0] =	vst v16  }
0x18e: {  	s0 =	sor.u32 s0, s6;
	v15 =	vadd.f32 v15, v33;
	v22 =	vadd.f32 v23, v22;
	v16 =	vshll.u32 v54, $0x10;
	v32 =	vld [tilespmem:s10+$0x60]  }
0x18f: {  	v14 =	vmul.f32 $4.525483320e+01, v14;
	v17 =	vadd.f32 v17, v31;
	v16 =	vadd.f32 v62, v16;
	v34 =	vld.idx.msk [tilespmem:v2+s0+$0x14200 ss:$0x1], $0xffff  }
0x190: {  	s16 =	simm.s32 $0x18A0;
	s15 =	simm.s32 $0xC50;
	[tilespmem:s2+$0xFFFFFF30] =	vst v15;
	v35 =	vld [tilespmem:s17+$0x200];
	v38 =	vshll.u32 v30, $0x10;
	v15 =	vand.u32 $0xFFFF0000, v63;
	v21 =	vand.u32 $0xFFFF0000, v30  }
0x191: {  	s6 =	sand.u32 $0x1F00, s16;
	s0 =	sand.u32 $0x50, s15;
	v18 =	vmul.f32 $4.525483320e+01, v37;
	[tilespmem:s2+$0xFFFFFF20] =	vst v17;
	v17 =	vshll.u32 v63, $0x10;
	v15 =	vadd.f32 v15, v21  }
0x192: {  	v47 =	vmul.f32 $4.525483320e+01, v39;
	s0 =	sor.u32 s0, s6;
	v14 =	vadd.f32 v16, v14;
	v16 =	vld [tilespmem:s10+$0x70];
	v17 =	vadd.f32 v17, v38  }
0x193: {  	v9 =	vmul.f32 $4.525483320e+01, v9;
	v36 =	vand.u32 $0xFFFF0000, v3;
	v22 =	vadd.f32 v22, v25;
	v40 =	vld.idx.msk [tilespmem:v2+s0+$0x14200 ss:$0x1], $0xffff  }
0x194: {  	v3 =	vshll.u32 v3, $0x10;
	v44 =	vld [tilespmem:s10+$0xFFFFFFA0];
	v15 =	vadd.f32 v15, v47;
	v17 =	vadd.f32 v17, v18  }
0x195: {  	[tilespmem:s2+$0xFFFFFF50] =	vst v22;
	v45 =	vld [tilespmem:s10+$0xFFFFFFB0];
	v41 =	vshll.u32 v35, $0x10;
	v42 =	vshll.u32 v34, $0x10;
	v27 =	vmul.f32 $4.525483320e+01, v32  }
0x196: {  	s18 =	simm.s32 $0xC60;
	[tilespmem:s2+$0xFFFFFF40] =	vst v14;
	v14 =	vld [tilespmem:s4+$0x180];
	v20 =	vand.u32 $0xFFFF0000, v35;
	v24 =	vand.u32 $0xFFFF0000, v34;
	v22 =	vadd.f32 v42, v41  }
0x197: {  	s19 =	simm.s32 $0x18C0;
	v46 =	vshll.u32 v8, $0x10;
	v43 =	vld [tilespmem:s13+$0x180];
	[tilespmem:s2+$0xFFFFFF90] =	vst v15;
	v20 =	vadd.f32 v24, v20;
	v16 =	vmul.f32 $4.525483320e+01, v16  }
0x198: {  	v4 =	vmul.f32 $4.525483320e+01, v4;
	v3 =	vadd.f32 v3, v46;
	s6 =	sand.u32 $0x1F00, s19;
	s0 =	sand.u32 $0x60, s18;
	v49 =	vld [tilespmem:s10+$0xFFFFFFC0];
	[tilespmem:s2+$0xFFFFFF80] =	vst v17;
	v22 =	vadd.f32 v22, v27  }
0x199: {  	v28 =	vand.u32 $0xFFFF0000, v5;
	v59 =	vand.u32 $0xFFFF0000, v8;
	s0 =	sor.u32 s0, s6;
	v57 =	vld [tilespmem:s10+$0x0];
	v8 =	vadd.f32 v20, v16  }
0x19a: {  	v19 =	vadd.f32 v36, v59;
	v63 =	vshll.u32 v5, $0x10;
	v5 =	vadd.f32 v3, v4;
	v16 =	vld.idx.msk [tilespmem:v2+s0+$0x14200 ss:$0x1], $0xffff;
	[tilespmem:s2+$0x60] =	vst v22  }
0x19b: {  	s21 =	simm.s32 $0x28E0;
	s20 =	simm.s32 $0x1470;
	v23 =	vand.u32 $0xFFFF0000, v40;
	v48 =	vshll.u32 v14, $0x10;
	v14 =	vand.u32 $0xFFFF0000, v14;
	[tilespmem:s2+$0x70] =	vst v8;
	v8 =	vld [tilespmem:s10+$0xFFFFFFD0]  }
0x19c: {  	s6 =	sand.u32 $0x2F00, s21;
	v50 =	vshll.u32 v40, $0x10;
	v24 =	vmul.f32 $4.525483320e+01, v45;
	s0 =	sand.u32 $0x70, s20;
	v14 =	vadd.f32 v23, v14;
	v51 =	vld [tilespmem:s10+$0xE0]  }
0x19d: {  	v3 =	vmul.f32 $4.525483320e+01, v13;
	v21 =	vmul.f32 $4.525483320e+01, v44;
	v18 =	vadd.f32 v50, v48;
	s0 =	sor.u32 s0, s6;
	v53 =	vld [tilespmem:s17+$0x280]  }
0x19e: {  	v17 =	vshll.u32 v43, $0x10;
	v54 =	vand.u32 $0xFFFF0000, v43;
	v52 =	vld.idx.msk [tilespmem:v2+s0+$0x14200 ss:$0x1], $0xffff;
	v14 =	vadd.f32 v14, v24  }
0x19f: {  	s22 =	simm.s32 $0x1050;
	s23 =	simm.s32 $0x20A0;
	v60 =	vld [tilespmem:s10+$0x10];
	v22 =	vmul.f32 $4.525483320e+01, v49;
	v18 =	vadd.f32 v18, v21;
	v15 =	vshll.u32 v16, $0x10  }
0x1a0: {  	s6 =	sand.u32 $0x2700, s23;
	s0 =	sand.u32 $0x50, s22;
	v56 =	vld [tilespmem:s10+$0xF0];
	v16 =	vand.u32 $0xFFFF0000, v16;
	[tilespmem:s2+$0xFFFFFFB0] =	vst v14;
	v14 =	vshll.u32 v7, $0x10;
	v15 =	vadd.f32 v15, v17  }
0x1a1: {  	s0 =	sor.u32 s0, s6;
	[tilespmem:s2+$0xFFFFFFA0] =	vst v18;
	v7 =	vand.u32 $0xFFFF0000, v7;
	v17 =	vld.idx.msk [tilespmem:v2+s3+$0x16200 ss:$0x1], $0xffff;
	v16 =	vadd.f32 v16, v54;
	v55 =	vmul.f32 $4.525483320e+01, v8  }
0x1a2: {  	v18 =	vld.idx.msk [tilespmem:v2+s0+$0x14200 ss:$0x1], $0xffff;
	v8 =	vadd.f32 v19, v9;
	v15 =	vadd.f32 v15, v22;
	v58 =	vshll.u32 v53, $0x10  }
0x1a3: {  	s25 =	simm.s32 $0x20C0;
	s24 =	simm.s32 $0x1060;
	v62 =	vld [tilespmem:s4+$0x200];
	v59 =	vshll.u32 v52, $0x10;
	v20 =	vmul.f32 $4.525483320e+01, v51;
	v16 =	vadd.f32 v16, v55  }
0x1a4: {  	s6 =	sand.u32 $0x2700, s25;
	s0 =	sand.u32 $0x60, s24;
	v9 =	vld [tilespmem:s5+$0x200];
	v61 =	vand.u32 $0xFFFF0000, v52;
	v22 =	vadd.f32 v59, v58;
	[tilespmem:s2+$0xFFFFFFC0] =	vst v15;
	v15 =	vand.u32 $0xFFFF0000, v53  }
0x1a5: {  	v14 =	vadd.f32 v14, v63;
	v13 =	vld [tilespmem:s10+$0x20];
	s0 =	sor.u32 s0, s6;
	[tilespmem:s2+$0xFFFFFFD0] =	vst v16;
	v16 =	vmul.f32 $4.525483320e+01, v56;
	v15 =	vadd.f32 v61, v15  }
0x1a6: {  	v6 =	vmul.f32 $4.525483320e+01, v6;
	v7 =	vadd.f32 v7, v28;
	v20 =	vadd.f32 v22, v20;
	v29 =	vld.idx.msk [tilespmem:v2+s0+$0x14200 ss:$0x1], $0xffff  }
0x1a7: {  	v37 =	vshll.u32 v11, $0x10;
	v30 =	vld [tilespmem:s13+$0x200];
	v15 =	vadd.f32 v15, v16  }
0x1a8: {  	s26 =	simm.s32 $0x1870;
	s28 =	simm.s32 $0x30E0;
	v31 =	vmul.f32 $4.525483320e+01, v60;
	v4 =	vadd.f32 v14, v6;
	v7 =	vadd.f32 v7, v3;
	v38 =	vld [tilespmem:s10+$0x50];
	[tilespmem:s2+$0xE0] =	vst v20  }
0x1a9: {  	s6 =	sand.u32 $0x3700, s28;
	v6 =	vshll.u32 v17, $0x10;
	v32 =	vshll.u32 v62, $0x10;
	v14 =	vshll.u32 v9, $0x10;
	s0 =	sand.u32 $0x70, s26;
	v16 =	vld [tilespmem:s10+$0x30];
	[tilespmem:s2+$0xF0] =	vst v15  }
0x1aa: {  	v9 =	vand.u32 $0xFFFF0000, v9;
	v6 =	vadd.f32 v6, v14;
	s0 =	sor.u32 s0, s6;
	v15 =	vand.u32 $0xFFFF0000, v17;
	v14 =	vld [tilespmem:s10+$0x160]  }
0x1ab: {  	v33 =	vshll.u32 v18, $0x10;
	v17 =	vmul.f32 $4.525483320e+01, v57;
	v9 =	vadd.f32 v15, v9;
	v15 =	vld.idx.msk [tilespmem:v2+s0+$0x14200 ss:$0x1], $0xffff  }
0x1ac: {  	v18 =	vand.u32 $0xFFFF0000, v18;
	v13 =	vmul.f32 $4.525483320e+01, v13;
	v20 =	vadd.f32 v33, v32;
	v34 =	vld [tilespmem:s17+$0x300]  }
0x1ad: {  	v6 =	vadd.f32 v6, v17;
	v17 =	vand.u32 $0xFFFF0000, v62;
	v41 =	vand.u32 $0xFFFF0000, v29  }
0x1ae: {  	v36 =	vld [tilespmem:s10+$0x170];
	v21 =	vand.u32 $0xFFFF0000, v30;
	v17 =	vadd.f32 v18, v17;
	v16 =	vmul.f32 $4.525483320e+01, v16  }
0x1af: {  	v35 =	vld [tilespmem:s10+$0x40];
	v39 =	vshll.u32 v30, $0x10;
	v9 =	vadd.f32 v9, v31;
	v3 =	vadd.f32 v41, v21  }
0x1b0: {  	v44 =	vmul.f32 $4.525483320e+01, v38;
	[tilespmem:s2+$0x0] =	vst v6;
	v6 =	vadd.f32 v20, v13;
	v13 =	vadd.f32 v17, v16  }
0x1b1: {  	v40 =	vld [tilespmem:s30+$0x1A0];
	[tilespmem:s2+$0x10] =	vst v9;
	v9 =	vshll.u32 v34, $0x10;
	v17 =	vshll.u32 v15, $0x10;
	v14 =	vmul.f32 $4.525483320e+01, v14  }
0x1b2: {  	[tilespmem:s2+$0x20] =	vst v6;
	v6 =	vld.idx.msk [tilespmem:v2+s3+$0x16A00 ss:$0x1], $0xffff;
	v24 =	vand.u32 $0xFFFF0000, v34;
	v15 =	vand.u32 $0xFFFF0000, v15;
	v9 =	vadd.f32 v17, v9  }
0x1b3: {  	s29 =	simm.s32 $0x1450;
	s1 =	simm.s32 $0x28A0;
	v18 =	vmul.f32 $4.525483320e+01, v36;
	v45 =	vld [tilespmem:s10+$0x80];
	v17 =	vshll.u32 v29, $0x10;
	v15 =	vadd.f32 v15, v24  }
0x1b4: {  	s6 =	sand.u32 $0x2F00, s1;
	s0 =	sand.u32 $0x50, s29;
	v16 =	vld [tilespmem:s9+$0x380];
	v9 =	vadd.f32 v9, v14;
	v14 =	vadd.f32 v17, v39;
	v17 =	vmul.f32 $4.525483320e+01, v35  }
0x1b5: {  	v11 =	vand.u32 $0xFFFF0000, v11;
	s0 =	sor.u32 s0, s6;
	v3 =	vadd.f32 v3, v44;
	[tilespmem:s2+$0x30] =	vst v13;
	v13 =	vld [tilespmem:s5+$0x280];
	v15 =	vadd.f32 v15, v18  }
0x1b6: {  	s6 =	simm.s32 $0x1C70;
	s9 =	simm.s32 $0x38E0;
	v42 =	vld.idx.msk [tilespmem:v2+s0+$0x14200 ss:$0x1], $0xffff;
	[tilespmem:s2+$0x160] =	vst v9;
	v9 =	vand.u32 $0xFFFF0000, v10;
	v10 =	vshll.u32 v10, $0x10;
	v14 =	vadd.f32 v14, v17  }
0x1b7: {  	v43 =	vld [tilespmem:s4+$0x280];
	s0 =	sand.u32 $0x70, s6;
	s6 =	sand.u32 $0x3F00, s9;
	[tilespmem:s2+$0x170] =	vst v15;
	v15 =	vshll.u32 v12, $0x10;
	v12 =	vand.u32 $0xFFFF0000, v12;
	v48 =	vshll.u32 v6, $0x10  }
0x1b8: {  	s0 =	sor.u32 s0, s6;
	v17 =	vld [tilespmem:s10+$0x90];
	v6 =	vand.u32 $0xFFFF0000, v6;
	v19 =	vmul.f32 $4.525483320e+01, v45;
	v15 =	vadd.f32 v37, v15  }
0x1b9: {  	[tilespmem:s2+$0x50] =	vst v3;
	v46 =	vld.idx.msk [tilespmem:v2+s0+$0x14200 ss:$0x1], $0xffff;
	v11 =	vadd.f32 v11, v12;
	v12 =	vshll.u32 v16, $0x10;
	v16 =	vand.u32 $0xFFFF0000, v16  }
0x1ba: {  	s12 =	simm.s32 $0x28C0;
	s11 =	simm.s32 $0x1460;
	v3 =	vshll.u32 v13, $0x10;
	v13 =	vand.u32 $0xFFFF0000, v13;
	[tilespmem:s2+$0x40] =	vst v14;
	v14 =	vld [tilespmem:s17+$0x380];
	v12 =	vadd.f32 v10, v12  }
0x1bb: {  	s16 =	sand.u32 $0x2F00, s12;
	s15 =	sand.u32 $0x60, s11;
	v10 =	vmul.f32 $4.525483320e+01, v40;
	v21 =	vadd.f32 v48, v3;
	v6 =	vadd.f32 v6, v13;
	v13 =	vld [tilespmem:s10+$0xA0]  }
0x1bc: {  	s0 =	sor.u32 s15, s16;
	v3 =	vadd.f32 v9, v16;
	v16 =	vld [tilespmem:s10+$0xB0]  }
0x1bd: {  	v49 =	vld.idx.msk [tilespmem:v2+s0+$0x14200 ss:$0x1], $0xffff;
	v10 =	vadd.f32 v15, v10;
	v15 =	vadd.f32 v21, v19  }
0x1be: {  	v50 =	vld [tilespmem:s13+$0x280];
	v9 =	vmul.f32 $4.525483320e+01, v17  }
0x1bf: {  	v51 =	vshll.u32 v42, $0x10;
	v52 =	vand.u32 $0xFFFF0000, v42;
	[tilespmem:s2+$0x80] =	vst v15;
	v15 =	vld [tilespmem:s10+$0xD0]  }
0x1c0: {  	v22 =	vand.u32 $0xFFFF0000, v43;
	v17 =	vshll.u32 v43, $0x10;
	v6 =	vadd.f32 v6, v9;
	v9 =	vld [tilespmem:s10+$0xC0]  }
0x1c1: {  	v55 =	vld [tilespmem:s30+$0x1B0];
	v53 =	vadd.f32 v52, v22;
	v17 =	vadd.f32 v51, v17;
	v54 =	vand.u32 $0xFFFF0000, v14  }
0x1c2: {  	[tilespmem:s7+$0x1F0] =	vst v8;
	v47 =	vld [tilespmem:s10+$0x1F0];
	v13 =	vmul.f32 $4.525483320e+01, v13;
	v16 =	vmul.f32 $4.525483320e+01, v16;
	v23 =	vand.u32 $0xFFFF0000, v49  }
0x1c3: {  	v58 =	vld [tilespmem:s10+$0x1E0];
	v57 =	vshll.u32 v50, $0x10;
	v8 =	vand.u32 $0xFFFF0000, v50;
	[tilespmem:s2+$0x90] =	vst v6;
	v6 =	vshll.u32 v49, $0x10  }
0x1c4: {  	[tilespmem:s7+$0x1E0] =	vst v5;
	v5 =	vadd.f32 v23, v8;
	v13 =	vadd.f32 v17, v13;
	v17 =	vand.u32 $0xFFFF0000, v46;
	v56 =	vld.idx.msk [tilespmem:v2+s3+$0x17200 ss:$0x1], $0xffff  }
0x1c5: {  	v6 =	vadd.f32 v6, v57;
	v8 =	vld [tilespmem:s5+$0x300];
	v15 =	vmul.f32 $4.525483320e+01, v15;
	v9 =	vmul.f32 $4.525483320e+01, v9  }
0x1c6: {  	s19 =	simm.s32 $0x30A0;
	s18 =	simm.s32 $0x1850;
	[tilespmem:s7+$0x190] =	vst v7;
	v16 =	vadd.f32 v53, v16;
	v59 =	vld [tilespmem:s10+$0x100];
	v17 =	vadd.f32 v17, v54  }
0x1c7: {  	s6 =	sand.u32 $0x3700, s19;
	s0 =	sand.u32 $0x50, s18;
	[tilespmem:s2+$0xA0] =	vst v13;
	v13 =	vmul.f32 $4.525483320e+01, v47;
	v5 =	vadd.f32 v5, v15;
	v6 =	vadd.f32 v6, v9;
	v9 =	vld [tilespmem:s10+$0x110]  }
0x1c8: {  	s0 =	sor.u32 s0, s6;
	v7 =	vmul.f32 $4.525483320e+01, v58;
	v14 =	vshll.u32 v14, $0x10;
	[tilespmem:s2+$0xB0] =	vst v16;
	v16 =	vshll.u32 v46, $0x10;
	v15 =	vld [tilespmem:s30+$0x1C0]  }
0x1c9: {  	s21 =	simm.s32 $0x30C0;
	s20 =	simm.s32 $0x1860;
	v14 =	vadd.f32 v16, v14;
	v16 =	vmul.f32 $4.525483320e+01, v55;
	v13 =	vadd.f32 v17, v13;
	v17 =	vld.idx.msk [tilespmem:v2+s0+$0x14200 ss:$0x1], $0xffff;
	[tilespmem:s2+$0xD0] =	vst v5  }
0x1ca: {  	s23 =	sand.u32 $0x3700, s21;
	s22 =	sand.u32 $0x60, s20;
	v60 =	vand.u32 $0xFFFF0000, v56;
	v61 =	vshll.u32 v8, $0x10;
	v5 =	vld [tilespmem:s4+$0x300];
	[tilespmem:s2+$0xC0] =	vst v6;
	v6 =	vshll.u32 v56, $0x10  }
0x1cb: {  	s24 =	sor.u32 s22, s23;
	[tilespmem:s7+$0x180] =	vst v4;
	v4 =	vand.u32 $0xFFFF0000, v8;
	v8 =	vmul.f32 $4.525483320e+01, v59;
	v6 =	vadd.f32 v6, v61;
	v63 =	vld [tilespmem:s13+$0x300]  }
0x1cc: {  	[tilespmem:s7+$0x1A0] =	vst v10;
	v11 =	vadd.f32 v11, v16;
	v4 =	vadd.f32 v60, v4;
	v62 =	vld.idx.msk [tilespmem:v2+s24+$0x14200 ss:$0x1], $0xffff;
	v9 =	vmul.f32 $4.525483320e+01, v9  }
0x1cd: {  	v16 =	vld [tilespmem:s10+$0x120];
	[tilespmem:s2+$0x1F0] =	vst v13;
	v6 =	vadd.f32 v6, v8  }
0x1ce: {  	s31 =	simm.s32 $0xC800;
	v7 =	vadd.f32 v14, v7;
	[tilespmem:s7+$0x1B0] =	vst v11;
	v13 =	vmul.f32 $4.525483320e+01, v15;
	v15 =	vld [tilespmem:s10+$0x130];
	v4 =	vadd.f32 v4, v9  }
0x1cf: {  	s25 =	simm.s32 $0x1C50;
	s28 =	simm.s32 $0x1C60;
	v14 =	vand.u32 $0xFFFF0000, v17;
	v8 =	vld [tilespmem:s10+$0x140];
	[tilespmem:s2+$0x100] =	vst v6;
	v6 =	vshll.u32 v5, $0x10;
	v9 =	vshll.u32 v17, $0x10  }
0x1d0: {  	s26 =	simm.s32 $0x38A0;
	s29 =	simm.s32 $0x38C0;
	v17 =	vand.u32 $0xFFFF0000, v5;
	v10 =	vadd.f32 v9, v6;
	v9 =	vld [tilespmem:s10+$0x150];
	v11 =	vshll.u32 v63, $0x10;
	[tilespmem:s2+$0x110] =	vst v4  }
0x1d1: {  	s11 =	sand.u32 $0x3F00, s29;
	s9 =	sand.u32 $0x60, s28;
	s19 =	simm.s32 $0x800;
	v19 =	vand.u32 $0xFFFF0000, v62;
	v4 =	vadd.f32 v12, v13;
	v12 =	vshll.u32 v62, $0x10;
	v5 =	vld.idx.msk [tilespmem:v2+s3+$0x17A00 ss:$0x1], $0xffff  }
0x1d2: {  	s17 =	sor.u32 s9, s11;
	s6 =	sand.u32 $0x3F00, s26;
	s0 =	sand.u32 $0x50, s25;
	v13 =	vadd.f32 v14, v17;
	v17 =	vand.u32 $0xFFFF0000, v63;
	v14 =	vmul.f32 $4.525483320e+01, v16;
	v6 =	vld [tilespmem:s5+$0x380]  }
0x1d3: {  	s18 =	sor.u32 s0, s6;
	s0 =	simm.s32 $0x1CB0;
	[tilespmem:s2+$0x1E0] =	vst v7;
	v15 =	vmul.f32 $4.525483320e+01, v15;
	s3 =	simm.s32 $0x4;
	v12 =	vadd.f32 v12, v11;
	v7 =	vld [tilespmem:s10+$0x180];
	v11 =	vadd.f32 v19, v17  }
.LBB2_17:
0x1d4: {  	[dreg:$0xb] =	wrdreg s4  }
0x1d5: {  	s5 =	sadd.s32 $0xFFFFE3D0, s0;
	v16 =	vld [tilespmem:s10+$0x190];
	s4 =	sadd.s32 $0x200, s14;
	s10 =	sadd.s32 $0x400, s10  }
0x1d6: {  	s1 =	rddreg [dreg:$0x7];
	s11 =	sand.u32 $0x40, s5;
	s25 =	sand.u32 $0x1C00, s4  }
0x1d7: {  	v10 =	vadd.f32 v10, v14;
	v14 =	vld [tilespmem:s30+$0x1D0];
	s12 =	sor.u32 $0x8200, s25;
	s5 =	sshrl.u32 s25, $0x2;
	s26 =	sor.u32 $0x30, s11  }
0x1d8: {  	v13 =	vadd.f32 v13, v15;
	[tilespmem:s7+$0x1C0] =	vst v4;
	v4 =	vld [tilespmem:s10+$0xFFFFFE00];
	s28 =	sadd.s32 s5, s1;
	s20 =	sor.u32 s26, s12;
	v8 =	vmul.f32 $4.525483320e+01, v8  }
0x1d9: {  	[dreg:$0xa] =	wrdreg s13;
	[tilespmem:s2+$0x120] =	vst v10;
	v9 =	vmul.f32 $4.525483320e+01, v9;
	v10 =	vld [tilespmem:s20+$0x0];
	s13 =	sadd.s32 s26, s28  }
0x1da: {  	s6 =	sadd.s32 $0xFFFFE7E0, s0;
	s9 =	sadd.s32 $0xFFFFEBE0, s0;
	[tilespmem:s2+$0x130] =	vst v13;
	v15 =	vshll.u32 v5, $0x10;
	v5 =	vand.u32 $0xFFFF0000, v5;
	v13 =	vld [tilespmem:s13+$0x0];
	v8 =	vadd.f32 v12, v8  }
0x1db: {  	s23 =	sadd.s32 $0xFFFFEBF0, s0;
	s24 =	sadd.s32 $0xFFFFEFF0, s0;
	s15 =	sadd.s32 s11, s28;
	v12 =	vld [tilespmem:s10+$0xFFFFFE60];
	v9 =	vadd.f32 v11, v9;
	v11 =	vshll.u32 v6, $0x10;
	v6 =	vand.u32 $0xFFFF0000, v6  }
0x1dc: {  	s8 =	sadd.s32 $0x80, s8;
	s29 =	sor.u32 $0x10, s11;
	s16 =	sor.u32 $0x20, s11;
	v7 =	vmul.f32 $4.525483320e+01, v7;
	v11 =	vadd.f32 v15, v11;
	v5 =	vadd.f32 v5, v6;
	v6 =	vld [tilespmem:s15+$0x0];
	[tilespmem:s2+$0x140] =	vst v8  }
0x1dd: {  	s30 =	sadd.s32 $0xFFFFE800, s0;
	s25 =	sor.u32 s29, s12;
	s22 =	sor.u32 s16, s12;
	v15 =	vmul.f32 $4.525483320e+01, v16;
	[tilespmem:s2+$0x150] =	vst v9;
	v8 =	vmul.f32 $4.525483320e+01, v14;
	v9 =	vld [tilespmem:s10+$0xFFFFFE70]  }
0x1de: {  	s5 =	sor.u32 s11, s12;
	s1 =	sadd.s32 $0xFFFFE7F0, s0;
	s21 =	sadd.s32 s29, s28;
	v7 =	vadd.f32 v11, v7;
	v11 =	vld [tilespmem:s25+$0x0]  }
0x1df: {  	s14 =	sadd.s32 s16, s28;
	s16 =	sand.u32 $0x50, s6;
	s6 =	sand.u32 $0x60, s1;
	v5 =	vadd.f32 v5, v15;
	v3 =	vadd.f32 v3, v8;
	v8 =	vld [tilespmem:s21+$0x0]  }
0x1e0: {  	s29 =	sand.u32 $0x60, s23;
	s26 =	sadd.s32 $0xFFFFF3E0, s0;
	s1 =	sadd.s32 $0xFFFFF3F0, s0;
	v14 =	vshll.u32 v10, $0x10;
	v10 =	vand.u32 $0xFFFF0000, v10;
	v15 =	vshll.u32 v13, $0x10;
	[tilespmem:s2+$0x180] =	vst v7;
	v7 =	vld [tilespmem:s22+$0x0]  }
0x1e1: {  	s28 =	sand.u32 $0x60, s24;
	s24 =	sadd.s32 $0xFFFFF7F0, s0;
	s13 =	sadd.s32 $0xFFFFEFE0, s0;
	v13 =	vand.u32 $0xFFFF0000, v13;
	v12 =	vmul.f32 $4.525483320e+01, v12;
	[tilespmem:s2+$0x190] =	vst v5;
	v5 =	vld [tilespmem:s14+$0x0];
	v14 =	vadd.f32 v15, v14  }
0x1e2: {  	s12 =	sand.u32 $0x50, s26;
	s15 =	sand.u32 $0x50, s9;
	s9 =	sadd.s32 $0xFFFFF7E0, s0;
	v10 =	vadd.f32 v13, v10;
	[tilespmem:s7+$0x1D0] =	vst v3;
	v3 =	vld [tilespmem:s5+$0x0];
	v9 =	vmul.f32 $4.525483320e+01, v9  }
0x1e3: {  	v17 =	vld [tilespmem:s10+$0xFFFFFE20];
	s26 =	sand.u32 $0x60, s1;
	s1 =	sadd.s32 $0xFFFFFBF0, s0;
	v4 =	vmul.f32 $4.525483320e+01, v4;
	s23 =	sand.u32 $0x50, s9;
	v15 =	vshll.u32 v6, $0x10;
	v12 =	vadd.f32 v14, v12  }
0x1e4: {  	s9 =	sadd.s32 $0x860, s8;
	s21 =	sadd.s32 $0xFFFFFBE0, s0;
	s2 =	sadd.s32 $0x400, s2;
	v6 =	vand.u32 $0xFFFF0000, v6;
	v13 =	vld [tilespmem:s10+$0xFFFFFE10];
	v16 =	vshll.u32 v11, $0x10;
	v9 =	vadd.f32 v10, v9  }
0x1e5: {  	s14 =	sand.u32 $0x60, s24;
	s24 =	sand.u32 $0x60, s1;
	s1 =	sand.u32 $0xF00, s9;
	v11 =	vand.u32 $0xFFFF0000, v11;
	v14 =	vshll.u32 v8, $0x10;
	v8 =	vand.u32 $0xFFFF0000, v8;
	v10 =	vld [tilespmem:s10+$0xFFFFFE30];
	[tilespmem:s2+$0xFFFFFE60] =	vst v12  }
0x1e6: {  	s13 =	sand.u32 $0x50, s13;
	s7 =	sand.u32 $0x50, s21;
	s21 =	sand.u32 $0x70, s30;
	v18 =	vld [tilespmem:s10+$0xFFFFFE40];
	v14 =	vadd.f32 v14, v16;
	v16 =	vand.u32 $0xFFFF0000, v7;
	v7 =	vshll.u32 v7, $0x10;
	[tilespmem:s2+$0xFFFFFE70] =	vst v9  }
0x1e7: {  	s9 =	sadd.s32 $0x840, s8;
	s30 =	sadd.s32 $0x820, s8;
	s1 =	sor.u32 s21, s1;
	v8 =	vadd.f32 v8, v11;
	v9 =	vshll.u32 v3, $0x10;
	v3 =	vand.u32 $0xFFFF0000, v3;
	v11 =	vld [tilespmem:s10+$0xFFFFFEE0]  }
0x1e8: {  	s9 =	sand.u32 $0xF00, s9;
	s21 =	sand.u32 $0x700, s8;
	s30 =	sand.u32 $0xF00, s30;
	v12 =	vshll.u32 v5, $0x10;
	v9 =	vadd.f32 v15, v9;
	v3 =	vadd.f32 v6, v3;
	v6 =	vld.idx.msk [tilespmem:v2+s1+$0x14200 ss:$0x1], $0xffff  }
0x1e9: {  	s6 =	sor.u32 s6, s9;
	s21 =	sor.u32 s11, s21;
	s11 =	sadd.s32 $0x1020, s8;
	v13 =	vmul.f32 $4.525483320e+01, v13;
	v7 =	vadd.f32 v12, v7;
	v15 =	vmul.f32 $4.525483320e+01, v17;
	v12 =	vld [tilespmem:s20+$0x80]  }
0x1ea: {  	s9 =	sand.u32 $0x1700, s11;
	s1 =	sor.u32 s16, s30;
	s16 =	sadd.s32 $0x1040, s8;
	v4 =	vadd.f32 v9, v4;
	v9 =	vmul.f32 $4.525483320e+01, v10;
	v10 =	vld [tilespmem:s10+$0xFFFFFE50]  }
0x1eb: {  	s30 =	smov.u32 s19;
	s19 =	sadd.s32 $0x1820, s8;
	s11 =	sand.u32 $0x1700, s16;
	v3 =	vadd.f32 v3, v13;
	v13 =	vadd.f32 v14, v15;
	v14 =	vmul.f32 $4.525483320e+01, v18;
	v15 =	vld [tilespmem:s10+$0xFFFFFEF0]  }
0x1ec: {  	v5 =	vand.u32 $0xFFFF0000, v5;
	s16 =	sor.u32 s15, s9;
	s15 =	sor.u32 s29, s11;
	s11 =	sadd.s32 $0x1840, s8;
	[tilespmem:s2+$0xFFFFFE00] =	vst v4;
	v4 =	vadd.f32 v8, v9;
	v8 =	vld.idx.msk [tilespmem:v2+s18+$0x14200 ss:$0x1], $0xffff  }
0x1ed: {  	v5 =	vadd.f32 v5, v16;
	s9 =	sand.u32 $0x1F00, s11;
	[tilespmem:s2+$0xFFFFFE10] =	vst v3;
	s18 =	sand.u32 $0x1F00, s19;
	s19 =	sadd.s32 $0x2020, s8;
	v3 =	vadd.f32 v7, v14;
	v9 =	vld.idx.msk [tilespmem:v2+s17+$0x14200 ss:$0x1], $0xffff  }
0x1ee: {  	[tilespmem:s2+$0xFFFFFE20] =	vst v13;
	s29 =	sor.u32 s28, s9;
	s17 =	sadd.s32 $0x2040, s8;
	v14 =	vld.idx.msk [tilespmem:v2+s21+$0x14A00 ss:$0x1], $0xffff;
	v7 =	vshll.u32 v12, $0x10;
	v13 =	vshll.u32 v6, $0x10;
	v11 =	vmul.f32 $4.525483320e+01, v11  }
0x1ef: {  	s28 =	sadd.s32 $0x2820, s8;
	s11 =	sor.u32 s13, s18;
	v16 =	vld [tilespmem:s5+$0x80];
	s19 =	sand.u32 $0x2700, s19;
	v6 =	vand.u32 $0xFFFF0000, v6;
	[tilespmem:s2+$0xFFFFFE30] =	vst v4;
	v4 =	vand.u32 $0xFFFF0000, v12;
	v7 =	vadd.f32 v13, v7  }
0x1f0: {  	s9 =	sand.u32 $0x2700, s17;
	s18 =	sand.u32 $0x2F00, s28;
	s13 =	sor.u32 s12, s19;
	[tilespmem:s2+$0xFFFFFE40] =	vst v3;
	v12 =	vld.idx.msk [tilespmem:v2+s1+$0x14200 ss:$0x1], $0xffff;
	v3 =	vmul.f32 $4.525483320e+01, v10;
	v10 =	vmul.f32 $4.525483320e+01, v15;
	v4 =	vadd.f32 v6, v4  }
0x1f1: {  	s12 =	sor.u32 s26, s9;
	s9 =	sadd.s32 $0x2840, s8;
	s19 =	sadd.s32 $0x3020, s8;
	v6 =	vld [tilespmem:s25+$0x80];
	v7 =	vadd.f32 v7, v11  }
0x1f2: {  	s28 =	sor.u32 s23, s18;
	s18 =	sadd.s32 $0xFFFFEC00, s0;
	s1 =	sand.u32 $0x2F00, s9;
	v17 =	vld [tilespmem:s10+$0xFFFFFEA0];
	v4 =	vadd.f32 v4, v10  }
0x1f3: {  	s17 =	sand.u32 $0x3700, s19;
	s19 =	sadd.s32 $0x1060, s8;
	v11 =	vld [tilespmem:s10+$0xFFFFFE80];
	s26 =	sor.u32 s14, s1;
	v13 =	vadd.f32 v5, v3;
	v5 =	vshll.u32 v8, $0x10;
	v3 =	vand.u32 $0xFFFF0000, v9;
	[tilespmem:s2+$0xFFFFFEE0] =	vst v7  }
0x1f4: {  	s23 =	sor.u32 s7, s17;
	s14 =	sand.u32 $0x70, s18;
	s17 =	sand.u32 $0x1700, s19;
	v10 =	vld [tilespmem:s10+$0xFFFFFE90];
	v7 =	vand.u32 $0xFFFF0000, v8;
	v8 =	vshll.u32 v16, $0x10;
	v15 =	vshll.u32 v14, $0x10;
	[tilespmem:s2+$0xFFFFFEF0] =	vst v4  }
0x1f5: {  	s7 =	sor.u32 s14, s17;
	v14 =	vand.u32 $0xFFFF0000, v14;
	v16 =	vand.u32 $0xFFFF0000, v16;
	v8 =	vadd.f32 v15, v8;
	[tilespmem:s2+$0xFFFFFE50] =	vst v13;
	v13 =	vld [tilespmem:s10+$0xFFFFFF60]  }
0x1f6: {  	v4 =	vshll.u32 v9, $0x10;
	v9 =	vshll.u32 v6, $0x10;
	v15 =	vshll.u32 v12, $0x10;
	v34 =	vld.idx.msk [tilespmem:v2+s7+$0x14200 ss:$0x1], $0xffff  }
0x1f7: {  	v14 =	vadd.f32 v14, v16;
	v12 =	vand.u32 $0xFFFF0000, v12;
	v9 =	vadd.f32 v15, v9;
	v15 =	vld [tilespmem:s20+$0x100]  }
0x1f8: {  	v6 =	vand.u32 $0xFFFF0000, v6;
	v16 =	vmul.f32 $4.525483320e+01, v17;
	v17 =	vld [tilespmem:s10+$0xFFFFFF70];
	v11 =	vmul.f32 $4.525483320e+01, v11  }
0x1f9: {  	v6 =	vadd.f32 v12, v6;
	v12 =	vld.idx.msk [tilespmem:v2+s6+$0x14200 ss:$0x1], $0xffff;
	v10 =	vmul.f32 $4.525483320e+01, v10  }
0x1fa: {  	v8 =	vadd.f32 v8, v11;
	v11 =	vld [tilespmem:s22+$0x80]  }
0x1fb: {  	s1 =	sadd.s32 $0x3040, s8;
	v9 =	vadd.f32 v9, v16;
	v10 =	vadd.f32 v14, v10;
	v14 =	vld [tilespmem:s10+$0xFFFFFEB0]  }
0x1fc: {  	s18 =	sadd.s32 $0xFFFFFFE0, s0;
	[tilespmem:s2+$0xFFFFFE80] =	vst v8;
	v8 =	vld [tilespmem:s10+$0xFFFFFEC0];
	v19 =	vshll.u32 v34, $0x10;
	v13 =	vmul.f32 $4.525483320e+01, v13;
	v16 =	vshll.u32 v15, $0x10  }
0x1fd: {  	s19 =	sadd.s32 $0x3820, s8;
	s1 =	sand.u32 $0x3700, s1;
	s17 =	sadd.s32 $0xFFFFFFF0, s0;
	v18 =	vand.u32 $0xFFFF0000, v34;
	[tilespmem:s2+$0xFFFFFE90] =	vst v10;
	v10 =	vld [tilespmem:s10+$0xFFFFFED0];
	v15 =	vand.u32 $0xFFFF0000, v15;
	v16 =	vadd.f32 v19, v16  }
0x1fe: {  	s18 =	sand.u32 $0x50, s18;
	s9 =	sand.u32 $0x3F00, s19;
	v17 =	vmul.f32 $4.525483320e+01, v17;
	v35 =	vld.idx.msk [tilespmem:v2+s21+$0x15200 ss:$0x1], $0xffff;
	v15 =	vadd.f32 v18, v15  }
0x1ff: {  	s19 =	sadd.s32 $0x3840, s8;
	s24 =	sor.u32 s24, s1;
	s18 =	sor.u32 s18, s9;
	[tilespmem:s2+$0xFFFFFEA0] =	vst v9;
	v9 =	vshll.u32 v12, $0x10;
	v12 =	vand.u32 $0xFFFF0000, v12;
	v36 =	vld [tilespmem:s5+$0x100];
	v13 =	vadd.f32 v16, v13  }
0x200: {  	s1 =	sand.u32 $0x60, s17;
	s9 =	sadd.s32 $0xFFFFF000, s0;
	s7 =	sand.u32 $0x3F00, s19;
	v20 =	vshll.u32 v11, $0x10;
	v11 =	vand.u32 $0xFFFF0000, v11;
	v16 =	vld [tilespmem:s10+$0xFFFFFF00];
	v15 =	vadd.f32 v15, v17  }
0x201: {  	s17 =	sor.u32 s1, s7;
	s1 =	sand.u32 $0x70, s9;
	s9 =	rddreg [dreg:$0xb];
	v9 =	vadd.f32 v9, v20;
	v17 =	vld [tilespmem:s10+$0xFFFFFF10];
	v14 =	vmul.f32 $4.525483320e+01, v14;
	v8 =	vmul.f32 $4.525483320e+01, v8;
	[tilespmem:s2+$0xFFFFFF60] =	vst v13  }
0x202: {  	s14 =	smov.u32 s4;
	s4 =	sadd.s32 $0x1860, s8;
	v11 =	vadd.f32 v12, v11;
	v12 =	vld [tilespmem:s9+$0x380];
	[tilespmem:s2+$0xFFFFFF70] =	vst v15  }
0x203: {  	s6 =	sand.u32 $0x1F00, s4;
	v10 =	vmul.f32 $4.525483320e+01, v10;
	v6 =	vadd.f32 v6, v14;
	v8 =	vadd.f32 v9, v8;
	v9 =	vld [tilespmem:s10+$0xFFFFFFE0]  }
0x204: {  	s1 =	sor.u32 s1, s6;
	v13 =	vshll.u32 v35, $0x10;
	v14 =	vand.u32 $0xFFFF0000, v35;
	v15 =	vshll.u32 v36, $0x10;
	v37 =	vld [tilespmem:s20+$0x180]  }
0x205: {  	v18 =	vand.u32 $0xFFFF0000, v36;
	v10 =	vadd.f32 v11, v10;
	v11 =	vld.idx.msk [tilespmem:v2+s1+$0x14200 ss:$0x1], $0xffff;
	[tilespmem:s2+$0xFFFFFEB0] =	vst v6;
	v6 =	vadd.f32 v13, v15  }
0x206: {  	v14 =	vadd.f32 v14, v18;
	v16 =	vmul.f32 $4.525483320e+01, v16;
	v13 =	vmul.f32 $4.525483320e+01, v17;
	v15 =	vld.idx.msk [tilespmem:v2+s16+$0x14200 ss:$0x1], $0xffff;
	[tilespmem:s2+$0xFFFFFEC0] =	vst v8  }
0x207: {  	s4 =	smov.u32 s25;
	v8 =	vld [tilespmem:s10+$0xFFFFFFF0];
	[tilespmem:s2+$0xFFFFFED0] =	vst v10;
	v10 =	vshll.u32 v12, $0x10  }
0x208: {  	v17 =	vld [tilespmem:s4+$0x100];
	v12 =	vand.u32 $0xFFFF0000, v12;
	v16 =	vadd.f32 v6, v16;
	v13 =	vadd.f32 v14, v13  }
0x209: {  	v38 =	vld [tilespmem:s10+$0xFFFFFF30];
	v6 =	vadd.f32 v5, v10;
	v5 =	vadd.f32 v7, v12  }
0x20a: {  	v14 =	vld.idx.msk [tilespmem:v2+s15+$0x14200 ss:$0x1], $0xffff;
	v10 =	vshll.u32 v37, $0x10;
	v9 =	vmul.f32 $4.525483320e+01, v9;
	v12 =	vshll.u32 v11, $0x10  }
0x20b: {  	v7 =	vld [tilespmem:s22+$0x100];
	[tilespmem:s2+$0xFFFFFF00] =	vst v16;
	v16 =	vand.u32 $0xFFFF0000, v37;
	v11 =	vand.u32 $0xFFFF0000, v11;
	v10 =	vadd.f32 v12, v10  }
0x20c: {  	[tilespmem:s2+$0xFFFFFF10] =	vst v13;
	v13 =	vld [tilespmem:s10+$0xFFFFFF20];
	v8 =	vmul.f32 $4.525483320e+01, v8;
	v11 =	vadd.f32 v11, v16  }
0x20d: {  	v39 =	vld [tilespmem:s10+$0xFFFFFF50];
	v9 =	vadd.f32 v10, v9  }
0x20e: {  	v12 =	vshll.u32 v15, $0x10;
	v16 =	vld [tilespmem:s10+$0xFFFFFF40];
	v8 =	vadd.f32 v11, v8  }
0x20f: {  	s25 =	sadd.s32 $0x2060, s8;
	s16 =	sadd.s32 $0xFFFFF400, s0;
	v15 =	vand.u32 $0xFFFF0000, v15;
	v40 =	vshll.u32 v17, $0x10;
	v17 =	vand.u32 $0xFFFF0000, v17;
	v11 =	vld.idx.msk [tilespmem:v2+s21+$0x15A00 ss:$0x1], $0xffff;
	[tilespmem:s2+$0xFFFFFFE0] =	vst v9  }
0x210: {  	s6 =	sand.u32 $0x2700, s25;
	s1 =	sand.u32 $0x70, s16;
	v12 =	vadd.f32 v12, v40;
	v10 =	vshll.u32 v14, $0x10;
	v14 =	vand.u32 $0xFFFF0000, v14;
	v9 =	vld [tilespmem:s5+$0x180];
	[tilespmem:s2+$0xFFFFFFF0] =	vst v8  }
0x211: {  	s1 =	sor.u32 s1, s6;
	v21 =	vshll.u32 v7, $0x10;
	v7 =	vand.u32 $0xFFFF0000, v7;
	v8 =	vmul.f32 $4.525483320e+01, v13;
	v13 =	vld [tilespmem:s10+$0x60]  }
0x212: {  	v15 =	vadd.f32 v15, v17;
	v7 =	vadd.f32 v14, v7;
	v14 =	vmul.f32 $4.525483320e+01, v38;
	v17 =	vld.idx.msk [tilespmem:v2+s1+$0x14200 ss:$0x1], $0xffff  }
0x213: {  	v10 =	vadd.f32 v10, v21;
	v16 =	vmul.f32 $4.525483320e+01, v16;
	v41 =	vld [tilespmem:s20+$0x200];
	v8 =	vadd.f32 v12, v8  }
0x214: {  	v42 =	vld [tilespmem:s10+$0xFFFFFF80];
	v14 =	vadd.f32 v15, v14;
	v12 =	vmul.f32 $4.525483320e+01, v39  }
0x215: {  	v10 =	vadd.f32 v10, v16;
	v15 =	vshll.u32 v11, $0x10;
	v11 =	vand.u32 $0xFFFF0000, v11;
	[tilespmem:s2+$0xFFFFFF20] =	vst v8;
	v8 =	vld [tilespmem:s10+$0x70]  }
0x216: {  	v16 =	vld [tilespmem:s10+$0xFFFFFF90];
	[tilespmem:s2+$0xFFFFFF30] =	vst v14;
	v7 =	vadd.f32 v7, v12;
	v12 =	vshll.u32 v9, $0x10;
	v9 =	vand.u32 $0xFFFF0000, v9  }
0x217: {  	[tilespmem:s2+$0xFFFFFF40] =	vst v10;
	v10 =	vld [tilespmem:s4+$0x180];
	v12 =	vadd.f32 v15, v12;
	v9 =	vadd.f32 v11, v9  }
0x218: {  	v11 =	vld.idx.msk [tilespmem:v2+s11+$0x14200 ss:$0x1], $0xffff;
	[tilespmem:s2+$0xFFFFFF50] =	vst v7;
	v7 =	vshll.u32 v41, $0x10;
	v14 =	vshll.u32 v17, $0x10;
	v13 =	vmul.f32 $4.525483320e+01, v13  }
0x219: {  	v18 =	vand.u32 $0xFFFF0000, v41;
	v17 =	vand.u32 $0xFFFF0000, v17;
	v15 =	vld.idx.msk [tilespmem:v2+s29+$0x14200 ss:$0x1], $0xffff;
	v7 =	vadd.f32 v14, v7  }
0x21a: {  	v14 =	vmul.f32 $4.525483320e+01, v42;
	v43 =	vld [tilespmem:s22+$0x180];
	v17 =	vadd.f32 v17, v18;
	v8 =	vmul.f32 $4.525483320e+01, v8  }
0x21b: {  	v44 =	vld [tilespmem:s10+$0xFFFFFFA0];
	v7 =	vadd.f32 v7, v13  }
0x21c: {  	v16 =	vmul.f32 $4.525483320e+01, v16;
	v12 =	vadd.f32 v12, v14;
	v13 =	vld [tilespmem:s10+$0xFFFFFFB0];
	v8 =	vadd.f32 v17, v8  }
0x21d: {  	s9 =	sadd.s32 $0xFFFFF800, s0;
	s11 =	sadd.s32 $0x2860, s8;
	v45 =	vld [tilespmem:s10+$0xFFFFFFC0];
	v14 =	vshll.u32 v10, $0x10;
	v17 =	vshll.u32 v11, $0x10;
	v11 =	vand.u32 $0xFFFF0000, v11;
	[tilespmem:s2+$0x60] =	vst v7  }
0x21e: {  	s1 =	sand.u32 $0x70, s9;
	s6 =	sand.u32 $0x2F00, s11;
	v7 =	vadd.f32 v9, v16;
	v9 =	vand.u32 $0xFFFF0000, v10;
	v10 =	vadd.f32 v17, v14;
	v14 =	vld [tilespmem:s10+$0xFFFFFFD0];
	[tilespmem:s2+$0x70] =	vst v8  }
0x21f: {  	s1 =	sor.u32 s1, s6;
	[tilespmem:s2+$0xFFFFFF80] =	vst v12;
	v12 =	vshll.u32 v15, $0x10;
	v15 =	vand.u32 $0xFFFF0000, v15;
	v8 =	vshll.u32 v43, $0x10;
	v16 =	vld [tilespmem:s10+$0xE0]  }
0x220: {  	[tilespmem:s2+$0xFFFFFF90] =	vst v7;
	v7 =	vadd.f32 v11, v9;
	v9 =	vand.u32 $0xFFFF0000, v43;
	v8 =	vadd.f32 v12, v8;
	v11 =	vld.idx.msk [tilespmem:v2+s1+$0x14200 ss:$0x1], $0xffff  }
0x221: {  	v12 =	vmul.f32 $4.525483320e+01, v44;
	v13 =	vmul.f32 $4.525483320e+01, v13;
	v9 =	vadd.f32 v15, v9;
	v15 =	vld [tilespmem:s20+$0x280]  }
0x222: {  	v17 =	vld.idx.msk [tilespmem:v2+s21+$0x16200 ss:$0x1], $0xffff  }
0x223: {  	v46 =	vmul.f32 $4.525483320e+01, v45;
	v10 =	vadd.f32 v10, v12;
	v7 =	vadd.f32 v7, v13;
	v13 =	vld [tilespmem:s10+$0xF0]  }
0x224: {  	v12 =	vmul.f32 $4.525483320e+01, v14;
	v14 =	vld [tilespmem:s5+$0x200]  }
0x225: {  	v47 =	vld [tilespmem:s10+$0x0];
	v8 =	vadd.f32 v8, v46;
	[tilespmem:s2+$0xFFFFFFA0] =	vst v10  }
0x226: {  	v10 =	vld [tilespmem:s10+$0x10];
	[tilespmem:s2+$0xFFFFFFB0] =	vst v7;
	v9 =	vadd.f32 v9, v12;
	v7 =	vshll.u32 v15, $0x10;
	v12 =	vshll.u32 v11, $0x10  }
0x227: {  	[tilespmem:s2+$0xFFFFFFC0] =	vst v8;
	v16 =	vmul.f32 $4.525483320e+01, v16;
	v48 =	vld.idx.msk [tilespmem:v2+s13+$0x14200 ss:$0x1], $0xffff;
	v8 =	vand.u32 $0xFFFF0000, v15;
	v11 =	vand.u32 $0xFFFF0000, v11  }
0x228: {  	v15 =	vld [tilespmem:s4+$0x200];
	v7 =	vadd.f32 v12, v7;
	v12 =	vshll.u32 v17, $0x10;
	v8 =	vadd.f32 v11, v8;
	[tilespmem:s2+$0xFFFFFFD0] =	vst v9  }
0x229: {  	v9 =	vmul.f32 $4.525483320e+01, v13;
	v13 =	vand.u32 $0xFFFF0000, v17;
	v11 =	vshll.u32 v14, $0x10;
	v17 =	vld.idx.msk [tilespmem:v2+s12+$0x14200 ss:$0x1], $0xffff  }
0x22a: {  	v7 =	vadd.f32 v7, v16;
	v14 =	vand.u32 $0xFFFF0000, v14;
	v11 =	vadd.f32 v12, v11;
	v12 =	vld [tilespmem:s22+$0x200]  }
0x22b: {  	v8 =	vadd.f32 v8, v9;
	v10 =	vmul.f32 $4.525483320e+01, v10;
	v13 =	vadd.f32 v13, v14;
	v14 =	vld [tilespmem:s10+$0x20]  }
0x22c: {  	v9 =	vmul.f32 $4.525483320e+01, v47;
	[tilespmem:s2+$0xE0] =	vst v7;
	v7 =	vld [tilespmem:s10+$0x30]  }
0x22d: {  	s16 =	sadd.s32 $0x3060, s8;
	s15 =	sadd.s32 $0xFFFFFC00, s0;
	[tilespmem:s2+$0xF0] =	vst v8;
	v10 =	vadd.f32 v13, v10;
	v13 =	vld [tilespmem:s10+$0x50]  }
0x22e: {  	s6 =	sand.u32 $0x3700, s16;
	s1 =	sand.u32 $0x70, s15;
	v16 =	vshll.u32 v48, $0x10;
	v8 =	vshll.u32 v15, $0x10;
	v9 =	vadd.f32 v11, v9;
	v50 =	vld [tilespmem:s10+$0x160]  }
0x22f: {  	s1 =	sor.u32 s1, s6;
	v49 =	vand.u32 $0xFFFF0000, v48;
	v11 =	vand.u32 $0xFFFF0000, v15;
	v8 =	vadd.f32 v16, v8;
	v52 =	vld [tilespmem:s20+$0x300]  }
0x230: {  	v15 =	vld.idx.msk [tilespmem:v2+s1+$0x14200 ss:$0x1], $0xffff;
	v51 =	vshll.u32 v17, $0x10;
	v17 =	vand.u32 $0xFFFF0000, v17;
	[tilespmem:s2+$0x0] =	vst v9;
	v9 =	vadd.f32 v49, v11  }
0x231: {  	v16 =	vshll.u32 v12, $0x10;
	v11 =	vand.u32 $0xFFFF0000, v12;
	v12 =	vld [tilespmem:s10+$0x40];
	v14 =	vmul.f32 $4.525483320e+01, v14  }
0x232: {  	v7 =	vmul.f32 $4.525483320e+01, v7;
	v11 =	vadd.f32 v17, v11;
	v17 =	vld [tilespmem:s10+$0x170]  }
0x233: {  	s25 =	rddreg [dreg:$0xa];
	v54 =	vld [tilespmem:s30+$0x1A0];
	v16 =	vadd.f32 v51, v16;
	v8 =	vadd.f32 v8, v14  }
0x234: {  	[tilespmem:s2+$0x10] =	vst v10;
	v13 =	vmul.f32 $4.525483320e+01, v13;
	v7 =	vadd.f32 v9, v7;
	v9 =	vld [tilespmem:s25+$0x380];
	v10 =	vshll.u32 v52, $0x10  }
0x235: {  	v55 =	vld.idx.msk [tilespmem:v2+s21+$0x16A00 ss:$0x1], $0xffff;
	v14 =	vshll.u32 v15, $0x10;
	v53 =	vmul.f32 $4.525483320e+01, v50;
	v15 =	vand.u32 $0xFFFF0000, v15;
	[tilespmem:s2+$0x20] =	vst v8  }
0x236: {  	v8 =	vand.u32 $0xFFFF0000, v52;
	v10 =	vadd.f32 v14, v10;
	v14 =	vld [tilespmem:s5+$0x280];
	[tilespmem:s2+$0x30] =	vst v7;
	v7 =	vmul.f32 $4.525483320e+01, v12  }
0x237: {  	v11 =	vadd.f32 v11, v13;
	v8 =	vadd.f32 v15, v8;
	v12 =	vmul.f32 $4.525483320e+01, v17;
	v15 =	vld.idx.msk [tilespmem:v2+s28+$0x14200 ss:$0x1], $0xffff  }
0x238: {  	v10 =	vadd.f32 v10, v53;
	v17 =	vld [tilespmem:s4+$0x280];
	v7 =	vadd.f32 v16, v7  }
0x239: {  	s28 =	sadd.s32 $0x3860, s8;
	v59 =	vld [tilespmem:s30+$0x1B0];
	v8 =	vadd.f32 v8, v12;
	v12 =	vshll.u32 v9, $0x10;
	v9 =	vand.u32 $0xFFFF0000, v9  }
0x23a: {  	s29 =	sand.u32 $0x70, s0;
	v13 =	vand.u32 $0xFFFF0000, v55;
	v16 =	vld [tilespmem:s10+$0x80];
	s1 =	sand.u32 $0x3F00, s28;
	[tilespmem:s2+$0x160] =	vst v10;
	v4 =	vadd.f32 v4, v12;
	v3 =	vadd.f32 v3, v9  }
0x23b: {  	v10 =	vld [tilespmem:s10+$0x90];
	s1 =	sor.u32 s29, s1;
	v9 =	vshll.u32 v14, $0x10;
	v12 =	vshll.u32 v55, $0x10;
	v14 =	vand.u32 $0xFFFF0000, v14;
	[tilespmem:s2+$0x170] =	vst v8  }
0x23c: {  	[tilespmem:s2+$0x40] =	vst v7;
	v8 =	vmul.f32 $4.525483320e+01, v54;
	v9 =	vadd.f32 v12, v9;
	v13 =	vadd.f32 v13, v14;
	v7 =	vld.idx.msk [tilespmem:v2+s1+$0x14200 ss:$0x1], $0xffff  }
0x23d: {  	s13 =	smov.u32 s22;
	[tilespmem:s2+$0x50] =	vst v11;
	v11 =	vld [tilespmem:s20+$0x380];
	v12 =	vshll.u32 v15, $0x10;
	v15 =	vand.u32 $0xFFFF0000, v15;
	v14 =	vand.u32 $0xFFFF0000, v17  }
0x23e: {  	v14 =	vadd.f32 v15, v14;
	v15 =	vld [tilespmem:s13+$0x280]  }
0x23f: {  	v6 =	vadd.f32 v6, v8;
	v8 =	vshll.u32 v17, $0x10;
	v16 =	vmul.f32 $4.525483320e+01, v16;
	v17 =	vld [tilespmem:s10+$0xA0]  }
0x240: {  	v8 =	vadd.f32 v12, v8;
	v12 =	vld.idx.msk [tilespmem:v2+s26+$0x14200 ss:$0x1], $0xffff;
	v10 =	vmul.f32 $4.525483320e+01, v10  }
0x241: {  	v9 =	vadd.f32 v9, v16;
	v16 =	vld [tilespmem:s10+$0xB0]  }
0x242: {  	v10 =	vadd.f32 v13, v10;
	v13 =	vld [tilespmem:s10+$0xC0]  }
0x243: {  	v57 =	vand.u32 $0xFFFF0000, v11;
	v58 =	vand.u32 $0xFFFF0000, v7;
	[tilespmem:s2+$0x80] =	vst v9;
	v9 =	vld [tilespmem:s10+$0xD0]  }
0x244: {  	v56 =	vld [tilespmem:s10+$0x1F0];
	v11 =	vshll.u32 v11, $0x10;
	[tilespmem:s2+$0x90] =	vst v10;
	v17 =	vmul.f32 $4.525483320e+01, v17;
	v61 =	vshll.u32 v15, $0x10  }
0x245: {  	s7 =	smov.u32 s31;
	v15 =	vand.u32 $0xFFFF0000, v15;
	v10 =	vshll.u32 v12, $0x10;
	v12 =	vand.u32 $0xFFFF0000, v12;
	v60 =	vld.idx.msk [tilespmem:v2+s21+$0x17200 ss:$0x1], $0xffff  }
0x246: {  	[tilespmem:s7+$0x1A0] =	vst v6;
	v7 =	vshll.u32 v7, $0x10;
	v6 =	vmul.f32 $4.525483320e+01, v16;
	v12 =	vadd.f32 v12, v15;
	v15 =	vld [tilespmem:s10+$0x1E0]  }
0x247: {  	v10 =	vadd.f32 v10, v61;
	v16 =	vld [tilespmem:s5+$0x300];
	v8 =	vadd.f32 v8, v17;
	v13 =	vmul.f32 $4.525483320e+01, v13  }
0x248: {  	v7 =	vadd.f32 v7, v11;
	v11 =	vld [tilespmem:s10+$0x100];
	v6 =	vadd.f32 v14, v6;
	v9 =	vmul.f32 $4.525483320e+01, v9  }
0x249: {  	v14 =	vld [tilespmem:s10+$0x110];
	[tilespmem:s2+$0xA0] =	vst v8;
	v8 =	vadd.f32 v10, v13  }
0x24a: {  	v18 =	vmul.f32 $4.525483320e+01, v56;
	v10 =	vmul.f32 $4.525483320e+01, v59;
	[tilespmem:s2+$0xB0] =	vst v6;
	v6 =	vadd.f32 v12, v9;
	v9 =	vld [tilespmem:s30+$0x1C0]  }
0x24b: {  	v19 =	vadd.f32 v58, v57;
	v12 =	vshll.u32 v60, $0x10;
	v13 =	vand.u32 $0xFFFF0000, v60;
	v17 =	vld.idx.msk [tilespmem:v2+s23+$0x14200 ss:$0x1], $0xffff;
	[tilespmem:s2+$0xC0] =	vst v8  }
0x24c: {  	v8 =	vmul.f32 $4.525483320e+01, v15;
	v15 =	vshll.u32 v16, $0x10;
	v62 =	vld [tilespmem:s4+$0x300];
	v5 =	vadd.f32 v5, v10;
	[tilespmem:s2+$0xD0] =	vst v6  }
0x24d: {  	v16 =	vand.u32 $0xFFFF0000, v16;
	v6 =	vmul.f32 $4.525483320e+01, v11;
	v10 =	vadd.f32 v12, v15;
	v12 =	vld.idx.msk [tilespmem:v2+s24+$0x14200 ss:$0x1], $0xffff  }
0x24e: {  	v11 =	vadd.f32 v13, v16;
	v13 =	vmul.f32 $4.525483320e+01, v14;
	v14 =	vld [tilespmem:s13+$0x300];
	v7 =	vadd.f32 v7, v8;
	[tilespmem:s7+$0x1B0] =	vst v5  }
0x24f: {  	s3 =	sadd.s32 $0x4, s3;
	v5 =	vadd.f32 v10, v6;
	v15 =	vld [tilespmem:s10+$0x120]  }
0x250: {  	p1 =	slt.u32 s3, $0x3C;
	v18 =	vadd.f32 v19, v18;
	v6 =	vmul.f32 $4.525483320e+01, v9;
	v9 =	vadd.f32 v11, v13;
	v11 =	vld [tilespmem:s10+$0x130];
	[tilespmem:s2+$0x1E0] =	vst v7  }
.Ltmp9:
0x251: {  	v8 =	vld [tilespmem:s10+$0x140];
	[tilespmem:s2+$0x100] =	vst v5;
	v5 =	vshll.u32 v62, $0x10;
	v7 =	vshll.u32 v17, $0x10;
	v13 =	vand.u32 $0xFFFF0000, v17;
	(pc) =	sbr.rel @p1 .LBB2_17-.Ltmp9, $4  }
0x252: {  	v16 =	vand.u32 $0xFFFF0000, v62;
	[tilespmem:s2+$0x110] =	vst v9;
	v10 =	vadd.f32 v7, v5;
	v9 =	vld [tilespmem:s10+$0x150];
	v4 =	vadd.f32 v4, v6  }
0x253: {  	v13 =	vadd.f32 v13, v16;
	v5 =	vld.idx.msk [tilespmem:v2+s21+$0x17A00 ss:$0x1], $0xffff;
	v7 =	vshll.u32 v14, $0x10;
	v17 =	vshll.u32 v12, $0x10  }
0x254: {  	v63 =	vand.u32 $0xFFFF0000, v12;
	v6 =	vld [tilespmem:s5+$0x380];
	v16 =	vand.u32 $0xFFFF0000, v14;
	v12 =	vadd.f32 v17, v7  }
0x255: {  	s19 =	smov.u32 s10;
	s31 =	smov.u32 s2;
	s0 =	sadd.s32 $0x40, s0;
	[tilespmem:s2+$0x1F0] =	vst v18;
	v7 =	vld [tilespmem:s10+$0x180];
	v14 =	vmul.f32 $4.525483320e+01, v15;
	v15 =	vmul.f32 $4.525483320e+01, v11;
	v11 =	vadd.f32 v63, v16  }
0x256: {  	_ = 	snop  }
0x257: {  	v9 =	vmul.f32 $4.525483320e+01, v9  }
0x258: {  	v8 =	vmul.f32 $4.525483320e+01, v8;
	v10 =	vadd.f32 v10, v14  }
0x259: {  	v13 =	vadd.f32 v13, v15;
	v9 =	vadd.f32 v11, v9;
	v11 =	vld [tilespmem:s30+$0x1D0]  }
0x25a: {  	v8 =	vadd.f32 v12, v8;
	[tilespmem:s2+$0x120] =	vst v10  }
0x25b: {  	v10 =	vld [tilespmem:s10+$0x190];
	[tilespmem:s2+$0x130] =	vst v13  }
0x25c: {  	v12 =	vshll.u32 v5, $0x10;
	[tilespmem:s2+$0x140] =	vst v8;
	v8 =	vld.idx.msk [tilespmem:v2+s18+$0x14200 ss:$0x1], $0xffff  }
0x25d: {  	v5 =	vand.u32 $0xFFFF0000, v5;
	v13 =	vshll.u32 v6, $0x10;
	v6 =	vand.u32 $0xFFFF0000, v6;
	v14 =	vld [tilespmem:s4+$0x380]  }
0x25e: {  	v5 =	vadd.f32 v5, v6;
	[tilespmem:s2+$0x150] =	vst v9;
	v6 =	vmul.f32 $4.525483320e+01, v11;
	v11 =	vld [tilespmem:s19+$0x1A0]  }
0x25f: {  	v7 =	vmul.f32 $4.525483320e+01, v7;
	v12 =	vadd.f32 v12, v13;
	v9 =	vld.idx.msk [tilespmem:v2+s17+$0x14200 ss:$0x1], $0xffff  }
0x260: {  	v13 =	vld [tilespmem:s13+$0x380];
	v10 =	vmul.f32 $4.525483320e+01, v10  }
0x261: {  	v7 =	vadd.f32 v12, v7;
	v12 =	vld [tilespmem:s19+$0x1B0]  }
0x262: {  	v17 =	vshll.u32 v14, $0x10;
	v5 =	vadd.f32 v5, v10;
	v10 =	vshll.u32 v8, $0x10  }
0x263: {  	[tilespmem:s7+$0x1C0] =	vst v4;
	v16 =	vld [tilespmem:s19+$0x1D0];
	v4 =	vadd.f32 v10, v17;
	v10 =	vmul.f32 $4.525483320e+01, v11  }
0x264: {  	[tilespmem:s2+$0x180] =	vst v7;
	v14 =	vand.u32 $0xFFFF0000, v14;
	v3 =	vadd.f32 v3, v6;
	v6 =	vld [tilespmem:s19+$0x1C0];
	v8 =	vand.u32 $0xFFFF0000, v8  }
0x265: {  	s0 =	sld [smem:$0x7F9];
	v15 =	vand.u32 $0xFFFF0000, v9;
	v9 =	vshll.u32 v9, $0x10;
	[tilespmem:s2+$0x190] =	vst v5;
	v4 =	vadd.f32 v4, v10  }
0x266: {  	v8 =	vadd.f32 v8, v14;
	v7 =	vshll.u32 v13, $0x10;
	v12 =	vmul.f32 $4.525483320e+01, v12;
	s1 =	rddreg [dreg:$0xc];
	[tilespmem:s7+$0x1D0] =	vst v3  }
0x267: {  	v5 =	vadd.f32 v9, v7;
	v11 =	vand.u32 $0xFFFF0000, v13;
	[tilespmem:s31+$0x1A0] =	vst v4  }
0x268: {  	s0 =	sshll.u32 s0, $0xB;
	v7 =	vadd.f32 v8, v12;
	v8 =	vmul.f32 $4.525483320e+01, v16;
	v3 =	vadd.f32 v15, v11;
	s5 =	sld [smem:$0x7FA]  }
0x269: {  	s0 =	sor.u32 s1, s0;
	v6 =	vmul.f32 $4.525483320e+01, v6  }
0x26a: {  	s0 =	sshrl.u32 s0, $0x3;
	v3 =	vadd.f32 v3, v8  }
0x26b: {  	v4 =	vadd.f32 v5, v6;
	[tilespmem:s31+$0x1B0] =	vst v7;
	s0 =	sadd.s32 s5, s0  }
0x26c: {  	[tilespmem:s31+$0x1D0] =	vst v3;
	s0 =	sshll.u32 s0, $0xB  }
0x26d: {  	s6 =	rddreg [dreg:$0x5];
	s8 =	simm.s32 $0xC200;
	[tilespmem:s31+$0x1C0] =	vst v4;
	s0 =	sand.u32 $0x1FFFF800, s0  }
0x26e: {  	s7 =	simm.s32 $0x0;
	s9 =	sld [smem:$0x7F6];
	s0 =	sadd.s32 s6, s0  }
0x26f: {  	[hbm4b:s0+s7] =	stream.linear.scatter [tilespmem:s8], [sflag:$0x5], $0x4000, $0x38;
	[tilespmem:$0x18200] =	vst v63  }
0x270: {  	s0 =	sld [smem:$0x7F8];
	_ =	sdelay $0x1  }
0x271: {  	p1 =	seq.s32 s9, $0xF  }
0x272: {  	s0 =	sadd.s32 @!p1 $0x2, s0  }
0x273: {  	s1 =	sshll.u32 @!p1 s0, $0x6;
	s0 =	sshll.u32 @!p1 s0, $0x1  }
0x274: {  	s1 =	sand.u32 @!p1 $0x80, s1;
	s0 =	sand.u32 @!p1 $0x78, s0  }
0x275: {  	s0 =	sor.u32 @!p1 s0, s1  }
0x276: {  	v3 =	vld.msk @!p1 [tilespmem:s0+$0x0], $0xff;
	_ =	sdelay $0x4  }
0x277: {  	v4 =	vshll.u32 @!p1 v3, $0x4  }
0x278: {  	v5 =	vlaneseq.u32 @!p1;
	v3 =	vand.u32 @!p1 $0x7, v3;
	v4 =	vand.u32 @!p1 $0xFFFFFF80, v4  }
0x279: {  	v3 =	vor.u32 @!p1 v3, v4;
	v4 =	vand.u32 @!p1 $0x7, v5;
	v5 =	vshrl.u32 @!p1 v5, $0x3  }
0x27a: {  	v3 =	vperm.xlane @!p1 v3, v4;
	v5 =	vmul.u32 @!p1 $0x8, v5;
	_ =	sdelay $0x1  }
0x27b: {  	v3 =	vadd.s32 @!p1 v5, v3;
	_ =	sdelay $0x3  }
0x27c: {  	s3 =	rddreg [dreg:$0x2];
	vm1 =	vmmov @!p1 $0xffff;
	s2 =	simm.s32 @!p1 $0x200;
	s1 =	simm.s32 @!p1 $0x0  }
0x27d: {  	[tilespmem:s2], [sflag:$0x1] =	stream.indirect_vreg.gather @!p1 [hbm4b:s3+s1], $0x80, v3, vm1, $0xb8;
	[tilespmem:$0x18200] =	vst v63  }
0x27e: {  	s2 =	simm.s32 @!p1 $0xA00;
	s3 =	rddreg [dreg:$0x17]  }
0x27f: {  	[tilespmem:s2], [sflag:$0x1] =	stream.indirect_vreg.gather @!p1 [hbm4b:s3+s1], $0x80, v3, vm1, $0xb8;
	[tilespmem:$0x18200] =	vst v63  }
0x280: {  	s2 =	simm.s32 @!p1 $0x1200;
	s3 =	rddreg [dreg:$0x18]  }
0x281: {  	[tilespmem:s2], [sflag:$0x1] =	stream.indirect_vreg.gather @!p1 [hbm4b:s3+s1], $0x80, v3, vm1, $0xb8;
	[tilespmem:$0x18200] =	vst v63  }
0x282: {  	s2 =	simm.s32 @!p1 $0x1A00;
	s3 =	rddreg [dreg:$0x19]  }
0x283: {  	[tilespmem:s2], [sflag:$0x1] =	stream.indirect_vreg.gather @!p1 [hbm4b:s3+s1], $0x80, v3, vm1, $0xb8;
	[tilespmem:$0x18200] =	vst v63  }
0x284: {  	s2 =	simm.s32 @!p1 $0x2200;
	s3 =	rddreg [dreg:$0x1a]  }
0x285: {  	[tilespmem:s2], [sflag:$0x1] =	stream.indirect_vreg.gather @!p1 [hbm4b:s3+s1], $0x80, v3, vm1, $0xb8;
	[tilespmem:$0x18200] =	vst v63  }
0x286: {  	s2 =	simm.s32 @!p1 $0x2A00;
	s3 =	rddreg [dreg:$0x1b]  }
0x287: {  	[tilespmem:s2], [sflag:$0x1] =	stream.indirect_vreg.gather @!p1 [hbm4b:s3+s1], $0x80, v3, vm1, $0xb8;
	[tilespmem:$0x18200] =	vst v63  }
0x288: {  	s2 =	simm.s32 @!p1 $0x3200;
	s3 =	rddreg [dreg:$0x1c]  }
0x289: {  	[tilespmem:s2], [sflag:$0x1] =	stream.indirect_vreg.gather @!p1 [hbm4b:s3+s1], $0x80, v3, vm1, $0xb8;
	[tilespmem:$0x18200] =	vst v63  }
0x28a: {  	s0 =	sor.u32 @!p1 $0x100, s0;
	s2 =	simm.s32 @!p1 $0x3A00;
	s3 =	rddreg [dreg:$0x1d]  }
0x28b: {  	[tilespmem:s2], [sflag:$0x1] =	stream.indirect_vreg.gather @!p1 [hbm4b:s3+s1], $0x80, v3, vm1, $0xb8;
	[tilespmem:$0x18200] =	vst v63  }
0x28c: {  	v3 =	vld.msk @!p1 [tilespmem:s0+$0x0], $0xff;
	_ =	sdelay $0x4  }
0x28d: {  	v6 =	vshll.u32 @!p1 v3, $0x3  }
0x28e: {  	v3 =	vand.u32 @!p1 $0x7, v3;
	v6 =	vand.u32 @!p1 $0xFFFFFFC0, v6  }
0x28f: {  	v3 =	vor.u32 @!p1 v3, v6  }
0x290: {  	v3 =	vperm.xlane @!p1 v3, v4;
	_ =	sdelay $0x1  }
0x291: {  	v3 =	vadd.s32 @!p1 v5, v3;
	_ =	sdelay $0x3  }
0x292: {  	s2 =	rddreg [dreg:$0x3];
	s0 =	simm.s32 @!p1 $0x8200  }
0x293: {  	[tilespmem:s0], [sflag:$0x3] =	stream.indirect_vreg.gather @!p1 [hbm4b:s2+s1], $0x80, v3, vm1, $0xb8;
	[tilespmem:$0x18200] =	vst v63  }
0x294: {  	s0 =	simm.s32 @!p1 $0x8A00;
	s2 =	rddreg [dreg:$0x1e]  }
0x295: {  	[tilespmem:s0], [sflag:$0x3] =	stream.indirect_vreg.gather @!p1 [hbm4b:s2+s1], $0x80, v3, vm1, $0xb8;
	[tilespmem:$0x18200] =	vst v63  }
0x296: {  	s2 =	sld [smem:$0x7FC];
	_ =	sdelay $0x1  }
0x297: {  	s0 =	simm.s32 @!p1 $0x9200  }
0x298: {  	[tilespmem:s0], [sflag:$0x3] =	stream.indirect_vreg.gather @!p1 [hbm4b:s2+s1], $0x80, v3, vm1, $0xb8;
	[tilespmem:$0x18200] =	vst v63  }
0x299: {  	s2 =	sld [smem:$0x7FD];
	_ =	sdelay $0x1  }
0x29a: {  	s10 =	simm.s32 $0x2;
	s0 =	simm.s32 @!p1 $0x9A00  }
0x29b: {  	[tilespmem:s0], [sflag:$0x3] =	stream.indirect_vreg.gather @!p1 [hbm4b:s2+s1], $0x80, v3, vm1, $0xb8;
	[tilespmem:$0x18200] =	vst v63  }
0x29c: {  	_ =	swait.ge [sflag:s10], $0x4000  }
0x29d: {  	[sflag:s10] =	ssyncset.done $0x0  }
0x29e: {  	s11 =	simm.s32 $0x4;
	[sflag:s10] =	ssyncadd.s32 $0xFFFFC000  }
0x29f: {  	_ =	swait.ge [sflag:s11], $0x2000  }
0x2a0: {  	[sflag:s11] =	ssyncset.done $0x0  }
0x2a1: {  	s0 =	simm.s32 @!p0 $0x6;
	[sflag:s11] =	ssyncadd.s32 $0xFFFFE000  }
0x2a2: {  	s12 =	simm.s32 $0x0;
	s13 =	simm.s32 $0x0;
	_ =	swait.ge @!p0 [sflag:s0], $0x4000  }
0x2a3: {  	s16 =	simm.s32 $0x0;
	s2 =	sand.u32 $0x40, s13;
	[sflag:s0] =	ssyncset.done @!p0 $0x0  }
0x2a4: {  	s5 =	sor.u32 $0x30, s2;
	[sflag:s0] =	ssyncadd.s32 @!p0 $0xFFFFC000;
	s0 =	sand.u32 $0x1C00, s12  }
0x2a5: {  	s13 =	rddreg [dreg:$0x7];
	s14 =	sor.u32 $0xA200, s0;
	s15 =	sshrl.u32 s0, $0x2  }
0x2a6: {  	v3 =	vld [tilespmem:s16+$0x4260];
	s8 =	sadd.s32 s15, s13;
	s17 =	sor.u32 s5, s14  }
0x2a7: {  	v4 =	vld [tilespmem:s17+$0x0];
	s18 =	sadd.s32 s5, s8  }
0x2a8: {  	v5 =	vld [tilespmem:s18+$0x0]  }
0x2a9: {  	v6 =	vld [tilespmem:s16+$0x4270];
	_ =	sdelay $0x2  }
0x2aa: {  	v9 =	vld [tilespmem:s16+$0x4200];
	v3 =	vmul.f32 $4.525483320e+01, v3;
	v7 =	vshll.u32 v4, $0x10  }
0x2ab: {  	v16 =	vld [tilespmem:s16+$0x4220];
	v4 =	vand.u32 $0xFFFF0000, v4;
	v8 =	vshll.u32 v5, $0x10;
	v5 =	vand.u32 $0xFFFF0000, v5  }
0x2ac: {  	v18 =	vld [tilespmem:s16+$0x4240];
	s19 =	sadd.s32 s2, s8;
	v6 =	vmul.f32 $4.525483320e+01, v6;
	v7 =	vadd.f32 v8, v7;
	v4 =	vadd.f32 v5, v4  }
0x2ad: {  	s4 =	sor.u32 $0x10, s2;
	s21 =	sor.u32 s2, s14;
	v8 =	vld [tilespmem:s19+$0x0]  }
0x2ae: {  	s6 =	sor.u32 s4, s14;
	v3 =	vadd.f32 v7, v3;
	v4 =	vadd.f32 v4, v6;
	v6 =	vld [tilespmem:s21+$0x0]  }
0x2af: {  	s22 =	simm.s32 $0x430;
	s23 =	simm.s32 $0x860;
	v5 =	vld [tilespmem:s6+$0x0]  }
0x2b0: {  	s9 =	sand.u32 $0xF00, s23;
	s1 =	sand.u32 $0x70, s22;
	[tilespmem:s16+$0x10260] =	vst v3;
	v3 =	vld [tilespmem:s16+$0x4210]  }
0x2b1: {  	s9 =	sor.u32 s1, s9;
	s24 =	sor.u32 $0xA280, s0;
	[tilespmem:s16+$0x10270] =	vst v4;
	v4 =	vld [tilespmem:s16+$0x42E0]  }
0x2b2: {  	s25 =	sor.u32 s5, s24;
	v10 =	vld.idx.msk [tilespmem:v2+s9+$0x14200 ss:$0x1], $0xffff;
	v11 =	vshll.u32 v8, $0x10  }
0x2b3: {  	v12 =	vld [tilespmem:s25+$0x0];
	v8 =	vand.u32 $0xFFFF0000, v8;
	v14 =	vshll.u32 v6, $0x10;
	v6 =	vand.u32 $0xFFFF0000, v6  }
0x2b4: {  	s1 =	sor.u32 $0x20, s2;
	s20 =	sadd.s32 s4, s8;
	v6 =	vadd.f32 v8, v6;
	v8 =	vld [tilespmem:s16+$0x42F0]  }
0x2b5: {  	s7 =	sor.u32 s1, s14;
	v9 =	vmul.f32 $4.525483320e+01, v9;
	v7 =	vld [tilespmem:s20+$0x0];
	v11 =	vadd.f32 v11, v14;
	v3 =	vmul.f32 $4.525483320e+01, v3  }
0x2b6: {  	v13 =	vld [tilespmem:s7+$0x0];
	v15 =	vshll.u32 v5, $0x10;
	v5 =	vand.u32 $0xFFFF0000, v5  }
0x2b7: {  	s26 =	sadd.s32 s1, s8;
	v4 =	vmul.f32 $4.525483320e+01, v4;
	v9 =	vadd.f32 v11, v9;
	v3 =	vadd.f32 v6, v3;
	v6 =	vld [tilespmem:s16+$0x4230]  }
0x2b8: {  	v14 =	vld [tilespmem:s26+$0x0];
	v11 =	vshll.u32 v12, $0x10;
	v17 =	vshll.u32 v10, $0x10;
	v10 =	vand.u32 $0xFFFF0000, v10  }
0x2b9: {  	s3 =	sand.u32 $0x700, s12;
	v11 =	vadd.f32 v17, v11;
	v17 =	vld [tilespmem:s16+$0x4250];
	[tilespmem:s16+$0x10200] =	vst v9;
	v9 =	vand.u32 $0xFFFF0000, v12;
	v8 =	vmul.f32 $4.525483320e+01, v8  }
0x2ba: {  	s3 =	sor.u32 s2, s3;
	v12 =	vld [tilespmem:s16+$0x4280];
	v9 =	vadd.f32 v10, v9;
	v10 =	vshll.u32 v7, $0x10;
	v7 =	vand.u32 $0xFFFF0000, v7;
	[tilespmem:s16+$0x10210] =	vst v3  }
0x2bb: {  	s29 =	sor.u32 s2, s24;
	v3 =	vadd.f32 v11, v4;
	v4 =	vadd.f32 v10, v15;
	v10 =	vmul.f32 $4.525483320e+01, v16;
	v11 =	vld.idx.msk [tilespmem:v2+s3+$0x14A00 ss:$0x1], $0xffff  }
0x2bc: {  	s28 =	simm.s32 $0x410;
	s30 =	simm.s32 $0x830;
	s31 =	simm.s32 $0x1060;
	v5 =	vadd.f32 v7, v5;
	v7 =	vld [tilespmem:s29+$0x0];
	v8 =	vadd.f32 v9, v8;
	v6 =	vmul.f32 $4.525483320e+01, v6  }
0x2bd: {  	s11 =	simm.s32 $0x820;
	s8 =	sand.u32 $0x70, s30;
	s9 =	sand.u32 $0x1700, s31;
	[tilespmem:s16+$0x102E0] =	vst v3;
	v3 =	vshll.u32 v13, $0x10;
	v9 =	vld [tilespmem:s16+$0x4290];
	v4 =	vadd.f32 v4, v10  }
0x2be: {  	s12 =	sor.u32 $0xA300, s0;
	s14 =	sand.u32 $0xF00, s11;
	s8 =	sor.u32 s8, s9;
	v10 =	vshll.u32 v14, $0x10;
	[tilespmem:s16+$0x102F0] =	vst v8;
	v8 =	vand.u32 $0xFFFF0000, v13;
	v5 =	vadd.f32 v5, v6;
	v6 =	vld [tilespmem:s16+$0x4360]  }
0x2bf: {  	s15 =	sor.u32 s5, s12;
	s7 =	sand.u32 $0x50, s28;
	v13 =	vand.u32 $0xFFFF0000, v14;
	v3 =	vadd.f32 v10, v3;
	[tilespmem:s16+$0x10220] =	vst v4;
	v4 =	vmul.f32 $4.525483320e+01, v18;
	v10 =	vld.idx.msk [tilespmem:v2+s8+$0x14200 ss:$0x1], $0xffff  }
0x2c0: {  	s17 =	sor.u32 s7, s14;
	v8 =	vadd.f32 v13, v8;
	v13 =	vld [tilespmem:s15+$0x0];
	[tilespmem:s16+$0x10230] =	vst v5;
	v5 =	vmul.f32 $4.525483320e+01, v17  }
0x2c1: {  	s20 =	sor.u32 s4, s24;
	v15 =	vshll.u32 v11, $0x10;
	v3 =	vadd.f32 v3, v4;
	v4 =	vshll.u32 v7, $0x10;
	v14 =	vld.idx.msk [tilespmem:v2+s17+$0x14200 ss:$0x1], $0xffff  }
0x2c2: {  	s18 =	simm.s32 $0x420;
	s19 =	simm.s32 $0x840;
	v4 =	vadd.f32 v15, v4;
	v15 =	vld [tilespmem:s20+$0x0];
	v5 =	vadd.f32 v8, v5  }
0x2c3: {  	s9 =	sand.u32 $0xF00, s19;
	v12 =	vmul.f32 $4.525483320e+01, v12;
	s8 =	sand.u32 $0x60, s18;
	v11 =	vand.u32 $0xFFFF0000, v11;
	v8 =	vld [tilespmem:s16+$0x4370];
	[tilespmem:s16+$0x10240] =	vst v3;
	v3 =	vand.u32 $0xFFFF0000, v7  }
0x2c4: {  	s8 =	sor.u32 s8, s9;
	v7 =	vmul.f32 $4.525483320e+01, v9;
	v9 =	vld [tilespmem:s16+$0x42A0];
	v3 =	vadd.f32 v11, v3;
	[tilespmem:s16+$0x10250] =	vst v5  }
0x2c5: {  	s6 =	sor.u32 s1, s24;
	v4 =	vadd.f32 v4, v12;
	v11 =	vshll.u32 v13, $0x10;
	v12 =	vshll.u32 v10, $0x10;
	v5 =	vld.idx.msk [tilespmem:v2+s8+$0x14200 ss:$0x1], $0xffff  }
0x2c6: {  	v6 =	vmul.f32 $4.525483320e+01, v6;
	v11 =	vadd.f32 v12, v11;
	v16 =	vld [tilespmem:s6+$0x0]  }
0x2c7: {  	v13 =	vand.u32 $0xFFFF0000, v13;
	v10 =	vand.u32 $0xFFFF0000, v10;
	v3 =	vadd.f32 v3, v7;
	v7 =	vld [tilespmem:s16+$0x42B0]  }
0x2c8: {  	v10 =	vadd.f32 v10, v13;
	[tilespmem:s16+$0x10280] =	vst v4;
	v4 =	vld [tilespmem:s16+$0x42C0];
	v6 =	vadd.f32 v11, v6  }
0x2c9: {  	v11 =	vshll.u32 v14, $0x10;
	v12 =	vand.u32 $0xFFFF0000, v14;
	v14 =	vld [tilespmem:s16+$0x43E0];
	v8 =	vmul.f32 $4.525483320e+01, v8  }
0x2ca: {  	[tilespmem:s16+$0x10290] =	vst v3;
	v3 =	vld [tilespmem:s16+$0x42D0]  }
0x2cb: {  	s23 =	simm.s32 $0x1860;
	s22 =	simm.s32 $0xC30;
	v13 =	vld.idx.msk [tilespmem:v2+s3+$0x15200 ss:$0x1], $0xffff;
	v8 =	vadd.f32 v10, v8  }
0x2cc: {  	s21 =	sor.u32 s2, s12;
	s24 =	sand.u32 $0x70, s22;
	s9 =	sand.u32 $0x1F00, s23;
	[tilespmem:s16+$0x10360] =	vst v6;
	v19 =	vld [tilespmem:s16+$0x4490];
	v10 =	vshll.u32 v15, $0x10  }
0x2cd: {  	s25 =	sor.u32 $0xA380, s0;
	s6 =	sor.u32 s24, s9;
	v9 =	vmul.f32 $4.525483320e+01, v9;
	v6 =	vand.u32 $0xFFFF0000, v15;
	v10 =	vadd.f32 v11, v10;
	v11 =	vld [tilespmem:s21+$0x0];
	[tilespmem:s16+$0x10370] =	vst v8  }
0x2ce: {  	s26 =	sor.u32 s5, s25;
	v6 =	vadd.f32 v12, v6;
	v12 =	vshll.u32 v16, $0x10;
	v15 =	vand.u32 $0xFFFF0000, v16;
	v16 =	vld.idx.msk [tilespmem:v2+s6+$0x14200 ss:$0x1], $0xffff  }
0x2cf: {  	v7 =	vmul.f32 $4.525483320e+01, v7;
	v8 =	vshll.u32 v5, $0x10;
	v9 =	vadd.f32 v10, v9;
	v10 =	vld [tilespmem:s26+$0x0]  }
0x2d0: {  	v4 =	vmul.f32 $4.525483320e+01, v4;
	v5 =	vand.u32 $0xFFFF0000, v5;
	v8 =	vadd.f32 v8, v12;
	v12 =	vld [tilespmem:s16+$0x4300]  }
0x2d1: {  	v5 =	vadd.f32 v5, v15;
	v3 =	vmul.f32 $4.525483320e+01, v3;
	v6 =	vadd.f32 v6, v7;
	v7 =	vld [tilespmem:s16+$0x43F0]  }
0x2d2: {  	s28 =	simm.s32 $0x810;
	s31 =	simm.s32 $0x1040;
	s29 =	simm.s32 $0x1020;
	v4 =	vadd.f32 v8, v4;
	[tilespmem:s16+$0x102A0] =	vst v9;
	v8 =	vld [tilespmem:s16+$0x4310]  }
0x2d3: {  	s9 =	sand.u32 $0x1700, s29;
	s6 =	sand.u32 $0x50, s28;
	v3 =	vadd.f32 v5, v3;
	[tilespmem:s16+$0x102B0] =	vst v6;
	v5 =	vshll.u32 v13, $0x10;
	v6 =	vand.u32 $0xFFFF0000, v13;
	v13 =	vld [tilespmem:s16+$0x4320]  }
0x2d4: {  	s30 =	simm.s32 $0x820;
	s11 =	sand.u32 $0x1700, s31;
	s6 =	sor.u32 s6, s9;
	v21 =	vld [tilespmem:s16+$0x4530]  }
0x2d5: {  	s10 =	sand.u32 $0x60, s30;
	v14 =	vmul.f32 $4.525483320e+01, v14;
	v9 =	vshll.u32 v11, $0x10;
	v11 =	vand.u32 $0xFFFF0000, v11;
	[tilespmem:s16+$0x102C0] =	vst v4;
	v4 =	vld.idx.msk [tilespmem:v2+s6+$0x14200 ss:$0x1], $0xffff  }
0x2d6: {  	s10 =	sor.u32 s10, s11;
	[tilespmem:s16+$0x102D0] =	vst v3;
	v6 =	vadd.f32 v6, v11;
	v11 =	vld [tilespmem:s16+$0x4330];
	v3 =	vshll.u32 v10, $0x10;
	v15 =	vshll.u32 v16, $0x10  }
0x2d7: {  	s7 =	sor.u32 s1, s12;
	v17 =	vld.idx.msk [tilespmem:v2+s10+$0x14200 ss:$0x1], $0xffff;
	v10 =	vand.u32 $0xFFFF0000, v10;
	v16 =	vand.u32 $0xFFFF0000, v16;
	v3 =	vadd.f32 v15, v3  }
0x2d8: {  	s11 =	sor.u32 s4, s12;
	v5 =	vadd.f32 v5, v9;
	v7 =	vmul.f32 $4.525483320e+01, v7;
	v9 =	vld [tilespmem:s7+$0x0];
	v10 =	vadd.f32 v16, v10  }
0x2d9: {  	v12 =	vmul.f32 $4.525483320e+01, v12;
	v15 =	vld [tilespmem:s11+$0x0];
	v8 =	vmul.f32 $4.525483320e+01, v8;
	v3 =	vadd.f32 v3, v14  }
0x2da: {  	s14 =	simm.s32 $0x2060;
	s12 =	simm.s32 $0x1030;
	v7 =	vadd.f32 v10, v7;
	v10 =	vld [tilespmem:s16+$0x4340]  }
0x2db: {  	s6 =	sand.u32 $0x70, s12;
	s7 =	sand.u32 $0x2700, s14;
	[tilespmem:s16+$0x103E0] =	vst v3;
	v3 =	vadd.f32 v5, v12;
	v5 =	vadd.f32 v6, v8;
	v8 =	vld [tilespmem:s16+$0x4350]  }
0x2dc: {  	s6 =	sor.u32 s6, s7;
	v6 =	vmul.f32 $4.525483320e+01, v13;
	[tilespmem:s16+$0x103F0] =	vst v7;
	v7 =	vshll.u32 v4, $0x10;
	v13 =	vld [tilespmem:s16+$0x4460]  }
0x2dd: {  	s9 =	sadd.s32 $0xA400, s0;
	v4 =	vand.u32 $0xFFFF0000, v4;
	v14 =	vshll.u32 v17, $0x10;
	v16 =	vand.u32 $0xFFFF0000, v17;
	v17 =	vld.idx.msk [tilespmem:v2+s6+$0x14200 ss:$0x1], $0xffff  }
0x2de: {  	s15 =	sor.u32 s5, s9;
	v18 =	vshll.u32 v9, $0x10;
	v9 =	vand.u32 $0xFFFF0000, v9;
	v12 =	vshll.u32 v15, $0x10;
	v20 =	vld [tilespmem:s16+$0x45F0]  }
0x2df: {  	v15 =	vand.u32 $0xFFFF0000, v15;
	v9 =	vadd.f32 v16, v9;
	v7 =	vadd.f32 v7, v12;
	v12 =	vld [tilespmem:s15+$0x0];
	[tilespmem:s16+$0x10300] =	vst v3  }
0x2e0: {  	v3 =	vmul.f32 $4.525483320e+01, v11;
	v4 =	vadd.f32 v4, v15;
	[tilespmem:s16+$0x10310] =	vst v5;
	v5 =	vadd.f32 v14, v18;
	v11 =	vld [tilespmem:s16+$0x4470]  }
0x2e1: {  	s18 =	sor.u32 s2, s25;
	v10 =	vmul.f32 $4.525483320e+01, v10;
	v14 =	vld.idx.msk [tilespmem:v2+s3+$0x15A00 ss:$0x1], $0xffff;
	v6 =	vadd.f32 v7, v6;
	v8 =	vmul.f32 $4.525483320e+01, v8  }
0x2e2: {  	v3 =	vadd.f32 v4, v3;
	v4 =	vld [tilespmem:s18+$0x0]  }
0x2e3: {  	s19 =	simm.s32 $0x1820;
	s17 =	simm.s32 $0xC10;
	v5 =	vadd.f32 v5, v10;
	v10 =	vmul.f32 $4.525483320e+01, v13;
	v13 =	vld [tilespmem:s16+$0x4390];
	[tilespmem:s16+$0x10320] =	vst v6;
	v7 =	vadd.f32 v9, v8  }
0x2e4: {  	s20 =	sand.u32 $0x1F00, s19;
	s21 =	sor.u32 s4, s25;
	s6 =	sand.u32 $0x50, s17;
	[tilespmem:s16+$0x10330] =	vst v3;
	v8 =	vld [tilespmem:s16+$0x4380];
	v6 =	vshll.u32 v12, $0x10;
	v9 =	vshll.u32 v17, $0x10;
	v3 =	vand.u32 $0xFFFF0000, v12  }
0x2e5: {  	s6 =	sor.u32 s6, s20;
	v12 =	vand.u32 $0xFFFF0000, v17;
	[tilespmem:s16+$0x10340] =	vst v5;
	v5 =	vmul.f32 $4.525483320e+01, v11;
	v11 =	vld [tilespmem:s21+$0x0];
	v6 =	vadd.f32 v9, v6  }
0x2e6: {  	v9 =	vld.idx.msk [tilespmem:v2+s6+$0x14200 ss:$0x1], $0xffff;
	v3 =	vadd.f32 v12, v3  }
0x2e7: {  	s22 =	sor.u32 s1, s25;
	v12 =	vld [tilespmem:s16+$0x43B0];
	v6 =	vadd.f32 v6, v10  }
0x2e8: {  	s23 =	simm.s32 $0x1430;
	s24 =	simm.s32 $0x2860;
	s25 =	simm.s32 $0xC20;
	[tilespmem:s16+$0x10350] =	vst v7;
	v3 =	vadd.f32 v3, v5;
	v5 =	vld [tilespmem:s16+$0x43A0]  }
0x2e9: {  	s26 =	sand.u32 $0x2F00, s24;
	s28 =	simm.s32 $0x1840;
	s7 =	sadd.s32 $0xA480, s0;
	v7 =	vld [tilespmem:s22+$0x0];
	v10 =	vshll.u32 v4, $0x10;
	v4 =	vand.u32 $0xFFFF0000, v4;
	[tilespmem:s16+$0x10460] =	vst v6;
	v6 =	vshll.u32 v14, $0x10  }
0x2ea: {  	s30 =	sor.u32 s5, s7;
	s6 =	sand.u32 $0x70, s23;
	[tilespmem:s16+$0x10470] =	vst v3;
	v3 =	vand.u32 $0xFFFF0000, v14;
	v8 =	vmul.f32 $4.525483320e+01, v8;
	v6 =	vadd.f32 v6, v10;
	v10 =	vld [tilespmem:s16+$0x44E0]  }
0x2eb: {  	s8 =	sand.u32 $0x60, s25;
	s29 =	sand.u32 $0x1F00, s28;
	s6 =	sor.u32 s6, s26;
	v14 =	vshll.u32 v11, $0x10;
	v3 =	vadd.f32 v3, v4;
	v4 =	vmul.f32 $4.525483320e+01, v13;
	v16 =	vld [tilespmem:s30+$0x0]  }
0x2ec: {  	s31 =	sor.u32 s8, s29;
	v13 =	vld.idx.msk [tilespmem:v2+s6+$0x14200 ss:$0x1], $0xffff;
	v15 =	vshll.u32 v9, $0x10;
	v9 =	vand.u32 $0xFFFF0000, v9;
	v6 =	vadd.f32 v6, v8  }
0x2ed: {  	v17 =	vld.idx.msk [tilespmem:v2+s31+$0x14200 ss:$0x1], $0xffff;
	v8 =	vand.u32 $0xFFFF0000, v11;
	v11 =	vadd.f32 v15, v14;
	v5 =	vmul.f32 $4.525483320e+01, v5  }
0x2ee: {  	v3 =	vadd.f32 v3, v4;
	v8 =	vadd.f32 v9, v8;
	v9 =	vmul.f32 $4.525483320e+01, v12;
	v12 =	vld [tilespmem:s16+$0x44F0]  }
0x2ef: {  	v4 =	vshll.u32 v7, $0x10;
	v7 =	vand.u32 $0xFFFF0000, v7;
	[tilespmem:s16+$0x10380] =	vst v6;
	v6 =	vld [tilespmem:s16+$0x43C0]  }
0x2f0: {  	v5 =	vadd.f32 v11, v5;
	[tilespmem:s16+$0x10390] =	vst v3;
	v8 =	vadd.f32 v8, v9;
	v9 =	vld [tilespmem:s16+$0x43D0];
	v3 =	vshll.u32 v16, $0x10  }
0x2f1: {  	v14 =	vld [tilespmem:s16+$0x4400];
	v11 =	vshll.u32 v13, $0x10;
	v10 =	vmul.f32 $4.525483320e+01, v10;
	v16 =	vand.u32 $0xFFFF0000, v16  }
0x2f2: {  	s8 =	simm.s32 $0x1010;
	s10 =	simm.s32 $0x2020;
	v15 =	vld [tilespmem:s16+$0x4410];
	v13 =	vand.u32 $0xFFFF0000, v13;
	v3 =	vadd.f32 v11, v3;
	v11 =	vshll.u32 v17, $0x10  }
0x2f3: {  	s11 =	sor.u32 s2, s9;
	s6 =	sand.u32 $0x50, s8;
	s8 =	sand.u32 $0x2700, s10;
	v18 =	vld.idx.msk [tilespmem:v2+s3+$0x16200 ss:$0x1], $0xffff;
	[tilespmem:s16+$0x103A0] =	vst v5;
	v4 =	vadd.f32 v11, v4;
	v5 =	vmul.f32 $4.525483320e+01, v12;
	v12 =	vadd.f32 v13, v16  }
0x2f4: {  	s6 =	sor.u32 s6, s8;
	[tilespmem:s16+$0x103B0] =	vst v8;
	v13 =	vand.u32 $0xFFFF0000, v17;
	v16 =	vld [tilespmem:s11+$0x0];
	v3 =	vadd.f32 v3, v10;
	v6 =	vmul.f32 $4.525483320e+01, v6  }
0x2f5: {  	s12 =	sor.u32 s4, s9;
	s14 =	simm.s32 $0x1830;
	s15 =	simm.s32 $0x3060;
	v8 =	vld.idx.msk [tilespmem:v2+s6+$0x14200 ss:$0x1], $0xffff;
	v7 =	vadd.f32 v13, v7;
	v5 =	vadd.f32 v12, v5;
	v9 =	vmul.f32 $4.525483320e+01, v9  }
0x2f6: {  	s18 =	sand.u32 $0x3700, s15;
	v10 =	vld [tilespmem:s12+$0x0];
	s6 =	sand.u32 $0x70, s14;
	[tilespmem:s16+$0x104E0] =	vst v3;
	v3 =	vadd.f32 v4, v6  }
0x2f7: {  	s17 =	simm.s32 $0x1020;
	s8 =	sadd.s32 $0xA500, s0;
	s6 =	sor.u32 s6, s18;
	v6 =	vld [tilespmem:s16+$0x4560];
	[tilespmem:s16+$0x104F0] =	vst v5;
	v5 =	vadd.f32 v7, v9  }
0x2f8: {  	s20 =	sor.u32 s5, s8;
	v12 =	vshll.u32 v18, $0x10;
	v13 =	vand.u32 $0xFFFF0000, v18;
	v7 =	vmul.f32 $4.525483320e+01, v14;
	[tilespmem:s16+$0x103C0] =	vst v3;
	v3 =	vld.idx.msk [tilespmem:v2+s6+$0x14200 ss:$0x1], $0xffff  }
0x2f9: {  	s12 =	simm.s32 $0x2040;
	v9 =	vmul.f32 $4.525483320e+01, v15;
	v11 =	vshll.u32 v16, $0x10;
	v14 =	vand.u32 $0xFFFF0000, v16;
	[tilespmem:s16+$0x103D0] =	vst v5;
	v5 =	vld [tilespmem:s20+$0x0]  }
0x2fa: {  	s10 =	sand.u32 $0x60, s17;
	s19 =	sand.u32 $0x2700, s12;
	v4 =	vld [tilespmem:s16+$0x4420];
	v16 =	vshll.u32 v8, $0x10;
	v8 =	vand.u32 $0xFFFF0000, v8;
	v11 =	vadd.f32 v12, v11  }
0x2fb: {  	s21 =	sor.u32 s10, s19;
	v12 =	vshll.u32 v10, $0x10;
	v13 =	vadd.f32 v13, v14;
	v14 =	vld [tilespmem:s16+$0x4570];
	v10 =	vand.u32 $0xFFFF0000, v10  }
0x2fc: {  	v15 =	vld.idx.msk [tilespmem:v2+s21+$0x14200 ss:$0x1], $0xffff;
	v12 =	vadd.f32 v16, v12;
	v8 =	vadd.f32 v8, v10  }
0x2fd: {  	s22 =	sor.u32 s1, s9;
	v10 =	vld [tilespmem:s16+$0x4430];
	v7 =	vadd.f32 v11, v7;
	v9 =	vadd.f32 v13, v9  }
0x2fe: {  	v11 =	vld [tilespmem:s22+$0x0];
	v6 =	vmul.f32 $4.525483320e+01, v6;
	v16 =	vshll.u32 v3, $0x10;
	v13 =	vshll.u32 v5, $0x10  }
0x2ff: {  	[tilespmem:s16+$0x10400] =	vst v7;
	v7 =	vld [tilespmem:s16+$0x4440];
	v3 =	vand.u32 $0xFFFF0000, v3;
	v5 =	vand.u32 $0xFFFF0000, v5;
	v13 =	vadd.f32 v16, v13  }
0x300: {  	[tilespmem:s16+$0x10410] =	vst v9;
	v9 =	vld [tilespmem:s16+$0x4450];
	v14 =	vmul.f32 $4.525483320e+01, v14;
	v3 =	vadd.f32 v3, v5  }
0x301: {  	s24 =	simm.s32 $0x1C30;
	s23 =	sor.u32 s2, s7;
	v16 =	vld.idx.msk [tilespmem:v2+s3+$0x16A00 ss:$0x1], $0xffff;
	v6 =	vadd.f32 v13, v6  }
0x302: {  	s26 =	simm.s32 $0x3860;
	s9 =	sand.u32 $0x70, s24;
	v17 =	vshll.u32 v15, $0x10;
	v5 =	vld [tilespmem:s23+$0x0];
	v3 =	vadd.f32 v3, v14  }
0x303: {  	s31 =	simm.s32 $0x2840;
	s10 =	sand.u32 $0x3F00, s26;
	v15 =	vand.u32 $0xFFFF0000, v15;
	v18 =	vshll.u32 v11, $0x10;
	v11 =	vand.u32 $0xFFFF0000, v11;
	v13 =	vld [tilespmem:s16+$0x4480];
	[tilespmem:s16+$0x10560] =	vst v6  }
0x304: {  	s30 =	simm.s32 $0x1420;
	s0 =	sadd.s32 $0xA580, s0;
	s9 =	sor.u32 s9, s10;
	v6 =	vadd.f32 v15, v11;
	v11 =	vld [tilespmem:s16+$0x44A0];
	[tilespmem:s16+$0x10570] =	vst v3  }
0x305: {  	s5 =	sor.u32 s5, s0;
	s12 =	sand.u32 $0x2F00, s31;
	s10 =	sand.u32 $0x60, s30;
	v14 =	vadd.f32 v17, v18;
	v17 =	vld.idx.msk [tilespmem:v2+s9+$0x14200 ss:$0x1], $0xffff  }
0x306: {  	v18 =	vld [tilespmem:s5+$0x0];
	s5 =	sor.u32 s10, s12;
	s10 =	simm.s32 $0x400  }
0x307: {  	v23 =	vld [tilespmem:s10+$0x4260]  }
0x308: {  	v25 =	vld [tilespmem:s10+$0x4200]  }
0x309: {  	v53 =	vld [tilespmem:s10+$0x4210]  }
0x30a: {  	v4 =	vmul.f32 $4.525483320e+01, v4;
	v54 =	vld [tilespmem:s10+$0x42F0]  }
0x30b: {  	v10 =	vmul.f32 $4.525483320e+01, v10;
	v32 =	vld [tilespmem:s10+$0x4220]  }
0x30c: {  	v4 =	vadd.f32 v12, v4;
	v7 =	vmul.f32 $4.525483320e+01, v7;
	v56 =	vld [tilespmem:s10+$0x4230]  }
0x30d: {  	s25 =	simm.s32 $0x1410;
	s28 =	simm.s32 $0x2820;
	v9 =	vmul.f32 $4.525483320e+01, v9;
	v3 =	vadd.f32 v8, v10;
	v58 =	vld [tilespmem:s10+$0x4240]  }
0x30e: {  	s29 =	sand.u32 $0x2F00, s28;
	s6 =	sand.u32 $0x50, s25;
	[tilespmem:s16+$0x10420] =	vst v4;
	v7 =	vadd.f32 v14, v7;
	v59 =	vld [tilespmem:s10+$0x4280]  }
0x30f: {  	s6 =	sor.u32 s6, s29;
	v4 =	vadd.f32 v6, v9;
	[tilespmem:s16+$0x10430] =	vst v3;
	v36 =	vld [tilespmem:s10+$0x4290]  }
0x310: {  	s14 =	sor.u32 s4, s7;
	v8 =	vshll.u32 v5, $0x10;
	v5 =	vand.u32 $0xFFFF0000, v5;
	v3 =	vshll.u32 v16, $0x10;
	v9 =	vld.idx.msk [tilespmem:v2+s6+$0x14200 ss:$0x1], $0xffff;
	[tilespmem:s16+$0x10440] =	vst v7  }
0x311: {  	v6 =	vand.u32 $0xFFFF0000, v16;
	v7 =	vmul.f32 $4.525483320e+01, v13;
	v3 =	vadd.f32 v3, v8;
	v8 =	vld [tilespmem:s14+$0x0];
	[tilespmem:s16+$0x10450] =	vst v4  }
0x312: {  	s15 =	sor.u32 s1, s7;
	v5 =	vadd.f32 v6, v5;
	v4 =	vmul.f32 $4.525483320e+01, v19;
	v6 =	vld.idx.msk [tilespmem:v2+s5+$0x14200 ss:$0x1], $0xffff  }
0x313: {  	v3 =	vadd.f32 v3, v7;
	v7 =	vld [tilespmem:s15+$0x0]  }
0x314: {  	v4 =	vadd.f32 v5, v4;
	v5 =	vld [tilespmem:s16+$0x44B0]  }
0x315: {  	[tilespmem:s16+$0x10480] =	vst v3;
	v3 =	vld [tilespmem:s16+$0x44C0]  }
0x316: {  	[tilespmem:s16+$0x10490] =	vst v4;
	v4 =	vld [tilespmem:s16+$0x44D0]  }
0x317: {  	s17 =	sor.u32 s2, s8;
	v10 =	vmul.f32 $4.525483320e+01, v11;
	v11 =	vshll.u32 v9, $0x10;
	v13 =	vshll.u32 v8, $0x10;
	v12 =	vld.idx.msk [tilespmem:v2+s3+$0x17200 ss:$0x1], $0xffff  }
0x318: {  	v9 =	vand.u32 $0xFFFF0000, v9;
	v8 =	vand.u32 $0xFFFF0000, v8;
	v14 =	vld [tilespmem:s17+$0x0];
	v11 =	vadd.f32 v11, v13  }
0x319: {  	v19 =	vld [tilespmem:s16+$0x4500];
	v8 =	vadd.f32 v9, v8;
	v15 =	vshll.u32 v7, $0x10;
	v16 =	vshll.u32 v6, $0x10  }
0x31a: {  	v9 =	vld [tilespmem:s16+$0x4510];
	v6 =	vand.u32 $0xFFFF0000, v6;
	v7 =	vand.u32 $0xFFFF0000, v7;
	v5 =	vmul.f32 $4.525483320e+01, v5  }
0x31b: {  	v39 =	vld [tilespmem:s10+$0x4360];
	v13 =	vadd.f32 v16, v15;
	v6 =	vadd.f32 v6, v7;
	v3 =	vmul.f32 $4.525483320e+01, v3  }
0x31c: {  	v7 =	vadd.f32 v11, v10;
	v10 =	vld [tilespmem:s16+$0x4520];
	v4 =	vmul.f32 $4.525483320e+01, v4;
	v5 =	vadd.f32 v8, v5  }
0x31d: {  	s18 =	simm.s32 $0x1810;
	s19 =	simm.s32 $0x3020;
	v11 =	vld [tilespmem:s16+$0x4540];
	v8 =	vshll.u32 v12, $0x10;
	v3 =	vadd.f32 v13, v3;
	v13 =	vshll.u32 v14, $0x10  }
0x31e: {  	s6 =	sand.u32 $0x3700, s19;
	s5 =	sand.u32 $0x50, s18;
	[tilespmem:s16+$0x104A0] =	vst v7;
	v7 =	vand.u32 $0xFFFF0000, v12;
	v8 =	vadd.f32 v8, v13;
	v13 =	vld [tilespmem:s16+$0x4550]  }
0x31f: {  	s5 =	sor.u32 s5, s6;
	v12 =	vmul.f32 $4.525483320e+01, v19;
	v4 =	vadd.f32 v6, v4;
	[tilespmem:s16+$0x104B0] =	vst v5;
	v6 =	vmul.f32 $4.525483320e+01, v9;
	v9 =	vld [tilespmem:s16+$0x4580]  }
0x320: {  	s24 =	sor.u32 s4, s8;
	v14 =	vand.u32 $0xFFFF0000, v14;
	v19 =	vld.idx.msk [tilespmem:v2+s5+$0x14200 ss:$0x1], $0xffff  }
0x321: {  	s20 =	simm.s32 $0x1820;
	s21 =	simm.s32 $0x3040;
	v5 =	vadd.f32 v7, v14;
	[tilespmem:s16+$0x104C0] =	vst v3;
	v3 =	vadd.f32 v8, v12;
	v8 =	vld [tilespmem:s24+$0x0]  }
0x322: {  	s28 =	simm.s32 $0x40;
	s22 =	sand.u32 $0x60, s20;
	s23 =	sand.u32 $0x3700, s21;
	v7 =	vld [tilespmem:s16+$0x4590]  }
0x323: {  	s2 =	sor.u32 s2, s0;
	s7 =	simm.s32 $0x200;
	s25 =	sor.u32 s22, s23;
	[tilespmem:s16+$0x104D0] =	vst v4;
	v4 =	vadd.f32 v5, v6;
	v6 =	vld [tilespmem:s16+$0x45A0]  }
0x324: {  	s26 =	sor.u32 s1, s8;
	s18 =	sand.u32 $0x1C00, s7;
	s5 =	sand.u32 $0x40, s28;
	v16 =	vld.idx.msk [tilespmem:v2+s25+$0x14200 ss:$0x1], $0xffff;
	[tilespmem:s16+$0x10500] =	vst v3  }
0x325: {  	s29 =	sor.u32 $0xA200, s18;
	s30 =	sshrl.u32 s18, $0x2;
	v10 =	vmul.f32 $4.525483320e+01, v10;
	s17 =	sor.u32 $0x30, s5;
	v15 =	vld [tilespmem:s26+$0x0];
	[tilespmem:s16+$0x10510] =	vst v4  }
0x326: {  	v5 =	vmul.f32 $4.525483320e+01, v20;
	s31 =	sor.u32 s17, s29;
	v12 =	vld [tilespmem:s2+$0x0];
	s2 =	sadd.s32 s30, s13;
	v22 =	vshll.u32 v19, $0x10;
	v20 =	vshll.u32 v8, $0x10  }
0x327: {  	v48 =	vld [tilespmem:s31+$0x0];
	v19 =	vand.u32 $0xFFFF0000, v19;
	s6 =	sadd.s32 s17, s2;
	v8 =	vand.u32 $0xFFFF0000, v8;
	v20 =	vadd.f32 v22, v20  }
0x328: {  	v21 =	vmul.f32 $4.525483320e+01, v21;
	v8 =	vadd.f32 v19, v8;
	v19 =	vld [tilespmem:s6+$0x0]  }
0x329: {  	v3 =	vand.u32 $0xFFFF0000, v18;
	v4 =	vand.u32 $0xFFFF0000, v17;
	v14 =	vld.idx.msk [tilespmem:v2+s3+$0x17A00 ss:$0x1], $0xffff;
	v10 =	vadd.f32 v20, v10  }
0x32a: {  	s11 =	simm.s32 $0x3820;
	s8 =	simm.s32 $0x1C10;
	v4 =	vadd.f32 v4, v3;
	v8 =	vadd.f32 v8, v21;
	v20 =	vld [tilespmem:s10+$0x4270]  }
0x32b: {  	v3 =	vld [tilespmem:s16+$0x45B0];
	s3 =	sand.u32 $0x50, s8;
	s6 =	sand.u32 $0x3F00, s11;
	[tilespmem:s16+$0x10520] =	vst v10  }
0x32c: {  	v5 =	vadd.f32 v4, v5;
	v4 =	vld [tilespmem:s16+$0x45C0];
	s3 =	sor.u32 s3, s6;
	[tilespmem:s16+$0x10530] =	vst v8  }
0x32d: {  	v23 =	vmul.f32 $4.525483320e+01, v23;
	s12 =	sadd.s32 s5, s2;
	v49 =	vshll.u32 v48, $0x10;
	v8 =	vld.idx.msk [tilespmem:v2+s3+$0x14200 ss:$0x1], $0xffff;
	v24 =	vshll.u32 v19, $0x10;
	s3 =	sor.u32 $0x10, s5  }
0x32e: {  	v50 =	vld [tilespmem:s12+$0x0];
	v22 =	vand.u32 $0xFFFF0000, v48;
	v19 =	vand.u32 $0xFFFF0000, v19;
	v21 =	vadd.f32 v24, v49;
	s13 =	sor.u32 s3, s29  }
0x32f: {  	v19 =	vadd.f32 v19, v22;
	s14 =	sadd.s32 s3, s2;
	v20 =	vmul.f32 $4.525483320e+01, v20;
	v51 =	vld [tilespmem:s13+$0x0]  }
0x330: {  	s15 =	sor.u32 s5, s29;
	v52 =	vld [tilespmem:s14+$0x0];
	v21 =	vadd.f32 v21, v23  }
0x331: {  	s20 =	simm.s32 $0x8E0;
	s19 =	simm.s32 $0x470;
	[tilespmem:s16+$0x105F0] =	vst v5;
	v19 =	vadd.f32 v19, v20;
	v20 =	vld [tilespmem:s15+$0x0]  }
0x332: {  	s21 =	sand.u32 $0x70, s19;
	s8 =	sand.u32 $0xF00, s20;
	v5 =	vld [tilespmem:s16+$0x45D0];
	[tilespmem:s10+$0x10260] =	vst v21  }
0x333: {  	s22 =	sor.u32 $0xA280, s18;
	v25 =	vmul.f32 $4.525483320e+01, v25;
	v62 =	vmul.f32 $4.525483320e+01, v32;
	s11 =	sor.u32 s21, s8;
	[tilespmem:s10+$0x10270] =	vst v19;
	v19 =	vld [tilespmem:s10+$0x42E0]  }
0x334: {  	s23 =	sor.u32 s17, s22;
	v27 =	vshll.u32 v50, $0x10;
	v24 =	vand.u32 $0xFFFF0000, v50;
	v21 =	vmul.f32 $4.525483320e+01, v53;
	v26 =	vld.idx.msk [tilespmem:v2+s11+$0x14200 ss:$0x1], $0xffff  }
0x335: {  	s8 =	sor.u32 $0x20, s5;
	v28 =	vld [tilespmem:s23+$0x0];
	v31 =	vshll.u32 v51, $0x10;
	v22 =	vand.u32 $0xFFFF0000, v51;
	v60 =	vshll.u32 v52, $0x10  }
0x336: {  	s9 =	sor.u32 s8, s29;
	v48 =	vld [tilespmem:s10+$0x4370];
	v61 =	vadd.f32 v60, v31;
	v30 =	vshll.u32 v20, $0x10;
	v20 =	vand.u32 $0xFFFF0000, v20  }
0x337: {  	v29 =	vld [tilespmem:s9+$0x0];
	v23 =	vand.u32 $0xFFFF0000, v52;
	v27 =	vadd.f32 v27, v30;
	v20 =	vadd.f32 v24, v20  }
0x338: {  	v10 =	vld [tilespmem:s16+$0x45E0];
	s2 =	sadd.s32 s8, s2;
	v22 =	vadd.f32 v23, v22;
	v35 =	vadd.f32 v61, v62  }
0x339: {  	v55 =	vld [tilespmem:s2+$0x0];
	v19 =	vmul.f32 $4.525483320e+01, v19;
	v25 =	vadd.f32 v27, v25;
	v20 =	vadd.f32 v20, v21  }
0x33a: {  	s2 =	simm.s32 $0x80;
	v51 =	vld [tilespmem:s10+$0x42A0];
	v57 =	vshll.u32 v28, $0x10;
	v33 =	vshll.u32 v26, $0x10;
	v21 =	vmul.f32 $4.525483320e+01, v56  }
0x33b: {  	s24 =	sand.u32 $0x700, s2;
	v28 =	vand.u32 $0xFFFF0000, v28;
	v26 =	vand.u32 $0xFFFF0000, v26;
	v56 =	vld [tilespmem:s10+$0x42B0];
	v27 =	vadd.f32 v33, v57;
	[tilespmem:s10+$0x10200] =	vst v25  }
0x33c: {  	s25 =	simm.s32 $0x450;
	s9 =	sor.u32 s5, s24;
	s15 =	simm.s32 $0x8A0;
	v24 =	vmul.f32 $4.525483320e+01, v54;
	v26 =	vadd.f32 v26, v28;
	[tilespmem:s10+$0x10210] =	vst v20;
	v20 =	vld [tilespmem:s10+$0x4250];
	v21 =	vadd.f32 v22, v21  }
0x33d: {  	s26 =	sor.u32 s5, s22;
	s30 =	sand.u32 $0xF00, s15;
	s11 =	sand.u32 $0x50, s25;
	[tilespmem:s10+$0x10220] =	vst v35;
	v19 =	vadd.f32 v27, v19;
	v63 =	vld.idx.msk [tilespmem:v2+s9+$0x14A00 ss:$0x1], $0xffff  }
0x33e: {  	s28 =	simm.s32 $0x870;
	s29 =	simm.s32 $0x10E0;
	s11 =	sor.u32 s11, s30;
	v24 =	vadd.f32 v26, v24;
	v34 =	vld [tilespmem:s26+$0x0];
	[tilespmem:s10+$0x10230] =	vst v21  }
0x33f: {  	s19 =	sor.u32 s3, s22;
	s14 =	sand.u32 $0x70, s28;
	s13 =	sand.u32 $0x1700, s29;
	[tilespmem:s10+$0x102E0] =	vst v19;
	v43 =	vld.idx.msk [tilespmem:v2+s11+$0x14200 ss:$0x1], $0xffff  }
0x340: {  	v46 =	vmul.f32 $4.525483320e+01, v59;
	s12 =	sor.u32 $0xA300, s18;
	s13 =	sor.u32 s14, s13;
	v38 =	vshll.u32 v55, $0x10;
	v19 =	vshll.u32 v29, $0x10;
	[tilespmem:s10+$0x102F0] =	vst v24;
	v49 =	vld [tilespmem:s19+$0x0]  }
0x341: {  	v11 =	vmul.f32 $4.525483320e+01, v11;
	s31 =	sor.u32 s17, s12;
	v25 =	vmul.f32 $4.525483320e+01, v58;
	v19 =	vadd.f32 v38, v19;
	v41 =	vld.idx.msk [tilespmem:v2+s13+$0x14200 ss:$0x1], $0xffff  }
0x342: {  	v17 =	vshll.u32 v17, $0x10;
	v37 =	vand.u32 $0xFFFF0000, v29;
	v40 =	vand.u32 $0xFFFF0000, v55;
	v42 =	vld [tilespmem:s31+$0x0]  }
0x343: {  	v24 =	vadd.f32 v40, v37;
	v38 =	vld [tilespmem:s10+$0x43E0];
	v20 =	vmul.f32 $4.525483320e+01, v20;
	v19 =	vadd.f32 v19, v25  }
0x344: {  	v44 =	vshll.u32 v34, $0x10;
	v45 =	vshll.u32 v63, $0x10;
	v25 =	vmul.f32 $4.525483320e+01, v48;
	v48 =	vld [tilespmem:s10+$0x4320]  }
0x345: {  	v50 =	vmul.f32 $4.525483320e+01, v36;
	s14 =	simm.s32 $0x460;
	s15 =	simm.s32 $0x8C0;
	v20 =	vadd.f32 v24, v20;
	v47 =	vadd.f32 v45, v44;
	v44 =	vld [tilespmem:s10+$0x4310]  }
0x346: {  	s11 =	sand.u32 $0x60, s14;
	s13 =	sand.u32 $0xF00, s15;
	v31 =	vand.u32 $0xFFFF0000, v63;
	[tilespmem:s10+$0x10240] =	vst v19;
	v58 =	vshll.u32 v43, $0x10;
	v28 =	vand.u32 $0xFFFF0000, v43;
	v43 =	vld [tilespmem:s10+$0x43F0]  }
0x347: {  	s11 =	sor.u32 s11, s13;
	v19 =	vand.u32 $0xFFFF0000, v34;
	[tilespmem:s10+$0x10250] =	vst v20;
	v53 =	vshll.u32 v42, $0x10;
	v21 =	vand.u32 $0xFFFF0000, v42;
	v42 =	vld [tilespmem:s10+$0x4300]  }
0x348: {  	s6 =	sor.u32 s8, s22;
	v22 =	vmul.f32 $4.525483320e+01, v39;
	v19 =	vadd.f32 v31, v19;
	v54 =	vshll.u32 v41, $0x10;
	v52 =	vld.idx.msk [tilespmem:v2+s11+$0x14200 ss:$0x1], $0xffff  }
0x349: {  	v20 =	vadd.f32 v47, v46;
	v26 =	vand.u32 $0xFFFF0000, v41;
	v55 =	vld [tilespmem:s6+$0x0];
	v30 =	vadd.f32 v54, v53  }
0x34a: {  	v18 =	vshll.u32 v18, $0x10;
	v21 =	vadd.f32 v26, v21;
	v53 =	vld [tilespmem:s10+$0x4330];
	v19 =	vadd.f32 v19, v50  }
0x34b: {  	v17 =	vadd.f32 v17, v18;
	s21 =	simm.s32 $0xC70;
	v57 =	vshll.u32 v49, $0x10;
	[tilespmem:s10+$0x10280] =	vst v20;
	v20 =	vld [tilespmem:s10+$0x42C0];
	v22 =	vadd.f32 v30, v22  }
0x34c: {  	v13 =	vmul.f32 $4.525483320e+01, v13;
	s22 =	simm.s32 $0x18E0;
	s23 =	sand.u32 $0x70, s21;
	v21 =	vadd.f32 v21, v25;
	v25 =	vadd.f32 v58, v57;
	v57 =	vld [tilespmem:s10+$0x4350];
	[tilespmem:s10+$0x10290] =	vst v19  }
0x34d: {  	v9 =	vmul.f32 $4.525483320e+01, v9;
	v61 =	vmul.f32 $4.525483320e+01, v51;
	s13 =	sand.u32 $0x1F00, s22;
	v60 =	vand.u32 $0xFFFF0000, v49;
	v19 =	vld [tilespmem:s10+$0x42D0];
	[tilespmem:s10+$0x10360] =	vst v22  }
0x34e: {  	v7 =	vmul.f32 $4.525483320e+01, v7;
	v23 =	vmul.f32 $4.525483320e+01, v56;
	v63 =	vadd.f32 v28, v60;
	s11 =	sor.u32 $0xA380, s18;
	s6 =	sor.u32 s23, s13;
	v59 =	vld.idx.msk [tilespmem:v2+s9+$0x15200 ss:$0x1], $0xffff;
	[tilespmem:s10+$0x10370] =	vst v21  }
0x34f: {  	v29 =	vmul.f32 $4.525483320e+01, v38;
	s24 =	sor.u32 s17, s11;
	v54 =	vmul.f32 $4.525483320e+01, v48;
	v25 =	vadd.f32 v25, v61;
	v40 =	vld.idx.msk [tilespmem:v2+s6+$0x14200 ss:$0x1], $0xffff  }
0x350: {  	s20 =	sor.u32 s5, s12;
	v36 =	vshll.u32 v52, $0x10;
	v37 =	vshll.u32 v55, $0x10;
	v24 =	vand.u32 $0xFFFF0000, v52;
	v41 =	vld [tilespmem:s24+$0x0]  }
0x351: {  	v62 =	vld [tilespmem:s20+$0x0];
	v39 =	vand.u32 $0xFFFF0000, v55;
	v22 =	vadd.f32 v36, v37;
	v20 =	vmul.f32 $4.525483320e+01, v20  }
0x352: {  	v21 =	vadd.f32 v63, v23;
	v61 =	vld [tilespmem:s10+$0x4460];
	v24 =	vadd.f32 v24, v39;
	v19 =	vmul.f32 $4.525483320e+01, v19  }
0x353: {  	s25 =	simm.s32 $0x850;
	s26 =	simm.s32 $0x10A0;
	v48 =	vshll.u32 v16, $0x10;
	v16 =	vand.u32 $0xFFFF0000, v16;
	v55 =	vld [tilespmem:s10+$0x4340];
	[tilespmem:s10+$0x102A0] =	vst v25;
	v20 =	vadd.f32 v22, v20  }
0x354: {  	s15 =	sor.u32 s3, s12;
	s13 =	sand.u32 $0x1700, s26;
	v28 =	vmul.f32 $4.525483320e+01, v42;
	v23 =	vmul.f32 $4.525483320e+01, v44;
	s6 =	sand.u32 $0x50, s25;
	[tilespmem:s10+$0x102B0] =	vst v21;
	v37 =	vld [tilespmem:s10+$0x4470];
	v19 =	vadd.f32 v24, v19  }
0x355: {  	s6 =	sor.u32 s6, s13;
	v51 =	vld [tilespmem:s15+$0x0];
	v22 =	vmul.f32 $4.525483320e+01, v43;
	[tilespmem:s10+$0x102C0] =	vst v20;
	v26 =	vand.u32 $0xFFFF0000, v41;
	v32 =	vand.u32 $0xFFFF0000, v40  }
0x356: {  	s28 =	simm.s32 $0x860;
	s29 =	simm.s32 $0x10C0;
	v20 =	vld.idx.msk [tilespmem:v2+s6+$0x14200 ss:$0x1], $0xffff;
	v49 =	vshll.u32 v40, $0x10;
	v26 =	vadd.f32 v32, v26;
	[tilespmem:s10+$0x102D0] =	vst v19;
	v19 =	vshll.u32 v41, $0x10  }
0x357: {  	s30 =	sand.u32 $0x60, s28;
	s31 =	sand.u32 $0x1700, s29;
	v34 =	vmul.f32 $4.525483320e+01, v53;
	v39 =	vld [tilespmem:s10+$0x4380];
	v45 =	vshll.u32 v59, $0x10;
	v19 =	vadd.f32 v49, v19  }
0x358: {  	s13 =	sor.u32 s30, s31;
	v43 =	vld [tilespmem:s10+$0x4390];
	v46 =	vand.u32 $0xFFFF0000, v59;
	v47 =	vshll.u32 v62, $0x10;
	v22 =	vadd.f32 v26, v22  }
0x359: {  	s19 =	simm.s32 $0x1070;
	s12 =	sor.u32 s8, s12;
	s20 =	simm.s32 $0x20E0;
	v27 =	vand.u32 $0xFFFF0000, v62;
	v21 =	vadd.f32 v45, v47;
	v50 =	vld.idx.msk [tilespmem:v2+s13+$0x14200 ss:$0x1], $0xffff;
	v19 =	vadd.f32 v19, v29  }
0x35a: {  	s21 =	sand.u32 $0x2700, s20;
	v24 =	vadd.f32 v46, v27;
	s6 =	sand.u32 $0x70, s19;
	v46 =	vshll.u32 v15, $0x10;
	v15 =	vand.u32 $0xFFFF0000, v15;
	v52 =	vld [tilespmem:s12+$0x0];
	[tilespmem:s10+$0x103F0] =	vst v22  }
0x35b: {  	s6 =	sor.u32 s6, s21;
	v16 =	vadd.f32 v16, v15;
	v32 =	vld [tilespmem:s10+$0x4480];
	v58 =	vshll.u32 v51, $0x10;
	s12 =	sadd.s32 $0xA400, s18;
	v56 =	vshll.u32 v20, $0x10;
	[tilespmem:s10+$0x103E0] =	vst v19  }
0x35c: {  	v42 =	vmul.f32 $4.525483320e+01, v61;
	v21 =	vadd.f32 v21, v28;
	s22 =	sor.u32 s17, s12;
	v22 =	vadd.f32 v56, v58;
	v33 =	vld.idx.msk [tilespmem:v2+s6+$0x14200 ss:$0x1], $0xffff  }
0x35d: {  	v62 =	vand.u32 $0xFFFF0000, v51;
	v20 =	vand.u32 $0xFFFF0000, v20;
	v19 =	vadd.f32 v24, v23;
	v35 =	vld [tilespmem:s22+$0x0]  }
0x35e: {  	v28 =	vmul.f32 $4.525483320e+01, v55;
	v20 =	vadd.f32 v20, v62;
	v22 =	vadd.f32 v22, v54;
	v54 =	vld [tilespmem:s10+$0x43B0]  }
0x35f: {  	v59 =	vshll.u32 v50, $0x10;
	v63 =	vshll.u32 v52, $0x10;
	[tilespmem:s10+$0x10310] =	vst v19;
	v19 =	vand.u32 $0xFFFF0000, v52;
	v52 =	vld [tilespmem:s10+$0x43A0]  }
0x360: {  	s23 =	simm.s32 $0xC50;
	s24 =	simm.s32 $0x18A0;
	[tilespmem:s10+$0x10300] =	vst v21;
	v60 =	vand.u32 $0xFFFF0000, v50;
	v20 =	vadd.f32 v20, v34;
	v29 =	vadd.f32 v59, v63;
	v63 =	vld [tilespmem:s10+$0x43C0]  }
0x361: {  	s25 =	sor.u32 s5, s11;
	s13 =	sand.u32 $0x1F00, s24;
	v13 =	vadd.f32 v16, v13;
	v24 =	vmul.f32 $4.525483320e+01, v57;
	s6 =	sand.u32 $0x50, s23;
	v36 =	vld.idx.msk [tilespmem:v2+s9+$0x15A00 ss:$0x1], $0xffff;
	v19 =	vadd.f32 v60, v19;
	[tilespmem:s10+$0x10320] =	vst v22  }
0x362: {  	v55 =	vmul.f32 $4.525483320e+01, v43;
	s6 =	sor.u32 s6, s13;
	v18 =	vld [tilespmem:s25+$0x0];
	[tilespmem:s10+$0x10330] =	vst v20;
	v22 =	vadd.f32 v48, v46;
	v38 =	vadd.f32 v29, v28  }
0x363: {  	s31 =	sor.u32 s3, s11;
	v20 =	vld.idx.msk [tilespmem:v2+s6+$0x14200 ss:$0x1], $0xffff;
	v19 =	vadd.f32 v19, v24;
	v40 =	vshll.u32 v35, $0x10;
	v41 =	vshll.u32 v33, $0x10  }
0x364: {  	s28 =	simm.s32 $0x18C0;
	s26 =	simm.s32 $0xC60;
	v47 =	vld [tilespmem:s31+$0x0];
	v21 =	vand.u32 $0xFFFF0000, v35;
	v44 =	vand.u32 $0xFFFF0000, v33;
	v45 =	vadd.f32 v41, v40  }
0x365: {  	s29 =	sand.u32 $0x60, s26;
	s30 =	sand.u32 $0x1F00, s28;
	v16 =	vshll.u32 v12, $0x10;
	v60 =	vld [tilespmem:s10+$0x44E0];
	[tilespmem:s10+$0x10350] =	vst v19;
	v19 =	vmul.f32 $4.525483320e+01, v37;
	v21 =	vadd.f32 v44, v21  }
0x366: {  	v12 =	vand.u32 $0xFFFF0000, v12;
	s6 =	sor.u32 s29, s30;
	v11 =	vadd.f32 v22, v11;
	[tilespmem:s10+$0x10340] =	vst v38;
	v38 =	vld [tilespmem:s10+$0x4400];
	v23 =	vadd.f32 v45, v42  }
0x367: {  	s11 =	sor.u32 s8, s11;
	s15 =	simm.s32 $0x1470;
	s19 =	simm.s32 $0x28E0;
	v29 =	vmul.f32 $4.525483320e+01, v52;
	v49 =	vld.idx.msk [tilespmem:v2+s6+$0x14200 ss:$0x1], $0xffff;
	v15 =	vshll.u32 v36, $0x10;
	v19 =	vadd.f32 v21, v19  }
0x368: {  	s20 =	sand.u32 $0x2F00, s19;
	v50 =	vld [tilespmem:s11+$0x0];
	v51 =	vshll.u32 v18, $0x10;
	s6 =	sand.u32 $0x70, s15;
	v53 =	vand.u32 $0xFFFF0000, v36;
	v18 =	vand.u32 $0xFFFF0000, v18;
	[tilespmem:s10+$0x10460] =	vst v23  }
0x369: {  	s11 =	sadd.s32 $0xA480, s18;
	v36 =	vld [tilespmem:s10+$0x44F0];
	v15 =	vadd.f32 v15, v51;
	s6 =	sor.u32 s6, s20;
	v57 =	vshll.u32 v47, $0x10;
	v58 =	vshll.u32 v20, $0x10;
	[tilespmem:s10+$0x10470] =	vst v19  }
0x36a: {  	v18 =	vadd.f32 v53, v18;
	s21 =	sor.u32 s17, s11;
	v27 =	vadd.f32 v58, v57;
	v19 =	vmul.f32 $4.525483320e+01, v39;
	v56 =	vld.idx.msk [tilespmem:v2+s6+$0x14200 ss:$0x1], $0xffff  }
0x36b: {  	v20 =	vand.u32 $0xFFFF0000, v20;
	v21 =	vmul.f32 $4.525483320e+01, v54;
	v42 =	vmul.f32 $4.525483320e+01, v60;
	v59 =	vld [tilespmem:s21+$0x0]  }
0x36c: {  	v54 =	vld [tilespmem:s10+$0x4560];
	v37 =	vadd.f32 v27, v29;
	v15 =	vadd.f32 v15, v19;
	v19 =	vand.u32 $0xFFFF0000, v47  }
0x36d: {  	v60 =	vld [tilespmem:s10+$0x4430];
	v61 =	vshll.u32 v50, $0x10;
	v62 =	vshll.u32 v49, $0x10;
	v25 =	vand.u32 $0xFFFF0000, v49  }
0x36e: {  	v24 =	vand.u32 $0xFFFF0000, v50;
	v45 =	vmul.f32 $4.525483320e+01, v36;
	v50 =	vld [tilespmem:s10+$0x4420];
	v19 =	vadd.f32 v20, v19  }
0x36f: {  	v47 =	vmul.f32 $4.525483320e+01, v63;
	v20 =	vadd.f32 v62, v61;
	[tilespmem:s10+$0x10380] =	vst v15;
	v15 =	vadd.f32 v18, v55;
	v18 =	vld [tilespmem:s10+$0x43D0]  }
0x370: {  	s4 =	sor.u32 s4, s0;
	v41 =	vld [tilespmem:s10+$0x4410];
	v24 =	vadd.f32 v25, v24;
	v39 =	vshll.u32 v59, $0x10;
	v40 =	vshll.u32 v56, $0x10  }
0x371: {  	v29 =	vmul.f32 $4.525483320e+01, v54;
	v19 =	vadd.f32 v19, v21;
	[tilespmem:s10+$0x10390] =	vst v15;
	v15 =	vld [tilespmem:s4+$0x0];
	v21 =	vadd.f32 v40, v39  }
0x372: {  	s24 =	sor.u32 s5, s12;
	s22 =	simm.s32 $0x1050;
	s23 =	simm.s32 $0x20A0;
	[tilespmem:s10+$0x103A0] =	vst v37;
	v20 =	vadd.f32 v20, v47;
	v31 =	vand.u32 $0xFFFF0000, v59;
	v26 =	vand.u32 $0xFFFF0000, v56;
	v44 =	vld.idx.msk [tilespmem:v2+s9+$0x16200 ss:$0x1], $0xffff  }
0x373: {  	s25 =	sor.u32 s3, s12;
	s6 =	sand.u32 $0x2700, s23;
	v33 =	vmul.f32 $4.525483320e+01, v60;
	s4 =	sand.u32 $0x50, s22;
	v43 =	vadd.f32 v26, v31;
	[tilespmem:s10+$0x103B0] =	vst v19;
	v46 =	vld [tilespmem:s24+$0x0];
	v19 =	vadd.f32 v21, v42  }
0x374: {  	s4 =	sor.u32 s4, s6;
	v28 =	vmul.f32 $4.525483320e+01, v50;
	v39 =	vshll.u32 v8, $0x10;
	v49 =	vld [tilespmem:s25+$0x0];
	v18 =	vmul.f32 $4.525483320e+01, v18  }
0x375: {  	v8 =	vand.u32 $0xFFFF0000, v8;
	v48 =	vld.idx.msk [tilespmem:v2+s4+$0x14200 ss:$0x1], $0xffff;
	v23 =	vadd.f32 v43, v45;
	[tilespmem:s10+$0x104E0] =	vst v19;
	v19 =	vshll.u32 v14, $0x10  }
0x376: {  	s26 =	simm.s32 $0x1870;
	s28 =	simm.s32 $0x30E0;
	[tilespmem:s16+$0x10550] =	vst v13;
	v34 =	vld [tilespmem:s10+$0x4490];
	s29 =	simm.s32 $0x1060;
	v14 =	vand.u32 $0xFFFF0000, v14;
	v18 =	vadd.f32 v24, v18;
	v16 =	vadd.f32 v19, v16  }
0x377: {  	s30 =	sand.u32 $0x3700, s28;
	[tilespmem:s16+$0x10540] =	vst v11;
	v56 =	vld [tilespmem:s10+$0x4570];
	s4 =	sand.u32 $0x70, s26;
	v12 =	vadd.f32 v14, v12;
	v14 =	vmul.f32 $4.525483320e+01, v38;
	v19 =	vmul.f32 $4.525483320e+01, v41  }
0x378: {  	s31 =	simm.s32 $0x20C0;
	v47 =	vld [tilespmem:s10+$0x4510];
	s6 =	sor.u32 s4, s30;
	s4 =	sadd.s32 $0xA500, s18;
	[tilespmem:s10+$0x104F0] =	vst v23;
	v51 =	vshll.u32 v46, $0x10;
	v52 =	vshll.u32 v44, $0x10;
	v25 =	vand.u32 $0xFFFF0000, v44  }
0x379: {  	s14 =	sand.u32 $0x60, s29;
	s13 =	sand.u32 $0x2700, s31;
	[tilespmem:s10+$0x103C0] =	vst v20;
	s15 =	sor.u32 s17, s4;
	v20 =	vld.idx.msk [tilespmem:v2+s6+$0x14200 ss:$0x1], $0xffff;
	v21 =	vand.u32 $0xFFFF0000, v46;
	v23 =	vadd.f32 v52, v51;
	v11 =	vshll.u32 v49, $0x10  }
0x37a: {  	s13 =	sor.u32 s14, s13;
	[tilespmem:s10+$0x103D0] =	vst v18;
	v18 =	vld [tilespmem:s15+$0x0];
	v55 =	vshll.u32 v48, $0x10;
	v21 =	vadd.f32 v25, v21;
	v13 =	vand.u32 $0xFFFF0000, v48  }
0x37b: {  	s12 =	sor.u32 s8, s12;
	v22 =	vand.u32 $0xFFFF0000, v49;
	v53 =	vld.idx.msk [tilespmem:v2+s13+$0x14200 ss:$0x1], $0xffff;
	v24 =	vadd.f32 v55, v11;
	v14 =	vadd.f32 v23, v14  }
0x37c: {  	v25 =	vmul.f32 $4.525483320e+01, v56;
	v57 =	vld [tilespmem:s12+$0x0];
	v13 =	vadd.f32 v13, v22;
	v19 =	vadd.f32 v21, v19  }
0x37d: {  	v9 =	vadd.f32 v16, v9;
	v16 =	vmul.f32 $4.525483320e+01, v6;
	v6 =	vadd.f32 v12, v7;
	[tilespmem:s10+$0x10400] =	vst v14;
	v14 =	vld [tilespmem:s10+$0x4440]  }
0x37e: {  	s21 =	sor.u32 s5, s11;
	v24 =	vadd.f32 v24, v28;
	v13 =	vadd.f32 v13, v33;
	v59 =	vshll.u32 v20, $0x10;
	[tilespmem:s10+$0x10410] =	vst v19;
	v19 =	vld [tilespmem:s10+$0x4450]  }
0x37f: {  	s19 =	simm.s32 $0x1C20;
	v20 =	vand.u32 $0xFFFF0000, v20;
	v58 =	vshll.u32 v18, $0x10;
	v18 =	vand.u32 $0xFFFF0000, v18;
	v63 =	vld [tilespmem:s21+$0x0]  }
0x380: {  	s31 =	simm.s32 $0x28C0;
	s20 =	simm.s32 $0x3840;
	s23 =	simm.s32 $0x38E0;
	v21 =	vadd.f32 v59, v58;
	v61 =	vshll.u32 v53, $0x10;
	v18 =	vadd.f32 v20, v18;
	v20 =	vld.idx.msk [tilespmem:v2+s9+$0x16A00 ss:$0x1], $0xffff  }
0x381: {  	s22 =	simm.s32 $0x1C70;
	s6 =	sand.u32 $0x60, s19;
	v41 =	vld [tilespmem:s10+$0x44B0];
	s13 =	sand.u32 $0x3F00, s20;
	v62 =	vshll.u32 v57, $0x10;
	v27 =	vand.u32 $0xFFFF0000, v53;
	v23 =	vand.u32 $0xFFFF0000, v57  }
0x382: {  	s24 =	simm.s32 $0x1450;
	s25 =	simm.s32 $0x28A0;
	v46 =	vld [tilespmem:s10+$0x4500];
	s6 =	sor.u32 s6, s13;
	[tilespmem:s10+$0x10420] =	vst v24;
	v22 =	vadd.f32 v61, v62;
	v21 =	vadd.f32 v21, v29;
	v14 =	vmul.f32 $4.525483320e+01, v14  }
0x383: {  	s26 =	sand.u32 $0x50, s24;
	s28 =	sand.u32 $0x2F00, s25;
	s15 =	sor.u32 s3, s11;
	v11 =	vld.idx.msk [tilespmem:v2+s6+$0x14200 ss:$0x1], $0xffff;
	[tilespmem:s10+$0x10430] =	vst v13;
	v23 =	vadd.f32 v27, v23;
	v18 =	vadd.f32 v18, v25;
	v19 =	vmul.f32 $4.525483320e+01, v19  }
0x384: {  	s12 =	sand.u32 $0x3F00, s23;
	v7 =	vmul.f32 $4.525483320e+01, v10;
	s6 =	sand.u32 $0x70, s22;
	v37 =	vld [tilespmem:s15+$0x0];
	[tilespmem:s10+$0x10560] =	vst v21;
	v36 =	vshll.u32 v63, $0x10;
	v14 =	vadd.f32 v22, v14  }
0x385: {  	s30 =	simm.s32 $0x1460;
	s6 =	sor.u32 s6, s12;
	[tilespmem:s10+$0x10570] =	vst v18;
	v18 =	vld [tilespmem:s10+$0x44A0];
	v21 =	vmul.f32 $4.525483320e+01, v32;
	v12 =	vadd.f32 v23, v19;
	v19 =	vshll.u32 v20, $0x10  }
0x386: {  	s14 =	sand.u32 $0x2F00, s31;
	s13 =	sand.u32 $0x60, s30;
	v35 =	vld.idx.msk [tilespmem:v2+s6+$0x14200 ss:$0x1], $0xffff;
	s6 =	sor.u32 s26, s28;
	v20 =	vand.u32 $0xFFFF0000, v20;
	v19 =	vadd.f32 v19, v36;
	[tilespmem:s10+$0x10440] =	vst v14;
	v14 =	vand.u32 $0xFFFF0000, v63  }
0x387: {  	v38 =	vmul.f32 $4.525483320e+01, v34;
	s13 =	sor.u32 s13, s14;
	v17 =	vadd.f32 v17, v7;
	s12 =	sadd.s32 $0xA580, s18;
	v13 =	vld.idx.msk [tilespmem:v2+s6+$0x14200 ss:$0x1], $0xffff;
	[tilespmem:s10+$0x10450] =	vst v12;
	v14 =	vadd.f32 v20, v14  }
0x388: {  	s29 =	sor.u32 s17, s12;
	s17 =	sor.u32 s8, s11;
	v53 =	vmul.f32 $4.525483320e+01, v3;
	v3 =	vmul.f32 $4.525483320e+01, v5;
	v20 =	vld.idx.msk [tilespmem:v2+s13+$0x14200 ss:$0x1], $0xffff;
	v19 =	vadd.f32 v19, v21  }
0x389: {  	v12 =	vshll.u32 v15, $0x10;
	v15 =	vand.u32 $0xFFFF0000, v15;
	v40 =	vld [tilespmem:s17+$0x0];
	v14 =	vadd.f32 v14, v38  }
0x38a: {  	v5 =	vand.u32 $0xFFFF0000, v11;
	v12 =	vadd.f32 v39, v12;
	v7 =	vadd.f32 v8, v15;
	v8 =	vld [tilespmem:s10+$0x44C0];
	[tilespmem:s10+$0x10480] =	vst v19  }
0x38b: {  	v42 =	vshll.u32 v37, $0x10;
	v22 =	vand.u32 $0xFFFF0000, v37;
	v15 =	vmul.f32 $4.525483320e+01, v18;
	[tilespmem:s10+$0x10490] =	vst v14;
	v14 =	vld [tilespmem:s10+$0x44D0]  }
0x38c: {  	s18 =	sor.u32 s5, s4;
	v12 =	vadd.f32 v12, v16;
	v18 =	vshll.u32 v13, $0x10;
	v13 =	vand.u32 $0xFFFF0000, v13;
	v19 =	vld.idx.msk [tilespmem:v2+s9+$0x17200 ss:$0x1], $0xffff  }
0x38d: {  	v23 =	vmul.f32 $4.525483320e+01, v41;
	v18 =	vadd.f32 v18, v42;
	v13 =	vadd.f32 v13, v22;
	v43 =	vld [tilespmem:s18+$0x0]  }
0x38e: {  	v49 =	vld [tilespmem:s10+$0x4530];
	v22 =	vmul.f32 $4.525483320e+01, v46;
	v44 =	vshll.u32 v40, $0x10;
	v45 =	vshll.u32 v20, $0x10  }
0x38f: {  	v10 =	vld [tilespmem:s29+$0x0];
	v8 =	vmul.f32 $4.525483320e+01, v8;
	v24 =	vadd.f32 v45, v44;
	v15 =	vadd.f32 v18, v15  }
0x390: {  	s19 =	simm.s32 $0x1850;
	v52 =	vld [tilespmem:s10+$0x4550];
	s20 =	simm.s32 $0x30A0;
	v20 =	vand.u32 $0xFFFF0000, v20;
	v21 =	vand.u32 $0xFFFF0000, v40;
	v13 =	vadd.f32 v13, v23  }
0x391: {  	s11 =	sand.u32 $0x3700, s20;
	s6 =	sand.u32 $0x50, s19;
	v20 =	vadd.f32 v20, v21;
	v18 =	vld [tilespmem:s10+$0x4520];
	[tilespmem:s10+$0x104A0] =	vst v15;
	v8 =	vadd.f32 v24, v8;
	v14 =	vmul.f32 $4.525483320e+01, v14  }
0x392: {  	s6 =	sor.u32 s6, s11;
	v15 =	vld [tilespmem:s10+$0x45F0];
	[tilespmem:s10+$0x104B0] =	vst v13;
	v50 =	vshll.u32 v19, $0x10;
	v13 =	vshll.u32 v43, $0x10;
	v51 =	vand.u32 $0xFFFF0000, v43  }
0x393: {  	s23 =	sor.u32 s3, s4;
	s22 =	simm.s32 $0x30C0;
	s21 =	simm.s32 $0x1860;
	v54 =	vld.idx.msk [tilespmem:v2+s6+$0x14200 ss:$0x1], $0xffff;
	v19 =	vand.u32 $0xFFFF0000, v19;
	v14 =	vadd.f32 v20, v14;
	v13 =	vadd.f32 v50, v13  }
0x394: {  	s11 =	sand.u32 $0x3700, s22;
	s13 =	sand.u32 $0x60, s21;
	v16 =	vand.u32 $0xFFFF0000, v10;
	v55 =	vld [tilespmem:s23+$0x0];
	[tilespmem:s10+$0x104C0] =	vst v8;
	v8 =	vmul.f32 $4.525483320e+01, v47;
	v19 =	vadd.f32 v19, v51  }
0x395: {  	v57 =	vld [tilespmem:s10+$0x4580];
	s11 =	sor.u32 s13, s11;
	v48 =	vand.u32 $0xFFFF0000, v35;
	v56 =	vadd.f32 v7, v53;
	[tilespmem:s10+$0x104D0] =	vst v14;
	v13 =	vadd.f32 v13, v22  }
0x396: {  	s4 =	sor.u32 s8, s4;
	v10 =	vshll.u32 v10, $0x10;
	v16 =	vadd.f32 v48, v16;
	v8 =	vadd.f32 v19, v8;
	v14 =	vld.idx.msk [tilespmem:v2+s11+$0x14200 ss:$0x1], $0xffff  }
0x397: {  	v19 =	vshll.u32 v11, $0x10;
	v11 =	vshll.u32 v35, $0x10;
	v15 =	vmul.f32 $4.525483320e+01, v15;
	[tilespmem:s10+$0x10500] =	vst v13;
	v13 =	vld [tilespmem:s4+$0x0]  }
0x398: {  	s0 =	sor.u32 s1, s0;
	[tilespmem:s16+$0x10590] =	vst v6;
	v20 =	vld [tilespmem:s10+$0x4540];
	v7 =	vadd.f32 v11, v10;
	v11 =	vmul.f32 $4.525483320e+01, v18;
	v10 =	vshll.u32 v54, $0x10  }
0x399: {  	v18 =	vld [tilespmem:s0+$0x0];
	v6 =	vand.u32 $0xFFFF0000, v54;
	v60 =	vand.u32 $0xFFFF0000, v55;
	[tilespmem:s10+$0x10510] =	vst v8;
	v15 =	vadd.f32 v16, v15  }
0x39a: {  	s24 =	sor.u32 s5, s12;
	v16 =	vmul.f32 $4.525483320e+01, v49;
	v8 =	vshll.u32 v55, $0x10;
	v6 =	vadd.f32 v6, v60;
	v58 =	vld.idx.msk [tilespmem:v2+s9+$0x17A00 ss:$0x1], $0xffff  }
0x39b: {  	v4 =	vmul.f32 $4.525483320e+01, v4;
	[tilespmem:s16+$0x10580] =	vst v9;
	v9 =	vmul.f32 $4.525483320e+01, v52;
	v59 =	vld [tilespmem:s24+$0x0];
	v61 =	vadd.f32 v10, v8  }
0x39c: {  	[tilespmem:s16+$0x105E0] =	vst v17;
	v8 =	vld [tilespmem:s10+$0x4590];
	v6 =	vadd.f32 v6, v16;
	v17 =	vshll.u32 v14, $0x10;
	v10 =	vshll.u32 v13, $0x10  }
0x39d: {  	s25 =	simm.s32 $0x1C50;
	[tilespmem:s16+$0x105A0] =	vst v12;
	v12 =	vand.u32 $0xFFFF0000, v14;
	v13 =	vand.u32 $0xFFFF0000, v13;
	v14 =	vadd.f32 v17, v10;
	v10 =	vld [tilespmem:s10+$0x45A0]  }
0x39e: {  	s26 =	simm.s32 $0x38A0;
	s28 =	simm.s32 $0x1C60;
	[tilespmem:s16+$0x105B0] =	vst v56;
	v20 =	vmul.f32 $4.525483320e+01, v20;
	v17 =	vadd.f32 v61, v11;
	v11 =	vld [tilespmem:s10+$0x45B0];
	v13 =	vadd.f32 v12, v13  }
0x39f: {  	s5 =	sor.u32 s3, s12;
	s29 =	simm.s32 $0x38C0;
	s1 =	sand.u32 $0x3F00, s26;
	[tilespmem:s10+$0x105F0] =	vst v15;
	v62 =	vshll.u32 v18, $0x10;
	v12 =	vld [tilespmem:s10+$0x45C0];
	v15 =	vshll.u32 v58, $0x10;
	v21 =	vand.u32 $0xFFFF0000, v58  }
0x3a0: {  	s30 =	sand.u32 $0x60, s28;
	s31 =	sand.u32 $0x3F00, s29;
	s0 =	sand.u32 $0x50, s25;
	[tilespmem:s10+$0x10530] =	vst v6;
	v63 =	vshll.u32 v59, $0x10;
	v20 =	vadd.f32 v14, v20;
	v16 =	vadd.f32 v13, v9;
	v9 =	vld [tilespmem:s10+$0x45D0]  }
0x3a1: {  	s20 =	sor.u32 s30, s31;
	s0 =	sor.u32 s0, s1;
	s4 =	simm.s32 $0x1000;
	v24 =	vand.u32 $0xFFFF0000, v59;
	v14 =	vand.u32 $0xFFFF0000, v18;
	[tilespmem:s10+$0x10520] =	vst v17;
	v13 =	vld [tilespmem:s10+$0x45E0];
	v18 =	vadd.f32 v19, v62  }
0x3a2: {  	s1 =	sor.u32 s8, s12;
	s8 =	simm.s32 $0x4;
	s9 =	simm.s32 $0x1CB0;
	v17 =	vmul.f32 $4.525483320e+01, v57;
	v19 =	vadd.f32 v15, v63;
	v15 =	vadd.f32 v21, v24;
	v6 =	vld.idx.msk [tilespmem:v2+s0+$0x14200 ss:$0x1], $0xffff;
	[tilespmem:s10+$0x10540] =	vst v20  }
.LBB2_19:
0x3a3: {  	s0 =	sadd.s32 $0xFFFFE3D0, s9  }
0x3a4: {  	v20 =	vld [tilespmem:s5+$0x0];
	s4 =	sadd.s32 $0x1000, s4;
	s7 =	sadd.s32 $0x200, s7;
	v5 =	vadd.f32 v5, v14;
	s29 =	rddreg [dreg:$0x7];
	[tilespmem:s10+$0x10550] =	vst v16  }
0x3a5: {  	v16 =	vadd.f32 v18, v4;
	s0 =	sand.u32 $0x40, s0;
	s5 =	sand.u32 $0x1C00, s7;
	s11 =	sshra.s32 s4, $0x2;
	v14 =	vadd.f32 v19, v17;
	v17 =	vld.idx.msk [tilespmem:v2+s20+$0x14200 ss:$0x1], $0xffff  }
0x3a6: {  	s6 =	sor.u32 $0xA200, s5;
	s12 =	sshrl.u32 s5, $0x2;
	v18 =	vld [tilespmem:s11+$0x4200];
	s3 =	sor.u32 $0x30, s0  }
0x3a7: {  	v5 =	vadd.f32 v5, v3;
	[tilespmem:s16+$0x105C0] =	vst v16;
	s12 =	sadd.s32 s12, s29;
	s13 =	sor.u32 s3, s6;
	v8 =	vmul.f32 $4.525483320e+01, v8;
	v4 =	vmul.f32 $4.525483320e+01, v12;
	v12 =	vld [tilespmem:s11+$0x4260]  }
0x3a8: {  	[dreg:$0x9] =	wrdreg s1;
	[tilespmem:s10+$0x10580] =	vst v14;
	v3 =	vmul.f32 $4.525483320e+01, v9;
	v9 =	vmul.f32 $4.525483320e+01, v13;
	v13 =	vld [tilespmem:s13+$0x0];
	s30 =	sadd.s32 s3, s12  }
0x3a9: {  	s1 =	sadd.s32 $0xFFFFE7E0, s9;
	s17 =	sor.u32 $0x10, s0;
	s19 =	sor.u32 $0x20, s0;
	[tilespmem:s16+$0x105D0] =	vst v5;
	v14 =	vld [tilespmem:s30+$0x0];
	v8 =	vadd.f32 v15, v8  }
0x3aa: {  	s15 =	sor.u32 s17, s6;
	s18 =	sor.u32 s19, s6;
	s21 =	sor.u32 s0, s6;
	v10 =	vmul.f32 $4.525483320e+01, v10;
	v52 =	vld [tilespmem:s11+$0x4240];
	v7 =	vadd.f32 v7, v9  }
0x3ab: {  	s6 =	sand.u32 $0x50, s1;
	s1 =	smov.u32 s10;
	v11 =	vmul.f32 $4.525483320e+01, v11;
	s31 =	sadd.s32 s17, s12;
	v5 =	vshll.u32 v20, $0x10;
	v9 =	vld [tilespmem:s11+$0x4270];
	[tilespmem:s10+$0x10590] =	vst v8;
	v8 =	vshll.u32 v6, $0x10  }
0x3ac: {  	s14 =	sadd.s32 s0, s12;
	v16 =	vand.u32 $0xFFFF0000, v20;
	v6 =	vand.u32 $0xFFFF0000, v6;
	[tilespmem:s1+$0x105E0] =	vst v7;
	v7 =	vld [tilespmem:s31+$0x0];
	v5 =	vadd.f32 v8, v5  }
0x3ad: {  	v15 =	vld [tilespmem:s14+$0x0];
	v8 =	vmul.f32 $4.525483320e+01, v18;
	v16 =	vadd.f32 v6, v16;
	v6 =	vshll.u32 v17, $0x10  }
0x3ae: {  	s23 =	sadd.s32 $0xFFFFEFF0, s9;
	s24 =	sadd.s32 $0xFFFFF3E0, s9;
	v18 =	vld [tilespmem:s15+$0x0];
	v12 =	vmul.f32 $4.525483320e+01, v12;
	v19 =	vshll.u32 v14, $0x10;
	v10 =	vadd.f32 v5, v10  }
0x3af: {  	s25 =	sadd.s32 $0xFFFFF3F0, s9;
	s2 =	sadd.s32 $0x80, s2;
	s12 =	sadd.s32 s19, s12;
	v5 =	vand.u32 $0xFFFF0000, v17;
	v11 =	vadd.f32 v16, v11;
	v16 =	vld [tilespmem:s18+$0x0];
	v17 =	vshll.u32 v13, $0x10  }
0x3b0: {  	s28 =	sadd.s32 $0xFFFFE800, s9;
	[dreg:$0x8] =	wrdreg s7;
	s7 =	sadd.s32 $0xFFFFE7F0, s9;
	v14 =	vand.u32 $0xFFFF0000, v14;
	v13 =	vand.u32 $0xFFFF0000, v13;
	v17 =	vadd.f32 v19, v17;
	[tilespmem:s1+$0x105A0] =	vst v10;
	v10 =	vld [tilespmem:s12+$0x0]  }
0x3b1: {  	s26 =	sadd.s32 $0x820, s2;
	s20 =	sadd.s32 $0xFFFFEFE0, s9;
	v9 =	vmul.f32 $4.525483320e+01, v9;
	v13 =	vadd.f32 v14, v13;
	[tilespmem:s1+$0x105B0] =	vst v11;
	v11 =	vld [tilespmem:s21+$0x0]  }
0x3b2: {  	s29 =	sand.u32 $0x70, s28;
	s16 =	sadd.s32 $0xFFFFEBF0, s9;
	s13 =	sand.u32 $0x50, s20;
	v19 =	vshll.u32 v15, $0x10;
	v14 =	vand.u32 $0xFFFF0000, v15;
	v15 =	vld [tilespmem:s11+$0x4210];
	v12 =	vadd.f32 v17, v12  }
0x3b3: {  	s14 =	sadd.s32 $0xFFFFEBE0, s9;
	s12 =	sand.u32 $0x50, s24;
	s24 =	sadd.s32 $0x860, s2;
	v20 =	vshll.u32 v18, $0x10;
	v21 =	vld [tilespmem:s11+$0x4220];
	v9 =	vadd.f32 v13, v9  }
0x3b4: {  	s10 =	sand.u32 $0x50, s14;
	s14 =	sand.u32 $0x60, s25;
	v17 =	vand.u32 $0xFFFF0000, v18;
	v18 =	vshll.u32 v7, $0x10;
	v7 =	vand.u32 $0xFFFF0000, v7;
	v13 =	vld [tilespmem:s11+$0x4230];
	s30 =	sand.u32 $0xF00, s24;
	[tilespmem:s11+$0x10260] =	vst v12  }
0x3b5: {  	s25 =	sand.u32 $0xF00, s26;
	s26 =	sor.u32 $0xA280, s5;
	s18 =	sor.u32 s29, s30;
	v7 =	vadd.f32 v7, v17;
	v22 =	vshll.u32 v16, $0x10;
	v16 =	vand.u32 $0xFFFF0000, v16;
	[tilespmem:s11+$0x10270] =	vst v9;
	v9 =	vld [tilespmem:s11+$0x42E0]  }
0x3b6: {  	s20 =	sand.u32 $0x60, s23;
	s22 =	sand.u32 $0x60, s16;
	s29 =	sor.u32 s3, s26;
	v12 =	vadd.f32 v18, v20;
	v17 =	vld.idx.msk [tilespmem:v2+s18+$0x14200 ss:$0x1], $0xffff;
	v20 =	vshll.u32 v11, $0x10;
	v11 =	vand.u32 $0xFFFF0000, v11  }
0x3b7: {  	s31 =	sadd.s32 $0x840, s2;
	s15 =	sand.u32 $0x60, s7;
	s7 =	sand.u32 $0x700, s2;
	v19 =	vadd.f32 v19, v20;
	v15 =	vmul.f32 $4.525483320e+01, v15;
	v11 =	vadd.f32 v14, v11;
	v14 =	vld [tilespmem:s29+$0x0]  }
0x3b8: {  	s28 =	sand.u32 $0xF00, s31;
	s31 =	sadd.s32 $0x1040, s2;
	s25 =	sor.u32 s6, s25;
	v18 =	vshll.u32 v10, $0x10;
	v10 =	vand.u32 $0xFFFF0000, v10;
	v20 =	vmul.f32 $4.525483320e+01, v21  }
0x3b9: {  	s6 =	sor.u32 s19, s26;
	s21 =	sor.u32 s15, s28;
	s28 =	sadd.s32 $0x2020, s2;
	v13 =	vmul.f32 $4.525483320e+01, v13;
	v8 =	vadd.f32 v19, v8;
	v11 =	vadd.f32 v11, v15;
	v15 =	vld [tilespmem:s11+$0x42F0]  }
0x3ba: {  	s24 =	sor.u32 s17, s26;
	s30 =	sor.u32 s0, s26;
	v10 =	vadd.f32 v10, v16;
	s29 =	sadd.s32 $0x1020, s2;
	v16 =	vld [tilespmem:s11+$0x4250]  }
0x3bb: {  	s26 =	sand.u32 $0x1700, s31;
	s18 =	sor.u32 s0, s7;
	s15 =	sand.u32 $0x1700, s29;
	v12 =	vadd.f32 v12, v20;
	v7 =	vadd.f32 v7, v13;
	[tilespmem:s11+$0x10200] =	vst v8;
	v8 =	vld [tilespmem:s11+$0x4280]  }
0x3bc: {  	s7 =	sadd.s32 $0x1820, s2;
	s15 =	sor.u32 s10, s15;
	v9 =	vmul.f32 $4.525483320e+01, v9;
	s10 =	smov.u32 s11;
	v19 =	vshll.u32 v17, $0x10;
	[tilespmem:s11+$0x10210] =	vst v11;
	v11 =	vld [tilespmem:s11+$0x4290];
	v13 =	vshll.u32 v14, $0x10  }
0x3bd: {  	s31 =	sand.u32 $0x1F00, s7;
	s29 =	sor.u32 s22, s26;
	s26 =	sadd.s32 $0x1840, s2;
	[tilespmem:s10+$0x10220] =	vst v12;
	v20 =	vld.idx.msk [tilespmem:v2+s18+$0x14A00 ss:$0x1], $0xffff;
	v12 =	vand.u32 $0xFFFF0000, v14;
	v14 =	vand.u32 $0xFFFF0000, v17;
	v13 =	vadd.f32 v19, v13  }
0x3be: {  	s7 =	sand.u32 $0x1F00, s26;
	s26 =	sadd.s32 $0xFFFFEC00, s9;
	s11 =	sor.u32 s13, s31;
	[tilespmem:s10+$0x10230] =	vst v7;
	v17 =	vld [tilespmem:s30+$0x0];
	v12 =	vadd.f32 v14, v12;
	v15 =	vmul.f32 $4.525483320e+01, v15  }
0x3bf: {  	v18 =	vadd.f32 v18, v22;
	s13 =	sor.u32 s20, s7;
	v7 =	vmul.f32 $4.525483320e+01, v52;
	s31 =	sadd.s32 $0x2040, s2;
	s30 =	sand.u32 $0x2700, s28;
	v14 =	vld.idx.msk [tilespmem:v2+s25+$0x14200 ss:$0x1], $0xffff;
	v9 =	vadd.f32 v13, v9  }
0x3c0: {  	v16 =	vmul.f32 $4.525483320e+01, v16;
	s7 =	sand.u32 $0x2700, s31;
	s12 =	sor.u32 s12, s30;
	s30 =	sadd.s32 $0x1060, s2;
	v13 =	vld [tilespmem:s24+$0x0];
	v12 =	vadd.f32 v12, v15  }
0x3c1: {  	v7 =	vadd.f32 v18, v7;
	s28 =	sor.u32 s14, s7;
	s14 =	sand.u32 $0x70, s26;
	s20 =	sand.u32 $0x1700, s30;
	v15 =	vld [tilespmem:s10+$0x42A0];
	[tilespmem:s10+$0x102E0] =	vst v9  }
0x3c2: {  	s31 =	sor.u32 $0xA300, s5;
	v10 =	vadd.f32 v10, v16;
	s14 =	sor.u32 s14, s20;
	v9 =	vld [tilespmem:s10+$0x4360];
	[tilespmem:s10+$0x102F0] =	vst v12  }
0x3c3: {  	s22 =	sadd.s32 $0x2820, s2;
	s7 =	sor.u32 s3, s31;
	[tilespmem:s10+$0x10240] =	vst v7;
	v8 =	vmul.f32 $4.525483320e+01, v8;
	v11 =	vmul.f32 $4.525483320e+01, v11;
	v16 =	vshll.u32 v20, $0x10;
	v7 =	vld.idx.msk [tilespmem:v2+s14+$0x14200 ss:$0x1], $0xffff  }
0x3c4: {  	s23 =	sadd.s32 $0xFFFFF7F0, s9;
	s16 =	sadd.s32 $0xFFFFF7E0, s9;
	s22 =	sand.u32 $0x2F00, s22;
	[tilespmem:s10+$0x10250] =	vst v10;
	v18 =	vand.u32 $0xFFFF0000, v20;
	v12 =	vshll.u32 v17, $0x10;
	v17 =	vand.u32 $0xFFFF0000, v17;
	v10 =	vld [tilespmem:s7+$0x0]  }
0x3c5: {  	s25 =	sadd.s32 $0x2840, s2;
	s26 =	sand.u32 $0x50, s16;
	s16 =	sor.u32 s19, s31;
	v20 =	vld.idx.msk [tilespmem:v2+s21+$0x14200 ss:$0x1], $0xffff;
	v19 =	vshll.u32 v14, $0x10;
	v14 =	vand.u32 $0xFFFF0000, v14;
	v12 =	vadd.f32 v16, v12  }
0x3c6: {  	s30 =	sor.u32 s17, s31;
	s26 =	sor.u32 s26, s22;
	s22 =	sadd.s32 $0x3020, s2;
	v17 =	vadd.f32 v18, v17;
	v18 =	vld [tilespmem:s10+$0x4370];
	v16 =	vshll.u32 v13, $0x10;
	v13 =	vand.u32 $0xFFFF0000, v13  }
0x3c7: {  	s21 =	sand.u32 $0x3700, s22;
	s14 =	sor.u32 s0, s31;
	s31 =	sand.u32 $0x2F00, s25;
	v8 =	vadd.f32 v12, v8;
	v13 =	vadd.f32 v14, v13;
	v14 =	vld [tilespmem:s6+$0x0]  }
0x3c8: {  	s23 =	sand.u32 $0x60, s23;
	s7 =	sadd.s32 $0xFFFFFBE0, s9;
	s25 =	sadd.s32 $0x3040, s2;
	v16 =	vadd.f32 v19, v16;
	v12 =	vmul.f32 $4.525483320e+01, v15;
	v11 =	vadd.f32 v17, v11;
	v15 =	vld [tilespmem:s10+$0x42B0]  }
0x3c9: {  	s24 =	sor.u32 s23, s31;
	s23 =	sadd.s32 $0xFFFFFBF0, s9;
	v9 =	vmul.f32 $4.525483320e+01, v9;
	[tilespmem:s10+$0x10280] =	vst v8;
	v8 =	vld [tilespmem:s10+$0x42C0];
	v17 =	vshll.u32 v10, $0x10;
	v19 =	vshll.u32 v7, $0x10  }
0x3ca: {  	s20 =	sand.u32 $0x50, s7;
	s7 =	sadd.s32 $0xFFFFFFE0, s9;
	s22 =	sand.u32 $0x3700, s25;
	[tilespmem:s10+$0x10290] =	vst v11;
	v11 =	vld [tilespmem:s10+$0x42D0];
	v10 =	vand.u32 $0xFFFF0000, v10;
	v7 =	vand.u32 $0xFFFF0000, v7;
	v17 =	vadd.f32 v19, v17  }
0x3cb: {  	s25 =	sadd.s32 $0x3820, s2;
	s31 =	sand.u32 $0x60, s23;
	s23 =	sor.u32 s20, s21;
	v18 =	vmul.f32 $4.525483320e+01, v18;
	v19 =	vld.idx.msk [tilespmem:v2+s18+$0x15200 ss:$0x1], $0xffff;
	v7 =	vadd.f32 v7, v10  }
0x3cc: {  	s6 =	sand.u32 $0x50, s7;
	s7 =	sadd.s32 $0x3840, s2;
	s25 =	sand.u32 $0x3F00, s25;
	v53 =	vshll.u32 v20, $0x10;
	v20 =	vand.u32 $0xFFFF0000, v20;
	v10 =	vld [tilespmem:s14+$0x0];
	v9 =	vadd.f32 v17, v9  }
0x3cd: {  	s21 =	sor.u32 s6, s25;
	s25 =	sadd.s32 $0x1860, s2;
	s14 =	sadd.s32 $0xFFFFF000, s9;
	v54 =	vshll.u32 v14, $0x10;
	v14 =	vand.u32 $0xFFFF0000, v14;
	v17 =	vld [tilespmem:s10+$0x4300];
	v7 =	vadd.f32 v7, v18  }
0x3ce: {  	s22 =	sor.u32 s31, s22;
	v15 =	vmul.f32 $4.525483320e+01, v15;
	s6 =	sand.u32 $0x70, s14;
	s14 =	sand.u32 $0x1F00, s25;
	v21 =	vadd.f32 v53, v54;
	v18 =	vld [tilespmem:s10+$0x4310];
	v8 =	vmul.f32 $4.525483320e+01, v8;
	[tilespmem:s10+$0x10360] =	vst v9  }
0x3cf: {  	s31 =	sadd.s32 $0xFFFFFFF0, s9;
	s25 =	sor.u32 $0xA380, s5;
	v14 =	vadd.f32 v20, v14;
	s14 =	sor.u32 s6, s14;
	v11 =	vmul.f32 $4.525483320e+01, v11;
	v9 =	vadd.f32 v16, v12;
	[tilespmem:s10+$0x10370] =	vst v7;
	v7 =	vld [tilespmem:s10+$0x43E0]  }
0x3d0: {  	s20 =	sand.u32 $0x60, s31;
	s31 =	sand.u32 $0x3F00, s7;
	s7 =	sor.u32 s3, s25;
	v12 =	vadd.f32 v13, v15;
	v8 =	vadd.f32 v21, v8;
	v13 =	vld.idx.msk [tilespmem:v2+s14+$0x14200 ss:$0x1], $0xffff  }
0x3d1: {  	v15 =	vshll.u32 v19, $0x10;
	v16 =	vand.u32 $0xFFFF0000, v19;
	[tilespmem:s10+$0x102A0] =	vst v9;
	v9 =	vadd.f32 v14, v11;
	v11 =	vld [tilespmem:s7+$0x0]  }
0x3d2: {  	v14 =	vshll.u32 v10, $0x10;
	v10 =	vand.u32 $0xFFFF0000, v10;
	[tilespmem:s10+$0x102B0] =	vst v12;
	v12 =	vld [tilespmem:s10+$0x4320];
	v17 =	vmul.f32 $4.525483320e+01, v17  }
0x3d3: {  	v14 =	vadd.f32 v15, v14;
	v15 =	vmul.f32 $4.525483320e+01, v18;
	v10 =	vadd.f32 v16, v10;
	[tilespmem:s10+$0x102C0] =	vst v8;
	v8 =	vld [tilespmem:s10+$0x43F0]  }
0x3d4: {  	v16 =	vld.idx.msk [tilespmem:v2+s15+$0x14200 ss:$0x1], $0xffff;
	[tilespmem:s10+$0x102D0] =	vst v9  }
0x3d5: {  	v9 =	vadd.f32 v14, v17;
	v10 =	vadd.f32 v10, v15;
	v14 =	vld.idx.msk [tilespmem:v2+s29+$0x14200 ss:$0x1], $0xffff  }
0x3d6: {  	v15 =	vld [tilespmem:s30+$0x0];
	v7 =	vmul.f32 $4.525483320e+01, v7;
	v18 =	vshll.u32 v13, $0x10;
	v17 =	vshll.u32 v11, $0x10  }
0x3d7: {  	v13 =	vand.u32 $0xFFFF0000, v13;
	[tilespmem:s10+$0x10300] =	vst v9;
	v9 =	vld [tilespmem:s16+$0x0];
	v11 =	vand.u32 $0xFFFF0000, v11;
	v17 =	vadd.f32 v18, v17  }
0x3d8: {  	[tilespmem:s10+$0x10310] =	vst v10;
	v10 =	vld [tilespmem:s10+$0x4330];
	v8 =	vmul.f32 $4.525483320e+01, v8;
	v11 =	vadd.f32 v13, v11  }
0x3d9: {  	v12 =	vmul.f32 $4.525483320e+01, v12;
	v13 =	vld [tilespmem:s10+$0x4340];
	v7 =	vadd.f32 v17, v7  }
0x3da: {  	s29 =	sadd.s32 $0xFFFFF400, s9;
	s30 =	sadd.s32 $0x2060, s2;
	v18 =	vld [tilespmem:s10+$0x4350];
	v17 =	vshll.u32 v16, $0x10;
	v16 =	vand.u32 $0xFFFF0000, v16;
	v8 =	vadd.f32 v11, v8  }
0x3db: {  	s7 =	sand.u32 $0x70, s29;
	s14 =	sand.u32 $0x2700, s30;
	v11 =	vld.idx.msk [tilespmem:v2+s18+$0x15A00 ss:$0x1], $0xffff;
	v19 =	vshll.u32 v15, $0x10;
	v20 =	vshll.u32 v14, $0x10;
	v14 =	vand.u32 $0xFFFF0000, v14;
	[tilespmem:s10+$0x103E0] =	vst v7  }
0x3dc: {  	s15 =	sadd.s32 $0xA400, s5;
	s7 =	sor.u32 s7, s14;
	v17 =	vadd.f32 v17, v19;
	v7 =	vand.u32 $0xFFFF0000, v15;
	v15 =	vshll.u32 v9, $0x10;
	[tilespmem:s10+$0x103F0] =	vst v8;
	v8 =	vld [tilespmem:s10+$0x4460]  }
0x3dd: {  	s20 =	sor.u32 s20, s31;
	s30 =	sor.u32 s3, s15;
	v9 =	vand.u32 $0xFFFF0000, v9;
	v10 =	vmul.f32 $4.525483320e+01, v10;
	v7 =	vadd.f32 v16, v7;
	v16 =	vld.idx.msk [tilespmem:v2+s7+$0x14200 ss:$0x1], $0xffff  }
0x3de: {  	s6 =	sor.u32 s17, s25;
	s31 =	sor.u32 s19, s25;
	s25 =	sor.u32 s0, s25;
	v13 =	vmul.f32 $4.525483320e+01, v13;
	v15 =	vadd.f32 v20, v15;
	v9 =	vadd.f32 v14, v9;
	v14 =	vld [tilespmem:s30+$0x0]  }
0x3df: {  	v19 =	vld [tilespmem:s25+$0x0];
	v12 =	vadd.f32 v17, v12  }
0x3e0: {  	v7 =	vadd.f32 v7, v10;
	v10 =	vmul.f32 $4.525483320e+01, v18;
	v13 =	vadd.f32 v15, v13;
	v15 =	vld [tilespmem:s10+$0x4470]  }
0x3e1: {  	v18 =	vld [tilespmem:s10+$0x4380];
	[tilespmem:s10+$0x10320] =	vst v12  }
0x3e2: {  	v17 =	vshll.u32 v11, $0x10;
	v11 =	vand.u32 $0xFFFF0000, v11;
	v9 =	vadd.f32 v9, v10;
	v10 =	vld [tilespmem:s10+$0x4390];
	[tilespmem:s10+$0x10330] =	vst v7  }
0x3e3: {  	[tilespmem:s10+$0x10340] =	vst v13;
	v8 =	vmul.f32 $4.525483320e+01, v8;
	v7 =	vld.idx.msk [tilespmem:v2+s11+$0x14200 ss:$0x1], $0xffff;
	v12 =	vshll.u32 v14, $0x10;
	v13 =	vshll.u32 v16, $0x10  }
0x3e4: {  	v20 =	vld [tilespmem:s6+$0x0];
	[tilespmem:s10+$0x10350] =	vst v9;
	v9 =	vand.u32 $0xFFFF0000, v14;
	v14 =	vand.u32 $0xFFFF0000, v16;
	v12 =	vadd.f32 v13, v12  }
0x3e5: {  	v13 =	vshll.u32 v19, $0x10;
	v16 =	vld.idx.msk [tilespmem:v2+s13+$0x14200 ss:$0x1], $0xffff;
	v15 =	vmul.f32 $4.525483320e+01, v15;
	v9 =	vadd.f32 v14, v9  }
0x3e6: {  	s29 =	sor.u32 s17, s15;
	s16 =	sor.u32 s19, s15;
	v14 =	vand.u32 $0xFFFF0000, v19;
	v13 =	vadd.f32 v17, v13;
	v17 =	vld [tilespmem:s31+$0x0];
	v8 =	vadd.f32 v12, v8  }
0x3e7: {  	s14 =	sor.u32 s0, s15;
	s15 =	sadd.s32 $0xFFFFF800, s9;
	s25 =	sadd.s32 $0x2860, s2;
	v11 =	vadd.f32 v11, v14;
	v14 =	vld [tilespmem:s10+$0x43A0];
	v9 =	vadd.f32 v9, v15  }
0x3e8: {  	s7 =	sand.u32 $0x2F00, s25;
	s6 =	sand.u32 $0x70, s15;
	v12 =	vmul.f32 $4.525483320e+01, v18;
	v15 =	vld [tilespmem:s10+$0x43B0];
	[tilespmem:s10+$0x10460] =	vst v8  }
0x3e9: {  	s30 =	sadd.s32 $0xA480, s5;
	s6 =	sor.u32 s6, s7;
	v8 =	vshll.u32 v20, $0x10;
	v18 =	vshll.u32 v7, $0x10;
	v7 =	vand.u32 $0xFFFF0000, v7;
	[tilespmem:s10+$0x10470] =	vst v9;
	v9 =	vld [tilespmem:s10+$0x44E0]  }
0x3ea: {  	s31 =	sor.u32 s3, s30;
	v12 =	vadd.f32 v13, v12;
	v13 =	vand.u32 $0xFFFF0000, v20;
	v8 =	vadd.f32 v18, v8;
	v18 =	vld.idx.msk [tilespmem:v2+s6+$0x14200 ss:$0x1], $0xffff  }
0x3eb: {  	v10 =	vmul.f32 $4.525483320e+01, v10;
	v7 =	vadd.f32 v7, v13;
	v19 =	vshll.u32 v17, $0x10;
	v55 =	vld [tilespmem:s31+$0x0]  }
0x3ec: {  	v13 =	vld [tilespmem:s10+$0x43C0];
	v20 =	vshll.u32 v16, $0x10;
	v16 =	vand.u32 $0xFFFF0000, v16;
	[tilespmem:s10+$0x10380] =	vst v12;
	v12 =	vand.u32 $0xFFFF0000, v17  }
0x3ed: {  	v14 =	vmul.f32 $4.525483320e+01, v14;
	v12 =	vadd.f32 v16, v12;
	v16 =	vld [tilespmem:s10+$0x44F0];
	v15 =	vmul.f32 $4.525483320e+01, v15  }
0x3ee: {  	v10 =	vadd.f32 v11, v10;
	v11 =	vld [tilespmem:s10+$0x43D0];
	v17 =	vadd.f32 v20, v19  }
0x3ef: {  	v19 =	vld [tilespmem:s10+$0x4400];
	v8 =	vadd.f32 v8, v14;
	v7 =	vadd.f32 v7, v15  }
0x3f0: {  	[tilespmem:s10+$0x10390] =	vst v10;
	v10 =	vld [tilespmem:s10+$0x4410];
	v9 =	vmul.f32 $4.525483320e+01, v9;
	v14 =	vshll.u32 v55, $0x10;
	v15 =	vshll.u32 v18, $0x10  }
0x3f1: {  	v20 =	vld.idx.msk [tilespmem:v2+s18+$0x16200 ss:$0x1], $0xffff;
	[tilespmem:s10+$0x103A0] =	vst v8;
	v8 =	vand.u32 $0xFFFF0000, v55;
	v18 =	vand.u32 $0xFFFF0000, v18;
	v14 =	vadd.f32 v15, v14  }
0x3f2: {  	v15 =	vld [tilespmem:s14+$0x0];
	[tilespmem:s10+$0x103B0] =	vst v7;
	v7 =	vmul.f32 $4.525483320e+01, v13;
	v13 =	vmul.f32 $4.525483320e+01, v16;
	v8 =	vadd.f32 v18, v8  }
0x3f3: {  	v16 =	vld.idx.msk [tilespmem:v2+s12+$0x14200 ss:$0x1], $0xffff;
	v9 =	vadd.f32 v14, v9  }
0x3f4: {  	s25 =	sadd.s32 $0x3060, s2;
	v11 =	vmul.f32 $4.525483320e+01, v11;
	s14 =	sadd.s32 $0xFFFFFC00, s9;
	v18 =	vld [tilespmem:s29+$0x0];
	v8 =	vadd.f32 v8, v13  }
0x3f5: {  	s11 =	sand.u32 $0x3700, s25;
	s7 =	sand.u32 $0x70, s14;
	v7 =	vadd.f32 v17, v7;
	v13 =	vld [tilespmem:s10+$0x4420];
	[tilespmem:s10+$0x104E0] =	vst v9  }
0x3f6: {  	s15 =	sor.u32 s17, s30;
	v11 =	vadd.f32 v12, v11;
	s29 =	sadd.s32 $0xA500, s5;
	s7 =	sor.u32 s7, s11;
	[tilespmem:s10+$0x104F0] =	vst v8;
	v8 =	vld [tilespmem:s10+$0x4560]  }
0x3f7: {  	s13 =	sor.u32 s19, s30;
	s6 =	sor.u32 s0, s30;
	v10 =	vmul.f32 $4.525483320e+01, v10;
	v12 =	vshll.u32 v20, $0x10;
	v14 =	vmul.f32 $4.525483320e+01, v19;
	s30 =	sor.u32 s3, s29;
	[tilespmem:s10+$0x103C0] =	vst v7;
	v7 =	vld.idx.msk [tilespmem:v2+s7+$0x14200 ss:$0x1], $0xffff  }
0x3f8: {  	v17 =	vand.u32 $0xFFFF0000, v20;
	[tilespmem:s10+$0x103D0] =	vst v11;
	v9 =	vshll.u32 v15, $0x10;
	v15 =	vand.u32 $0xFFFF0000, v15;
	v11 =	vld [tilespmem:s30+$0x0]  }
0x3f9: {  	v20 =	vld.idx.msk [tilespmem:v2+s28+$0x14200 ss:$0x1], $0xffff;
	v9 =	vadd.f32 v12, v9;
	v12 =	vshll.u32 v18, $0x10;
	v19 =	vshll.u32 v16, $0x10  }
0x3fa: {  	v16 =	vand.u32 $0xFFFF0000, v16;
	v15 =	vadd.f32 v17, v15;
	v17 =	vand.u32 $0xFFFF0000, v18;
	v18 =	vld [tilespmem:s10+$0x4570]  }
0x3fb: {  	v9 =	vadd.f32 v9, v14;
	v14 =	vadd.f32 v16, v17;
	v16 =	vld [tilespmem:s16+$0x0]  }
0x3fc: {  	v12 =	vadd.f32 v19, v12;
	v10 =	vadd.f32 v15, v10;
	v15 =	vld [tilespmem:s10+$0x4430]  }
0x3fd: {  	v8 =	vmul.f32 $4.525483320e+01, v8;
	[tilespmem:s10+$0x10400] =	vst v9;
	v9 =	vld [tilespmem:s10+$0x4440];
	v17 =	vshll.u32 v11, $0x10;
	v19 =	vshll.u32 v7, $0x10  }
0x3fe: {  	[tilespmem:s10+$0x10410] =	vst v10;
	v10 =	vld [tilespmem:s10+$0x4450];
	v11 =	vand.u32 $0xFFFF0000, v11;
	v7 =	vand.u32 $0xFFFF0000, v7;
	v17 =	vadd.f32 v19, v17  }
0x3ff: {  	v13 =	vmul.f32 $4.525483320e+01, v13;
	v19 =	vld.idx.msk [tilespmem:v2+s18+$0x16A00 ss:$0x1], $0xffff;
	v18 =	vmul.f32 $4.525483320e+01, v18;
	v7 =	vadd.f32 v7, v11  }
0x400: {  	v56 =	vshll.u32 v20, $0x10;
	v20 =	vand.u32 $0xFFFF0000, v20;
	v11 =	vld [tilespmem:s6+$0x0];
	v8 =	vadd.f32 v17, v8  }
0x401: {  	s14 =	sadd.s32 $0x3860, s2;
	v57 =	vshll.u32 v16, $0x10;
	v17 =	vld [tilespmem:s10+$0x4480];
	v16 =	vand.u32 $0xFFFF0000, v16;
	v7 =	vadd.f32 v7, v18  }
0x402: {  	s25 =	sand.u32 $0x70, s9;
	s6 =	sand.u32 $0x3F00, s14;
	v18 =	vld [tilespmem:s10+$0x4490];
	v15 =	vmul.f32 $4.525483320e+01, v15;
	v21 =	vadd.f32 v56, v57;
	v16 =	vadd.f32 v20, v16;
	[tilespmem:s10+$0x10560] =	vst v8  }
0x403: {  	s28 =	sadd.s32 $0xA580, s5;
	s7 =	sor.u32 s25, s6;
	v9 =	vmul.f32 $4.525483320e+01, v9;
	v8 =	vadd.f32 v12, v13;
	v12 =	vld [tilespmem:s10+$0x44A0];
	v10 =	vmul.f32 $4.525483320e+01, v10;
	[tilespmem:s10+$0x10570] =	vst v7  }
0x404: {  	s3 =	sor.u32 s3, s28;
	v7 =	vadd.f32 v14, v15;
	v13 =	vld.idx.msk [tilespmem:v2+s7+$0x14200 ss:$0x1], $0xffff  }
0x405: {  	v14 =	vshll.u32 v19, $0x10;
	v9 =	vadd.f32 v21, v9;
	[tilespmem:s10+$0x10420] =	vst v8;
	v8 =	vadd.f32 v16, v10;
	v10 =	vld [tilespmem:s3+$0x0]  }
0x406: {  	v15 =	vand.u32 $0xFFFF0000, v19;
	v16 =	vshll.u32 v11, $0x10;
	v11 =	vand.u32 $0xFFFF0000, v11;
	[tilespmem:s10+$0x10430] =	vst v7;
	v7 =	vld [tilespmem:s10+$0x45F0]  }
0x407: {  	v17 =	vmul.f32 $4.525483320e+01, v17;
	v14 =	vadd.f32 v14, v16;
	v11 =	vadd.f32 v15, v11;
	v15 =	vld.idx.msk [tilespmem:v2+s26+$0x14200 ss:$0x1], $0xffff;
	[tilespmem:s10+$0x10440] =	vst v9  }
0x408: {  	v16 =	vmul.f32 $4.525483320e+01, v18;
	v9 =	vld [tilespmem:s15+$0x0];
	[tilespmem:s10+$0x10450] =	vst v8  }
0x409: {  	v8 =	vadd.f32 v14, v17;
	v14 =	vld.idx.msk [tilespmem:v2+s24+$0x14200 ss:$0x1], $0xffff  }
0x40a: {  	v12 =	vmul.f32 $4.525483320e+01, v12;
	v11 =	vadd.f32 v11, v16;
	v16 =	vld [tilespmem:s13+$0x0]  }
0x40b: {  	v18 =	vshll.u32 v13, $0x10;
	v13 =	vand.u32 $0xFFFF0000, v13;
	v17 =	vand.u32 $0xFFFF0000, v10;
	[tilespmem:s10+$0x10480] =	vst v8;
	v8 =	vld [tilespmem:s10+$0x44B0]  }
0x40c: {  	v10 =	vshll.u32 v10, $0x10;
	v19 =	vmul.f32 $4.525483320e+01, v7;
	[tilespmem:s10+$0x10490] =	vst v11;
	v11 =	vld [tilespmem:s10+$0x44C0];
	v13 =	vadd.f32 v13, v17  }
0x40d: {  	v7 =	vadd.f32 v18, v10;
	v10 =	vshll.u32 v15, $0x10;
	v15 =	vand.u32 $0xFFFF0000, v15;
	v17 =	vld [tilespmem:s10+$0x44D0]  }
0x40e: {  	s31 =	sor.u32 s0, s29;
	v18 =	vld.idx.msk [tilespmem:v2+s18+$0x17200 ss:$0x1], $0xffff;
	v13 =	vadd.f32 v13, v19;
	v19 =	vshll.u32 v9, $0x10;
	v9 =	vand.u32 $0xFFFF0000, v9  }
0x40f: {  	v20 =	vld [tilespmem:s31+$0x0];
	v58 =	vshll.u32 v16, $0x10;
	v59 =	vshll.u32 v14, $0x10;
	v14 =	vand.u32 $0xFFFF0000, v14  }
0x410: {  	v10 =	vadd.f32 v10, v19;
	v9 =	vadd.f32 v15, v9;
	v15 =	vand.u32 $0xFFFF0000, v16;
	v16 =	vld [tilespmem:s10+$0x4510]  }
0x411: {  	v19 =	vadd.f32 v59, v58;
	[tilespmem:s10+$0x105F0] =	vst v13;
	v13 =	vld [tilespmem:s10+$0x4500];
	v8 =	vmul.f32 $4.525483320e+01, v8;
	v14 =	vadd.f32 v14, v15  }
0x412: {  	v11 =	vmul.f32 $4.525483320e+01, v11;
	v10 =	vadd.f32 v10, v12;
	v12 =	vld [tilespmem:s10+$0x4520];
	v15 =	vmul.f32 $4.525483320e+01, v17  }
0x413: {  	v8 =	vadd.f32 v9, v8;
	v9 =	vld [tilespmem:s10+$0x4530]  }
0x414: {  	v17 =	vshll.u32 v18, $0x10;
	[tilespmem:s10+$0x104A0] =	vst v10;
	v10 =	vadd.f32 v19, v11;
	v11 =	vadd.f32 v14, v15;
	v14 =	vld [tilespmem:s10+$0x4540]  }
0x415: {  	v18 =	vand.u32 $0xFFFF0000, v18;
	v15 =	vshll.u32 v20, $0x10;
	v19 =	vand.u32 $0xFFFF0000, v20;
	[tilespmem:s10+$0x104B0] =	vst v8;
	v8 =	vld [tilespmem:s10+$0x4550]  }
0x416: {  	s12 =	sor.u32 s17, s29;
	v15 =	vadd.f32 v17, v15;
	v17 =	vadd.f32 v18, v19;
	v13 =	vmul.f32 $4.525483320e+01, v13;
	v18 =	vld.idx.msk [tilespmem:v2+s23+$0x14200 ss:$0x1], $0xffff;
	[tilespmem:s10+$0x104C0] =	vst v10  }
0x417: {  	v10 =	vmul.f32 $4.525483320e+01, v16;
	v16 =	vld [tilespmem:s12+$0x0];
	[tilespmem:s10+$0x104D0] =	vst v11  }
0x418: {  	s11 =	sor.u32 s19, s29;
	v11 =	vadd.f32 v15, v13;
	v13 =	vld.idx.msk [tilespmem:v2+s22+$0x14200 ss:$0x1], $0xffff  }
0x419: {  	v10 =	vadd.f32 v17, v10;
	v15 =	vld [tilespmem:s11+$0x0]  }
0x41a: {  	s31 =	rddreg [dreg:$0x9];
	v20 =	vld [tilespmem:s10+$0x4580];
	v12 =	vmul.f32 $4.525483320e+01, v12;
	[tilespmem:s10+$0x10500] =	vst v11  }
0x41b: {  	v19 =	vld [tilespmem:s31+$0x0];
	v9 =	vmul.f32 $4.525483320e+01, v9;
	v14 =	vmul.f32 $4.525483320e+01, v14;
	[tilespmem:s10+$0x10510] =	vst v10  }
0x41c: {  	s0 =	sor.u32 s0, s28;
	v17 =	vmul.f32 $4.525483320e+01, v8;
	v60 =	vld.idx.msk [tilespmem:v2+s18+$0x17A00 ss:$0x1], $0xffff;
	v8 =	vshll.u32 v16, $0x10;
	v10 =	vshll.u32 v18, $0x10  }
0x41d: {  	v11 =	vand.u32 $0xFFFF0000, v18;
	v18 =	vld [tilespmem:s0+$0x0];
	v16 =	vand.u32 $0xFFFF0000, v16;
	v61 =	vadd.f32 v10, v8  }
0x41e: {  	s8 =	sadd.s32 $0x4, s8;
	v8 =	vld [tilespmem:s10+$0x4590];
	v16 =	vadd.f32 v11, v16;
	v23 =	vshll.u32 v15, $0x10;
	v24 =	vshll.u32 v13, $0x10  }
0x41f: {  	p0 =	slt.u32 s8, $0x3C;
	v10 =	vld [tilespmem:s10+$0x45A0];
	v13 =	vand.u32 $0xFFFF0000, v13;
	v15 =	vand.u32 $0xFFFF0000, v15;
	v23 =	vadd.f32 v24, v23  }
.Ltmp10:
0x420: {  	v11 =	vld [tilespmem:s10+$0x45B0];
	v22 =	vadd.f32 v61, v12;
	v13 =	vadd.f32 v13, v15;
	v15 =	vshll.u32 v19, $0x10;
	(pc) =	sbr.rel @p0 .LBB2_19-.Ltmp10, $4  }
0x421: {  	v62 =	vadd.f32 v16, v9;
	v12 =	vld [tilespmem:s10+$0x45C0];
	v23 =	vadd.f32 v23, v14;
	v14 =	vand.u32 $0xFFFF0000, v19  }
0x422: {  	v9 =	vld [tilespmem:s10+$0x45D0];
	v19 =	vshll.u32 v60, $0x10;
	v21 =	vand.u32 $0xFFFF0000, v60;
	[tilespmem:s10+$0x10520] =	vst v22;
	v16 =	vadd.f32 v13, v17  }
0x423: {  	s9 =	sadd.s32 $0x40, s9;
	s5 =	sor.u32 s17, s28;
	s30 =	sor.u32 s19, s28;
	v63 =	vshll.u32 v18, $0x10;
	v25 =	vand.u32 $0xFFFF0000, v18;
	[tilespmem:s10+$0x10530] =	vst v62;
	v13 =	vld [tilespmem:s10+$0x45E0];
	v18 =	vadd.f32 v6, v15  }
0x424: {  	s16 =	smov.u32 s1;
	s1 =	smov.u32 s30;
	s7 =	rddreg [dreg:$0x8];
	v17 =	vmul.f32 $4.525483320e+01, v20;
	v19 =	vadd.f32 v19, v63;
	v15 =	vadd.f32 v21, v25;
	v6 =	vld.idx.msk [tilespmem:v2+s21+$0x14200 ss:$0x1], $0xffff;
	[tilespmem:s10+$0x10540] =	vst v23  }
0x425: {  	_ =	sdelay $0x2  }
0x426: {  	v20 =	vld [tilespmem:s5+$0x0];
	[tilespmem:s10+$0x10550] =	vst v16  }
0x427: {  	v5 =	vadd.f32 v5, v14;
	v8 =	vmul.f32 $4.525483320e+01, v8;
	v2 =	vld.idx.msk [tilespmem:v2+s20+$0x14200 ss:$0x1], $0xffff  }
0x428: {  	v4 =	vadd.f32 v18, v4;
	v10 =	vmul.f32 $4.525483320e+01, v10;
	v11 =	vmul.f32 $4.525483320e+01, v11;
	v16 =	vld [tilespmem:s1+$0x0]  }
0x429: {  	v53 =	vadd.f32 v19, v17;
	v3 =	vadd.f32 v5, v3;
	v55 =	vmul.f32 $4.525483320e+01, v13  }
0x42a: {  	v54 =	vadd.f32 v15, v8;
	v57 =	vshll.u32 v6, $0x10;
	v58 =	vand.u32 $0xFFFF0000, v6  }
0x42b: {  	[tilespmem:s16+$0x105C0] =	vst v4;
	v56 =	vshll.u32 v20, $0x10;
	v59 =	vand.u32 $0xFFFF0000, v20;
	v7 =	vadd.f32 v7, v55  }
0x42c: {  	v12 =	vmul.f32 $4.525483320e+01, v12;
	[tilespmem:s10+$0x10580] =	vst v53;
	v13 =	vadd.f32 v57, v56;
	v4 =	vadd.f32 v58, v59  }
0x42d: {  	s0 =	sld [smem:$0x7F7];
	[tilespmem:s16+$0x105D0] =	vst v3;
	v3 =	vshll.u32 v2, $0x10;
	v61 =	vshll.u32 v16, $0x10;
	v2 =	vand.u32 $0xFFFF0000, v2  }
0x42e: {  	[tilespmem:s10+$0x10590] =	vst v54;
	v62 =	vand.u32 $0xFFFF0000, v16;
	v3 =	vadd.f32 v3, v61;
	v60 =	vadd.f32 v13, v10  }
0x42f: {  	v63 =	vmul.f32 $4.525483320e+01, v9;
	s28 =	rddreg [dreg:$0xc];
	[tilespmem:s10+$0x105E0] =	vst v7;
	v2 =	vadd.f32 v2, v62;
	v4 =	vadd.f32 v4, v11  }
0x430: {  	v3 =	vadd.f32 v3, v12;
	[tilespmem:s10+$0x105A0] =	vst v60  }
0x431: {  	v2 =	vadd.f32 v2, v63;
	s29 =	sld [smem:$0x7FA];
	[tilespmem:s10+$0x105B0] =	vst v4  }
0x432: {  	[tilespmem:s10+$0x105C0] =	vst v3  }
0x433: {  	[tilespmem:s10+$0x105D0] =	vst v2  }
0x434: {  	s7 =	sld [smem:$0x7F6]  }
0x435: {  	s0 =	sshll.u32 s0, $0xB  }
0x436: {  	s0 =	sand.u32 $0x1800, s0  }
0x437: {  	s0 =	sor.u32 s28, s0;
	s7 =	sadd.s32 $0x1, s7  }
0x438: {  	s0 =	sshrl.u32 s0, $0x3;
	p0 =	sne.s32 s7, $0x10  }
.Ltmp11:
0x439: {  	s0 =	sadd.s32 s29, s0;
	(pc) =	sbr.rel @p0 .LBB2_6-.Ltmp11, $4  }
0x43a: {  	s30 =	rddreg [dreg:$0x5];
	s0 =	sshll.u32 s0, $0xB  }
0x43b: {  	s11 =	simm.s32 $0x0;
	s5 =	rddreg [dreg:$0x15];
	s0 =	sand.u32 $0x1FFFF800, s0  }
0x43c: {  	s31 =	simm.s32 $0x10200;
	s6 =	rddreg [dreg:$0x16];
	s0 =	sadd.s32 s30, s0  }
0x43d: {  	[hbm4b:s0+s11] =	stream.linear.scatter [tilespmem:s31], [sflag:$0x6], $0x4000, $0x38;
	[tilespmem:$0x18200] =	vst v63  }
0x43e: {  	s0 =	simm.s32 $0x5  }
0x43f: {  	_ =	swait.ge [sflag:s0], $0x4000  }
0x440: {  	[sflag:s0] =	ssyncset.done $0x0  }
0x441: {  	s1 =	simm.s32 $0x6;
	[sflag:s0] =	ssyncadd.s32 $0xFFFFC000  }
0x442: {  	_ =	swait.ge [sflag:s1], $0x4000  }
0x443: {  	s2 =	sld [smem:$0x7FB];
	_ =	sdelay $0x2  }
0x444: {  	s31 =	rddreg [dreg:$0x1f];
	s2 =	sadd.s32 $0x1, s2  }
0x445: {  	p0 =	sne.s32 s2, s31  }
.Ltmp12:
0x446: {  	_ = 	snop;
	(pc) =	sbr.rel @p0 .LBB2_1-.Ltmp12, $3  }
0x447: {  	_ =	sdelay $0x1  }
0x448: {  	[sflag:s1] =	ssyncset.done $0x0  }
0x449: {  	[sflag:s1] =	ssyncadd.s32 $0xFFFFC000  }
0x44a: {  	_ =	sfence.sel $0x180000  }
0x44b: {  	[bflag:$0x0] =	sbarrier.arrive $0xFFFF  }
0x44c: {  	_ =	strace $0x90000047  }
0x44d: {  	s0 =	stileid.u32;
	[bflag:$0x2] =	sbarrier.arrive $0xFFFF  }
0x44e: {  	p0 =	sne.s32 s0, $0x0;
	s0 =	rddreg [dreg:$0x6]  }
0x44f: {  	s0 =	sadd.s32 @!p0 $0x100000, s0  }
0x450: {  	[sflag:s0] =	ssyncadd.tile.s32 @!p0 $0x1;
	_ =	shalt  }
.Lfunc_end2:
_tile_overlayer_lowered:
.L_overlay_start_2:
0x451: {  	(tag) =	ssettag $0x2  }
0x452: {  	s0 =	rddreg [dreg:$0x0];
	s2 =	stileid.u32  }
0x453: {  	s1 =	rddreg [dreg:$0x1];
	p0 =	sne.s32 s2, $0x0  }
0x454: {  	s3 =	rddreg [dreg:$0x2];
	[bflag:$0x3] =	sbarrier.arrive $0xFFFF;
	s2 =	simm.s32 @!p0 $0x1C09  }
0x455: {  	[timem:s3], [sflag:s2] =	dma.local @!p0 [hbm:s0], s1  }
0x456: {  	s0 =	simm.s32 @!p0 $0x9  }
0x457: {  	_ =	swait.ge @!p0 [sflag:s0], s1  }
0x458: {  	s1 =	ssub.s32 @!p0 $0x0, s1;
	[sflag:s0] =	ssyncset.done @!p0 $0x0  }
0x459: {  	[sflag:s0] =	ssyncadd.s32 @!p0 s1  }
0x45a: {  	[bflag:$0x3] =	sbarrier.arrive $0xFFFF  }
0x45b: {  	_ =	shalt  }

</sc_bundles>
